<compile_context>
chip_gen: v7x
topology: tpu7x:2x2x1
jax: 0.10.2.dev20260603
libtpu: 0.0.44.dev20260713+nightly
codegen_flags: <defaults>
</compile_context>

<pallas_src>
import functools

import jax
import jax.numpy as jnp
from jax import lax
from jax.experimental import pallas as pl
from jax.experimental.pallas import tpu as pltpu
from jax.experimental.pallas import tpu_sc as plsc

NC = 2
NS = 16
NW = NC * NS

K = 48
NBUF = 5
NIDX = 10
NCH0 = 390
NCH1 = 30


def _sc_scatter_add(x, edges):
    n_nodes, d_feat = x.shape
    n_pad = ((n_nodes + NS * 8 - 1) // (NS * 8)) * (NS * 8)
    rows_per_tile = n_pad // NS

    mesh = plsc.VectorSubcoreMesh(
        core_axis_name="c", subcore_axis_name="s", num_cores=NC, num_subcores=NS
    )

    @functools.partial(
        pl.kernel,
        out_type=jax.ShapeDtypeStruct((NC, n_pad, d_feat), jnp.float32),
        mesh=mesh,
        scratch_types=[
            pltpu.VMEM((NIDX, 2, K), jnp.int32),
            pltpu.VMEM((NBUF, K, d_feat), jnp.float32),
            pltpu.VMEM_SHARED((n_pad, d_feat), jnp.float32),
            [pltpu.SemaphoreType.DMA] * NIDX,
            [pltpu.SemaphoreType.DMA] * NBUF,
        ],
    )
    def sc_kernel(x_hbm, e_hbm, out_hbm, idx_v, rows_v, acc, isems, gsems):
        c = lax.axis_index("c")
        s = lax.axis_index("s")
        x_mine = x_hbm
        n_chunks = jnp.where(c == 0, NCH0, NCH1)
        chunk_base = jnp.where(c == 0, s * NCH0, NS * NCH0 + s * NCH1)

        scope_zero = jax.named_scope("ph_zero"); scope_zero.__enter__()
        def zero_row(i, carry):
            for j in range(d_feat // 16):
                rows_v[0, i, pl.ds(j * 16, 16)] = jnp.zeros((16,), jnp.float32)
            return carry

        lax.fori_loop(0, K, zero_row, 0)
        row_base = s * rows_per_tile
        nfull = rows_per_tile // K
        for b in range(nfull):
            pltpu.sync_copy(rows_v.at[0], acc.at[pl.ds(row_base + b * K, K)])
        rem = rows_per_tile - nfull * K
        if rem:
            pltpu.sync_copy(
                rows_v.at[0, pl.ds(0, rem)],
                acc.at[pl.ds(row_base + nfull * K, rem)],
            )
        plsc.subcore_barrier()
        scope_zero.__exit__(None, None, None)
        scope_main = jax.named_scope("ph_main"); scope_main.__enter__()

        def idx_start(g, i):
            pltpu.async_copy(e_hbm.at[chunk_base + g], idx_v.at[i], isems[i])

        def idx_wait(i):
            pltpu.make_async_copy(e_hbm.at[0], idx_v.at[i], isems[i]).wait()

        def gather_start(g, i, b):
            pltpu.async_copy(x_mine.at[idx_v.at[i, 0]], rows_v.at[b], gsems[b])

        def gather_wait(b):
            pltpu.make_async_copy(
                x_mine.at[idx_v.at[0, 0]], rows_v.at[b], gsems[b]
            ).wait()

        def scatter(i, b):
            pltpu.sync_copy(rows_v.at[b], acc.at[idx_v.at[i, 1]], add=True)

        for g in range(NIDX):
            idx_start(g, g)
        for g in range(NBUF):
            idx_wait(g)
            gather_start(g, g, g)

        @pl.loop(0, n_chunks - NIDX, step=NIDX)
        def _(g0):
            for b in range(NIDX):
                g = g0 + b
                gather_wait(b % NBUF)
                scatter(b, b % NBUF)
                idx_start(g + NIDX, b)
                idx_wait((b + NBUF) % NIDX)
                gather_start(g + NBUF, (b + NBUF) % NIDX, b % NBUF)

        for b in range(NIDX):
            g = n_chunks - NIDX + b
            gather_wait(b % NBUF)
            scatter(b, b % NBUF)
            if b + NBUF < NIDX:
                idx_wait((b + NBUF) % NIDX)
                gather_start(g + NBUF, (b + NBUF) % NIDX, b % NBUF)
        plsc.subcore_barrier()
        scope_main.__exit__(None, None, None)

        with jax.named_scope("ph_writeback"):
            pltpu.sync_copy(
                acc.at[pl.ds(row_base, rows_per_tile)],
                out_hbm.at[c, pl.ds(row_base, rows_per_tile)],
            )

    return sc_kernel(x, edges)


def _finalize(x, acc):
    n_nodes, d_feat = x.shape
    br = 1000

    def body(x_ref, acc_ref, o_ref):
        o_ref[:, :d_feat] = x_ref[...]
        o_ref[:, d_feat:] = acc_ref[0] + acc_ref[1]

    return pl.pallas_call(
        body,
        grid=(n_nodes // br,),
        in_specs=[
            pl.BlockSpec((br, d_feat), lambda i: (i, 0)),
            pl.BlockSpec((NC, br, d_feat), lambda i: (0, i, 0)),
        ],
        out_specs=pl.BlockSpec((br, 2 * d_feat), lambda i: (i, 0)),
        out_shape=jax.ShapeDtypeStruct((n_nodes, 2 * d_feat), jnp.float32),
    )(x, acc)


@jax.jit
def _run(x, edges):
    acc = _sc_scatter_add(x, edges)
    return _finalize(x, acc)


def kernel(x, edge_index, batch_size):
    n_nodes = x.shape[0]
    n_edges = edge_index.shape[1]
    ei = edge_index.astype(jnp.int32)
    n_pad_rows = ((n_nodes + NS * 8 - 1) // (NS * 8)) * (NS * 8) - n_nodes
    n_padded = NS * (NCH0 + NCH1) * K
    pad = n_padded - n_edges
    src = jnp.concatenate([ei[0], jnp.zeros((pad,), jnp.int32)])
    dst = jnp.concatenate(
        [ei[1], n_nodes + (jnp.arange(pad, dtype=jnp.int32) % n_pad_rows)]
    )
    edges = jnp.stack(
        [src.reshape(-1, K), dst.reshape(-1, K)], axis=1
    )
    return _run(x, edges)

# --- scband reference (transcript-rebuilt; emitter-appended) ---
"""Pipeline reference for scband-one-hop-sum-node-label-aggregator-o-2568390443272 (READ-ONLY COPY).

The authoritative reference and input builder live on the scoring server;
editing this copy changes nothing except your own understanding.
"""

import jax, jax.numpy as jnp
import numpy as np


def setup_inputs(seed: int = 0) -> dict:
    key = jax.random.key(seed)
    k_x, k_e = jax.random.split(key, 2)
    n_nodes = 10000
    n_edges = 320000
    d_feat = 128
    x = jax.random.normal(k_x, (n_nodes, d_feat), dtype=jnp.float32)
    edge_index = jax.random.randint(k_e, (2, n_edges), 0, n_nodes, dtype=jnp.int64)
    batch_size = 2048
    return {"x": x, "edge_index": edge_index, "batch_size": batch_size}


def reference(x, edge_index, batch_size):
    # SparseTensor.from_edge_index builds adj[row, col] = 1 with
    # row = edge_index[0], col = edge_index[1].
    # adj.t().matmul(x)[i] = sum over edges e with col_e == i of x[row_e],
    # i.e. a scatter-add of x[src] into dst buckets.
    n_nodes = x.shape[0]
    src = edge_index[0]
    dst = edge_index[1]
    gathered = jnp.take(x, src, axis=0)
    x_neighbors_sum = jax.ops.segment_sum(gathered, dst, num_segments=n_nodes)
    node_labels = jnp.concatenate((x, x_neighbors_sum), axis=-1)
    return node_labels

if __name__ == "__main__":
    import jax
    _d = setup_inputs()
    print(jax.jit(kernel)(*tuple(_d.values())))

</pallas_src>

<mosaic_0001>
#map = affine_map<(d0, d1) -> (0, 0)>
#map1 = affine_map<(d0, d1) -> (0, 0, 0)>
module attributes {stable_mosaic.version = 14 : i64} {
  func.func @sc_kernel(%arg0: i32, %arg1: i32, %arg2: memref<10000x128xf32, #tpu.memory_space<hbm>>, %arg3: memref<6720x2x48xi32, #tpu.memory_space<hbm>>, %arg4: memref<2x10112x128xf32, #tpu.memory_space<hbm>>, %arg5: memref<10x2x48xi32, #tpu.memory_space<vmem>>, %arg6: memref<5x48x128xf32, #tpu.memory_space<vmem>>, %arg7: memref<10112x128xf32, #tpu.memory_space<vmem_shared>>, %arg8: memref<!tpu.dma_semaphore, #tpu.memory_space<semaphore_mem>>, %arg9: memref<!tpu.dma_semaphore, #tpu.memory_space<semaphore_mem>>, %arg10: memref<!tpu.dma_semaphore, #tpu.memory_space<semaphore_mem>>, %arg11: memref<!tpu.dma_semaphore, #tpu.memory_space<semaphore_mem>>, %arg12: memref<!tpu.dma_semaphore, #tpu.memory_space<semaphore_mem>>, %arg13: memref<!tpu.dma_semaphore, #tpu.memory_space<semaphore_mem>>, %arg14: memref<!tpu.dma_semaphore, #tpu.memory_space<semaphore_mem>>, %arg15: memref<!tpu.dma_semaphore, #tpu.memory_space<semaphore_mem>>, %arg16: memref<!tpu.dma_semaphore, #tpu.memory_space<semaphore_mem>>, %arg17: memref<!tpu.dma_semaphore, #tpu.memory_space<semaphore_mem>>, %arg18: memref<!tpu.dma_semaphore, #tpu.memory_space<semaphore_mem>>, %arg19: memref<!tpu.dma_semaphore, #tpu.memory_space<semaphore_mem>>, %arg20: memref<!tpu.dma_semaphore, #tpu.memory_space<semaphore_mem>>, %arg21: memref<!tpu.dma_semaphore, #tpu.memory_space<semaphore_mem>>, %arg22: memref<!tpu.dma_semaphore, #tpu.memory_space<semaphore_mem>>) attributes {dimension_semantics = [#tpu.dimension_semantics<core_parallel>, #tpu.dimension_semantics<subcore_parallel>], iteration_bounds = array<i64: 2, 16>, scalar_prefetch = 0 : i64, scratch_operands = 18 : i64, tpu.core_type = #tpu.core_type<sc_vector_subcore>, window_params = [{transform_indices = #map}, {transform_indices = #map1}, {transform_indices = #map1}]} {
    %eq3A = arith.constant 0 : i32
    %eq3A_0 = arith.cmpi eq, %arg0, %eq3A : i32
    %jit3A = arith.constant 390 : i32
    %jit3A_1 = arith.constant 30 : i32
    %select_n3A = arith.select %eq3A_0, %jit3A, %jit3A_1 : i32
    %eq3A_2 = arith.constant 0 : i32
    %eq3A_3 = arith.cmpi eq, %arg0, %eq3A_2 : i32
    %mul3A = arith.constant 390 : i32
    %mul3A_4 = arith.muli %arg1, %mul3A : i32
    %mul3A_5 = arith.constant 30 : i32
    %mul3A_6 = arith.muli %arg1, %mul3A_5 : i32
    %add3A = arith.constant 6240 : i32
    %add3A_7 = arith.addi %add3A, %mul3A_6 : i32
    %select_n3A_8 = arith.select %eq3A_3, %mul3A_4, %add3A_7 : i32
    "tpu.trace_start"() <{level = 10 : i32, message = "ph_zero"}> : () -> ()
    %scan3A = arith.constant 0 : i32
    %scan3A_9 = arith.constant 0 : i32
    %scan3A_10 = arith.constant 48 : i32
    %scan3A_11 = arith.addi %scan3A_9, %scan3A_10 : i32
    %scan3A_12 = arith.constant 1 : i32
    scf.for %scan3A_784 = %scan3A_9 to %scan3A_11 step %scan3A_12  : i32 {
      %broadcast_in_dim3A = arith.constant 0.000000e+00 : f32
      %broadcast_in_dim3A_785 = vector.broadcast %broadcast_in_dim3A : f32 to vector<16xf32>
      %swap3A = arith.constant 0 : i32
      %swap3A_786 = arith.index_cast %swap3A : i32 to index
      %swap3A_787 = arith.index_cast %scan3A_784 : i32 to index
      %swap3A_788 = arith.constant 0 : index
      %swap3A_789 = tpu.vector_load %arg6[%swap3A_786, %swap3A_787, %swap3A_788] {strides = array<i32>} : memref<5x48x128xf32, #tpu.memory_space<vmem>>, vector<1x1x16xf32>,
      %swap3A_790 = vector.shape_cast %swap3A_789 : vector<1x1x16xf32> to vector<16xf32>
      %swap3A_791 = vector.shape_cast %broadcast_in_dim3A_785 : vector<16xf32> to vector<1x1x16xf32>
      tpu.vector_store %arg6[%swap3A_786, %swap3A_787, %swap3A_788], %swap3A_791 {strides = array<i32>} : memref<5x48x128xf32, #tpu.memory_space<vmem>>, vector<1x1x16xf32>,
      %broadcast_in_dim3A_792 = arith.constant 0.000000e+00 : f32
      %broadcast_in_dim3A_793 = vector.broadcast %broadcast_in_dim3A_792 : f32 to vector<16xf32>
      %swap3A_794 = arith.constant 0 : i32
      %swap3A_795 = arith.index_cast %swap3A_794 : i32 to index
      %swap3A_796 = arith.index_cast %scan3A_784 : i32 to index
      %swap3A_797 = arith.constant 16 : index
      %swap3A_798 = tpu.vector_load %arg6[%swap3A_795, %swap3A_796, %swap3A_797] {strides = array<i32>} : memref<5x48x128xf32, #tpu.memory_space<vmem>>, vector<1x1x16xf32>,
      %swap3A_799 = vector.shape_cast %swap3A_798 : vector<1x1x16xf32> to vector<16xf32>
      %swap3A_800 = vector.shape_cast %broadcast_in_dim3A_793 : vector<16xf32> to vector<1x1x16xf32>
      tpu.vector_store %arg6[%swap3A_795, %swap3A_796, %swap3A_797], %swap3A_800 {strides = array<i32>} : memref<5x48x128xf32, #tpu.memory_space<vmem>>, vector<1x1x16xf32>,
      %broadcast_in_dim3A_801 = arith.constant 0.000000e+00 : f32
      %broadcast_in_dim3A_802 = vector.broadcast %broadcast_in_dim3A_801 : f32 to vector<16xf32>
      %swap3A_803 = arith.constant 0 : i32
      %swap3A_804 = arith.index_cast %swap3A_803 : i32 to index
      %swap3A_805 = arith.index_cast %scan3A_784 : i32 to index
      %swap3A_806 = arith.constant 32 : index
      %swap3A_807 = tpu.vector_load %arg6[%swap3A_804, %swap3A_805, %swap3A_806] {strides = array<i32>} : memref<5x48x128xf32, #tpu.memory_space<vmem>>, vector<1x1x16xf32>,
      %swap3A_808 = vector.shape_cast %swap3A_807 : vector<1x1x16xf32> to vector<16xf32>
      %swap3A_809 = vector.shape_cast %broadcast_in_dim3A_802 : vector<16xf32> to vector<1x1x16xf32>
      tpu.vector_store %arg6[%swap3A_804, %swap3A_805, %swap3A_806], %swap3A_809 {strides = array<i32>} : memref<5x48x128xf32, #tpu.memory_space<vmem>>, vector<1x1x16xf32>,
      %broadcast_in_dim3A_810 = arith.constant 0.000000e+00 : f32
      %broadcast_in_dim3A_811 = vector.broadcast %broadcast_in_dim3A_810 : f32 to vector<16xf32>
      %swap3A_812 = arith.constant 0 : i32
      %swap3A_813 = arith.index_cast %swap3A_812 : i32 to index
      %swap3A_814 = arith.index_cast %scan3A_784 : i32 to index
      %swap3A_815 = arith.constant 48 : index
      %swap3A_816 = tpu.vector_load %arg6[%swap3A_813, %swap3A_814, %swap3A_815] {strides = array<i32>} : memref<5x48x128xf32, #tpu.memory_space<vmem>>, vector<1x1x16xf32>,
      %swap3A_817 = vector.shape_cast %swap3A_816 : vector<1x1x16xf32> to vector<16xf32>
      %swap3A_818 = vector.shape_cast %broadcast_in_dim3A_811 : vector<16xf32> to vector<1x1x16xf32>
      tpu.vector_store %arg6[%swap3A_813, %swap3A_814, %swap3A_815], %swap3A_818 {strides = array<i32>} : memref<5x48x128xf32, #tpu.memory_space<vmem>>, vector<1x1x16xf32>,
      %broadcast_in_dim3A_819 = arith.constant 0.000000e+00 : f32
      %broadcast_in_dim3A_820 = vector.broadcast %broadcast_in_dim3A_819 : f32 to vector<16xf32>
      %swap3A_821 = arith.constant 0 : i32
      %swap3A_822 = arith.index_cast %swap3A_821 : i32 to index
      %swap3A_823 = arith.index_cast %scan3A_784 : i32 to index
      %swap3A_824 = arith.constant 64 : index
      %swap3A_825 = tpu.vector_load %arg6[%swap3A_822, %swap3A_823, %swap3A_824] {strides = array<i32>} : memref<5x48x128xf32, #tpu.memory_space<vmem>>, vector<1x1x16xf32>,
      %swap3A_826 = vector.shape_cast %swap3A_825 : vector<1x1x16xf32> to vector<16xf32>
      %swap3A_827 = vector.shape_cast %broadcast_in_dim3A_820 : vector<16xf32> to vector<1x1x16xf32>
      tpu.vector_store %arg6[%swap3A_822, %swap3A_823, %swap3A_824], %swap3A_827 {strides = array<i32>} : memref<5x48x128xf32, #tpu.memory_space<vmem>>, vector<1x1x16xf32>,
      %broadcast_in_dim3A_828 = arith.constant 0.000000e+00 : f32
      %broadcast_in_dim3A_829 = vector.broadcast %broadcast_in_dim3A_828 : f32 to vector<16xf32>
      %swap3A_830 = arith.constant 0 : i32
      %swap3A_831 = arith.index_cast %swap3A_830 : i32 to index
      %swap3A_832 = arith.index_cast %scan3A_784 : i32 to index
      %swap3A_833 = arith.constant 80 : index
      %swap3A_834 = tpu.vector_load %arg6[%swap3A_831, %swap3A_832, %swap3A_833] {strides = array<i32>} : memref<5x48x128xf32, #tpu.memory_space<vmem>>, vector<1x1x16xf32>,
      %swap3A_835 = vector.shape_cast %swap3A_834 : vector<1x1x16xf32> to vector<16xf32>
      %swap3A_836 = vector.shape_cast %broadcast_in_dim3A_829 : vector<16xf32> to vector<1x1x16xf32>
      tpu.vector_store %arg6[%swap3A_831, %swap3A_832, %swap3A_833], %swap3A_836 {strides = array<i32>} : memref<5x48x128xf32, #tpu.memory_space<vmem>>, vector<1x1x16xf32>,
      %broadcast_in_dim3A_837 = arith.constant 0.000000e+00 : f32
      %broadcast_in_dim3A_838 = vector.broadcast %broadcast_in_dim3A_837 : f32 to vector<16xf32>
      %swap3A_839 = arith.constant 0 : i32
      %swap3A_840 = arith.index_cast %swap3A_839 : i32 to index
      %swap3A_841 = arith.index_cast %scan3A_784 : i32 to index
      %swap3A_842 = arith.constant 96 : index
      %swap3A_843 = tpu.vector_load %arg6[%swap3A_840, %swap3A_841, %swap3A_842] {strides = array<i32>} : memref<5x48x128xf32, #tpu.memory_space<vmem>>, vector<1x1x16xf32>,
      %swap3A_844 = vector.shape_cast %swap3A_843 : vector<1x1x16xf32> to vector<16xf32>
      %swap3A_845 = vector.shape_cast %broadcast_in_dim3A_838 : vector<16xf32> to vector<1x1x16xf32>
      tpu.vector_store %arg6[%swap3A_840, %swap3A_841, %swap3A_842], %swap3A_845 {strides = array<i32>} : memref<5x48x128xf32, #tpu.memory_space<vmem>>, vector<1x1x16xf32>,
      %broadcast_in_dim3A_846 = arith.constant 0.000000e+00 : f32
      %broadcast_in_dim3A_847 = vector.broadcast %broadcast_in_dim3A_846 : f32 to vector<16xf32>
      %swap3A_848 = arith.constant 0 : i32
      %swap3A_849 = arith.index_cast %swap3A_848 : i32 to index
      %swap3A_850 = arith.index_cast %scan3A_784 : i32 to index
      %swap3A_851 = arith.constant 112 : index
      %swap3A_852 = tpu.vector_load %arg6[%swap3A_849, %swap3A_850, %swap3A_851] {strides = array<i32>} : memref<5x48x128xf32, #tpu.memory_space<vmem>>, vector<1x1x16xf32>,
      %swap3A_853 = vector.shape_cast %swap3A_852 : vector<1x1x16xf32> to vector<16xf32>
      %swap3A_854 = vector.shape_cast %broadcast_in_dim3A_847 : vector<16xf32> to vector<1x1x16xf32>
      tpu.vector_store %arg6[%swap3A_849, %swap3A_850, %swap3A_851], %swap3A_854 {strides = array<i32>} : memref<5x48x128xf32, #tpu.memory_space<vmem>>, vector<1x1x16xf32>,
    }
    %scan3A_13 = arith.constant 48 : i32
    %mul3A_14 = arith.constant 632 : i32
    %mul3A_15 = arith.muli %arg1, %mul3A_14 : i32
    %add3A_16 = arith.constant 0 : i32
    %add3A_17 = arith.addi %mul3A_15, %add3A_16 : i32
    %run_scoped3A = arith.constant 0 : i32
    "tpu.region"() ({
      %run_scoped3A_784 = tpu.sem_alloc : memref<!tpu.dma_semaphore, #tpu.memory_space<semaphore_mem>>
      %dma_start3A_785 = arith.constant 0 : i32
      %dma_start3A_786 = arith.constant 0 : i32
      %dma_start3A_787 = tpu.memref_slice %arg6[%run_scoped3A, %dma_start3A_785, %dma_start3A_786] : memref<5x48x128xf32, #tpu.memory_space<vmem>> -> memref<1x48x128xf32, #tpu.memory_space<vmem>>
      %dma_start3A_788 = tpu.memref_squeeze %dma_start3A_787 : memref<1x48x128xf32, #tpu.memory_space<vmem>> -> memref<48x128xf32, #tpu.memory_space<vmem>>
      %dma_start3A_789 = arith.constant 0 : i32
      %dma_start3A_790 = tpu.memref_slice %arg7[%add3A_17, %dma_start3A_789] : memref<10112x128xf32, #tpu.memory_space<vmem_shared>> -> memref<48x128xf32, #tpu.memory_space<vmem_shared>>
      %dma_start3A_791 = arith.constant 0 : i32
      %dma_start3A_792 = tpu.memref_slice %arg7[%add3A_17, %dma_start3A_791] : memref<10112x128xf32, #tpu.memory_space<vmem_shared>> -> memref<48x128xf32, #tpu.memory_space<vmem_shared>>
      %dma_start3A_793 = arith.constant 0 : i32
      %dma_start3A_794 = arith.constant 0 : i32
      %dma_start3A_795 = tpu.memref_slice %arg6[%run_scoped3A, %dma_start3A_793, %dma_start3A_794] : memref<5x48x128xf32, #tpu.memory_space<vmem>> -> memref<1x48x128xf32, #tpu.memory_space<vmem>>
      %dma_start3A_796 = tpu.memref_squeeze %dma_start3A_795 : memref<1x48x128xf32, #tpu.memory_space<vmem>> -> memref<48x128xf32, #tpu.memory_space<vmem>>
      tpu.enqueue_dma source(%dma_start3A_796 : memref<48x128xf32, #tpu.memory_space<vmem>>) target(%dma_start3A_792 : memref<48x128xf32, #tpu.memory_space<vmem_shared>>) target_semaphore(%run_scoped3A_784 : memref<!tpu.dma_semaphore, #tpu.memory_space<semaphore_mem>>)
      %dma_wait3A_797 = arith.constant 0 : i32
      %dma_wait3A_798 = arith.constant 0 : i32
      %dma_wait3A_799 = tpu.memref_slice %arg6[%run_scoped3A, %dma_wait3A_797, %dma_wait3A_798] : memref<5x48x128xf32, #tpu.memory_space<vmem>> -> memref<1x48x128xf32, #tpu.memory_space<vmem>>
      %dma_wait3A_800 = tpu.memref_squeeze %dma_wait3A_799 : memref<1x48x128xf32, #tpu.memory_space<vmem>> -> memref<48x128xf32, #tpu.memory_space<vmem>>
      %dma_wait3A_801 = arith.constant 0 : i32
      %dma_wait3A_802 = tpu.memref_slice %arg7[%add3A_17, %dma_wait3A_801] : memref<10112x128xf32, #tpu.memory_space<vmem_shared>> -> memref<48x128xf32, #tpu.memory_space<vmem_shared>>
      %dma_wait3A_803 = arith.constant 0 : i32
      %dma_wait3A_804 = tpu.memref_slice %arg7[%add3A_17, %dma_wait3A_803] : memref<10112x128xf32, #tpu.memory_space<vmem_shared>> -> memref<48x128xf32, #tpu.memory_space<vmem_shared>>
      %dma_wait3A_805 = arith.constant 0 : i32
      %dma_wait3A_806 = arith.constant 0 : i32
      %dma_wait3A_807 = tpu.memref_slice %arg6[%run_scoped3A, %dma_wait3A_805, %dma_wait3A_806] : memref<5x48x128xf32, #tpu.memory_space<vmem>> -> memref<1x48x128xf32, #tpu.memory_space<vmem>>
      %dma_wait3A_808 = tpu.memref_squeeze %dma_wait3A_807 : memref<1x48x128xf32, #tpu.memory_space<vmem>> -> memref<48x128xf32, #tpu.memory_space<vmem>>
      tpu.wait_dma2 semaphore(%run_scoped3A_784 : memref<!tpu.dma_semaphore, #tpu.memory_space<semaphore_mem>>) src(%dma_wait3A_808 : memref<48x128xf32, #tpu.memory_space<vmem>>) dst(%dma_wait3A_804 : memref<48x128xf32, #tpu.memory_space<vmem_shared>>)
      tpu.yield
    }) : () -> ()
    %add3A_18 = arith.constant 48 : i32
    %add3A_19 = arith.addi %mul3A_15, %add3A_18 : i32
    %run_scoped3A_20 = arith.constant 0 : i32
    "tpu.region"() ({
      %run_scoped3A_784 = tpu.sem_alloc : memref<!tpu.dma_semaphore, #tpu.memory_space<semaphore_mem>>
      %dma_start3A_785 = arith.constant 0 : i32
      %dma_start3A_786 = arith.constant 0 : i32
      %dma_start3A_787 = tpu.memref_slice %arg6[%run_scoped3A_20, %dma_start3A_785, %dma_start3A_786] : memref<5x48x128xf32, #tpu.memory_space<vmem>> -> memref<1x48x128xf32, #tpu.memory_space<vmem>>
      %dma_start3A_788 = tpu.memref_squeeze %dma_start3A_787 : memref<1x48x128xf32, #tpu.memory_space<vmem>> -> memref<48x128xf32, #tpu.memory_space<vmem>>
      %dma_start3A_789 = arith.constant 0 : i32
      %dma_start3A_790 = tpu.memref_slice %arg7[%add3A_19, %dma_start3A_789] : memref<10112x128xf32, #tpu.memory_space<vmem_shared>> -> memref<48x128xf32, #tpu.memory_space<vmem_shared>>
      %dma_start3A_791 = arith.constant 0 : i32
      %dma_start3A_792 = tpu.memref_slice %arg7[%add3A_19, %dma_start3A_791] : memref<10112x128xf32, #tpu.memory_space<vmem_shared>> -> memref<48x128xf32, #tpu.memory_space<vmem_shared>>
      %dma_start3A_793 = arith.constant 0 : i32
      %dma_start3A_794 = arith.constant 0 : i32
      %dma_start3A_795 = tpu.memref_slice %arg6[%run_scoped3A_20, %dma_start3A_793, %dma_start3A_794] : memref<5x48x128xf32, #tpu.memory_space<vmem>> -> memref<1x48x128xf32, #tpu.memory_space<vmem>>
      %dma_start3A_796 = tpu.memref_squeeze %dma_start3A_795 : memref<1x48x128xf32, #tpu.memory_space<vmem>> -> memref<48x128xf32, #tpu.memory_space<vmem>>
      tpu.enqueue_dma source(%dma_start3A_796 : memref<48x128xf32, #tpu.memory_space<vmem>>) target(%dma_start3A_792 : memref<48x128xf32, #tpu.memory_space<vmem_shared>>) target_semaphore(%run_scoped3A_784 : memref<!tpu.dma_semaphore, #tpu.memory_space<semaphore_mem>>)
      %dma_wait3A_797 = arith.constant 0 : i32
      %dma_wait3A_798 = arith.constant 0 : i32
      %dma_wait3A_799 = tpu.memref_slice %arg6[%run_scoped3A_20, %dma_wait3A_797, %dma_wait3A_798] : memref<5x48x128xf32, #tpu.memory_space<vmem>> -> memref<1x48x128xf32, #tpu.memory_space<vmem>>
      %dma_wait3A_800 = tpu.memref_squeeze %dma_wait3A_799 : memref<1x48x128xf32, #tpu.memory_space<vmem>> -> memref<48x128xf32, #tpu.memory_space<vmem>>
      %dma_wait3A_801 = arith.constant 0 : i32
      %dma_wait3A_802 = tpu.memref_slice %arg7[%add3A_19, %dma_wait3A_801] : memref<10112x128xf32, #tpu.memory_space<vmem_shared>> -> memref<48x128xf32, #tpu.memory_space<vmem_shared>>
      %dma_wait3A_803 = arith.constant 0 : i32
      %dma_wait3A_804 = tpu.memref_slice %arg7[%add3A_19, %dma_wait3A_803] : memref<10112x128xf32, #tpu.memory_space<vmem_shared>> -> memref<48x128xf32, #tpu.memory_space<vmem_shared>>
      %dma_wait3A_805 = arith.constant 0 : i32
      %dma_wait3A_806 = arith.constant 0 : i32
      %dma_wait3A_807 = tpu.memref_slice %arg6[%run_scoped3A_20, %dma_wait3A_805, %dma_wait3A_806] : memref<5x48x128xf32, #tpu.memory_space<vmem>> -> memref<1x48x128xf32, #tpu.memory_space<vmem>>
      %dma_wait3A_808 = tpu.memref_squeeze %dma_wait3A_807 : memref<1x48x128xf32, #tpu.memory_space<vmem>> -> memref<48x128xf32, #tpu.memory_space<vmem>>
      tpu.wait_dma2 semaphore(%run_scoped3A_784 : memref<!tpu.dma_semaphore, #tpu.memory_space<semaphore_mem>>) src(%dma_wait3A_808 : memref<48x128xf32, #tpu.memory_space<vmem>>) dst(%dma_wait3A_804 : memref<48x128xf32, #tpu.memory_space<vmem_shared>>)
      tpu.yield
    }) : () -> ()
    %add3A_21 = arith.constant 96 : i32
    %add3A_22 = arith.addi %mul3A_15, %add3A_21 : i32
    %run_scoped3A_23 = arith.constant 0 : i32
    "tpu.region"() ({
      %run_scoped3A_784 = tpu.sem_alloc : memref<!tpu.dma_semaphore, #tpu.memory_space<semaphore_mem>>
      %dma_start3A_785 = arith.constant 0 : i32
      %dma_start3A_786 = arith.constant 0 : i32
      %dma_start3A_787 = tpu.memref_slice %arg6[%run_scoped3A_23, %dma_start3A_785, %dma_start3A_786] : memref<5x48x128xf32, #tpu.memory_space<vmem>> -> memref<1x48x128xf32, #tpu.memory_space<vmem>>
      %dma_start3A_788 = tpu.memref_squeeze %dma_start3A_787 : memref<1x48x128xf32, #tpu.memory_space<vmem>> -> memref<48x128xf32, #tpu.memory_space<vmem>>
      %dma_start3A_789 = arith.constant 0 : i32
      %dma_start3A_790 = tpu.memref_slice %arg7[%add3A_22, %dma_start3A_789] : memref<10112x128xf32, #tpu.memory_space<vmem_shared>> -> memref<48x128xf32, #tpu.memory_space<vmem_shared>>
      %dma_start3A_791 = arith.constant 0 : i32
      %dma_start3A_792 = tpu.memref_slice %arg7[%add3A_22, %dma_start3A_791] : memref<10112x128xf32, #tpu.memory_space<vmem_shared>> -> memref<48x128xf32, #tpu.memory_space<vmem_shared>>
      %dma_start3A_793 = arith.constant 0 : i32
      %dma_start3A_794 = arith.constant 0 : i32
      %dma_start3A_795 = tpu.memref_slice %arg6[%run_scoped3A_23, %dma_start3A_793, %dma_start3A_794] : memref<5x48x128xf32, #tpu.memory_space<vmem>> -> memref<1x48x128xf32, #tpu.memory_space<vmem>>
      %dma_start3A_796 = tpu.memref_squeeze %dma_start3A_795 : memref<1x48x128xf32, #tpu.memory_space<vmem>> -> memref<48x128xf32, #tpu.memory_space<vmem>>
      tpu.enqueue_dma source(%dma_start3A_796 : memref<48x128xf32, #tpu.memory_space<vmem>>) target(%dma_start3A_792 : memref<48x128xf32, #tpu.memory_space<vmem_shared>>) target_semaphore(%run_scoped3A_784 : memref<!tpu.dma_semaphore, #tpu.memory_space<semaphore_mem>>)
      %dma_wait3A_797 = arith.constant 0 : i32
      %dma_wait3A_798 = arith.constant 0 : i32
      %dma_wait3A_799 = tpu.memref_slice %arg6[%run_scoped3A_23, %dma_wait3A_797, %dma_wait3A_798] : memref<5x48x128xf32, #tpu.memory_space<vmem>> -> memref<1x48x128xf32, #tpu.memory_space<vmem>>
      %dma_wait3A_800 = tpu.memref_squeeze %dma_wait3A_799 : memref<1x48x128xf32, #tpu.memory_space<vmem>> -> memref<48x128xf32, #tpu.memory_space<vmem>>
      %dma_wait3A_801 = arith.constant 0 : i32
      %dma_wait3A_802 = tpu.memref_slice %arg7[%add3A_22, %dma_wait3A_801] : memref<10112x128xf32, #tpu.memory_space<vmem_shared>> -> memref<48x128xf32, #tpu.memory_space<vmem_shared>>
      %dma_wait3A_803 = arith.constant 0 : i32
      %dma_wait3A_804 = tpu.memref_slice %arg7[%add3A_22, %dma_wait3A_803] : memref<10112x128xf32, #tpu.memory_space<vmem_shared>> -> memref<48x128xf32, #tpu.memory_space<vmem_shared>>
      %dma_wait3A_805 = arith.constant 0 : i32
      %dma_wait3A_806 = arith.constant 0 : i32
      %dma_wait3A_807 = tpu.memref_slice %arg6[%run_scoped3A_23, %dma_wait3A_805, %dma_wait3A_806] : memref<5x48x128xf32, #tpu.memory_space<vmem>> -> memref<1x48x128xf32, #tpu.memory_space<vmem>>
      %dma_wait3A_808 = tpu.memref_squeeze %dma_wait3A_807 : memref<1x48x128xf32, #tpu.memory_space<vmem>> -> memref<48x128xf32, #tpu.memory_space<vmem>>
      tpu.wait_dma2 semaphore(%run_scoped3A_784 : memref<!tpu.dma_semaphore, #tpu.memory_space<semaphore_mem>>) src(%dma_wait3A_808 : memref<48x128xf32, #tpu.memory_space<vmem>>) dst(%dma_wait3A_804 : memref<48x128xf32, #tpu.memory_space<vmem_shared>>)
      tpu.yield
    }) : () -> ()
    %add3A_24 = arith.constant 144 : i32
    %add3A_25 = arith.addi %mul3A_15, %add3A_24 : i32
    %run_scoped3A_26 = arith.constant 0 : i32
    "tpu.region"() ({
      %run_scoped3A_784 = tpu.sem_alloc : memref<!tpu.dma_semaphore, #tpu.memory_space<semaphore_mem>>
      %dma_start3A_785 = arith.constant 0 : i32
      %dma_start3A_786 = arith.constant 0 : i32
      %dma_start3A_787 = tpu.memref_slice %arg6[%run_scoped3A_26, %dma_start3A_785, %dma_start3A_786] : memref<5x48x128xf32, #tpu.memory_space<vmem>> -> memref<1x48x128xf32, #tpu.memory_space<vmem>>
      %dma_start3A_788 = tpu.memref_squeeze %dma_start3A_787 : memref<1x48x128xf32, #tpu.memory_space<vmem>> -> memref<48x128xf32, #tpu.memory_space<vmem>>
      %dma_start3A_789 = arith.constant 0 : i32
      %dma_start3A_790 = tpu.memref_slice %arg7[%add3A_25, %dma_start3A_789] : memref<10112x128xf32, #tpu.memory_space<vmem_shared>> -> memref<48x128xf32, #tpu.memory_space<vmem_shared>>
      %dma_start3A_791 = arith.constant 0 : i32
      %dma_start3A_792 = tpu.memref_slice %arg7[%add3A_25, %dma_start3A_791] : memref<10112x128xf32, #tpu.memory_space<vmem_shared>> -> memref<48x128xf32, #tpu.memory_space<vmem_shared>>
      %dma_start3A_793 = arith.constant 0 : i32
      %dma_start3A_794 = arith.constant 0 : i32
      %dma_start3A_795 = tpu.memref_slice %arg6[%run_scoped3A_26, %dma_start3A_793, %dma_start3A_794] : memref<5x48x128xf32, #tpu.memory_space<vmem>> -> memref<1x48x128xf32, #tpu.memory_space<vmem>>
      %dma_start3A_796 = tpu.memref_squeeze %dma_start3A_795 : memref<1x48x128xf32, #tpu.memory_space<vmem>> -> memref<48x128xf32, #tpu.memory_space<vmem>>
      tpu.enqueue_dma source(%dma_start3A_796 : memref<48x128xf32, #tpu.memory_space<vmem>>) target(%dma_start3A_792 : memref<48x128xf32, #tpu.memory_space<vmem_shared>>) target_semaphore(%run_scoped3A_784 : memref<!tpu.dma_semaphore, #tpu.memory_space<semaphore_mem>>)
      %dma_wait3A_797 = arith.constant 0 : i32
      %dma_wait3A_798 = arith.constant 0 : i32
      %dma_wait3A_799 = tpu.memref_slice %arg6[%run_scoped3A_26, %dma_wait3A_797, %dma_wait3A_798] : memref<5x48x128xf32, #tpu.memory_space<vmem>> -> memref<1x48x128xf32, #tpu.memory_space<vmem>>
      %dma_wait3A_800 = tpu.memref_squeeze %dma_wait3A_799 : memref<1x48x128xf32, #tpu.memory_space<vmem>> -> memref<48x128xf32, #tpu.memory_space<vmem>>
      %dma_wait3A_801 = arith.constant 0 : i32
      %dma_wait3A_802 = tpu.memref_slice %arg7[%add3A_25, %dma_wait3A_801] : memref<10112x128xf32, #tpu.memory_space<vmem_shared>> -> memref<48x128xf32, #tpu.memory_space<vmem_shared>>
      %dma_wait3A_803 = arith.constant 0 : i32
      %dma_wait3A_804 = tpu.memref_slice %arg7[%add3A_25, %dma_wait3A_803] : memref<10112x128xf32, #tpu.memory_space<vmem_shared>> -> memref<48x128xf32, #tpu.memory_space<vmem_shared>>
      %dma_wait3A_805 = arith.constant 0 : i32
      %dma_wait3A_806 = arith.constant 0 : i32
      %dma_wait3A_807 = tpu.memref_slice %arg6[%run_scoped3A_26, %dma_wait3A_805, %dma_wait3A_806] : memref<5x48x128xf32, #tpu.memory_space<vmem>> -> memref<1x48x128xf32, #tpu.memory_space<vmem>>
      %dma_wait3A_808 = tpu.memref_squeeze %dma_wait3A_807 : memref<1x48x128xf32, #tpu.memory_space<vmem>> -> memref<48x128xf32, #tpu.memory_space<vmem>>
      tpu.wait_dma2 semaphore(%run_scoped3A_784 : memref<!tpu.dma_semaphore, #tpu.memory_space<semaphore_mem>>) src(%dma_wait3A_808 : memref<48x128xf32, #tpu.memory_space<vmem>>) dst(%dma_wait3A_804 : memref<48x128xf32, #tpu.memory_space<vmem_shared>>)
      tpu.yield
    }) : () -> ()
    %add3A_27 = arith.constant 192 : i32
    %add3A_28 = arith.addi %mul3A_15, %add3A_27 : i32
    %run_scoped3A_29 = arith.constant 0 : i32
    "tpu.region"() ({
      %run_scoped3A_784 = tpu.sem_alloc : memref<!tpu.dma_semaphore, #tpu.memory_space<semaphore_mem>>
      %dma_start3A_785 = arith.constant 0 : i32
      %dma_start3A_786 = arith.constant 0 : i32
      %dma_start3A_787 = tpu.memref_slice %arg6[%run_scoped3A_29, %dma_start3A_785, %dma_start3A_786] : memref<5x48x128xf32, #tpu.memory_space<vmem>> -> memref<1x48x128xf32, #tpu.memory_space<vmem>>
      %dma_start3A_788 = tpu.memref_squeeze %dma_start3A_787 : memref<1x48x128xf32, #tpu.memory_space<vmem>> -> memref<48x128xf32, #tpu.memory_space<vmem>>
      %dma_start3A_789 = arith.constant 0 : i32
      %dma_start3A_790 = tpu.memref_slice %arg7[%add3A_28, %dma_start3A_789] : memref<10112x128xf32, #tpu.memory_space<vmem_shared>> -> memref<48x128xf32, #tpu.memory_space<vmem_shared>>
      %dma_start3A_791 = arith.constant 0 : i32
      %dma_start3A_792 = tpu.memref_slice %arg7[%add3A_28, %dma_start3A_791] : memref<10112x128xf32, #tpu.memory_space<vmem_shared>> -> memref<48x128xf32, #tpu.memory_space<vmem_shared>>
      %dma_start3A_793 = arith.constant 0 : i32
      %dma_start3A_794 = arith.constant 0 : i32
      %dma_start3A_795 = tpu.memref_slice %arg6[%run_scoped3A_29, %dma_start3A_793, %dma_start3A_794] : memref<5x48x128xf32, #tpu.memory_space<vmem>> -> memref<1x48x128xf32, #tpu.memory_space<vmem>>
      %dma_start3A_796 = tpu.memref_squeeze %dma_start3A_795 : memref<1x48x128xf32, #tpu.memory_space<vmem>> -> memref<48x128xf32, #tpu.memory_space<vmem>>
      tpu.enqueue_dma source(%dma_start3A_796 : memref<48x128xf32, #tpu.memory_space<vmem>>) target(%dma_start3A_792 : memref<48x128xf32, #tpu.memory_space<vmem_shared>>) target_semaphore(%run_scoped3A_784 : memref<!tpu.dma_semaphore, #tpu.memory_space<semaphore_mem>>)
      %dma_wait3A_797 = arith.constant 0 : i32
      %dma_wait3A_798 = arith.constant 0 : i32
      %dma_wait3A_799 = tpu.memref_slice %arg6[%run_scoped3A_29, %dma_wait3A_797, %dma_wait3A_798] : memref<5x48x128xf32, #tpu.memory_space<vmem>> -> memref<1x48x128xf32, #tpu.memory_space<vmem>>
      %dma_wait3A_800 = tpu.memref_squeeze %dma_wait3A_799 : memref<1x48x128xf32, #tpu.memory_space<vmem>> -> memref<48x128xf32, #tpu.memory_space<vmem>>
      %dma_wait3A_801 = arith.constant 0 : i32
      %dma_wait3A_802 = tpu.memref_slice %arg7[%add3A_28, %dma_wait3A_801] : memref<10112x128xf32, #tpu.memory_space<vmem_shared>> -> memref<48x128xf32, #tpu.memory_space<vmem_shared>>
      %dma_wait3A_803 = arith.constant 0 : i32
      %dma_wait3A_804 = tpu.memref_slice %arg7[%add3A_28, %dma_wait3A_803] : memref<10112x128xf32, #tpu.memory_space<vmem_shared>> -> memref<48x128xf32, #tpu.memory_space<vmem_shared>>
      %dma_wait3A_805 = arith.constant 0 : i32
      %dma_wait3A_806 = arith.constant 0 : i32
      %dma_wait3A_807 = tpu.memref_slice %arg6[%run_scoped3A_29, %dma_wait3A_805, %dma_wait3A_806] : memref<5x48x128xf32, #tpu.memory_space<vmem>> -> memref<1x48x128xf32, #tpu.memory_space<vmem>>
      %dma_wait3A_808 = tpu.memref_squeeze %dma_wait3A_807 : memref<1x48x128xf32, #tpu.memory_space<vmem>> -> memref<48x128xf32, #tpu.memory_space<vmem>>
      tpu.wait_dma2 semaphore(%run_scoped3A_784 : memref<!tpu.dma_semaphore, #tpu.memory_space<semaphore_mem>>) src(%dma_wait3A_808 : memref<48x128xf32, #tpu.memory_space<vmem>>) dst(%dma_wait3A_804 : memref<48x128xf32, #tpu.memory_space<vmem_shared>>)
      tpu.yield
    }) : () -> ()
    %add3A_30 = arith.constant 240 : i32
    %add3A_31 = arith.addi %mul3A_15, %add3A_30 : i32
    %run_scoped3A_32 = arith.constant 0 : i32
    "tpu.region"() ({
      %run_scoped3A_784 = tpu.sem_alloc : memref<!tpu.dma_semaphore, #tpu.memory_space<semaphore_mem>>
      %dma_start3A_785 = arith.constant 0 : i32
      %dma_start3A_786 = arith.constant 0 : i32
      %dma_start3A_787 = tpu.memref_slice %arg6[%run_scoped3A_32, %dma_start3A_785, %dma_start3A_786] : memref<5x48x128xf32, #tpu.memory_space<vmem>> -> memref<1x48x128xf32, #tpu.memory_space<vmem>>
      %dma_start3A_788 = tpu.memref_squeeze %dma_start3A_787 : memref<1x48x128xf32, #tpu.memory_space<vmem>> -> memref<48x128xf32, #tpu.memory_space<vmem>>
      %dma_start3A_789 = arith.constant 0 : i32
      %dma_start3A_790 = tpu.memref_slice %arg7[%add3A_31, %dma_start3A_789] : memref<10112x128xf32, #tpu.memory_space<vmem_shared>> -> memref<48x128xf32, #tpu.memory_space<vmem_shared>>
      %dma_start3A_791 = arith.constant 0 : i32
      %dma_start3A_792 = tpu.memref_slice %arg7[%add3A_31, %dma_start3A_791] : memref<10112x128xf32, #tpu.memory_space<vmem_shared>> -> memref<48x128xf32, #tpu.memory_space<vmem_shared>>
      %dma_start3A_793 = arith.constant 0 : i32
      %dma_start3A_794 = arith.constant 0 : i32
      %dma_start3A_795 = tpu.memref_slice %arg6[%run_scoped3A_32, %dma_start3A_793, %dma_start3A_794] : memref<5x48x128xf32, #tpu.memory_space<vmem>> -> memref<1x48x128xf32, #tpu.memory_space<vmem>>
      %dma_start3A_796 = tpu.memref_squeeze %dma_start3A_795 : memref<1x48x128xf32, #tpu.memory_space<vmem>> -> memref<48x128xf32, #tpu.memory_space<vmem>>
      tpu.enqueue_dma source(%dma_start3A_796 : memref<48x128xf32, #tpu.memory_space<vmem>>) target(%dma_start3A_792 : memref<48x128xf32, #tpu.memory_space<vmem_shared>>) target_semaphore(%run_scoped3A_784 : memref<!tpu.dma_semaphore, #tpu.memory_space<semaphore_mem>>)
      %dma_wait3A_797 = arith.constant 0 : i32
      %dma_wait3A_798 = arith.constant 0 : i32
      %dma_wait3A_799 = tpu.memref_slice %arg6[%run_scoped3A_32, %dma_wait3A_797, %dma_wait3A_798] : memref<5x48x128xf32, #tpu.memory_space<vmem>> -> memref<1x48x128xf32, #tpu.memory_space<vmem>>
      %dma_wait3A_800 = tpu.memref_squeeze %dma_wait3A_799 : memref<1x48x128xf32, #tpu.memory_space<vmem>> -> memref<48x128xf32, #tpu.memory_space<vmem>>
      %dma_wait3A_801 = arith.constant 0 : i32
      %dma_wait3A_802 = tpu.memref_slice %arg7[%add3A_31, %dma_wait3A_801] : memref<10112x128xf32, #tpu.memory_space<vmem_shared>> -> memref<48x128xf32, #tpu.memory_space<vmem_shared>>
      %dma_wait3A_803 = arith.constant 0 : i32
      %dma_wait3A_804 = tpu.memref_slice %arg7[%add3A_31, %dma_wait3A_803] : memref<10112x128xf32, #tpu.memory_space<vmem_shared>> -> memref<48x128xf32, #tpu.memory_space<vmem_shared>>
      %dma_wait3A_805 = arith.constant 0 : i32
      %dma_wait3A_806 = arith.constant 0 : i32
      %dma_wait3A_807 = tpu.memref_slice %arg6[%run_scoped3A_32, %dma_wait3A_805, %dma_wait3A_806] : memref<5x48x128xf32, #tpu.memory_space<vmem>> -> memref<1x48x128xf32, #tpu.memory_space<vmem>>
      %dma_wait3A_808 = tpu.memref_squeeze %dma_wait3A_807 : memref<1x48x128xf32, #tpu.memory_space<vmem>> -> memref<48x128xf32, #tpu.memory_space<vmem>>
      tpu.wait_dma2 semaphore(%run_scoped3A_784 : memref<!tpu.dma_semaphore, #tpu.memory_space<semaphore_mem>>) src(%dma_wait3A_808 : memref<48x128xf32, #tpu.memory_space<vmem>>) dst(%dma_wait3A_804 : memref<48x128xf32, #tpu.memory_space<vmem_shared>>)
      tpu.yield
    }) : () -> ()
    %add3A_33 = arith.constant 288 : i32
    %add3A_34 = arith.addi %mul3A_15, %add3A_33 : i32
    %run_scoped3A_35 = arith.constant 0 : i32
    "tpu.region"() ({
      %run_scoped3A_784 = tpu.sem_alloc : memref<!tpu.dma_semaphore, #tpu.memory_space<semaphore_mem>>
      %dma_start3A_785 = arith.constant 0 : i32
      %dma_start3A_786 = arith.constant 0 : i32
      %dma_start3A_787 = tpu.memref_slice %arg6[%run_scoped3A_35, %dma_start3A_785, %dma_start3A_786] : memref<5x48x128xf32, #tpu.memory_space<vmem>> -> memref<1x48x128xf32, #tpu.memory_space<vmem>>
      %dma_start3A_788 = tpu.memref_squeeze %dma_start3A_787 : memref<1x48x128xf32, #tpu.memory_space<vmem>> -> memref<48x128xf32, #tpu.memory_space<vmem>>
      %dma_start3A_789 = arith.constant 0 : i32
      %dma_start3A_790 = tpu.memref_slice %arg7[%add3A_34, %dma_start3A_789] : memref<10112x128xf32, #tpu.memory_space<vmem_shared>> -> memref<48x128xf32, #tpu.memory_space<vmem_shared>>
      %dma_start3A_791 = arith.constant 0 : i32
      %dma_start3A_792 = tpu.memref_slice %arg7[%add3A_34, %dma_start3A_791] : memref<10112x128xf32, #tpu.memory_space<vmem_shared>> -> memref<48x128xf32, #tpu.memory_space<vmem_shared>>
      %dma_start3A_793 = arith.constant 0 : i32
      %dma_start3A_794 = arith.constant 0 : i32
      %dma_start3A_795 = tpu.memref_slice %arg6[%run_scoped3A_35, %dma_start3A_793, %dma_start3A_794] : memref<5x48x128xf32, #tpu.memory_space<vmem>> -> memref<1x48x128xf32, #tpu.memory_space<vmem>>
      %dma_start3A_796 = tpu.memref_squeeze %dma_start3A_795 : memref<1x48x128xf32, #tpu.memory_space<vmem>> -> memref<48x128xf32, #tpu.memory_space<vmem>>
      tpu.enqueue_dma source(%dma_start3A_796 : memref<48x128xf32, #tpu.memory_space<vmem>>) target(%dma_start3A_792 : memref<48x128xf32, #tpu.memory_space<vmem_shared>>) target_semaphore(%run_scoped3A_784 : memref<!tpu.dma_semaphore, #tpu.memory_space<semaphore_mem>>)
      %dma_wait3A_797 = arith.constant 0 : i32
      %dma_wait3A_798 = arith.constant 0 : i32
      %dma_wait3A_799 = tpu.memref_slice %arg6[%run_scoped3A_35, %dma_wait3A_797, %dma_wait3A_798] : memref<5x48x128xf32, #tpu.memory_space<vmem>> -> memref<1x48x128xf32, #tpu.memory_space<vmem>>
      %dma_wait3A_800 = tpu.memref_squeeze %dma_wait3A_799 : memref<1x48x128xf32, #tpu.memory_space<vmem>> -> memref<48x128xf32, #tpu.memory_space<vmem>>
      %dma_wait3A_801 = arith.constant 0 : i32
      %dma_wait3A_802 = tpu.memref_slice %arg7[%add3A_34, %dma_wait3A_801] : memref<10112x128xf32, #tpu.memory_space<vmem_shared>> -> memref<48x128xf32, #tpu.memory_space<vmem_shared>>
      %dma_wait3A_803 = arith.constant 0 : i32
      %dma_wait3A_804 = tpu.memref_slice %arg7[%add3A_34, %dma_wait3A_803] : memref<10112x128xf32, #tpu.memory_space<vmem_shared>> -> memref<48x128xf32, #tpu.memory_space<vmem_shared>>
      %dma_wait3A_805 = arith.constant 0 : i32
      %dma_wait3A_806 = arith.constant 0 : i32
      %dma_wait3A_807 = tpu.memref_slice %arg6[%run_scoped3A_35, %dma_wait3A_805, %dma_wait3A_806] : memref<5x48x128xf32, #tpu.memory_space<vmem>> -> memref<1x48x128xf32, #tpu.memory_space<vmem>>
      %dma_wait3A_808 = tpu.memref_squeeze %dma_wait3A_807 : memref<1x48x128xf32, #tpu.memory_space<vmem>> -> memref<48x128xf32, #tpu.memory_space<vmem>>
      tpu.wait_dma2 semaphore(%run_scoped3A_784 : memref<!tpu.dma_semaphore, #tpu.memory_space<semaphore_mem>>) src(%dma_wait3A_808 : memref<48x128xf32, #tpu.memory_space<vmem>>) dst(%dma_wait3A_804 : memref<48x128xf32, #tpu.memory_space<vmem_shared>>)
      tpu.yield
    }) : () -> ()
    %add3A_36 = arith.constant 336 : i32
    %add3A_37 = arith.addi %mul3A_15, %add3A_36 : i32
    %run_scoped3A_38 = arith.constant 0 : i32
    "tpu.region"() ({
      %run_scoped3A_784 = tpu.sem_alloc : memref<!tpu.dma_semaphore, #tpu.memory_space<semaphore_mem>>
      %dma_start3A_785 = arith.constant 0 : i32
      %dma_start3A_786 = arith.constant 0 : i32
      %dma_start3A_787 = tpu.memref_slice %arg6[%run_scoped3A_38, %dma_start3A_785, %dma_start3A_786] : memref<5x48x128xf32, #tpu.memory_space<vmem>> -> memref<1x48x128xf32, #tpu.memory_space<vmem>>
      %dma_start3A_788 = tpu.memref_squeeze %dma_start3A_787 : memref<1x48x128xf32, #tpu.memory_space<vmem>> -> memref<48x128xf32, #tpu.memory_space<vmem>>
      %dma_start3A_789 = arith.constant 0 : i32
      %dma_start3A_790 = tpu.memref_slice %arg7[%add3A_37, %dma_start3A_789] : memref<10112x128xf32, #tpu.memory_space<vmem_shared>> -> memref<48x128xf32, #tpu.memory_space<vmem_shared>>
      %dma_start3A_791 = arith.constant 0 : i32
      %dma_start3A_792 = tpu.memref_slice %arg7[%add3A_37, %dma_start3A_791] : memref<10112x128xf32, #tpu.memory_space<vmem_shared>> -> memref<48x128xf32, #tpu.memory_space<vmem_shared>>
      %dma_start3A_793 = arith.constant 0 : i32
      %dma_start3A_794 = arith.constant 0 : i32
      %dma_start3A_795 = tpu.memref_slice %arg6[%run_scoped3A_38, %dma_start3A_793, %dma_start3A_794] : memref<5x48x128xf32, #tpu.memory_space<vmem>> -> memref<1x48x128xf32, #tpu.memory_space<vmem>>
      %dma_start3A_796 = tpu.memref_squeeze %dma_start3A_795 : memref<1x48x128xf32, #tpu.memory_space<vmem>> -> memref<48x128xf32, #tpu.memory_space<vmem>>
      tpu.enqueue_dma source(%dma_start3A_796 : memref<48x128xf32, #tpu.memory_space<vmem>>) target(%dma_start3A_792 : memref<48x128xf32, #tpu.memory_space<vmem_shared>>) target_semaphore(%run_scoped3A_784 : memref<!tpu.dma_semaphore, #tpu.memory_space<semaphore_mem>>)
      %dma_wait3A_797 = arith.constant 0 : i32
      %dma_wait3A_798 = arith.constant 0 : i32
      %dma_wait3A_799 = tpu.memref_slice %arg6[%run_scoped3A_38, %dma_wait3A_797, %dma_wait3A_798] : memref<5x48x128xf32, #tpu.memory_space<vmem>> -> memref<1x48x128xf32, #tpu.memory_space<vmem>>
      %dma_wait3A_800 = tpu.memref_squeeze %dma_wait3A_799 : memref<1x48x128xf32, #tpu.memory_space<vmem>> -> memref<48x128xf32, #tpu.memory_space<vmem>>
      %dma_wait3A_801 = arith.constant 0 : i32
      %dma_wait3A_802 = tpu.memref_slice %arg7[%add3A_37, %dma_wait3A_801] : memref<10112x128xf32, #tpu.memory_space<vmem_shared>> -> memref<48x128xf32, #tpu.memory_space<vmem_shared>>
      %dma_wait3A_803 = arith.constant 0 : i32
      %dma_wait3A_804 = tpu.memref_slice %arg7[%add3A_37, %dma_wait3A_803] : memref<10112x128xf32, #tpu.memory_space<vmem_shared>> -> memref<48x128xf32, #tpu.memory_space<vmem_shared>>
      %dma_wait3A_805 = arith.constant 0 : i32
      %dma_wait3A_806 = arith.constant 0 : i32
      %dma_wait3A_807 = tpu.memref_slice %arg6[%run_scoped3A_38, %dma_wait3A_805, %dma_wait3A_806] : memref<5x48x128xf32, #tpu.memory_space<vmem>> -> memref<1x48x128xf32, #tpu.memory_space<vmem>>
      %dma_wait3A_808 = tpu.memref_squeeze %dma_wait3A_807 : memref<1x48x128xf32, #tpu.memory_space<vmem>> -> memref<48x128xf32, #tpu.memory_space<vmem>>
      tpu.wait_dma2 semaphore(%run_scoped3A_784 : memref<!tpu.dma_semaphore, #tpu.memory_space<semaphore_mem>>) src(%dma_wait3A_808 : memref<48x128xf32, #tpu.memory_space<vmem>>) dst(%dma_wait3A_804 : memref<48x128xf32, #tpu.memory_space<vmem_shared>>)
      tpu.yield
    }) : () -> ()
    %add3A_39 = arith.constant 384 : i32
    %add3A_40 = arith.addi %mul3A_15, %add3A_39 : i32
    %run_scoped3A_41 = arith.constant 0 : i32
    "tpu.region"() ({
      %run_scoped3A_784 = tpu.sem_alloc : memref<!tpu.dma_semaphore, #tpu.memory_space<semaphore_mem>>
      %dma_start3A_785 = arith.constant 0 : i32
      %dma_start3A_786 = arith.constant 0 : i32
      %dma_start3A_787 = tpu.memref_slice %arg6[%run_scoped3A_41, %dma_start3A_785, %dma_start3A_786] : memref<5x48x128xf32, #tpu.memory_space<vmem>> -> memref<1x48x128xf32, #tpu.memory_space<vmem>>
      %dma_start3A_788 = tpu.memref_squeeze %dma_start3A_787 : memref<1x48x128xf32, #tpu.memory_space<vmem>> -> memref<48x128xf32, #tpu.memory_space<vmem>>
      %dma_start3A_789 = arith.constant 0 : i32
      %dma_start3A_790 = tpu.memref_slice %arg7[%add3A_40, %dma_start3A_789] : memref<10112x128xf32, #tpu.memory_space<vmem_shared>> -> memref<48x128xf32, #tpu.memory_space<vmem_shared>>
      %dma_start3A_791 = arith.constant 0 : i32
      %dma_start3A_792 = tpu.memref_slice %arg7[%add3A_40, %dma_start3A_791] : memref<10112x128xf32, #tpu.memory_space<vmem_shared>> -> memref<48x128xf32, #tpu.memory_space<vmem_shared>>
      %dma_start3A_793 = arith.constant 0 : i32
      %dma_start3A_794 = arith.constant 0 : i32
      %dma_start3A_795 = tpu.memref_slice %arg6[%run_scoped3A_41, %dma_start3A_793, %dma_start3A_794] : memref<5x48x128xf32, #tpu.memory_space<vmem>> -> memref<1x48x128xf32, #tpu.memory_space<vmem>>
      %dma_start3A_796 = tpu.memref_squeeze %dma_start3A_795 : memref<1x48x128xf32, #tpu.memory_space<vmem>> -> memref<48x128xf32, #tpu.memory_space<vmem>>
      tpu.enqueue_dma source(%dma_start3A_796 : memref<48x128xf32, #tpu.memory_space<vmem>>) target(%dma_start3A_792 : memref<48x128xf32, #tpu.memory_space<vmem_shared>>) target_semaphore(%run_scoped3A_784 : memref<!tpu.dma_semaphore, #tpu.memory_space<semaphore_mem>>)
      %dma_wait3A_797 = arith.constant 0 : i32
      %dma_wait3A_798 = arith.constant 0 : i32
      %dma_wait3A_799 = tpu.memref_slice %arg6[%run_scoped3A_41, %dma_wait3A_797, %dma_wait3A_798] : memref<5x48x128xf32, #tpu.memory_space<vmem>> -> memref<1x48x128xf32, #tpu.memory_space<vmem>>
      %dma_wait3A_800 = tpu.memref_squeeze %dma_wait3A_799 : memref<1x48x128xf32, #tpu.memory_space<vmem>> -> memref<48x128xf32, #tpu.memory_space<vmem>>
      %dma_wait3A_801 = arith.constant 0 : i32
      %dma_wait3A_802 = tpu.memref_slice %arg7[%add3A_40, %dma_wait3A_801] : memref<10112x128xf32, #tpu.memory_space<vmem_shared>> -> memref<48x128xf32, #tpu.memory_space<vmem_shared>>
      %dma_wait3A_803 = arith.constant 0 : i32
      %dma_wait3A_804 = tpu.memref_slice %arg7[%add3A_40, %dma_wait3A_803] : memref<10112x128xf32, #tpu.memory_space<vmem_shared>> -> memref<48x128xf32, #tpu.memory_space<vmem_shared>>
      %dma_wait3A_805 = arith.constant 0 : i32
      %dma_wait3A_806 = arith.constant 0 : i32
      %dma_wait3A_807 = tpu.memref_slice %arg6[%run_scoped3A_41, %dma_wait3A_805, %dma_wait3A_806] : memref<5x48x128xf32, #tpu.memory_space<vmem>> -> memref<1x48x128xf32, #tpu.memory_space<vmem>>
      %dma_wait3A_808 = tpu.memref_squeeze %dma_wait3A_807 : memref<1x48x128xf32, #tpu.memory_space<vmem>> -> memref<48x128xf32, #tpu.memory_space<vmem>>
      tpu.wait_dma2 semaphore(%run_scoped3A_784 : memref<!tpu.dma_semaphore, #tpu.memory_space<semaphore_mem>>) src(%dma_wait3A_808 : memref<48x128xf32, #tpu.memory_space<vmem>>) dst(%dma_wait3A_804 : memref<48x128xf32, #tpu.memory_space<vmem_shared>>)
      tpu.yield
    }) : () -> ()
    %add3A_42 = arith.constant 432 : i32
    %add3A_43 = arith.addi %mul3A_15, %add3A_42 : i32
    %run_scoped3A_44 = arith.constant 0 : i32
    "tpu.region"() ({
      %run_scoped3A_784 = tpu.sem_alloc : memref<!tpu.dma_semaphore, #tpu.memory_space<semaphore_mem>>
      %dma_start3A_785 = arith.constant 0 : i32
      %dma_start3A_786 = arith.constant 0 : i32
      %dma_start3A_787 = tpu.memref_slice %arg6[%run_scoped3A_44, %dma_start3A_785, %dma_start3A_786] : memref<5x48x128xf32, #tpu.memory_space<vmem>> -> memref<1x48x128xf32, #tpu.memory_space<vmem>>
      %dma_start3A_788 = tpu.memref_squeeze %dma_start3A_787 : memref<1x48x128xf32, #tpu.memory_space<vmem>> -> memref<48x128xf32, #tpu.memory_space<vmem>>
      %dma_start3A_789 = arith.constant 0 : i32
      %dma_start3A_790 = tpu.memref_slice %arg7[%add3A_43, %dma_start3A_789] : memref<10112x128xf32, #tpu.memory_space<vmem_shared>> -> memref<48x128xf32, #tpu.memory_space<vmem_shared>>
      %dma_start3A_791 = arith.constant 0 : i32
      %dma_start3A_792 = tpu.memref_slice %arg7[%add3A_43, %dma_start3A_791] : memref<10112x128xf32, #tpu.memory_space<vmem_shared>> -> memref<48x128xf32, #tpu.memory_space<vmem_shared>>
      %dma_start3A_793 = arith.constant 0 : i32
      %dma_start3A_794 = arith.constant 0 : i32
      %dma_start3A_795 = tpu.memref_slice %arg6[%run_scoped3A_44, %dma_start3A_793, %dma_start3A_794] : memref<5x48x128xf32, #tpu.memory_space<vmem>> -> memref<1x48x128xf32, #tpu.memory_space<vmem>>
      %dma_start3A_796 = tpu.memref_squeeze %dma_start3A_795 : memref<1x48x128xf32, #tpu.memory_space<vmem>> -> memref<48x128xf32, #tpu.memory_space<vmem>>
      tpu.enqueue_dma source(%dma_start3A_796 : memref<48x128xf32, #tpu.memory_space<vmem>>) target(%dma_start3A_792 : memref<48x128xf32, #tpu.memory_space<vmem_shared>>) target_semaphore(%run_scoped3A_784 : memref<!tpu.dma_semaphore, #tpu.memory_space<semaphore_mem>>)
      %dma_wait3A_797 = arith.constant 0 : i32
      %dma_wait3A_798 = arith.constant 0 : i32
      %dma_wait3A_799 = tpu.memref_slice %arg6[%run_scoped3A_44, %dma_wait3A_797, %dma_wait3A_798] : memref<5x48x128xf32, #tpu.memory_space<vmem>> -> memref<1x48x128xf32, #tpu.memory_space<vmem>>
      %dma_wait3A_800 = tpu.memref_squeeze %dma_wait3A_799 : memref<1x48x128xf32, #tpu.memory_space<vmem>> -> memref<48x128xf32, #tpu.memory_space<vmem>>
      %dma_wait3A_801 = arith.constant 0 : i32
      %dma_wait3A_802 = tpu.memref_slice %arg7[%add3A_43, %dma_wait3A_801] : memref<10112x128xf32, #tpu.memory_space<vmem_shared>> -> memref<48x128xf32, #tpu.memory_space<vmem_shared>>
      %dma_wait3A_803 = arith.constant 0 : i32
      %dma_wait3A_804 = tpu.memref_slice %arg7[%add3A_43, %dma_wait3A_803] : memref<10112x128xf32, #tpu.memory_space<vmem_shared>> -> memref<48x128xf32, #tpu.memory_space<vmem_shared>>
      %dma_wait3A_805 = arith.constant 0 : i32
      %dma_wait3A_806 = arith.constant 0 : i32
      %dma_wait3A_807 = tpu.memref_slice %arg6[%run_scoped3A_44, %dma_wait3A_805, %dma_wait3A_806] : memref<5x48x128xf32, #tpu.memory_space<vmem>> -> memref<1x48x128xf32, #tpu.memory_space<vmem>>
      %dma_wait3A_808 = tpu.memref_squeeze %dma_wait3A_807 : memref<1x48x128xf32, #tpu.memory_space<vmem>> -> memref<48x128xf32, #tpu.memory_space<vmem>>
      tpu.wait_dma2 semaphore(%run_scoped3A_784 : memref<!tpu.dma_semaphore, #tpu.memory_space<semaphore_mem>>) src(%dma_wait3A_808 : memref<48x128xf32, #tpu.memory_space<vmem>>) dst(%dma_wait3A_804 : memref<48x128xf32, #tpu.memory_space<vmem_shared>>)
      tpu.yield
    }) : () -> ()
    %add3A_45 = arith.constant 480 : i32
    %add3A_46 = arith.addi %mul3A_15, %add3A_45 : i32
    %run_scoped3A_47 = arith.constant 0 : i32
    "tpu.region"() ({
      %run_scoped3A_784 = tpu.sem_alloc : memref<!tpu.dma_semaphore, #tpu.memory_space<semaphore_mem>>
      %dma_start3A_785 = arith.constant 0 : i32
      %dma_start3A_786 = arith.constant 0 : i32
      %dma_start3A_787 = tpu.memref_slice %arg6[%run_scoped3A_47, %dma_start3A_785, %dma_start3A_786] : memref<5x48x128xf32, #tpu.memory_space<vmem>> -> memref<1x48x128xf32, #tpu.memory_space<vmem>>
      %dma_start3A_788 = tpu.memref_squeeze %dma_start3A_787 : memref<1x48x128xf32, #tpu.memory_space<vmem>> -> memref<48x128xf32, #tpu.memory_space<vmem>>
      %dma_start3A_789 = arith.constant 0 : i32
      %dma_start3A_790 = tpu.memref_slice %arg7[%add3A_46, %dma_start3A_789] : memref<10112x128xf32, #tpu.memory_space<vmem_shared>> -> memref<48x128xf32, #tpu.memory_space<vmem_shared>>
      %dma_start3A_791 = arith.constant 0 : i32
      %dma_start3A_792 = tpu.memref_slice %arg7[%add3A_46, %dma_start3A_791] : memref<10112x128xf32, #tpu.memory_space<vmem_shared>> -> memref<48x128xf32, #tpu.memory_space<vmem_shared>>
      %dma_start3A_793 = arith.constant 0 : i32
      %dma_start3A_794 = arith.constant 0 : i32
      %dma_start3A_795 = tpu.memref_slice %arg6[%run_scoped3A_47, %dma_start3A_793, %dma_start3A_794] : memref<5x48x128xf32, #tpu.memory_space<vmem>> -> memref<1x48x128xf32, #tpu.memory_space<vmem>>
      %dma_start3A_796 = tpu.memref_squeeze %dma_start3A_795 : memref<1x48x128xf32, #tpu.memory_space<vmem>> -> memref<48x128xf32, #tpu.memory_space<vmem>>
      tpu.enqueue_dma source(%dma_start3A_796 : memref<48x128xf32, #tpu.memory_space<vmem>>) target(%dma_start3A_792 : memref<48x128xf32, #tpu.memory_space<vmem_shared>>) target_semaphore(%run_scoped3A_784 : memref<!tpu.dma_semaphore, #tpu.memory_space<semaphore_mem>>)
      %dma_wait3A_797 = arith.constant 0 : i32
      %dma_wait3A_798 = arith.constant 0 : i32
      %dma_wait3A_799 = tpu.memref_slice %arg6[%run_scoped3A_47, %dma_wait3A_797, %dma_wait3A_798] : memref<5x48x128xf32, #tpu.memory_space<vmem>> -> memref<1x48x128xf32, #tpu.memory_space<vmem>>
      %dma_wait3A_800 = tpu.memref_squeeze %dma_wait3A_799 : memref<1x48x128xf32, #tpu.memory_space<vmem>> -> memref<48x128xf32, #tpu.memory_space<vmem>>
      %dma_wait3A_801 = arith.constant 0 : i32
      %dma_wait3A_802 = tpu.memref_slice %arg7[%add3A_46, %dma_wait3A_801] : memref<10112x128xf32, #tpu.memory_space<vmem_shared>> -> memref<48x128xf32, #tpu.memory_space<vmem_shared>>
      %dma_wait3A_803 = arith.constant 0 : i32
      %dma_wait3A_804 = tpu.memref_slice %arg7[%add3A_46, %dma_wait3A_803] : memref<10112x128xf32, #tpu.memory_space<vmem_shared>> -> memref<48x128xf32, #tpu.memory_space<vmem_shared>>
      %dma_wait3A_805 = arith.constant 0 : i32
      %dma_wait3A_806 = arith.constant 0 : i32
      %dma_wait3A_807 = tpu.memref_slice %arg6[%run_scoped3A_47, %dma_wait3A_805, %dma_wait3A_806] : memref<5x48x128xf32, #tpu.memory_space<vmem>> -> memref<1x48x128xf32, #tpu.memory_space<vmem>>
      %dma_wait3A_808 = tpu.memref_squeeze %dma_wait3A_807 : memref<1x48x128xf32, #tpu.memory_space<vmem>> -> memref<48x128xf32, #tpu.memory_space<vmem>>
      tpu.wait_dma2 semaphore(%run_scoped3A_784 : memref<!tpu.dma_semaphore, #tpu.memory_space<semaphore_mem>>) src(%dma_wait3A_808 : memref<48x128xf32, #tpu.memory_space<vmem>>) dst(%dma_wait3A_804 : memref<48x128xf32, #tpu.memory_space<vmem_shared>>)
      tpu.yield
    }) : () -> ()
    %add3A_48 = arith.constant 528 : i32
    %add3A_49 = arith.addi %mul3A_15, %add3A_48 : i32
    %run_scoped3A_50 = arith.constant 0 : i32
    "tpu.region"() ({
      %run_scoped3A_784 = tpu.sem_alloc : memref<!tpu.dma_semaphore, #tpu.memory_space<semaphore_mem>>
      %dma_start3A_785 = arith.constant 0 : i32
      %dma_start3A_786 = arith.constant 0 : i32
      %dma_start3A_787 = tpu.memref_slice %arg6[%run_scoped3A_50, %dma_start3A_785, %dma_start3A_786] : memref<5x48x128xf32, #tpu.memory_space<vmem>> -> memref<1x48x128xf32, #tpu.memory_space<vmem>>
      %dma_start3A_788 = tpu.memref_squeeze %dma_start3A_787 : memref<1x48x128xf32, #tpu.memory_space<vmem>> -> memref<48x128xf32, #tpu.memory_space<vmem>>
      %dma_start3A_789 = arith.constant 0 : i32
      %dma_start3A_790 = tpu.memref_slice %arg7[%add3A_49, %dma_start3A_789] : memref<10112x128xf32, #tpu.memory_space<vmem_shared>> -> memref<48x128xf32, #tpu.memory_space<vmem_shared>>
      %dma_start3A_791 = arith.constant 0 : i32
      %dma_start3A_792 = tpu.memref_slice %arg7[%add3A_49, %dma_start3A_791] : memref<10112x128xf32, #tpu.memory_space<vmem_shared>> -> memref<48x128xf32, #tpu.memory_space<vmem_shared>>
      %dma_start3A_793 = arith.constant 0 : i32
      %dma_start3A_794 = arith.constant 0 : i32
      %dma_start3A_795 = tpu.memref_slice %arg6[%run_scoped3A_50, %dma_start3A_793, %dma_start3A_794] : memref<5x48x128xf32, #tpu.memory_space<vmem>> -> memref<1x48x128xf32, #tpu.memory_space<vmem>>
      %dma_start3A_796 = tpu.memref_squeeze %dma_start3A_795 : memref<1x48x128xf32, #tpu.memory_space<vmem>> -> memref<48x128xf32, #tpu.memory_space<vmem>>
      tpu.enqueue_dma source(%dma_start3A_796 : memref<48x128xf32, #tpu.memory_space<vmem>>) target(%dma_start3A_792 : memref<48x128xf32, #tpu.memory_space<vmem_shared>>) target_semaphore(%run_scoped3A_784 : memref<!tpu.dma_semaphore, #tpu.memory_space<semaphore_mem>>)
      %dma_wait3A_797 = arith.constant 0 : i32
      %dma_wait3A_798 = arith.constant 0 : i32
      %dma_wait3A_799 = tpu.memref_slice %arg6[%run_scoped3A_50, %dma_wait3A_797, %dma_wait3A_798] : memref<5x48x128xf32, #tpu.memory_space<vmem>> -> memref<1x48x128xf32, #tpu.memory_space<vmem>>
      %dma_wait3A_800 = tpu.memref_squeeze %dma_wait3A_799 : memref<1x48x128xf32, #tpu.memory_space<vmem>> -> memref<48x128xf32, #tpu.memory_space<vmem>>
      %dma_wait3A_801 = arith.constant 0 : i32
      %dma_wait3A_802 = tpu.memref_slice %arg7[%add3A_49, %dma_wait3A_801] : memref<10112x128xf32, #tpu.memory_space<vmem_shared>> -> memref<48x128xf32, #tpu.memory_space<vmem_shared>>
      %dma_wait3A_803 = arith.constant 0 : i32
      %dma_wait3A_804 = tpu.memref_slice %arg7[%add3A_49, %dma_wait3A_803] : memref<10112x128xf32, #tpu.memory_space<vmem_shared>> -> memref<48x128xf32, #tpu.memory_space<vmem_shared>>
      %dma_wait3A_805 = arith.constant 0 : i32
      %dma_wait3A_806 = arith.constant 0 : i32
      %dma_wait3A_807 = tpu.memref_slice %arg6[%run_scoped3A_50, %dma_wait3A_805, %dma_wait3A_806] : memref<5x48x128xf32, #tpu.memory_space<vmem>> -> memref<1x48x128xf32, #tpu.memory_space<vmem>>
      %dma_wait3A_808 = tpu.memref_squeeze %dma_wait3A_807 : memref<1x48x128xf32, #tpu.memory_space<vmem>> -> memref<48x128xf32, #tpu.memory_space<vmem>>
      tpu.wait_dma2 semaphore(%run_scoped3A_784 : memref<!tpu.dma_semaphore, #tpu.memory_space<semaphore_mem>>) src(%dma_wait3A_808 : memref<48x128xf32, #tpu.memory_space<vmem>>) dst(%dma_wait3A_804 : memref<48x128xf32, #tpu.memory_space<vmem_shared>>)
      tpu.yield
    }) : () -> ()
    %add3A_51 = arith.constant 576 : i32
    %add3A_52 = arith.addi %mul3A_15, %add3A_51 : i32
    %run_scoped3A_53 = arith.constant 0 : i32
    "tpu.region"() ({
      %run_scoped3A_784 = tpu.sem_alloc : memref<!tpu.dma_semaphore, #tpu.memory_space<semaphore_mem>>
      %dma_start3A_785 = arith.constant 0 : i32
      %dma_start3A_786 = arith.constant 0 : i32
      %dma_start3A_787 = tpu.memref_slice %arg6[%run_scoped3A_53, %dma_start3A_785, %dma_start3A_786] : memref<5x48x128xf32, #tpu.memory_space<vmem>> -> memref<1x48x128xf32, #tpu.memory_space<vmem>>
      %dma_start3A_788 = tpu.memref_squeeze %dma_start3A_787 : memref<1x48x128xf32, #tpu.memory_space<vmem>> -> memref<48x128xf32, #tpu.memory_space<vmem>>
      %dma_start3A_789 = arith.constant 0 : i32
      %dma_start3A_790 = tpu.memref_slice %arg7[%add3A_52, %dma_start3A_789] : memref<10112x128xf32, #tpu.memory_space<vmem_shared>> -> memref<48x128xf32, #tpu.memory_space<vmem_shared>>
      %dma_start3A_791 = arith.constant 0 : i32
      %dma_start3A_792 = tpu.memref_slice %arg7[%add3A_52, %dma_start3A_791] : memref<10112x128xf32, #tpu.memory_space<vmem_shared>> -> memref<48x128xf32, #tpu.memory_space<vmem_shared>>
      %dma_start3A_793 = arith.constant 0 : i32
      %dma_start3A_794 = arith.constant 0 : i32
      %dma_start3A_795 = tpu.memref_slice %arg6[%run_scoped3A_53, %dma_start3A_793, %dma_start3A_794] : memref<5x48x128xf32, #tpu.memory_space<vmem>> -> memref<1x48x128xf32, #tpu.memory_space<vmem>>
      %dma_start3A_796 = tpu.memref_squeeze %dma_start3A_795 : memref<1x48x128xf32, #tpu.memory_space<vmem>> -> memref<48x128xf32, #tpu.memory_space<vmem>>
      tpu.enqueue_dma source(%dma_start3A_796 : memref<48x128xf32, #tpu.memory_space<vmem>>) target(%dma_start3A_792 : memref<48x128xf32, #tpu.memory_space<vmem_shared>>) target_semaphore(%run_scoped3A_784 : memref<!tpu.dma_semaphore, #tpu.memory_space<semaphore_mem>>)
      %dma_wait3A_797 = arith.constant 0 : i32
      %dma_wait3A_798 = arith.constant 0 : i32
      %dma_wait3A_799 = tpu.memref_slice %arg6[%run_scoped3A_53, %dma_wait3A_797, %dma_wait3A_798] : memref<5x48x128xf32, #tpu.memory_space<vmem>> -> memref<1x48x128xf32, #tpu.memory_space<vmem>>
      %dma_wait3A_800 = tpu.memref_squeeze %dma_wait3A_799 : memref<1x48x128xf32, #tpu.memory_space<vmem>> -> memref<48x128xf32, #tpu.memory_space<vmem>>
      %dma_wait3A_801 = arith.constant 0 : i32
      %dma_wait3A_802 = tpu.memref_slice %arg7[%add3A_52, %dma_wait3A_801] : memref<10112x128xf32, #tpu.memory_space<vmem_shared>> -> memref<48x128xf32, #tpu.memory_space<vmem_shared>>
      %dma_wait3A_803 = arith.constant 0 : i32
      %dma_wait3A_804 = tpu.memref_slice %arg7[%add3A_52, %dma_wait3A_803] : memref<10112x128xf32, #tpu.memory_space<vmem_shared>> -> memref<48x128xf32, #tpu.memory_space<vmem_shared>>
      %dma_wait3A_805 = arith.constant 0 : i32
      %dma_wait3A_806 = arith.constant 0 : i32
      %dma_wait3A_807 = tpu.memref_slice %arg6[%run_scoped3A_53, %dma_wait3A_805, %dma_wait3A_806] : memref<5x48x128xf32, #tpu.memory_space<vmem>> -> memref<1x48x128xf32, #tpu.memory_space<vmem>>
      %dma_wait3A_808 = tpu.memref_squeeze %dma_wait3A_807 : memref<1x48x128xf32, #tpu.memory_space<vmem>> -> memref<48x128xf32, #tpu.memory_space<vmem>>
      tpu.wait_dma2 semaphore(%run_scoped3A_784 : memref<!tpu.dma_semaphore, #tpu.memory_space<semaphore_mem>>) src(%dma_wait3A_808 : memref<48x128xf32, #tpu.memory_space<vmem>>) dst(%dma_wait3A_804 : memref<48x128xf32, #tpu.memory_space<vmem_shared>>)
      tpu.yield
    }) : () -> ()
    %add3A_54 = arith.constant 624 : i32
    %add3A_55 = arith.addi %mul3A_15, %add3A_54 : i32
    %run_scoped3A_56 = arith.constant 0 : i32
    "tpu.region"() ({
      %run_scoped3A_784 = tpu.sem_alloc : memref<!tpu.dma_semaphore, #tpu.memory_space<semaphore_mem>>
      %dma_start3A_785 = arith.constant 0 : i32
      %dma_start3A_786 = arith.constant 0 : i32
      %dma_start3A_787 = tpu.memref_slice %arg6[%run_scoped3A_56, %dma_start3A_785, %dma_start3A_786] : memref<5x48x128xf32, #tpu.memory_space<vmem>> -> memref<1x8x128xf32, #tpu.memory_space<vmem>>
      %dma_start3A_788 = tpu.memref_squeeze %dma_start3A_787 : memref<1x8x128xf32, #tpu.memory_space<vmem>> -> memref<8x128xf32, #tpu.memory_space<vmem>>
      %dma_start3A_789 = arith.constant 0 : i32
      %dma_start3A_790 = tpu.memref_slice %arg7[%add3A_55, %dma_start3A_789] : memref<10112x128xf32, #tpu.memory_space<vmem_shared>> -> memref<8x128xf32, #tpu.memory_space<vmem_shared>>
      %dma_start3A_791 = arith.constant 0 : i32
      %dma_start3A_792 = tpu.memref_slice %arg7[%add3A_55, %dma_start3A_791] : memref<10112x128xf32, #tpu.memory_space<vmem_shared>> -> memref<8x128xf32, #tpu.memory_space<vmem_shared>>
      %dma_start3A_793 = arith.constant 0 : i32
      %dma_start3A_794 = arith.constant 0 : i32
      %dma_start3A_795 = tpu.memref_slice %arg6[%run_scoped3A_56, %dma_start3A_793, %dma_start3A_794] : memref<5x48x128xf32, #tpu.memory_space<vmem>> -> memref<1x8x128xf32, #tpu.memory_space<vmem>>
      %dma_start3A_796 = tpu.memref_squeeze %dma_start3A_795 : memref<1x8x128xf32, #tpu.memory_space<vmem>> -> memref<8x128xf32, #tpu.memory_space<vmem>>
      tpu.enqueue_dma source(%dma_start3A_796 : memref<8x128xf32, #tpu.memory_space<vmem>>) target(%dma_start3A_792 : memref<8x128xf32, #tpu.memory_space<vmem_shared>>) target_semaphore(%run_scoped3A_784 : memref<!tpu.dma_semaphore, #tpu.memory_space<semaphore_mem>>)
      %dma_wait3A_797 = arith.constant 0 : i32
      %dma_wait3A_798 = arith.constant 0 : i32
      %dma_wait3A_799 = tpu.memref_slice %arg6[%run_scoped3A_56, %dma_wait3A_797, %dma_wait3A_798] : memref<5x48x128xf32, #tpu.memory_space<vmem>> -> memref<1x8x128xf32, #tpu.memory_space<vmem>>
      %dma_wait3A_800 = tpu.memref_squeeze %dma_wait3A_799 : memref<1x8x128xf32, #tpu.memory_space<vmem>> -> memref<8x128xf32, #tpu.memory_space<vmem>>
      %dma_wait3A_801 = arith.constant 0 : i32
      %dma_wait3A_802 = tpu.memref_slice %arg7[%add3A_55, %dma_wait3A_801] : memref<10112x128xf32, #tpu.memory_space<vmem_shared>> -> memref<8x128xf32, #tpu.memory_space<vmem_shared>>
      %dma_wait3A_803 = arith.constant 0 : i32
      %dma_wait3A_804 = tpu.memref_slice %arg7[%add3A_55, %dma_wait3A_803] : memref<10112x128xf32, #tpu.memory_space<vmem_shared>> -> memref<8x128xf32, #tpu.memory_space<vmem_shared>>
      %dma_wait3A_805 = arith.constant 0 : i32
      %dma_wait3A_806 = arith.constant 0 : i32
      %dma_wait3A_807 = tpu.memref_slice %arg6[%run_scoped3A_56, %dma_wait3A_805, %dma_wait3A_806] : memref<5x48x128xf32, #tpu.memory_space<vmem>> -> memref<1x8x128xf32, #tpu.memory_space<vmem>>
      %dma_wait3A_808 = tpu.memref_squeeze %dma_wait3A_807 : memref<1x8x128xf32, #tpu.memory_space<vmem>> -> memref<8x128xf32, #tpu.memory_space<vmem>>
      tpu.wait_dma2 semaphore(%run_scoped3A_784 : memref<!tpu.dma_semaphore, #tpu.memory_space<semaphore_mem>>) src(%dma_wait3A_808 : memref<8x128xf32, #tpu.memory_space<vmem>>) dst(%dma_wait3A_804 : memref<8x128xf32, #tpu.memory_space<vmem_shared>>)
      tpu.yield
    }) : () -> ()
    %barrier3A = arith.constant 0 : index
    tpu.barrier barrier_id(%barrier3A)
    "tpu.trace_stop"() : () -> ()
    "tpu.trace_start"() <{level = 10 : i32, message = "ph_main"}> : () -> ()
    %add3A_57 = arith.constant 0 : i32
    %add3A_58 = arith.addi %select_n3A_8, %add3A_57 : i32
    %dma_start3A = arith.constant 0 : i32
    %dma_start3A_59 = arith.constant 0 : i32
    %dma_start3A_60 = arith.constant 0 : i32
    %dma_start3A_61 = tpu.memref_slice %arg5[%dma_start3A, %dma_start3A_59, %dma_start3A_60] : memref<10x2x48xi32, #tpu.memory_space<vmem>> -> memref<1x2x48xi32, #tpu.memory_space<vmem>>
    %dma_start3A_62 = tpu.memref_squeeze %dma_start3A_61 : memref<1x2x48xi32, #tpu.memory_space<vmem>> -> memref<2x48xi32, #tpu.memory_space<vmem>>
    %dma_start3A_63 = arith.constant 0 : i32
    %dma_start3A_64 = arith.constant 0 : i32
    %dma_start3A_65 = tpu.memref_slice %arg3[%add3A_58, %dma_start3A_63, %dma_start3A_64] : memref<6720x2x48xi32, #tpu.memory_space<hbm>> -> memref<1x2x48xi32, #tpu.memory_space<hbm>>
    %dma_start3A_66 = tpu.memref_squeeze %dma_start3A_65 : memref<1x2x48xi32, #tpu.memory_space<hbm>> -> memref<2x48xi32, #tpu.memory_space<hbm>>
    %dma_start3A_67 = arith.constant 0 : i32
    %dma_start3A_68 = arith.constant 0 : i32
    %dma_start3A_69 = tpu.memref_slice %arg5[%dma_start3A, %dma_start3A_67, %dma_start3A_68] : memref<10x2x48xi32, #tpu.memory_space<vmem>> -> memref<1x2x48xi32, #tpu.memory_space<vmem>>
    %dma_start3A_70 = tpu.memref_squeeze %dma_start3A_69 : memref<1x2x48xi32, #tpu.memory_space<vmem>> -> memref<2x48xi32, #tpu.memory_space<vmem>>
    %dma_start3A_71 = arith.constant 0 : i32
    %dma_start3A_72 = arith.constant 0 : i32
    %dma_start3A_73 = tpu.memref_slice %arg3[%add3A_58, %dma_start3A_71, %dma_start3A_72] : memref<6720x2x48xi32, #tpu.memory_space<hbm>> -> memref<1x2x48xi32, #tpu.memory_space<hbm>>
    %dma_start3A_74 = tpu.memref_squeeze %dma_start3A_73 : memref<1x2x48xi32, #tpu.memory_space<hbm>> -> memref<2x48xi32, #tpu.memory_space<hbm>>
    tpu.enqueue_dma source(%dma_start3A_74 : memref<2x48xi32, #tpu.memory_space<hbm>>) target(%dma_start3A_70 : memref<2x48xi32, #tpu.memory_space<vmem>>) target_semaphore(%arg8 : memref<!tpu.dma_semaphore, #tpu.memory_space<semaphore_mem>>)
    %add3A_75 = arith.constant 1 : i32
    %add3A_76 = arith.addi %select_n3A_8, %add3A_75 : i32
    %dma_start3A_77 = arith.constant 1 : i32
    %dma_start3A_78 = arith.constant 0 : i32
    %dma_start3A_79 = arith.constant 0 : i32
    %dma_start3A_80 = tpu.memref_slice %arg5[%dma_start3A_77, %dma_start3A_78, %dma_start3A_79] : memref<10x2x48xi32, #tpu.memory_space<vmem>> -> memref<1x2x48xi32, #tpu.memory_space<vmem>>
    %dma_start3A_81 = tpu.memref_squeeze %dma_start3A_80 : memref<1x2x48xi32, #tpu.memory_space<vmem>> -> memref<2x48xi32, #tpu.memory_space<vmem>>
    %dma_start3A_82 = arith.constant 0 : i32
    %dma_start3A_83 = arith.constant 0 : i32
    %dma_start3A_84 = tpu.memref_slice %arg3[%add3A_76, %dma_start3A_82, %dma_start3A_83] : memref<6720x2x48xi32, #tpu.memory_space<hbm>> -> memref<1x2x48xi32, #tpu.memory_space<hbm>>
    %dma_start3A_85 = tpu.memref_squeeze %dma_start3A_84 : memref<1x2x48xi32, #tpu.memory_space<hbm>> -> memref<2x48xi32, #tpu.memory_space<hbm>>
    %dma_start3A_86 = arith.constant 0 : i32
    %dma_start3A_87 = arith.constant 0 : i32
    %dma_start3A_88 = tpu.memref_slice %arg5[%dma_start3A_77, %dma_start3A_86, %dma_start3A_87] : memref<10x2x48xi32, #tpu.memory_space<vmem>> -> memref<1x2x48xi32, #tpu.memory_space<vmem>>
    %dma_start3A_89 = tpu.memref_squeeze %dma_start3A_88 : memref<1x2x48xi32, #tpu.memory_space<vmem>> -> memref<2x48xi32, #tpu.memory_space<vmem>>
    %dma_start3A_90 = arith.constant 0 : i32
    %dma_start3A_91 = arith.constant 0 : i32
    %dma_start3A_92 = tpu.memref_slice %arg3[%add3A_76, %dma_start3A_90, %dma_start3A_91] : memref<6720x2x48xi32, #tpu.memory_space<hbm>> -> memref<1x2x48xi32, #tpu.memory_space<hbm>>
    %dma_start3A_93 = tpu.memref_squeeze %dma_start3A_92 : memref<1x2x48xi32, #tpu.memory_space<hbm>> -> memref<2x48xi32, #tpu.memory_space<hbm>>
    tpu.enqueue_dma source(%dma_start3A_93 : memref<2x48xi32, #tpu.memory_space<hbm>>) target(%dma_start3A_89 : memref<2x48xi32, #tpu.memory_space<vmem>>) target_semaphore(%arg9 : memref<!tpu.dma_semaphore, #tpu.memory_space<semaphore_mem>>)
    %add3A_94 = arith.constant 2 : i32
    %add3A_95 = arith.addi %select_n3A_8, %add3A_94 : i32
    %dma_start3A_96 = arith.constant 2 : i32
    %dma_start3A_97 = arith.constant 0 : i32
    %dma_start3A_98 = arith.constant 0 : i32
    %dma_start3A_99 = tpu.memref_slice %arg5[%dma_start3A_96, %dma_start3A_97, %dma_start3A_98] : memref<10x2x48xi32, #tpu.memory_space<vmem>> -> memref<1x2x48xi32, #tpu.memory_space<vmem>>
    %dma_start3A_100 = tpu.memref_squeeze %dma_start3A_99 : memref<1x2x48xi32, #tpu.memory_space<vmem>> -> memref<2x48xi32, #tpu.memory_space<vmem>>
    %dma_start3A_101 = arith.constant 0 : i32
    %dma_start3A_102 = arith.constant 0 : i32
    %dma_start3A_103 = tpu.memref_slice %arg3[%add3A_95, %dma_start3A_101, %dma_start3A_102] : memref<6720x2x48xi32, #tpu.memory_space<hbm>> -> memref<1x2x48xi32, #tpu.memory_space<hbm>>
    %dma_start3A_104 = tpu.memref_squeeze %dma_start3A_103 : memref<1x2x48xi32, #tpu.memory_space<hbm>> -> memref<2x48xi32, #tpu.memory_space<hbm>>
    %dma_start3A_105 = arith.constant 0 : i32
    %dma_start3A_106 = arith.constant 0 : i32
    %dma_start3A_107 = tpu.memref_slice %arg5[%dma_start3A_96, %dma_start3A_105, %dma_start3A_106] : memref<10x2x48xi32, #tpu.memory_space<vmem>> -> memref<1x2x48xi32, #tpu.memory_space<vmem>>
    %dma_start3A_108 = tpu.memref_squeeze %dma_start3A_107 : memref<1x2x48xi32, #tpu.memory_space<vmem>> -> memref<2x48xi32, #tpu.memory_space<vmem>>
    %dma_start3A_109 = arith.constant 0 : i32
    %dma_start3A_110 = arith.constant 0 : i32
    %dma_start3A_111 = tpu.memref_slice %arg3[%add3A_95, %dma_start3A_109, %dma_start3A_110] : memref<6720x2x48xi32, #tpu.memory_space<hbm>> -> memref<1x2x48xi32, #tpu.memory_space<hbm>>
    %dma_start3A_112 = tpu.memref_squeeze %dma_start3A_111 : memref<1x2x48xi32, #tpu.memory_space<hbm>> -> memref<2x48xi32, #tpu.memory_space<hbm>>
    tpu.enqueue_dma source(%dma_start3A_112 : memref<2x48xi32, #tpu.memory_space<hbm>>) target(%dma_start3A_108 : memref<2x48xi32, #tpu.memory_space<vmem>>) target_semaphore(%arg10 : memref<!tpu.dma_semaphore, #tpu.memory_space<semaphore_mem>>)
    %add3A_113 = arith.constant 3 : i32
    %add3A_114 = arith.addi %select_n3A_8, %add3A_113 : i32
    %dma_start3A_115 = arith.constant 3 : i32
    %dma_start3A_116 = arith.constant 0 : i32
    %dma_start3A_117 = arith.constant 0 : i32
    %dma_start3A_118 = tpu.memref_slice %arg5[%dma_start3A_115, %dma_start3A_116, %dma_start3A_117] : memref<10x2x48xi32, #tpu.memory_space<vmem>> -> memref<1x2x48xi32, #tpu.memory_space<vmem>>
    %dma_start3A_119 = tpu.memref_squeeze %dma_start3A_118 : memref<1x2x48xi32, #tpu.memory_space<vmem>> -> memref<2x48xi32, #tpu.memory_space<vmem>>
    %dma_start3A_120 = arith.constant 0 : i32
    %dma_start3A_121 = arith.constant 0 : i32
    %dma_start3A_122 = tpu.memref_slice %arg3[%add3A_114, %dma_start3A_120, %dma_start3A_121] : memref<6720x2x48xi32, #tpu.memory_space<hbm>> -> memref<1x2x48xi32, #tpu.memory_space<hbm>>
    %dma_start3A_123 = tpu.memref_squeeze %dma_start3A_122 : memref<1x2x48xi32, #tpu.memory_space<hbm>> -> memref<2x48xi32, #tpu.memory_space<hbm>>
    %dma_start3A_124 = arith.constant 0 : i32
    %dma_start3A_125 = arith.constant 0 : i32
    %dma_start3A_126 = tpu.memref_slice %arg5[%dma_start3A_115, %dma_start3A_124, %dma_start3A_125] : memref<10x2x48xi32, #tpu.memory_space<vmem>> -> memref<1x2x48xi32, #tpu.memory_space<vmem>>
    %dma_start3A_127 = tpu.memref_squeeze %dma_start3A_126 : memref<1x2x48xi32, #tpu.memory_space<vmem>> -> memref<2x48xi32, #tpu.memory_space<vmem>>
    %dma_start3A_128 = arith.constant 0 : i32
    %dma_start3A_129 = arith.constant 0 : i32
    %dma_start3A_130 = tpu.memref_slice %arg3[%add3A_114, %dma_start3A_128, %dma_start3A_129] : memref<6720x2x48xi32, #tpu.memory_space<hbm>> -> memref<1x2x48xi32, #tpu.memory_space<hbm>>
    %dma_start3A_131 = tpu.memref_squeeze %dma_start3A_130 : memref<1x2x48xi32, #tpu.memory_space<hbm>> -> memref<2x48xi32, #tpu.memory_space<hbm>>
    tpu.enqueue_dma source(%dma_start3A_131 : memref<2x48xi32, #tpu.memory_space<hbm>>) target(%dma_start3A_127 : memref<2x48xi32, #tpu.memory_space<vmem>>) target_semaphore(%arg11 : memref<!tpu.dma_semaphore, #tpu.memory_space<semaphore_mem>>)
    %add3A_132 = arith.constant 4 : i32
    %add3A_133 = arith.addi %select_n3A_8, %add3A_132 : i32
    %dma_start3A_134 = arith.constant 4 : i32
    %dma_start3A_135 = arith.constant 0 : i32
    %dma_start3A_136 = arith.constant 0 : i32
    %dma_start3A_137 = tpu.memref_slice %arg5[%dma_start3A_134, %dma_start3A_135, %dma_start3A_136] : memref<10x2x48xi32, #tpu.memory_space<vmem>> -> memref<1x2x48xi32, #tpu.memory_space<vmem>>
    %dma_start3A_138 = tpu.memref_squeeze %dma_start3A_137 : memref<1x2x48xi32, #tpu.memory_space<vmem>> -> memref<2x48xi32, #tpu.memory_space<vmem>>
    %dma_start3A_139 = arith.constant 0 : i32
    %dma_start3A_140 = arith.constant 0 : i32
    %dma_start3A_141 = tpu.memref_slice %arg3[%add3A_133, %dma_start3A_139, %dma_start3A_140] : memref<6720x2x48xi32, #tpu.memory_space<hbm>> -> memref<1x2x48xi32, #tpu.memory_space<hbm>>
    %dma_start3A_142 = tpu.memref_squeeze %dma_start3A_141 : memref<1x2x48xi32, #tpu.memory_space<hbm>> -> memref<2x48xi32, #tpu.memory_space<hbm>>
    %dma_start3A_143 = arith.constant 0 : i32
    %dma_start3A_144 = arith.constant 0 : i32
    %dma_start3A_145 = tpu.memref_slice %arg5[%dma_start3A_134, %dma_start3A_143, %dma_start3A_144] : memref<10x2x48xi32, #tpu.memory_space<vmem>> -> memref<1x2x48xi32, #tpu.memory_space<vmem>>
    %dma_start3A_146 = tpu.memref_squeeze %dma_start3A_145 : memref<1x2x48xi32, #tpu.memory_space<vmem>> -> memref<2x48xi32, #tpu.memory_space<vmem>>
    %dma_start3A_147 = arith.constant 0 : i32
    %dma_start3A_148 = arith.constant 0 : i32
    %dma_start3A_149 = tpu.memref_slice %arg3[%add3A_133, %dma_start3A_147, %dma_start3A_148] : memref<6720x2x48xi32, #tpu.memory_space<hbm>> -> memref<1x2x48xi32, #tpu.memory_space<hbm>>
    %dma_start3A_150 = tpu.memref_squeeze %dma_start3A_149 : memref<1x2x48xi32, #tpu.memory_space<hbm>> -> memref<2x48xi32, #tpu.memory_space<hbm>>
    tpu.enqueue_dma source(%dma_start3A_150 : memref<2x48xi32, #tpu.memory_space<hbm>>) target(%dma_start3A_146 : memref<2x48xi32, #tpu.memory_space<vmem>>) target_semaphore(%arg12 : memref<!tpu.dma_semaphore, #tpu.memory_space<semaphore_mem>>)
    %add3A_151 = arith.constant 5 : i32
    %add3A_152 = arith.addi %select_n3A_8, %add3A_151 : i32
    %dma_start3A_153 = arith.constant 5 : i32
    %dma_start3A_154 = arith.constant 0 : i32
    %dma_start3A_155 = arith.constant 0 : i32
    %dma_start3A_156 = tpu.memref_slice %arg5[%dma_start3A_153, %dma_start3A_154, %dma_start3A_155] : memref<10x2x48xi32, #tpu.memory_space<vmem>> -> memref<1x2x48xi32, #tpu.memory_space<vmem>>
    %dma_start3A_157 = tpu.memref_squeeze %dma_start3A_156 : memref<1x2x48xi32, #tpu.memory_space<vmem>> -> memref<2x48xi32, #tpu.memory_space<vmem>>
    %dma_start3A_158 = arith.constant 0 : i32
    %dma_start3A_159 = arith.constant 0 : i32
    %dma_start3A_160 = tpu.memref_slice %arg3[%add3A_152, %dma_start3A_158, %dma_start3A_159] : memref<6720x2x48xi32, #tpu.memory_space<hbm>> -> memref<1x2x48xi32, #tpu.memory_space<hbm>>
    %dma_start3A_161 = tpu.memref_squeeze %dma_start3A_160 : memref<1x2x48xi32, #tpu.memory_space<hbm>> -> memref<2x48xi32, #tpu.memory_space<hbm>>
    %dma_start3A_162 = arith.constant 0 : i32
    %dma_start3A_163 = arith.constant 0 : i32
    %dma_start3A_164 = tpu.memref_slice %arg5[%dma_start3A_153, %dma_start3A_162, %dma_start3A_163] : memref<10x2x48xi32, #tpu.memory_space<vmem>> -> memref<1x2x48xi32, #tpu.memory_space<vmem>>
    %dma_start3A_165 = tpu.memref_squeeze %dma_start3A_164 : memref<1x2x48xi32, #tpu.memory_space<vmem>> -> memref<2x48xi32, #tpu.memory_space<vmem>>
    %dma_start3A_166 = arith.constant 0 : i32
    %dma_start3A_167 = arith.constant 0 : i32
    %dma_start3A_168 = tpu.memref_slice %arg3[%add3A_152, %dma_start3A_166, %dma_start3A_167] : memref<6720x2x48xi32, #tpu.memory_space<hbm>> -> memref<1x2x48xi32, #tpu.memory_space<hbm>>
    %dma_start3A_169 = tpu.memref_squeeze %dma_start3A_168 : memref<1x2x48xi32, #tpu.memory_space<hbm>> -> memref<2x48xi32, #tpu.memory_space<hbm>>
    tpu.enqueue_dma source(%dma_start3A_169 : memref<2x48xi32, #tpu.memory_space<hbm>>) target(%dma_start3A_165 : memref<2x48xi32, #tpu.memory_space<vmem>>) target_semaphore(%arg13 : memref<!tpu.dma_semaphore, #tpu.memory_space<semaphore_mem>>)
    %add3A_170 = arith.constant 6 : i32
    %add3A_171 = arith.addi %select_n3A_8, %add3A_170 : i32
    %dma_start3A_172 = arith.constant 6 : i32
    %dma_start3A_173 = arith.constant 0 : i32
    %dma_start3A_174 = arith.constant 0 : i32
    %dma_start3A_175 = tpu.memref_slice %arg5[%dma_start3A_172, %dma_start3A_173, %dma_start3A_174] : memref<10x2x48xi32, #tpu.memory_space<vmem>> -> memref<1x2x48xi32, #tpu.memory_space<vmem>>
    %dma_start3A_176 = tpu.memref_squeeze %dma_start3A_175 : memref<1x2x48xi32, #tpu.memory_space<vmem>> -> memref<2x48xi32, #tpu.memory_space<vmem>>
    %dma_start3A_177 = arith.constant 0 : i32
    %dma_start3A_178 = arith.constant 0 : i32
    %dma_start3A_179 = tpu.memref_slice %arg3[%add3A_171, %dma_start3A_177, %dma_start3A_178] : memref<6720x2x48xi32, #tpu.memory_space<hbm>> -> memref<1x2x48xi32, #tpu.memory_space<hbm>>
    %dma_start3A_180 = tpu.memref_squeeze %dma_start3A_179 : memref<1x2x48xi32, #tpu.memory_space<hbm>> -> memref<2x48xi32, #tpu.memory_space<hbm>>
    %dma_start3A_181 = arith.constant 0 : i32
    %dma_start3A_182 = arith.constant 0 : i32
    %dma_start3A_183 = tpu.memref_slice %arg5[%dma_start3A_172, %dma_start3A_181, %dma_start3A_182] : memref<10x2x48xi32, #tpu.memory_space<vmem>> -> memref<1x2x48xi32, #tpu.memory_space<vmem>>
    %dma_start3A_184 = tpu.memref_squeeze %dma_start3A_183 : memref<1x2x48xi32, #tpu.memory_space<vmem>> -> memref<2x48xi32, #tpu.memory_space<vmem>>
    %dma_start3A_185 = arith.constant 0 : i32
    %dma_start3A_186 = arith.constant 0 : i32
    %dma_start3A_187 = tpu.memref_slice %arg3[%add3A_171, %dma_start3A_185, %dma_start3A_186] : memref<6720x2x48xi32, #tpu.memory_space<hbm>> -> memref<1x2x48xi32, #tpu.memory_space<hbm>>
    %dma_start3A_188 = tpu.memref_squeeze %dma_start3A_187 : memref<1x2x48xi32, #tpu.memory_space<hbm>> -> memref<2x48xi32, #tpu.memory_space<hbm>>
    tpu.enqueue_dma source(%dma_start3A_188 : memref<2x48xi32, #tpu.memory_space<hbm>>) target(%dma_start3A_184 : memref<2x48xi32, #tpu.memory_space<vmem>>) target_semaphore(%arg14 : memref<!tpu.dma_semaphore, #tpu.memory_space<semaphore_mem>>)
    %add3A_189 = arith.constant 7 : i32
    %add3A_190 = arith.addi %select_n3A_8, %add3A_189 : i32
    %dma_start3A_191 = arith.constant 7 : i32
    %dma_start3A_192 = arith.constant 0 : i32
    %dma_start3A_193 = arith.constant 0 : i32
    %dma_start3A_194 = tpu.memref_slice %arg5[%dma_start3A_191, %dma_start3A_192, %dma_start3A_193] : memref<10x2x48xi32, #tpu.memory_space<vmem>> -> memref<1x2x48xi32, #tpu.memory_space<vmem>>
    %dma_start3A_195 = tpu.memref_squeeze %dma_start3A_194 : memref<1x2x48xi32, #tpu.memory_space<vmem>> -> memref<2x48xi32, #tpu.memory_space<vmem>>
    %dma_start3A_196 = arith.constant 0 : i32
    %dma_start3A_197 = arith.constant 0 : i32
    %dma_start3A_198 = tpu.memref_slice %arg3[%add3A_190, %dma_start3A_196, %dma_start3A_197] : memref<6720x2x48xi32, #tpu.memory_space<hbm>> -> memref<1x2x48xi32, #tpu.memory_space<hbm>>
    %dma_start3A_199 = tpu.memref_squeeze %dma_start3A_198 : memref<1x2x48xi32, #tpu.memory_space<hbm>> -> memref<2x48xi32, #tpu.memory_space<hbm>>
    %dma_start3A_200 = arith.constant 0 : i32
    %dma_start3A_201 = arith.constant 0 : i32
    %dma_start3A_202 = tpu.memref_slice %arg5[%dma_start3A_191, %dma_start3A_200, %dma_start3A_201] : memref<10x2x48xi32, #tpu.memory_space<vmem>> -> memref<1x2x48xi32, #tpu.memory_space<vmem>>
    %dma_start3A_203 = tpu.memref_squeeze %dma_start3A_202 : memref<1x2x48xi32, #tpu.memory_space<vmem>> -> memref<2x48xi32, #tpu.memory_space<vmem>>
    %dma_start3A_204 = arith.constant 0 : i32
    %dma_start3A_205 = arith.constant 0 : i32
    %dma_start3A_206 = tpu.memref_slice %arg3[%add3A_190, %dma_start3A_204, %dma_start3A_205] : memref<6720x2x48xi32, #tpu.memory_space<hbm>> -> memref<1x2x48xi32, #tpu.memory_space<hbm>>
    %dma_start3A_207 = tpu.memref_squeeze %dma_start3A_206 : memref<1x2x48xi32, #tpu.memory_space<hbm>> -> memref<2x48xi32, #tpu.memory_space<hbm>>
    tpu.enqueue_dma source(%dma_start3A_207 : memref<2x48xi32, #tpu.memory_space<hbm>>) target(%dma_start3A_203 : memref<2x48xi32, #tpu.memory_space<vmem>>) target_semaphore(%arg15 : memref<!tpu.dma_semaphore, #tpu.memory_space<semaphore_mem>>)
    %add3A_208 = arith.constant 8 : i32
    %add3A_209 = arith.addi %select_n3A_8, %add3A_208 : i32
    %dma_start3A_210 = arith.constant 8 : i32
    %dma_start3A_211 = arith.constant 0 : i32
    %dma_start3A_212 = arith.constant 0 : i32
    %dma_start3A_213 = tpu.memref_slice %arg5[%dma_start3A_210, %dma_start3A_211, %dma_start3A_212] : memref<10x2x48xi32, #tpu.memory_space<vmem>> -> memref<1x2x48xi32, #tpu.memory_space<vmem>>
    %dma_start3A_214 = tpu.memref_squeeze %dma_start3A_213 : memref<1x2x48xi32, #tpu.memory_space<vmem>> -> memref<2x48xi32, #tpu.memory_space<vmem>>
    %dma_start3A_215 = arith.constant 0 : i32
    %dma_start3A_216 = arith.constant 0 : i32
    %dma_start3A_217 = tpu.memref_slice %arg3[%add3A_209, %dma_start3A_215, %dma_start3A_216] : memref<6720x2x48xi32, #tpu.memory_space<hbm>> -> memref<1x2x48xi32, #tpu.memory_space<hbm>>
    %dma_start3A_218 = tpu.memref_squeeze %dma_start3A_217 : memref<1x2x48xi32, #tpu.memory_space<hbm>> -> memref<2x48xi32, #tpu.memory_space<hbm>>
    %dma_start3A_219 = arith.constant 0 : i32
    %dma_start3A_220 = arith.constant 0 : i32
    %dma_start3A_221 = tpu.memref_slice %arg5[%dma_start3A_210, %dma_start3A_219, %dma_start3A_220] : memref<10x2x48xi32, #tpu.memory_space<vmem>> -> memref<1x2x48xi32, #tpu.memory_space<vmem>>
    %dma_start3A_222 = tpu.memref_squeeze %dma_start3A_221 : memref<1x2x48xi32, #tpu.memory_space<vmem>> -> memref<2x48xi32, #tpu.memory_space<vmem>>
    %dma_start3A_223 = arith.constant 0 : i32
    %dma_start3A_224 = arith.constant 0 : i32
    %dma_start3A_225 = tpu.memref_slice %arg3[%add3A_209, %dma_start3A_223, %dma_start3A_224] : memref<6720x2x48xi32, #tpu.memory_space<hbm>> -> memref<1x2x48xi32, #tpu.memory_space<hbm>>
    %dma_start3A_226 = tpu.memref_squeeze %dma_start3A_225 : memref<1x2x48xi32, #tpu.memory_space<hbm>> -> memref<2x48xi32, #tpu.memory_space<hbm>>
    tpu.enqueue_dma source(%dma_start3A_226 : memref<2x48xi32, #tpu.memory_space<hbm>>) target(%dma_start3A_222 : memref<2x48xi32, #tpu.memory_space<vmem>>) target_semaphore(%arg16 : memref<!tpu.dma_semaphore, #tpu.memory_space<semaphore_mem>>)
    %add3A_227 = arith.constant 9 : i32
    %add3A_228 = arith.addi %select_n3A_8, %add3A_227 : i32
    %dma_start3A_229 = arith.constant 9 : i32
    %dma_start3A_230 = arith.constant 0 : i32
    %dma_start3A_231 = arith.constant 0 : i32
    %dma_start3A_232 = tpu.memref_slice %arg5[%dma_start3A_229, %dma_start3A_230, %dma_start3A_231] : memref<10x2x48xi32, #tpu.memory_space<vmem>> -> memref<1x2x48xi32, #tpu.memory_space<vmem>>
    %dma_start3A_233 = tpu.memref_squeeze %dma_start3A_232 : memref<1x2x48xi32, #tpu.memory_space<vmem>> -> memref<2x48xi32, #tpu.memory_space<vmem>>
    %dma_start3A_234 = arith.constant 0 : i32
    %dma_start3A_235 = arith.constant 0 : i32
    %dma_start3A_236 = tpu.memref_slice %arg3[%add3A_228, %dma_start3A_234, %dma_start3A_235] : memref<6720x2x48xi32, #tpu.memory_space<hbm>> -> memref<1x2x48xi32, #tpu.memory_space<hbm>>
    %dma_start3A_237 = tpu.memref_squeeze %dma_start3A_236 : memref<1x2x48xi32, #tpu.memory_space<hbm>> -> memref<2x48xi32, #tpu.memory_space<hbm>>
    %dma_start3A_238 = arith.constant 0 : i32
    %dma_start3A_239 = arith.constant 0 : i32
    %dma_start3A_240 = tpu.memref_slice %arg5[%dma_start3A_229, %dma_start3A_238, %dma_start3A_239] : memref<10x2x48xi32, #tpu.memory_space<vmem>> -> memref<1x2x48xi32, #tpu.memory_space<vmem>>
    %dma_start3A_241 = tpu.memref_squeeze %dma_start3A_240 : memref<1x2x48xi32, #tpu.memory_space<vmem>> -> memref<2x48xi32, #tpu.memory_space<vmem>>
    %dma_start3A_242 = arith.constant 0 : i32
    %dma_start3A_243 = arith.constant 0 : i32
    %dma_start3A_244 = tpu.memref_slice %arg3[%add3A_228, %dma_start3A_242, %dma_start3A_243] : memref<6720x2x48xi32, #tpu.memory_space<hbm>> -> memref<1x2x48xi32, #tpu.memory_space<hbm>>
    %dma_start3A_245 = tpu.memref_squeeze %dma_start3A_244 : memref<1x2x48xi32, #tpu.memory_space<hbm>> -> memref<2x48xi32, #tpu.memory_space<hbm>>
    tpu.enqueue_dma source(%dma_start3A_245 : memref<2x48xi32, #tpu.memory_space<hbm>>) target(%dma_start3A_241 : memref<2x48xi32, #tpu.memory_space<vmem>>) target_semaphore(%arg17 : memref<!tpu.dma_semaphore, #tpu.memory_space<semaphore_mem>>)
    %dma_wait3A = arith.constant 0 : i32
    %dma_wait3A_246 = arith.constant 0 : i32
    %dma_wait3A_247 = arith.constant 0 : i32
    %dma_wait3A_248 = arith.constant 0 : i32
    %dma_wait3A_249 = tpu.memref_slice %arg5[%dma_wait3A_246, %dma_wait3A_247, %dma_wait3A_248] : memref<10x2x48xi32, #tpu.memory_space<vmem>> -> memref<1x2x48xi32, #tpu.memory_space<vmem>>
    %dma_wait3A_250 = tpu.memref_squeeze %dma_wait3A_249 : memref<1x2x48xi32, #tpu.memory_space<vmem>> -> memref<2x48xi32, #tpu.memory_space<vmem>>
    %dma_wait3A_251 = arith.constant 0 : i32
    %dma_wait3A_252 = arith.constant 0 : i32
    %dma_wait3A_253 = tpu.memref_slice %arg3[%dma_wait3A, %dma_wait3A_251, %dma_wait3A_252] : memref<6720x2x48xi32, #tpu.memory_space<hbm>> -> memref<1x2x48xi32, #tpu.memory_space<hbm>>
    %dma_wait3A_254 = tpu.memref_squeeze %dma_wait3A_253 : memref<1x2x48xi32, #tpu.memory_space<hbm>> -> memref<2x48xi32, #tpu.memory_space<hbm>>
    %dma_wait3A_255 = arith.constant 0 : i32
    %dma_wait3A_256 = arith.constant 0 : i32
    %dma_wait3A_257 = tpu.memref_slice %arg5[%dma_wait3A_246, %dma_wait3A_255, %dma_wait3A_256] : memref<10x2x48xi32, #tpu.memory_space<vmem>> -> memref<1x2x48xi32, #tpu.memory_space<vmem>>
    %dma_wait3A_258 = tpu.memref_squeeze %dma_wait3A_257 : memref<1x2x48xi32, #tpu.memory_space<vmem>> -> memref<2x48xi32, #tpu.memory_space<vmem>>
    %dma_wait3A_259 = arith.constant 0 : i32
    %dma_wait3A_260 = arith.constant 0 : i32
    %dma_wait3A_261 = tpu.memref_slice %arg3[%dma_wait3A, %dma_wait3A_259, %dma_wait3A_260] : memref<6720x2x48xi32, #tpu.memory_space<hbm>> -> memref<1x2x48xi32, #tpu.memory_space<hbm>>
    %dma_wait3A_262 = tpu.memref_squeeze %dma_wait3A_261 : memref<1x2x48xi32, #tpu.memory_space<hbm>> -> memref<2x48xi32, #tpu.memory_space<hbm>>
    tpu.wait_dma2 semaphore(%arg8 : memref<!tpu.dma_semaphore, #tpu.memory_space<semaphore_mem>>) src(%dma_wait3A_262 : memref<2x48xi32, #tpu.memory_space<hbm>>) dst(%dma_wait3A_258 : memref<2x48xi32, #tpu.memory_space<vmem>>)
    %dma_start3A_263 = arith.constant 0 : i32
    %dma_start3A_264 = arith.constant 0 : i32
    %dma_start3A_265 = arith.constant 0 : i32
    %dma_start3A_266 = arith.constant 0 : i32
    %dma_start3A_267 = arith.constant 0 : i32
    %dma_start3A_268 = tpu.memref_slice %arg6[%dma_start3A_265, %dma_start3A_266, %dma_start3A_267] : memref<5x48x128xf32, #tpu.memory_space<vmem>> -> memref<1x48x128xf32, #tpu.memory_space<vmem>>
    %dma_start3A_269 = tpu.memref_squeeze %dma_start3A_268 : memref<1x48x128xf32, #tpu.memory_space<vmem>> -> memref<48x128xf32, #tpu.memory_space<vmem>>
    %dma_start3A_270 = arith.constant 0 : i32
    %dma_start3A_271 = tpu.memref_slice %arg5[%dma_start3A_263, %dma_start3A_264, %dma_start3A_270] : memref<10x2x48xi32, #tpu.memory_space<vmem>> -> memref<1x1x48xi32, #tpu.memory_space<vmem>>
    %dma_start3A_272 = tpu.memref_squeeze %dma_start3A_271 : memref<1x1x48xi32, #tpu.memory_space<vmem>> -> memref<48xi32, #tpu.memory_space<vmem>>
    %dma_start3A_273 = arith.constant 0 : i32
    %dma_start3A_274 = arith.constant 0 : i32
    %dma_start3A_275 = tpu.memref_slice %arg2[%dma_start3A_273, %dma_start3A_274] : memref<10000x128xf32, #tpu.memory_space<hbm>> -> memref<10000x128xf32, #tpu.memory_space<hbm>>
    tpu.enqueue_indirect_dma source(%dma_start3A_275 : memref<10000x128xf32, #tpu.memory_space<hbm>>) target(%dma_start3A_269 : memref<48x128xf32, #tpu.memory_space<vmem>>) offsets(%dma_start3A_272 : memref<48xi32, #tpu.memory_space<vmem>>) semaphore(%arg18 : memref<!tpu.dma_semaphore, #tpu.memory_space<semaphore_mem>>)
    %dma_wait3A_276 = arith.constant 0 : i32
    %dma_wait3A_277 = arith.constant 1 : i32
    %dma_wait3A_278 = arith.constant 0 : i32
    %dma_wait3A_279 = arith.constant 0 : i32
    %dma_wait3A_280 = tpu.memref_slice %arg5[%dma_wait3A_277, %dma_wait3A_278, %dma_wait3A_279] : memref<10x2x48xi32, #tpu.memory_space<vmem>> -> memref<1x2x48xi32, #tpu.memory_space<vmem>>
    %dma_wait3A_281 = tpu.memref_squeeze %dma_wait3A_280 : memref<1x2x48xi32, #tpu.memory_space<vmem>> -> memref<2x48xi32, #tpu.memory_space<vmem>>
    %dma_wait3A_282 = arith.constant 0 : i32
    %dma_wait3A_283 = arith.constant 0 : i32
    %dma_wait3A_284 = tpu.memref_slice %arg3[%dma_wait3A_276, %dma_wait3A_282, %dma_wait3A_283] : memref<6720x2x48xi32, #tpu.memory_space<hbm>> -> memref<1x2x48xi32, #tpu.memory_space<hbm>>
    %dma_wait3A_285 = tpu.memref_squeeze %dma_wait3A_284 : memref<1x2x48xi32, #tpu.memory_space<hbm>> -> memref<2x48xi32, #tpu.memory_space<hbm>>
    %dma_wait3A_286 = arith.constant 0 : i32
    %dma_wait3A_287 = arith.constant 0 : i32
    %dma_wait3A_288 = tpu.memref_slice %arg5[%dma_wait3A_277, %dma_wait3A_286, %dma_wait3A_287] : memref<10x2x48xi32, #tpu.memory_space<vmem>> -> memref<1x2x48xi32, #tpu.memory_space<vmem>>
    %dma_wait3A_289 = tpu.memref_squeeze %dma_wait3A_288 : memref<1x2x48xi32, #tpu.memory_space<vmem>> -> memref<2x48xi32, #tpu.memory_space<vmem>>
    %dma_wait3A_290 = arith.constant 0 : i32
    %dma_wait3A_291 = arith.constant 0 : i32
    %dma_wait3A_292 = tpu.memref_slice %arg3[%dma_wait3A_276, %dma_wait3A_290, %dma_wait3A_291] : memref<6720x2x48xi32, #tpu.memory_space<hbm>> -> memref<1x2x48xi32, #tpu.memory_space<hbm>>
    %dma_wait3A_293 = tpu.memref_squeeze %dma_wait3A_292 : memref<1x2x48xi32, #tpu.memory_space<hbm>> -> memref<2x48xi32, #tpu.memory_space<hbm>>
    tpu.wait_dma2 semaphore(%arg9 : memref<!tpu.dma_semaphore, #tpu.memory_space<semaphore_mem>>) src(%dma_wait3A_293 : memref<2x48xi32, #tpu.memory_space<hbm>>) dst(%dma_wait3A_289 : memref<2x48xi32, #tpu.memory_space<vmem>>)
    %dma_start3A_294 = arith.constant 1 : i32
    %dma_start3A_295 = arith.constant 0 : i32
    %dma_start3A_296 = arith.constant 1 : i32
    %dma_start3A_297 = arith.constant 0 : i32
    %dma_start3A_298 = arith.constant 0 : i32
    %dma_start3A_299 = tpu.memref_slice %arg6[%dma_start3A_296, %dma_start3A_297, %dma_start3A_298] : memref<5x48x128xf32, #tpu.memory_space<vmem>> -> memref<1x48x128xf32, #tpu.memory_space<vmem>>
    %dma_start3A_300 = tpu.memref_squeeze %dma_start3A_299 : memref<1x48x128xf32, #tpu.memory_space<vmem>> -> memref<48x128xf32, #tpu.memory_space<vmem>>
    %dma_start3A_301 = arith.constant 0 : i32
    %dma_start3A_302 = tpu.memref_slice %arg5[%dma_start3A_294, %dma_start3A_295, %dma_start3A_301] : memref<10x2x48xi32, #tpu.memory_space<vmem>> -> memref<1x1x48xi32, #tpu.memory_space<vmem>>
    %dma_start3A_303 = tpu.memref_squeeze %dma_start3A_302 : memref<1x1x48xi32, #tpu.memory_space<vmem>> -> memref<48xi32, #tpu.memory_space<vmem>>
    %dma_start3A_304 = arith.constant 0 : i32
    %dma_start3A_305 = arith.constant 0 : i32
    %dma_start3A_306 = tpu.memref_slice %arg2[%dma_start3A_304, %dma_start3A_305] : memref<10000x128xf32, #tpu.memory_space<hbm>> -> memref<10000x128xf32, #tpu.memory_space<hbm>>
    tpu.enqueue_indirect_dma source(%dma_start3A_306 : memref<10000x128xf32, #tpu.memory_space<hbm>>) target(%dma_start3A_300 : memref<48x128xf32, #tpu.memory_space<vmem>>) offsets(%dma_start3A_303 : memref<48xi32, #tpu.memory_space<vmem>>) semaphore(%arg19 : memref<!tpu.dma_semaphore, #tpu.memory_space<semaphore_mem>>)
    %dma_wait3A_307 = arith.constant 0 : i32
    %dma_wait3A_308 = arith.constant 2 : i32
    %dma_wait3A_309 = arith.constant 0 : i32
    %dma_wait3A_310 = arith.constant 0 : i32
    %dma_wait3A_311 = tpu.memref_slice %arg5[%dma_wait3A_308, %dma_wait3A_309, %dma_wait3A_310] : memref<10x2x48xi32, #tpu.memory_space<vmem>> -> memref<1x2x48xi32, #tpu.memory_space<vmem>>
    %dma_wait3A_312 = tpu.memref_squeeze %dma_wait3A_311 : memref<1x2x48xi32, #tpu.memory_space<vmem>> -> memref<2x48xi32, #tpu.memory_space<vmem>>
    %dma_wait3A_313 = arith.constant 0 : i32
    %dma_wait3A_314 = arith.constant 0 : i32
    %dma_wait3A_315 = tpu.memref_slice %arg3[%dma_wait3A_307, %dma_wait3A_313, %dma_wait3A_314] : memref<6720x2x48xi32, #tpu.memory_space<hbm>> -> memref<1x2x48xi32, #tpu.memory_space<hbm>>
    %dma_wait3A_316 = tpu.memref_squeeze %dma_wait3A_315 : memref<1x2x48xi32, #tpu.memory_space<hbm>> -> memref<2x48xi32, #tpu.memory_space<hbm>>
    %dma_wait3A_317 = arith.constant 0 : i32
    %dma_wait3A_318 = arith.constant 0 : i32
    %dma_wait3A_319 = tpu.memref_slice %arg5[%dma_wait3A_308, %dma_wait3A_317, %dma_wait3A_318] : memref<10x2x48xi32, #tpu.memory_space<vmem>> -> memref<1x2x48xi32, #tpu.memory_space<vmem>>
    %dma_wait3A_320 = tpu.memref_squeeze %dma_wait3A_319 : memref<1x2x48xi32, #tpu.memory_space<vmem>> -> memref<2x48xi32, #tpu.memory_space<vmem>>
    %dma_wait3A_321 = arith.constant 0 : i32
    %dma_wait3A_322 = arith.constant 0 : i32
    %dma_wait3A_323 = tpu.memref_slice %arg3[%dma_wait3A_307, %dma_wait3A_321, %dma_wait3A_322] : memref<6720x2x48xi32, #tpu.memory_space<hbm>> -> memref<1x2x48xi32, #tpu.memory_space<hbm>>
    %dma_wait3A_324 = tpu.memref_squeeze %dma_wait3A_323 : memref<1x2x48xi32, #tpu.memory_space<hbm>> -> memref<2x48xi32, #tpu.memory_space<hbm>>
    tpu.wait_dma2 semaphore(%arg10 : memref<!tpu.dma_semaphore, #tpu.memory_space<semaphore_mem>>) src(%dma_wait3A_324 : memref<2x48xi32, #tpu.memory_space<hbm>>) dst(%dma_wait3A_320 : memref<2x48xi32, #tpu.memory_space<vmem>>)
    %dma_start3A_325 = arith.constant 2 : i32
    %dma_start3A_326 = arith.constant 0 : i32
    %dma_start3A_327 = arith.constant 2 : i32
    %dma_start3A_328 = arith.constant 0 : i32
    %dma_start3A_329 = arith.constant 0 : i32
    %dma_start3A_330 = tpu.memref_slice %arg6[%dma_start3A_327, %dma_start3A_328, %dma_start3A_329] : memref<5x48x128xf32, #tpu.memory_space<vmem>> -> memref<1x48x128xf32, #tpu.memory_space<vmem>>
    %dma_start3A_331 = tpu.memref_squeeze %dma_start3A_330 : memref<1x48x128xf32, #tpu.memory_space<vmem>> -> memref<48x128xf32, #tpu.memory_space<vmem>>
    %dma_start3A_332 = arith.constant 0 : i32
    %dma_start3A_333 = tpu.memref_slice %arg5[%dma_start3A_325, %dma_start3A_326, %dma_start3A_332] : memref<10x2x48xi32, #tpu.memory_space<vmem>> -> memref<1x1x48xi32, #tpu.memory_space<vmem>>
    %dma_start3A_334 = tpu.memref_squeeze %dma_start3A_333 : memref<1x1x48xi32, #tpu.memory_space<vmem>> -> memref<48xi32, #tpu.memory_space<vmem>>
    %dma_start3A_335 = arith.constant 0 : i32
    %dma_start3A_336 = arith.constant 0 : i32
    %dma_start3A_337 = tpu.memref_slice %arg2[%dma_start3A_335, %dma_start3A_336] : memref<10000x128xf32, #tpu.memory_space<hbm>> -> memref<10000x128xf32, #tpu.memory_space<hbm>>
    tpu.enqueue_indirect_dma source(%dma_start3A_337 : memref<10000x128xf32, #tpu.memory_space<hbm>>) target(%dma_start3A_331 : memref<48x128xf32, #tpu.memory_space<vmem>>) offsets(%dma_start3A_334 : memref<48xi32, #tpu.memory_space<vmem>>) semaphore(%arg20 : memref<!tpu.dma_semaphore, #tpu.memory_space<semaphore_mem>>)
    %dma_wait3A_338 = arith.constant 0 : i32
    %dma_wait3A_339 = arith.constant 3 : i32
    %dma_wait3A_340 = arith.constant 0 : i32
    %dma_wait3A_341 = arith.constant 0 : i32
    %dma_wait3A_342 = tpu.memref_slice %arg5[%dma_wait3A_339, %dma_wait3A_340, %dma_wait3A_341] : memref<10x2x48xi32, #tpu.memory_space<vmem>> -> memref<1x2x48xi32, #tpu.memory_space<vmem>>
    %dma_wait3A_343 = tpu.memref_squeeze %dma_wait3A_342 : memref<1x2x48xi32, #tpu.memory_space<vmem>> -> memref<2x48xi32, #tpu.memory_space<vmem>>
    %dma_wait3A_344 = arith.constant 0 : i32
    %dma_wait3A_345 = arith.constant 0 : i32
    %dma_wait3A_346 = tpu.memref_slice %arg3[%dma_wait3A_338, %dma_wait3A_344, %dma_wait3A_345] : memref<6720x2x48xi32, #tpu.memory_space<hbm>> -> memref<1x2x48xi32, #tpu.memory_space<hbm>>
    %dma_wait3A_347 = tpu.memref_squeeze %dma_wait3A_346 : memref<1x2x48xi32, #tpu.memory_space<hbm>> -> memref<2x48xi32, #tpu.memory_space<hbm>>
    %dma_wait3A_348 = arith.constant 0 : i32
    %dma_wait3A_349 = arith.constant 0 : i32
    %dma_wait3A_350 = tpu.memref_slice %arg5[%dma_wait3A_339, %dma_wait3A_348, %dma_wait3A_349] : memref<10x2x48xi32, #tpu.memory_space<vmem>> -> memref<1x2x48xi32, #tpu.memory_space<vmem>>
    %dma_wait3A_351 = tpu.memref_squeeze %dma_wait3A_350 : memref<1x2x48xi32, #tpu.memory_space<vmem>> -> memref<2x48xi32, #tpu.memory_space<vmem>>
    %dma_wait3A_352 = arith.constant 0 : i32
    %dma_wait3A_353 = arith.constant 0 : i32
    %dma_wait3A_354 = tpu.memref_slice %arg3[%dma_wait3A_338, %dma_wait3A_352, %dma_wait3A_353] : memref<6720x2x48xi32, #tpu.memory_space<hbm>> -> memref<1x2x48xi32, #tpu.memory_space<hbm>>
    %dma_wait3A_355 = tpu.memref_squeeze %dma_wait3A_354 : memref<1x2x48xi32, #tpu.memory_space<hbm>> -> memref<2x48xi32, #tpu.memory_space<hbm>>
    tpu.wait_dma2 semaphore(%arg11 : memref<!tpu.dma_semaphore, #tpu.memory_space<semaphore_mem>>) src(%dma_wait3A_355 : memref<2x48xi32, #tpu.memory_space<hbm>>) dst(%dma_wait3A_351 : memref<2x48xi32, #tpu.memory_space<vmem>>)
    %dma_start3A_356 = arith.constant 3 : i32
    %dma_start3A_357 = arith.constant 0 : i32
    %dma_start3A_358 = arith.constant 3 : i32
    %dma_start3A_359 = arith.constant 0 : i32
    %dma_start3A_360 = arith.constant 0 : i32
    %dma_start3A_361 = tpu.memref_slice %arg6[%dma_start3A_358, %dma_start3A_359, %dma_start3A_360] : memref<5x48x128xf32, #tpu.memory_space<vmem>> -> memref<1x48x128xf32, #tpu.memory_space<vmem>>
    %dma_start3A_362 = tpu.memref_squeeze %dma_start3A_361 : memref<1x48x128xf32, #tpu.memory_space<vmem>> -> memref<48x128xf32, #tpu.memory_space<vmem>>
    %dma_start3A_363 = arith.constant 0 : i32
    %dma_start3A_364 = tpu.memref_slice %arg5[%dma_start3A_356, %dma_start3A_357, %dma_start3A_363] : memref<10x2x48xi32, #tpu.memory_space<vmem>> -> memref<1x1x48xi32, #tpu.memory_space<vmem>>
    %dma_start3A_365 = tpu.memref_squeeze %dma_start3A_364 : memref<1x1x48xi32, #tpu.memory_space<vmem>> -> memref<48xi32, #tpu.memory_space<vmem>>
    %dma_start3A_366 = arith.constant 0 : i32
    %dma_start3A_367 = arith.constant 0 : i32
    %dma_start3A_368 = tpu.memref_slice %arg2[%dma_start3A_366, %dma_start3A_367] : memref<10000x128xf32, #tpu.memory_space<hbm>> -> memref<10000x128xf32, #tpu.memory_space<hbm>>
    tpu.enqueue_indirect_dma source(%dma_start3A_368 : memref<10000x128xf32, #tpu.memory_space<hbm>>) target(%dma_start3A_362 : memref<48x128xf32, #tpu.memory_space<vmem>>) offsets(%dma_start3A_365 : memref<48xi32, #tpu.memory_space<vmem>>) semaphore(%arg21 : memref<!tpu.dma_semaphore, #tpu.memory_space<semaphore_mem>>)
    %dma_wait3A_369 = arith.constant 0 : i32
    %dma_wait3A_370 = arith.constant 4 : i32
    %dma_wait3A_371 = arith.constant 0 : i32
    %dma_wait3A_372 = arith.constant 0 : i32
    %dma_wait3A_373 = tpu.memref_slice %arg5[%dma_wait3A_370, %dma_wait3A_371, %dma_wait3A_372] : memref<10x2x48xi32, #tpu.memory_space<vmem>> -> memref<1x2x48xi32, #tpu.memory_space<vmem>>
    %dma_wait3A_374 = tpu.memref_squeeze %dma_wait3A_373 : memref<1x2x48xi32, #tpu.memory_space<vmem>> -> memref<2x48xi32, #tpu.memory_space<vmem>>
    %dma_wait3A_375 = arith.constant 0 : i32
    %dma_wait3A_376 = arith.constant 0 : i32
    %dma_wait3A_377 = tpu.memref_slice %arg3[%dma_wait3A_369, %dma_wait3A_375, %dma_wait3A_376] : memref<6720x2x48xi32, #tpu.memory_space<hbm>> -> memref<1x2x48xi32, #tpu.memory_space<hbm>>
    %dma_wait3A_378 = tpu.memref_squeeze %dma_wait3A_377 : memref<1x2x48xi32, #tpu.memory_space<hbm>> -> memref<2x48xi32, #tpu.memory_space<hbm>>
    %dma_wait3A_379 = arith.constant 0 : i32
    %dma_wait3A_380 = arith.constant 0 : i32
    %dma_wait3A_381 = tpu.memref_slice %arg5[%dma_wait3A_370, %dma_wait3A_379, %dma_wait3A_380] : memref<10x2x48xi32, #tpu.memory_space<vmem>> -> memref<1x2x48xi32, #tpu.memory_space<vmem>>
    %dma_wait3A_382 = tpu.memref_squeeze %dma_wait3A_381 : memref<1x2x48xi32, #tpu.memory_space<vmem>> -> memref<2x48xi32, #tpu.memory_space<vmem>>
    %dma_wait3A_383 = arith.constant 0 : i32
    %dma_wait3A_384 = arith.constant 0 : i32
    %dma_wait3A_385 = tpu.memref_slice %arg3[%dma_wait3A_369, %dma_wait3A_383, %dma_wait3A_384] : memref<6720x2x48xi32, #tpu.memory_space<hbm>> -> memref<1x2x48xi32, #tpu.memory_space<hbm>>
    %dma_wait3A_386 = tpu.memref_squeeze %dma_wait3A_385 : memref<1x2x48xi32, #tpu.memory_space<hbm>> -> memref<2x48xi32, #tpu.memory_space<hbm>>
    tpu.wait_dma2 semaphore(%arg12 : memref<!tpu.dma_semaphore, #tpu.memory_space<semaphore_mem>>) src(%dma_wait3A_386 : memref<2x48xi32, #tpu.memory_space<hbm>>) dst(%dma_wait3A_382 : memref<2x48xi32, #tpu.memory_space<vmem>>)
    %dma_start3A_387 = arith.constant 4 : i32
    %dma_start3A_388 = arith.constant 0 : i32
    %dma_start3A_389 = arith.constant 4 : i32
    %dma_start3A_390 = arith.constant 0 : i32
    %dma_start3A_391 = arith.constant 0 : i32
    %dma_start3A_392 = tpu.memref_slice %arg6[%dma_start3A_389, %dma_start3A_390, %dma_start3A_391] : memref<5x48x128xf32, #tpu.memory_space<vmem>> -> memref<1x48x128xf32, #tpu.memory_space<vmem>>
    %dma_start3A_393 = tpu.memref_squeeze %dma_start3A_392 : memref<1x48x128xf32, #tpu.memory_space<vmem>> -> memref<48x128xf32, #tpu.memory_space<vmem>>
    %dma_start3A_394 = arith.constant 0 : i32
    %dma_start3A_395 = tpu.memref_slice %arg5[%dma_start3A_387, %dma_start3A_388, %dma_start3A_394] : memref<10x2x48xi32, #tpu.memory_space<vmem>> -> memref<1x1x48xi32, #tpu.memory_space<vmem>>
    %dma_start3A_396 = tpu.memref_squeeze %dma_start3A_395 : memref<1x1x48xi32, #tpu.memory_space<vmem>> -> memref<48xi32, #tpu.memory_space<vmem>>
    %dma_start3A_397 = arith.constant 0 : i32
    %dma_start3A_398 = arith.constant 0 : i32
    %dma_start3A_399 = tpu.memref_slice %arg2[%dma_start3A_397, %dma_start3A_398] : memref<10000x128xf32, #tpu.memory_space<hbm>> -> memref<10000x128xf32, #tpu.memory_space<hbm>>
    tpu.enqueue_indirect_dma source(%dma_start3A_399 : memref<10000x128xf32, #tpu.memory_space<hbm>>) target(%dma_start3A_393 : memref<48x128xf32, #tpu.memory_space<vmem>>) offsets(%dma_start3A_396 : memref<48xi32, #tpu.memory_space<vmem>>) semaphore(%arg22 : memref<!tpu.dma_semaphore, #tpu.memory_space<semaphore_mem>>)
    %sub3A = arith.constant 10 : i32
    %sub3A_400 = arith.subi %select_n3A, %sub3A : i32
    %sub3A_401 = arith.constant 0 : i32
    %sub3A_402 = arith.subi %sub3A_400, %sub3A_401 : i32
    %sub3A_403 = arith.constant 10 : i32
    %sub3A_404 = arith.constant 1 : i32
    %sub3A_405 = arith.subi %sub3A_403, %sub3A_404 : i32
    %add3A_406 = arith.addi %sub3A_402, %sub3A_405 : i32
    %div3A = arith.constant 10 : i32
    %div3A_407 = arith.divsi %add3A_406, %div3A : i32
    %while3A = arith.constant 10 : i32
    %while3A_408 = arith.constant 0 : i32
    %while3A_409 = arith.constant 0 : i32
    %while3A_410 = arith.subi %div3A_407, %while3A_409 : i32
    %while3A_411 = arith.addi %while3A_409, %while3A_410 : i32
    %while3A_412 = arith.constant 1 : i32
    %while3A_413 = arith.divsi %while3A_410, %while3A_412 : i32
    %while3A_414 = arith.muli %while3A_413, %while3A_412 : i32
    %while3A_415 = arith.addi %while3A_409, %while3A_414 : i32
    %while3A_416 = arith.constant 1 : i32
    scf.for %while3A_784 = %while3A_409 to %while3A_415 step %while3A_416  : i32 {
      %mul3A_785 = arith.muli %while3A_784, %while3A : i32
      %add3A_786 = arith.addi %while3A_408, %mul3A_785 : i32
      %add3A_787 = arith.constant 0 : i32
      %add3A_788 = arith.addi %add3A_786, %add3A_787 : i32
      %dma_wait3A_789 = arith.constant 0 : i32
      %dma_wait3A_790 = arith.constant 0 : i32
      %dma_wait3A_791 = arith.constant 0 : i32
      %dma_wait3A_792 = arith.constant 0 : i32
      %dma_wait3A_793 = arith.constant 0 : i32
      %dma_wait3A_794 = tpu.memref_slice %arg6[%dma_wait3A_791, %dma_wait3A_792, %dma_wait3A_793] : memref<5x48x128xf32, #tpu.memory_space<vmem>> -> memref<1x48x128xf32, #tpu.memory_space<vmem>>
      %dma_wait3A_795 = tpu.memref_squeeze %dma_wait3A_794 : memref<1x48x128xf32, #tpu.memory_space<vmem>> -> memref<48x128xf32, #tpu.memory_space<vmem>>
      %dma_wait3A_796 = arith.constant 0 : i32
      %dma_wait3A_797 = tpu.memref_slice %arg5[%dma_wait3A_789, %dma_wait3A_790, %dma_wait3A_796] : memref<10x2x48xi32, #tpu.memory_space<vmem>> -> memref<1x1x48xi32, #tpu.memory_space<vmem>>
      %dma_wait3A_798 = tpu.memref_squeeze %dma_wait3A_797 : memref<1x1x48xi32, #tpu.memory_space<vmem>> -> memref<48xi32, #tpu.memory_space<vmem>>
      %dma_wait3A_799 = arith.constant 0 : i32
      %dma_wait3A_800 = arith.constant 0 : i32
      %dma_wait3A_801 = tpu.memref_slice %arg2[%dma_wait3A_799, %dma_wait3A_800] : memref<10000x128xf32, #tpu.memory_space<hbm>> -> memref<10000x128xf32, #tpu.memory_space<hbm>>
      tpu.wait_indirect_dma semaphore(%arg18 : memref<!tpu.dma_semaphore, #tpu.memory_space<semaphore_mem>>) src(%dma_wait3A_801 : memref<10000x128xf32, #tpu.memory_space<hbm>>) dst(%dma_wait3A_795 : memref<48x128xf32, #tpu.memory_space<vmem>>)
      %run_scoped3A_802 = arith.constant 0 : i32
      %run_scoped3A_803 = arith.constant 0 : i32
      %run_scoped3A_804 = arith.constant 1 : i32
      "tpu.region"() ({
        %run_scoped3A_1497 = tpu.sem_alloc : memref<!tpu.dma_semaphore, #tpu.memory_space<semaphore_mem>>
        %dma_start3A_1498 = arith.constant 0 : i32
        %dma_start3A_1499 = arith.constant 0 : i32
        %dma_start3A_1500 = tpu.memref_slice %arg6[%run_scoped3A_802, %dma_start3A_1498, %dma_start3A_1499] : memref<5x48x128xf32, #tpu.memory_space<vmem>> -> memref<1x48x128xf32, #tpu.memory_space<vmem>>
        %dma_start3A_1501 = tpu.memref_squeeze %dma_start3A_1500 : memref<1x48x128xf32, #tpu.memory_space<vmem>> -> memref<48x128xf32, #tpu.memory_space<vmem>>
        %dma_start3A_1502 = arith.constant 0 : i32
        %dma_start3A_1503 = tpu.memref_slice %arg5[%run_scoped3A_803, %run_scoped3A_804, %dma_start3A_1502] : memref<10x2x48xi32, #tpu.memory_space<vmem>> -> memref<1x1x48xi32, #tpu.memory_space<vmem>>
        %dma_start3A_1504 = tpu.memref_squeeze %dma_start3A_1503 : memref<1x1x48xi32, #tpu.memory_space<vmem>> -> memref<48xi32, #tpu.memory_space<vmem>>
        %dma_start3A_1505 = arith.constant 0 : i32
        %dma_start3A_1506 = arith.constant 0 : i32
        %dma_start3A_1507 = tpu.memref_slice %arg7[%dma_start3A_1505, %dma_start3A_1506] : memref<10112x128xf32, #tpu.memory_space<vmem_shared>> -> memref<10112x128xf32, #tpu.memory_space<vmem_shared>>
        tpu.enqueue_indirect_dma source(%dma_start3A_1501 : memref<48x128xf32, #tpu.memory_space<vmem>>) target(%dma_start3A_1507 : memref<10112x128xf32, #tpu.memory_space<vmem_shared>>) offsets(%dma_start3A_1504 : memref<48xi32, #tpu.memory_space<vmem>>) semaphore(%run_scoped3A_1497 : memref<!tpu.dma_semaphore, #tpu.memory_space<semaphore_mem>>) {add = true}
        %dma_wait3A_1508 = arith.constant 0 : i32
        %dma_wait3A_1509 = arith.constant 0 : i32
        %dma_wait3A_1510 = tpu.memref_slice %arg6[%run_scoped3A_802, %dma_wait3A_1508, %dma_wait3A_1509] : memref<5x48x128xf32, #tpu.memory_space<vmem>> -> memref<1x48x128xf32, #tpu.memory_space<vmem>>
        %dma_wait3A_1511 = tpu.memref_squeeze %dma_wait3A_1510 : memref<1x48x128xf32, #tpu.memory_space<vmem>> -> memref<48x128xf32, #tpu.memory_space<vmem>>
        %dma_wait3A_1512 = arith.constant 0 : i32
        %dma_wait3A_1513 = tpu.memref_slice %arg5[%run_scoped3A_803, %run_scoped3A_804, %dma_wait3A_1512] : memref<10x2x48xi32, #tpu.memory_space<vmem>> -> memref<1x1x48xi32, #tpu.memory_space<vmem>>
        %dma_wait3A_1514 = tpu.memref_squeeze %dma_wait3A_1513 : memref<1x1x48xi32, #tpu.memory_space<vmem>> -> memref<48xi32, #tpu.memory_space<vmem>>
        %dma_wait3A_1515 = arith.constant 0 : i32
        %dma_wait3A_1516 = arith.constant 0 : i32
        %dma_wait3A_1517 = tpu.memref_slice %arg7[%dma_wait3A_1515, %dma_wait3A_1516] : memref<10112x128xf32, #tpu.memory_space<vmem_shared>> -> memref<10112x128xf32, #tpu.memory_space<vmem_shared>>
        tpu.wait_indirect_dma semaphore(%run_scoped3A_1497 : memref<!tpu.dma_semaphore, #tpu.memory_space<semaphore_mem>>) src(%dma_wait3A_1511 : memref<48x128xf32, #tpu.memory_space<vmem>>) dst(%dma_wait3A_1517 : memref<10112x128xf32, #tpu.memory_space<vmem_shared>>)
        tpu.yield
      }) : () -> ()
      %add3A_805 = arith.constant 10 : i32
      %add3A_806 = arith.addi %add3A_788, %add3A_805 : i32
      %add3A_807 = arith.addi %select_n3A_8, %add3A_806 : i32
      %dma_start3A_808 = arith.constant 0 : i32
      %dma_start3A_809 = arith.constant 0 : i32
      %dma_start3A_810 = arith.constant 0 : i32
      %dma_start3A_811 = tpu.memref_slice %arg5[%dma_start3A_808, %dma_start3A_809, %dma_start3A_810] : memref<10x2x48xi32, #tpu.memory_space<vmem>> -> memref<1x2x48xi32, #tpu.memory_space<vmem>>
      %dma_start3A_812 = tpu.memref_squeeze %dma_start3A_811 : memref<1x2x48xi32, #tpu.memory_space<vmem>> -> memref<2x48xi32, #tpu.memory_space<vmem>>
      %dma_start3A_813 = arith.constant 0 : i32
      %dma_start3A_814 = arith.constant 0 : i32
      %dma_start3A_815 = tpu.memref_slice %arg3[%add3A_807, %dma_start3A_813, %dma_start3A_814] : memref<6720x2x48xi32, #tpu.memory_space<hbm>> -> memref<1x2x48xi32, #tpu.memory_space<hbm>>
      %dma_start3A_816 = tpu.memref_squeeze %dma_start3A_815 : memref<1x2x48xi32, #tpu.memory_space<hbm>> -> memref<2x48xi32, #tpu.memory_space<hbm>>
      %dma_start3A_817 = arith.constant 0 : i32
      %dma_start3A_818 = arith.constant 0 : i32
      %dma_start3A_819 = tpu.memref_slice %arg5[%dma_start3A_808, %dma_start3A_817, %dma_start3A_818] : memref<10x2x48xi32, #tpu.memory_space<vmem>> -> memref<1x2x48xi32, #tpu.memory_space<vmem>>
      %dma_start3A_820 = tpu.memref_squeeze %dma_start3A_819 : memref<1x2x48xi32, #tpu.memory_space<vmem>> -> memref<2x48xi32, #tpu.memory_space<vmem>>
      %dma_start3A_821 = arith.constant 0 : i32
      %dma_start3A_822 = arith.constant 0 : i32
      %dma_start3A_823 = tpu.memref_slice %arg3[%add3A_807, %dma_start3A_821, %dma_start3A_822] : memref<6720x2x48xi32, #tpu.memory_space<hbm>> -> memref<1x2x48xi32, #tpu.memory_space<hbm>>
      %dma_start3A_824 = tpu.memref_squeeze %dma_start3A_823 : memref<1x2x48xi32, #tpu.memory_space<hbm>> -> memref<2x48xi32, #tpu.memory_space<hbm>>
      tpu.enqueue_dma source(%dma_start3A_824 : memref<2x48xi32, #tpu.memory_space<hbm>>) target(%dma_start3A_820 : memref<2x48xi32, #tpu.memory_space<vmem>>) target_semaphore(%arg8 : memref<!tpu.dma_semaphore, #tpu.memory_space<semaphore_mem>>)
      %dma_wait3A_825 = arith.constant 0 : i32
      %dma_wait3A_826 = arith.constant 5 : i32
      %dma_wait3A_827 = arith.constant 0 : i32
      %dma_wait3A_828 = arith.constant 0 : i32
      %dma_wait3A_829 = tpu.memref_slice %arg5[%dma_wait3A_826, %dma_wait3A_827, %dma_wait3A_828] : memref<10x2x48xi32, #tpu.memory_space<vmem>> -> memref<1x2x48xi32, #tpu.memory_space<vmem>>
      %dma_wait3A_830 = tpu.memref_squeeze %dma_wait3A_829 : memref<1x2x48xi32, #tpu.memory_space<vmem>> -> memref<2x48xi32, #tpu.memory_space<vmem>>
      %dma_wait3A_831 = arith.constant 0 : i32
      %dma_wait3A_832 = arith.constant 0 : i32
      %dma_wait3A_833 = tpu.memref_slice %arg3[%dma_wait3A_825, %dma_wait3A_831, %dma_wait3A_832] : memref<6720x2x48xi32, #tpu.memory_space<hbm>> -> memref<1x2x48xi32, #tpu.memory_space<hbm>>
      %dma_wait3A_834 = tpu.memref_squeeze %dma_wait3A_833 : memref<1x2x48xi32, #tpu.memory_space<hbm>> -> memref<2x48xi32, #tpu.memory_space<hbm>>
      %dma_wait3A_835 = arith.constant 0 : i32
      %dma_wait3A_836 = arith.constant 0 : i32
      %dma_wait3A_837 = tpu.memref_slice %arg5[%dma_wait3A_826, %dma_wait3A_835, %dma_wait3A_836] : memref<10x2x48xi32, #tpu.memory_space<vmem>> -> memref<1x2x48xi32, #tpu.memory_space<vmem>>
      %dma_wait3A_838 = tpu.memref_squeeze %dma_wait3A_837 : memref<1x2x48xi32, #tpu.memory_space<vmem>> -> memref<2x48xi32, #tpu.memory_space<vmem>>
      %dma_wait3A_839 = arith.constant 0 : i32
      %dma_wait3A_840 = arith.constant 0 : i32
      %dma_wait3A_841 = tpu.memref_slice %arg3[%dma_wait3A_825, %dma_wait3A_839, %dma_wait3A_840] : memref<6720x2x48xi32, #tpu.memory_space<hbm>> -> memref<1x2x48xi32, #tpu.memory_space<hbm>>
      %dma_wait3A_842 = tpu.memref_squeeze %dma_wait3A_841 : memref<1x2x48xi32, #tpu.memory_space<hbm>> -> memref<2x48xi32, #tpu.memory_space<hbm>>
      tpu.wait_dma2 semaphore(%arg13 : memref<!tpu.dma_semaphore, #tpu.memory_space<semaphore_mem>>) src(%dma_wait3A_842 : memref<2x48xi32, #tpu.memory_space<hbm>>) dst(%dma_wait3A_838 : memref<2x48xi32, #tpu.memory_space<vmem>>)
      %add3A_843 = arith.constant 5 : i32
      %add3A_844 = arith.addi %add3A_788, %add3A_843 : i32
      %dma_start3A_845 = arith.constant 5 : i32
      %dma_start3A_846 = arith.constant 0 : i32
      %dma_start3A_847 = arith.constant 0 : i32
      %dma_start3A_848 = arith.constant 0 : i32
      %dma_start3A_849 = arith.constant 0 : i32
      %dma_start3A_850 = tpu.memref_slice %arg6[%dma_start3A_847, %dma_start3A_848, %dma_start3A_849] : memref<5x48x128xf32, #tpu.memory_space<vmem>> -> memref<1x48x128xf32, #tpu.memory_space<vmem>>
      %dma_start3A_851 = tpu.memref_squeeze %dma_start3A_850 : memref<1x48x128xf32, #tpu.memory_space<vmem>> -> memref<48x128xf32, #tpu.memory_space<vmem>>
      %dma_start3A_852 = arith.constant 0 : i32
      %dma_start3A_853 = tpu.memref_slice %arg5[%dma_start3A_845, %dma_start3A_846, %dma_start3A_852] : memref<10x2x48xi32, #tpu.memory_space<vmem>> -> memref<1x1x48xi32, #tpu.memory_space<vmem>>
      %dma_start3A_854 = tpu.memref_squeeze %dma_start3A_853 : memref<1x1x48xi32, #tpu.memory_space<vmem>> -> memref<48xi32, #tpu.memory_space<vmem>>
      %dma_start3A_855 = arith.constant 0 : i32
      %dma_start3A_856 = arith.constant 0 : i32
      %dma_start3A_857 = tpu.memref_slice %arg2[%dma_start3A_855, %dma_start3A_856] : memref<10000x128xf32, #tpu.memory_space<hbm>> -> memref<10000x128xf32, #tpu.memory_space<hbm>>
      tpu.enqueue_indirect_dma source(%dma_start3A_857 : memref<10000x128xf32, #tpu.memory_space<hbm>>) target(%dma_start3A_851 : memref<48x128xf32, #tpu.memory_space<vmem>>) offsets(%dma_start3A_854 : memref<48xi32, #tpu.memory_space<vmem>>) semaphore(%arg18 : memref<!tpu.dma_semaphore, #tpu.memory_space<semaphore_mem>>)
      %add3A_858 = arith.constant 1 : i32
      %add3A_859 = arith.addi %add3A_786, %add3A_858 : i32
      %dma_wait3A_860 = arith.constant 0 : i32
      %dma_wait3A_861 = arith.constant 0 : i32
      %dma_wait3A_862 = arith.constant 1 : i32
      %dma_wait3A_863 = arith.constant 0 : i32
      %dma_wait3A_864 = arith.constant 0 : i32
      %dma_wait3A_865 = tpu.memref_slice %arg6[%dma_wait3A_862, %dma_wait3A_863, %dma_wait3A_864] : memref<5x48x128xf32, #tpu.memory_space<vmem>> -> memref<1x48x128xf32, #tpu.memory_space<vmem>>
      %dma_wait3A_866 = tpu.memref_squeeze %dma_wait3A_865 : memref<1x48x128xf32, #tpu.memory_space<vmem>> -> memref<48x128xf32, #tpu.memory_space<vmem>>
      %dma_wait3A_867 = arith.constant 0 : i32
      %dma_wait3A_868 = tpu.memref_slice %arg5[%dma_wait3A_860, %dma_wait3A_861, %dma_wait3A_867] : memref<10x2x48xi32, #tpu.memory_space<vmem>> -> memref<1x1x48xi32, #tpu.memory_space<vmem>>
      %dma_wait3A_869 = tpu.memref_squeeze %dma_wait3A_868 : memref<1x1x48xi32, #tpu.memory_space<vmem>> -> memref<48xi32, #tpu.memory_space<vmem>>
      %dma_wait3A_870 = arith.constant 0 : i32
      %dma_wait3A_871 = arith.constant 0 : i32
      %dma_wait3A_872 = tpu.memref_slice %arg2[%dma_wait3A_870, %dma_wait3A_871] : memref<10000x128xf32, #tpu.memory_space<hbm>> -> memref<10000x128xf32, #tpu.memory_space<hbm>>
      tpu.wait_indirect_dma semaphore(%arg19 : memref<!tpu.dma_semaphore, #tpu.memory_space<semaphore_mem>>) src(%dma_wait3A_872 : memref<10000x128xf32, #tpu.memory_space<hbm>>) dst(%dma_wait3A_866 : memref<48x128xf32, #tpu.memory_space<vmem>>)
      %run_scoped3A_873 = arith.constant 1 : i32
      %run_scoped3A_874 = arith.constant 1 : i32
      %run_scoped3A_875 = arith.constant 1 : i32
      "tpu.region"() ({
        %run_scoped3A_1497 = tpu.sem_alloc : memref<!tpu.dma_semaphore, #tpu.memory_space<semaphore_mem>>
        %dma_start3A_1498 = arith.constant 0 : i32
        %dma_start3A_1499 = arith.constant 0 : i32
        %dma_start3A_1500 = tpu.memref_slice %arg6[%run_scoped3A_873, %dma_start3A_1498, %dma_start3A_1499] : memref<5x48x128xf32, #tpu.memory_space<vmem>> -> memref<1x48x128xf32, #tpu.memory_space<vmem>>
        %dma_start3A_1501 = tpu.memref_squeeze %dma_start3A_1500 : memref<1x48x128xf32, #tpu.memory_space<vmem>> -> memref<48x128xf32, #tpu.memory_space<vmem>>
        %dma_start3A_1502 = arith.constant 0 : i32
        %dma_start3A_1503 = tpu.memref_slice %arg5[%run_scoped3A_874, %run_scoped3A_875, %dma_start3A_1502] : memref<10x2x48xi32, #tpu.memory_space<vmem>> -> memref<1x1x48xi32, #tpu.memory_space<vmem>>
        %dma_start3A_1504 = tpu.memref_squeeze %dma_start3A_1503 : memref<1x1x48xi32, #tpu.memory_space<vmem>> -> memref<48xi32, #tpu.memory_space<vmem>>
        %dma_start3A_1505 = arith.constant 0 : i32
        %dma_start3A_1506 = arith.constant 0 : i32
        %dma_start3A_1507 = tpu.memref_slice %arg7[%dma_start3A_1505, %dma_start3A_1506] : memref<10112x128xf32, #tpu.memory_space<vmem_shared>> -> memref<10112x128xf32, #tpu.memory_space<vmem_shared>>
        tpu.enqueue_indirect_dma source(%dma_start3A_1501 : memref<48x128xf32, #tpu.memory_space<vmem>>) target(%dma_start3A_1507 : memref<10112x128xf32, #tpu.memory_space<vmem_shared>>) offsets(%dma_start3A_1504 : memref<48xi32, #tpu.memory_space<vmem>>) semaphore(%run_scoped3A_1497 : memref<!tpu.dma_semaphore, #tpu.memory_space<semaphore_mem>>) {add = true}
        %dma_wait3A_1508 = arith.constant 0 : i32
        %dma_wait3A_1509 = arith.constant 0 : i32
        %dma_wait3A_1510 = tpu.memref_slice %arg6[%run_scoped3A_873, %dma_wait3A_1508, %dma_wait3A_1509] : memref<5x48x128xf32, #tpu.memory_space<vmem>> -> memref<1x48x128xf32, #tpu.memory_space<vmem>>
        %dma_wait3A_1511 = tpu.memref_squeeze %dma_wait3A_1510 : memref<1x48x128xf32, #tpu.memory_space<vmem>> -> memref<48x128xf32, #tpu.memory_space<vmem>>
        %dma_wait3A_1512 = arith.constant 0 : i32
        %dma_wait3A_1513 = tpu.memref_slice %arg5[%run_scoped3A_874, %run_scoped3A_875, %dma_wait3A_1512] : memref<10x2x48xi32, #tpu.memory_space<vmem>> -> memref<1x1x48xi32, #tpu.memory_space<vmem>>
        %dma_wait3A_1514 = tpu.memref_squeeze %dma_wait3A_1513 : memref<1x1x48xi32, #tpu.memory_space<vmem>> -> memref<48xi32, #tpu.memory_space<vmem>>
        %dma_wait3A_1515 = arith.constant 0 : i32
        %dma_wait3A_1516 = arith.constant 0 : i32
        %dma_wait3A_1517 = tpu.memref_slice %arg7[%dma_wait3A_1515, %dma_wait3A_1516] : memref<10112x128xf32, #tpu.memory_space<vmem_shared>> -> memref<10112x128xf32, #tpu.memory_space<vmem_shared>>
        tpu.wait_indirect_dma semaphore(%run_scoped3A_1497 : memref<!tpu.dma_semaphore, #tpu.memory_space<semaphore_mem>>) src(%dma_wait3A_1511 : memref<48x128xf32, #tpu.memory_space<vmem>>) dst(%dma_wait3A_1517 : memref<10112x128xf32, #tpu.memory_space<vmem_shared>>)
        tpu.yield
      }) : () -> ()
      %add3A_876 = arith.constant 10 : i32
      %add3A_877 = arith.addi %add3A_859, %add3A_876 : i32
      %add3A_878 = arith.addi %select_n3A_8, %add3A_877 : i32
      %dma_start3A_879 = arith.constant 1 : i32
      %dma_start3A_880 = arith.constant 0 : i32
      %dma_start3A_881 = arith.constant 0 : i32
      %dma_start3A_882 = tpu.memref_slice %arg5[%dma_start3A_879, %dma_start3A_880, %dma_start3A_881] : memref<10x2x48xi32, #tpu.memory_space<vmem>> -> memref<1x2x48xi32, #tpu.memory_space<vmem>>
      %dma_start3A_883 = tpu.memref_squeeze %dma_start3A_882 : memref<1x2x48xi32, #tpu.memory_space<vmem>> -> memref<2x48xi32, #tpu.memory_space<vmem>>
      %dma_start3A_884 = arith.constant 0 : i32
      %dma_start3A_885 = arith.constant 0 : i32
      %dma_start3A_886 = tpu.memref_slice %arg3[%add3A_878, %dma_start3A_884, %dma_start3A_885] : memref<6720x2x48xi32, #tpu.memory_space<hbm>> -> memref<1x2x48xi32, #tpu.memory_space<hbm>>
      %dma_start3A_887 = tpu.memref_squeeze %dma_start3A_886 : memref<1x2x48xi32, #tpu.memory_space<hbm>> -> memref<2x48xi32, #tpu.memory_space<hbm>>
      %dma_start3A_888 = arith.constant 0 : i32
      %dma_start3A_889 = arith.constant 0 : i32
      %dma_start3A_890 = tpu.memref_slice %arg5[%dma_start3A_879, %dma_start3A_888, %dma_start3A_889] : memref<10x2x48xi32, #tpu.memory_space<vmem>> -> memref<1x2x48xi32, #tpu.memory_space<vmem>>
      %dma_start3A_891 = tpu.memref_squeeze %dma_start3A_890 : memref<1x2x48xi32, #tpu.memory_space<vmem>> -> memref<2x48xi32, #tpu.memory_space<vmem>>
      %dma_start3A_892 = arith.constant 0 : i32
      %dma_start3A_893 = arith.constant 0 : i32
      %dma_start3A_894 = tpu.memref_slice %arg3[%add3A_878, %dma_start3A_892, %dma_start3A_893] : memref<6720x2x48xi32, #tpu.memory_space<hbm>> -> memref<1x2x48xi32, #tpu.memory_space<hbm>>
      %dma_start3A_895 = tpu.memref_squeeze %dma_start3A_894 : memref<1x2x48xi32, #tpu.memory_space<hbm>> -> memref<2x48xi32, #tpu.memory_space<hbm>>
      tpu.enqueue_dma source(%dma_start3A_895 : memref<2x48xi32, #tpu.memory_space<hbm>>) target(%dma_start3A_891 : memref<2x48xi32, #tpu.memory_space<vmem>>) target_semaphore(%arg9 : memref<!tpu.dma_semaphore, #tpu.memory_space<semaphore_mem>>)
      %dma_wait3A_896 = arith.constant 0 : i32
      %dma_wait3A_897 = arith.constant 6 : i32
      %dma_wait3A_898 = arith.constant 0 : i32
      %dma_wait3A_899 = arith.constant 0 : i32
      %dma_wait3A_900 = tpu.memref_slice %arg5[%dma_wait3A_897, %dma_wait3A_898, %dma_wait3A_899] : memref<10x2x48xi32, #tpu.memory_space<vmem>> -> memref<1x2x48xi32, #tpu.memory_space<vmem>>
      %dma_wait3A_901 = tpu.memref_squeeze %dma_wait3A_900 : memref<1x2x48xi32, #tpu.memory_space<vmem>> -> memref<2x48xi32, #tpu.memory_space<vmem>>
      %dma_wait3A_902 = arith.constant 0 : i32
      %dma_wait3A_903 = arith.constant 0 : i32
      %dma_wait3A_904 = tpu.memref_slice %arg3[%dma_wait3A_896, %dma_wait3A_902, %dma_wait3A_903] : memref<6720x2x48xi32, #tpu.memory_space<hbm>> -> memref<1x2x48xi32, #tpu.memory_space<hbm>>
      %dma_wait3A_905 = tpu.memref_squeeze %dma_wait3A_904 : memref<1x2x48xi32, #tpu.memory_space<hbm>> -> memref<2x48xi32, #tpu.memory_space<hbm>>
      %dma_wait3A_906 = arith.constant 0 : i32
      %dma_wait3A_907 = arith.constant 0 : i32
      %dma_wait3A_908 = tpu.memref_slice %arg5[%dma_wait3A_897, %dma_wait3A_906, %dma_wait3A_907] : memref<10x2x48xi32, #tpu.memory_space<vmem>> -> memref<1x2x48xi32, #tpu.memory_space<vmem>>
      %dma_wait3A_909 = tpu.memref_squeeze %dma_wait3A_908 : memref<1x2x48xi32, #tpu.memory_space<vmem>> -> memref<2x48xi32, #tpu.memory_space<vmem>>
      %dma_wait3A_910 = arith.constant 0 : i32
      %dma_wait3A_911 = arith.constant 0 : i32
      %dma_wait3A_912 = tpu.memref_slice %arg3[%dma_wait3A_896, %dma_wait3A_910, %dma_wait3A_911] : memref<6720x2x48xi32, #tpu.memory_space<hbm>> -> memref<1x2x48xi32, #tpu.memory_space<hbm>>
      %dma_wait3A_913 = tpu.memref_squeeze %dma_wait3A_912 : memref<1x2x48xi32, #tpu.memory_space<hbm>> -> memref<2x48xi32, #tpu.memory_space<hbm>>
      tpu.wait_dma2 semaphore(%arg14 : memref<!tpu.dma_semaphore, #tpu.memory_space<semaphore_mem>>) src(%dma_wait3A_913 : memref<2x48xi32, #tpu.memory_space<hbm>>) dst(%dma_wait3A_909 : memref<2x48xi32, #tpu.memory_space<vmem>>)
      %add3A_914 = arith.constant 5 : i32
      %add3A_915 = arith.addi %add3A_859, %add3A_914 : i32
      %dma_start3A_916 = arith.constant 6 : i32
      %dma_start3A_917 = arith.constant 0 : i32
      %dma_start3A_918 = arith.constant 1 : i32
      %dma_start3A_919 = arith.constant 0 : i32
      %dma_start3A_920 = arith.constant 0 : i32
      %dma_start3A_921 = tpu.memref_slice %arg6[%dma_start3A_918, %dma_start3A_919, %dma_start3A_920] : memref<5x48x128xf32, #tpu.memory_space<vmem>> -> memref<1x48x128xf32, #tpu.memory_space<vmem>>
      %dma_start3A_922 = tpu.memref_squeeze %dma_start3A_921 : memref<1x48x128xf32, #tpu.memory_space<vmem>> -> memref<48x128xf32, #tpu.memory_space<vmem>>
      %dma_start3A_923 = arith.constant 0 : i32
      %dma_start3A_924 = tpu.memref_slice %arg5[%dma_start3A_916, %dma_start3A_917, %dma_start3A_923] : memref<10x2x48xi32, #tpu.memory_space<vmem>> -> memref<1x1x48xi32, #tpu.memory_space<vmem>>
      %dma_start3A_925 = tpu.memref_squeeze %dma_start3A_924 : memref<1x1x48xi32, #tpu.memory_space<vmem>> -> memref<48xi32, #tpu.memory_space<vmem>>
      %dma_start3A_926 = arith.constant 0 : i32
      %dma_start3A_927 = arith.constant 0 : i32
      %dma_start3A_928 = tpu.memref_slice %arg2[%dma_start3A_926, %dma_start3A_927] : memref<10000x128xf32, #tpu.memory_space<hbm>> -> memref<10000x128xf32, #tpu.memory_space<hbm>>
      tpu.enqueue_indirect_dma source(%dma_start3A_928 : memref<10000x128xf32, #tpu.memory_space<hbm>>) target(%dma_start3A_922 : memref<48x128xf32, #tpu.memory_space<vmem>>) offsets(%dma_start3A_925 : memref<48xi32, #tpu.memory_space<vmem>>) semaphore(%arg19 : memref<!tpu.dma_semaphore, #tpu.memory_space<semaphore_mem>>)
      %add3A_929 = arith.constant 2 : i32
      %add3A_930 = arith.addi %add3A_786, %add3A_929 : i32
      %dma_wait3A_931 = arith.constant 0 : i32
      %dma_wait3A_932 = arith.constant 0 : i32
      %dma_wait3A_933 = arith.constant 2 : i32
      %dma_wait3A_934 = arith.constant 0 : i32
      %dma_wait3A_935 = arith.constant 0 : i32
      %dma_wait3A_936 = tpu.memref_slice %arg6[%dma_wait3A_933, %dma_wait3A_934, %dma_wait3A_935] : memref<5x48x128xf32, #tpu.memory_space<vmem>> -> memref<1x48x128xf32, #tpu.memory_space<vmem>>
      %dma_wait3A_937 = tpu.memref_squeeze %dma_wait3A_936 : memref<1x48x128xf32, #tpu.memory_space<vmem>> -> memref<48x128xf32, #tpu.memory_space<vmem>>
      %dma_wait3A_938 = arith.constant 0 : i32
      %dma_wait3A_939 = tpu.memref_slice %arg5[%dma_wait3A_931, %dma_wait3A_932, %dma_wait3A_938] : memref<10x2x48xi32, #tpu.memory_space<vmem>> -> memref<1x1x48xi32, #tpu.memory_space<vmem>>
      %dma_wait3A_940 = tpu.memref_squeeze %dma_wait3A_939 : memref<1x1x48xi32, #tpu.memory_space<vmem>> -> memref<48xi32, #tpu.memory_space<vmem>>
      %dma_wait3A_941 = arith.constant 0 : i32
      %dma_wait3A_942 = arith.constant 0 : i32
      %dma_wait3A_943 = tpu.memref_slice %arg2[%dma_wait3A_941, %dma_wait3A_942] : memref<10000x128xf32, #tpu.memory_space<hbm>> -> memref<10000x128xf32, #tpu.memory_space<hbm>>
      tpu.wait_indirect_dma semaphore(%arg20 : memref<!tpu.dma_semaphore, #tpu.memory_space<semaphore_mem>>) src(%dma_wait3A_943 : memref<10000x128xf32, #tpu.memory_space<hbm>>) dst(%dma_wait3A_937 : memref<48x128xf32, #tpu.memory_space<vmem>>)
      %run_scoped3A_944 = arith.constant 2 : i32
      %run_scoped3A_945 = arith.constant 2 : i32
      %run_scoped3A_946 = arith.constant 1 : i32
      "tpu.region"() ({
        %run_scoped3A_1497 = tpu.sem_alloc : memref<!tpu.dma_semaphore, #tpu.memory_space<semaphore_mem>>
        %dma_start3A_1498 = arith.constant 0 : i32
        %dma_start3A_1499 = arith.constant 0 : i32
        %dma_start3A_1500 = tpu.memref_slice %arg6[%run_scoped3A_944, %dma_start3A_1498, %dma_start3A_1499] : memref<5x48x128xf32, #tpu.memory_space<vmem>> -> memref<1x48x128xf32, #tpu.memory_space<vmem>>
        %dma_start3A_1501 = tpu.memref_squeeze %dma_start3A_1500 : memref<1x48x128xf32, #tpu.memory_space<vmem>> -> memref<48x128xf32, #tpu.memory_space<vmem>>
        %dma_start3A_1502 = arith.constant 0 : i32
        %dma_start3A_1503 = tpu.memref_slice %arg5[%run_scoped3A_945, %run_scoped3A_946, %dma_start3A_1502] : memref<10x2x48xi32, #tpu.memory_space<vmem>> -> memref<1x1x48xi32, #tpu.memory_space<vmem>>
        %dma_start3A_1504 = tpu.memref_squeeze %dma_start3A_1503 : memref<1x1x48xi32, #tpu.memory_space<vmem>> -> memref<48xi32, #tpu.memory_space<vmem>>
        %dma_start3A_1505 = arith.constant 0 : i32
        %dma_start3A_1506 = arith.constant 0 : i32
        %dma_start3A_1507 = tpu.memref_slice %arg7[%dma_start3A_1505, %dma_start3A_1506] : memref<10112x128xf32, #tpu.memory_space<vmem_shared>> -> memref<10112x128xf32, #tpu.memory_space<vmem_shared>>
        tpu.enqueue_indirect_dma source(%dma_start3A_1501 : memref<48x128xf32, #tpu.memory_space<vmem>>) target(%dma_start3A_1507 : memref<10112x128xf32, #tpu.memory_space<vmem_shared>>) offsets(%dma_start3A_1504 : memref<48xi32, #tpu.memory_space<vmem>>) semaphore(%run_scoped3A_1497 : memref<!tpu.dma_semaphore, #tpu.memory_space<semaphore_mem>>) {add = true}
        %dma_wait3A_1508 = arith.constant 0 : i32
        %dma_wait3A_1509 = arith.constant 0 : i32
        %dma_wait3A_1510 = tpu.memref_slice %arg6[%run_scoped3A_944, %dma_wait3A_1508, %dma_wait3A_1509] : memref<5x48x128xf32, #tpu.memory_space<vmem>> -> memref<1x48x128xf32, #tpu.memory_space<vmem>>
        %dma_wait3A_1511 = tpu.memref_squeeze %dma_wait3A_1510 : memref<1x48x128xf32, #tpu.memory_space<vmem>> -> memref<48x128xf32, #tpu.memory_space<vmem>>
        %dma_wait3A_1512 = arith.constant 0 : i32
        %dma_wait3A_1513 = tpu.memref_slice %arg5[%run_scoped3A_945, %run_scoped3A_946, %dma_wait3A_1512] : memref<10x2x48xi32, #tpu.memory_space<vmem>> -> memref<1x1x48xi32, #tpu.memory_space<vmem>>
        %dma_wait3A_1514 = tpu.memref_squeeze %dma_wait3A_1513 : memref<1x1x48xi32, #tpu.memory_space<vmem>> -> memref<48xi32, #tpu.memory_space<vmem>>
        %dma_wait3A_1515 = arith.constant 0 : i32
        %dma_wait3A_1516 = arith.constant 0 : i32
        %dma_wait3A_1517 = tpu.memref_slice %arg7[%dma_wait3A_1515, %dma_wait3A_1516] : memref<10112x128xf32, #tpu.memory_space<vmem_shared>> -> memref<10112x128xf32, #tpu.memory_space<vmem_shared>>
        tpu.wait_indirect_dma semaphore(%run_scoped3A_1497 : memref<!tpu.dma_semaphore, #tpu.memory_space<semaphore_mem>>) src(%dma_wait3A_1511 : memref<48x128xf32, #tpu.memory_space<vmem>>) dst(%dma_wait3A_1517 : memref<10112x128xf32, #tpu.memory_space<vmem_shared>>)
        tpu.yield
      }) : () -> ()
      %add3A_947 = arith.constant 10 : i32
      %add3A_948 = arith.addi %add3A_930, %add3A_947 : i32
      %add3A_949 = arith.addi %select_n3A_8, %add3A_948 : i32
      %dma_start3A_950 = arith.constant 2 : i32
      %dma_start3A_951 = arith.constant 0 : i32
      %dma_start3A_952 = arith.constant 0 : i32
      %dma_start3A_953 = tpu.memref_slice %arg5[%dma_start3A_950, %dma_start3A_951, %dma_start3A_952] : memref<10x2x48xi32, #tpu.memory_space<vmem>> -> memref<1x2x48xi32, #tpu.memory_space<vmem>>
      %dma_start3A_954 = tpu.memref_squeeze %dma_start3A_953 : memref<1x2x48xi32, #tpu.memory_space<vmem>> -> memref<2x48xi32, #tpu.memory_space<vmem>>
      %dma_start3A_955 = arith.constant 0 : i32
      %dma_start3A_956 = arith.constant 0 : i32
      %dma_start3A_957 = tpu.memref_slice %arg3[%add3A_949, %dma_start3A_955, %dma_start3A_956] : memref<6720x2x48xi32, #tpu.memory_space<hbm>> -> memref<1x2x48xi32, #tpu.memory_space<hbm>>
      %dma_start3A_958 = tpu.memref_squeeze %dma_start3A_957 : memref<1x2x48xi32, #tpu.memory_space<hbm>> -> memref<2x48xi32, #tpu.memory_space<hbm>>
      %dma_start3A_959 = arith.constant 0 : i32
      %dma_start3A_960 = arith.constant 0 : i32
      %dma_start3A_961 = tpu.memref_slice %arg5[%dma_start3A_950, %dma_start3A_959, %dma_start3A_960] : memref<10x2x48xi32, #tpu.memory_space<vmem>> -> memref<1x2x48xi32, #tpu.memory_space<vmem>>
      %dma_start3A_962 = tpu.memref_squeeze %dma_start3A_961 : memref<1x2x48xi32, #tpu.memory_space<vmem>> -> memref<2x48xi32, #tpu.memory_space<vmem>>
      %dma_start3A_963 = arith.constant 0 : i32
      %dma_start3A_964 = arith.constant 0 : i32
      %dma_start3A_965 = tpu.memref_slice %arg3[%add3A_949, %dma_start3A_963, %dma_start3A_964] : memref<6720x2x48xi32, #tpu.memory_space<hbm>> -> memref<1x2x48xi32, #tpu.memory_space<hbm>>
      %dma_start3A_966 = tpu.memref_squeeze %dma_start3A_965 : memref<1x2x48xi32, #tpu.memory_space<hbm>> -> memref<2x48xi32, #tpu.memory_space<hbm>>
      tpu.enqueue_dma source(%dma_start3A_966 : memref<2x48xi32, #tpu.memory_space<hbm>>) target(%dma_start3A_962 : memref<2x48xi32, #tpu.memory_space<vmem>>) target_semaphore(%arg10 : memref<!tpu.dma_semaphore, #tpu.memory_space<semaphore_mem>>)
      %dma_wait3A_967 = arith.constant 0 : i32
      %dma_wait3A_968 = arith.constant 7 : i32
      %dma_wait3A_969 = arith.constant 0 : i32
      %dma_wait3A_970 = arith.constant 0 : i32
      %dma_wait3A_971 = tpu.memref_slice %arg5[%dma_wait3A_968, %dma_wait3A_969, %dma_wait3A_970] : memref<10x2x48xi32, #tpu.memory_space<vmem>> -> memref<1x2x48xi32, #tpu.memory_space<vmem>>
      %dma_wait3A_972 = tpu.memref_squeeze %dma_wait3A_971 : memref<1x2x48xi32, #tpu.memory_space<vmem>> -> memref<2x48xi32, #tpu.memory_space<vmem>>
      %dma_wait3A_973 = arith.constant 0 : i32
      %dma_wait3A_974 = arith.constant 0 : i32
      %dma_wait3A_975 = tpu.memref_slice %arg3[%dma_wait3A_967, %dma_wait3A_973, %dma_wait3A_974] : memref<6720x2x48xi32, #tpu.memory_space<hbm>> -> memref<1x2x48xi32, #tpu.memory_space<hbm>>
      %dma_wait3A_976 = tpu.memref_squeeze %dma_wait3A_975 : memref<1x2x48xi32, #tpu.memory_space<hbm>> -> memref<2x48xi32, #tpu.memory_space<hbm>>
      %dma_wait3A_977 = arith.constant 0 : i32
      %dma_wait3A_978 = arith.constant 0 : i32
      %dma_wait3A_979 = tpu.memref_slice %arg5[%dma_wait3A_968, %dma_wait3A_977, %dma_wait3A_978] : memref<10x2x48xi32, #tpu.memory_space<vmem>> -> memref<1x2x48xi32, #tpu.memory_space<vmem>>
      %dma_wait3A_980 = tpu.memref_squeeze %dma_wait3A_979 : memref<1x2x48xi32, #tpu.memory_space<vmem>> -> memref<2x48xi32, #tpu.memory_space<vmem>>
      %dma_wait3A_981 = arith.constant 0 : i32
      %dma_wait3A_982 = arith.constant 0 : i32
      %dma_wait3A_983 = tpu.memref_slice %arg3[%dma_wait3A_967, %dma_wait3A_981, %dma_wait3A_982] : memref<6720x2x48xi32, #tpu.memory_space<hbm>> -> memref<1x2x48xi32, #tpu.memory_space<hbm>>
      %dma_wait3A_984 = tpu.memref_squeeze %dma_wait3A_983 : memref<1x2x48xi32, #tpu.memory_space<hbm>> -> memref<2x48xi32, #tpu.memory_space<hbm>>
      tpu.wait_dma2 semaphore(%arg15 : memref<!tpu.dma_semaphore, #tpu.memory_space<semaphore_mem>>) src(%dma_wait3A_984 : memref<2x48xi32, #tpu.memory_space<hbm>>) dst(%dma_wait3A_980 : memref<2x48xi32, #tpu.memory_space<vmem>>)
      %add3A_985 = arith.constant 5 : i32
      %add3A_986 = arith.addi %add3A_930, %add3A_985 : i32
      %dma_start3A_987 = arith.constant 7 : i32
      %dma_start3A_988 = arith.constant 0 : i32
      %dma_start3A_989 = arith.constant 2 : i32
      %dma_start3A_990 = arith.constant 0 : i32
      %dma_start3A_991 = arith.constant 0 : i32
      %dma_start3A_992 = tpu.memref_slice %arg6[%dma_start3A_989, %dma_start3A_990, %dma_start3A_991] : memref<5x48x128xf32, #tpu.memory_space<vmem>> -> memref<1x48x128xf32, #tpu.memory_space<vmem>>
      %dma_start3A_993 = tpu.memref_squeeze %dma_start3A_992 : memref<1x48x128xf32, #tpu.memory_space<vmem>> -> memref<48x128xf32, #tpu.memory_space<vmem>>
      %dma_start3A_994 = arith.constant 0 : i32
      %dma_start3A_995 = tpu.memref_slice %arg5[%dma_start3A_987, %dma_start3A_988, %dma_start3A_994] : memref<10x2x48xi32, #tpu.memory_space<vmem>> -> memref<1x1x48xi32, #tpu.memory_space<vmem>>
      %dma_start3A_996 = tpu.memref_squeeze %dma_start3A_995 : memref<1x1x48xi32, #tpu.memory_space<vmem>> -> memref<48xi32, #tpu.memory_space<vmem>>
      %dma_start3A_997 = arith.constant 0 : i32
      %dma_start3A_998 = arith.constant 0 : i32
      %dma_start3A_999 = tpu.memref_slice %arg2[%dma_start3A_997, %dma_start3A_998] : memref<10000x128xf32, #tpu.memory_space<hbm>> -> memref<10000x128xf32, #tpu.memory_space<hbm>>
      tpu.enqueue_indirect_dma source(%dma_start3A_999 : memref<10000x128xf32, #tpu.memory_space<hbm>>) target(%dma_start3A_993 : memref<48x128xf32, #tpu.memory_space<vmem>>) offsets(%dma_start3A_996 : memref<48xi32, #tpu.memory_space<vmem>>) semaphore(%arg20 : memref<!tpu.dma_semaphore, #tpu.memory_space<semaphore_mem>>)
      %add3A_1000 = arith.constant 3 : i32
      %add3A_1001 = arith.addi %add3A_786, %add3A_1000 : i32
      %dma_wait3A_1002 = arith.constant 0 : i32
      %dma_wait3A_1003 = arith.constant 0 : i32
      %dma_wait3A_1004 = arith.constant 3 : i32
      %dma_wait3A_1005 = arith.constant 0 : i32
      %dma_wait3A_1006 = arith.constant 0 : i32
      %dma_wait3A_1007 = tpu.memref_slice %arg6[%dma_wait3A_1004, %dma_wait3A_1005, %dma_wait3A_1006] : memref<5x48x128xf32, #tpu.memory_space<vmem>> -> memref<1x48x128xf32, #tpu.memory_space<vmem>>
      %dma_wait3A_1008 = tpu.memref_squeeze %dma_wait3A_1007 : memref<1x48x128xf32, #tpu.memory_space<vmem>> -> memref<48x128xf32, #tpu.memory_space<vmem>>
      %dma_wait3A_1009 = arith.constant 0 : i32
      %dma_wait3A_1010 = tpu.memref_slice %arg5[%dma_wait3A_1002, %dma_wait3A_1003, %dma_wait3A_1009] : memref<10x2x48xi32, #tpu.memory_space<vmem>> -> memref<1x1x48xi32, #tpu.memory_space<vmem>>
      %dma_wait3A_1011 = tpu.memref_squeeze %dma_wait3A_1010 : memref<1x1x48xi32, #tpu.memory_space<vmem>> -> memref<48xi32, #tpu.memory_space<vmem>>
      %dma_wait3A_1012 = arith.constant 0 : i32
      %dma_wait3A_1013 = arith.constant 0 : i32
      %dma_wait3A_1014 = tpu.memref_slice %arg2[%dma_wait3A_1012, %dma_wait3A_1013] : memref<10000x128xf32, #tpu.memory_space<hbm>> -> memref<10000x128xf32, #tpu.memory_space<hbm>>
      tpu.wait_indirect_dma semaphore(%arg21 : memref<!tpu.dma_semaphore, #tpu.memory_space<semaphore_mem>>) src(%dma_wait3A_1014 : memref<10000x128xf32, #tpu.memory_space<hbm>>) dst(%dma_wait3A_1008 : memref<48x128xf32, #tpu.memory_space<vmem>>)
      %run_scoped3A_1015 = arith.constant 3 : i32
      %run_scoped3A_1016 = arith.constant 3 : i32
      %run_scoped3A_1017 = arith.constant 1 : i32
      "tpu.region"() ({
        %run_scoped3A_1497 = tpu.sem_alloc : memref<!tpu.dma_semaphore, #tpu.memory_space<semaphore_mem>>
        %dma_start3A_1498 = arith.constant 0 : i32
        %dma_start3A_1499 = arith.constant 0 : i32
        %dma_start3A_1500 = tpu.memref_slice %arg6[%run_scoped3A_1015, %dma_start3A_1498, %dma_start3A_1499] : memref<5x48x128xf32, #tpu.memory_space<vmem>> -> memref<1x48x128xf32, #tpu.memory_space<vmem>>
        %dma_start3A_1501 = tpu.memref_squeeze %dma_start3A_1500 : memref<1x48x128xf32, #tpu.memory_space<vmem>> -> memref<48x128xf32, #tpu.memory_space<vmem>>
        %dma_start3A_1502 = arith.constant 0 : i32
        %dma_start3A_1503 = tpu.memref_slice %arg5[%run_scoped3A_1016, %run_scoped3A_1017, %dma_start3A_1502] : memref<10x2x48xi32, #tpu.memory_space<vmem>> -> memref<1x1x48xi32, #tpu.memory_space<vmem>>
        %dma_start3A_1504 = tpu.memref_squeeze %dma_start3A_1503 : memref<1x1x48xi32, #tpu.memory_space<vmem>> -> memref<48xi32, #tpu.memory_space<vmem>>
        %dma_start3A_1505 = arith.constant 0 : i32
        %dma_start3A_1506 = arith.constant 0 : i32
        %dma_start3A_1507 = tpu.memref_slice %arg7[%dma_start3A_1505, %dma_start3A_1506] : memref<10112x128xf32, #tpu.memory_space<vmem_shared>> -> memref<10112x128xf32, #tpu.memory_space<vmem_shared>>
        tpu.enqueue_indirect_dma source(%dma_start3A_1501 : memref<48x128xf32, #tpu.memory_space<vmem>>) target(%dma_start3A_1507 : memref<10112x128xf32, #tpu.memory_space<vmem_shared>>) offsets(%dma_start3A_1504 : memref<48xi32, #tpu.memory_space<vmem>>) semaphore(%run_scoped3A_1497 : memref<!tpu.dma_semaphore, #tpu.memory_space<semaphore_mem>>) {add = true}
        %dma_wait3A_1508 = arith.constant 0 : i32
        %dma_wait3A_1509 = arith.constant 0 : i32
        %dma_wait3A_1510 = tpu.memref_slice %arg6[%run_scoped3A_1015, %dma_wait3A_1508, %dma_wait3A_1509] : memref<5x48x128xf32, #tpu.memory_space<vmem>> -> memref<1x48x128xf32, #tpu.memory_space<vmem>>
        %dma_wait3A_1511 = tpu.memref_squeeze %dma_wait3A_1510 : memref<1x48x128xf32, #tpu.memory_space<vmem>> -> memref<48x128xf32, #tpu.memory_space<vmem>>
        %dma_wait3A_1512 = arith.constant 0 : i32
        %dma_wait3A_1513 = tpu.memref_slice %arg5[%run_scoped3A_1016, %run_scoped3A_1017, %dma_wait3A_1512] : memref<10x2x48xi32, #tpu.memory_space<vmem>> -> memref<1x1x48xi32, #tpu.memory_space<vmem>>
        %dma_wait3A_1514 = tpu.memref_squeeze %dma_wait3A_1513 : memref<1x1x48xi32, #tpu.memory_space<vmem>> -> memref<48xi32, #tpu.memory_space<vmem>>
        %dma_wait3A_1515 = arith.constant 0 : i32
        %dma_wait3A_1516 = arith.constant 0 : i32
        %dma_wait3A_1517 = tpu.memref_slice %arg7[%dma_wait3A_1515, %dma_wait3A_1516] : memref<10112x128xf32, #tpu.memory_space<vmem_shared>> -> memref<10112x128xf32, #tpu.memory_space<vmem_shared>>
        tpu.wait_indirect_dma semaphore(%run_scoped3A_1497 : memref<!tpu.dma_semaphore, #tpu.memory_space<semaphore_mem>>) src(%dma_wait3A_1511 : memref<48x128xf32, #tpu.memory_space<vmem>>) dst(%dma_wait3A_1517 : memref<10112x128xf32, #tpu.memory_space<vmem_shared>>)
        tpu.yield
      }) : () -> ()
      %add3A_1018 = arith.constant 10 : i32
      %add3A_1019 = arith.addi %add3A_1001, %add3A_1018 : i32
      %add3A_1020 = arith.addi %select_n3A_8, %add3A_1019 : i32
      %dma_start3A_1021 = arith.constant 3 : i32
      %dma_start3A_1022 = arith.constant 0 : i32
      %dma_start3A_1023 = arith.constant 0 : i32
      %dma_start3A_1024 = tpu.memref_slice %arg5[%dma_start3A_1021, %dma_start3A_1022, %dma_start3A_1023] : memref<10x2x48xi32, #tpu.memory_space<vmem>> -> memref<1x2x48xi32, #tpu.memory_space<vmem>>
      %dma_start3A_1025 = tpu.memref_squeeze %dma_start3A_1024 : memref<1x2x48xi32, #tpu.memory_space<vmem>> -> memref<2x48xi32, #tpu.memory_space<vmem>>
      %dma_start3A_1026 = arith.constant 0 : i32
      %dma_start3A_1027 = arith.constant 0 : i32
      %dma_start3A_1028 = tpu.memref_slice %arg3[%add3A_1020, %dma_start3A_1026, %dma_start3A_1027] : memref<6720x2x48xi32, #tpu.memory_space<hbm>> -> memref<1x2x48xi32, #tpu.memory_space<hbm>>
      %dma_start3A_1029 = tpu.memref_squeeze %dma_start3A_1028 : memref<1x2x48xi32, #tpu.memory_space<hbm>> -> memref<2x48xi32, #tpu.memory_space<hbm>>
      %dma_start3A_1030 = arith.constant 0 : i32
      %dma_start3A_1031 = arith.constant 0 : i32
      %dma_start3A_1032 = tpu.memref_slice %arg5[%dma_start3A_1021, %dma_start3A_1030, %dma_start3A_1031] : memref<10x2x48xi32, #tpu.memory_space<vmem>> -> memref<1x2x48xi32, #tpu.memory_space<vmem>>
      %dma_start3A_1033 = tpu.memref_squeeze %dma_start3A_1032 : memref<1x2x48xi32, #tpu.memory_space<vmem>> -> memref<2x48xi32, #tpu.memory_space<vmem>>
      %dma_start3A_1034 = arith.constant 0 : i32
      %dma_start3A_1035 = arith.constant 0 : i32
      %dma_start3A_1036 = tpu.memref_slice %arg3[%add3A_1020, %dma_start3A_1034, %dma_start3A_1035] : memref<6720x2x48xi32, #tpu.memory_space<hbm>> -> memref<1x2x48xi32, #tpu.memory_space<hbm>>
      %dma_start3A_1037 = tpu.memref_squeeze %dma_start3A_1036 : memref<1x2x48xi32, #tpu.memory_space<hbm>> -> memref<2x48xi32, #tpu.memory_space<hbm>>
      tpu.enqueue_dma source(%dma_start3A_1037 : memref<2x48xi32, #tpu.memory_space<hbm>>) target(%dma_start3A_1033 : memref<2x48xi32, #tpu.memory_space<vmem>>) target_semaphore(%arg11 : memref<!tpu.dma_semaphore, #tpu.memory_space<semaphore_mem>>)
      %dma_wait3A_1038 = arith.constant 0 : i32
      %dma_wait3A_1039 = arith.constant 8 : i32
      %dma_wait3A_1040 = arith.constant 0 : i32
      %dma_wait3A_1041 = arith.constant 0 : i32
      %dma_wait3A_1042 = tpu.memref_slice %arg5[%dma_wait3A_1039, %dma_wait3A_1040, %dma_wait3A_1041] : memref<10x2x48xi32, #tpu.memory_space<vmem>> -> memref<1x2x48xi32, #tpu.memory_space<vmem>>
      %dma_wait3A_1043 = tpu.memref_squeeze %dma_wait3A_1042 : memref<1x2x48xi32, #tpu.memory_space<vmem>> -> memref<2x48xi32, #tpu.memory_space<vmem>>
      %dma_wait3A_1044 = arith.constant 0 : i32
      %dma_wait3A_1045 = arith.constant 0 : i32
      %dma_wait3A_1046 = tpu.memref_slice %arg3[%dma_wait3A_1038, %dma_wait3A_1044, %dma_wait3A_1045] : memref<6720x2x48xi32, #tpu.memory_space<hbm>> -> memref<1x2x48xi32, #tpu.memory_space<hbm>>
      %dma_wait3A_1047 = tpu.memref_squeeze %dma_wait3A_1046 : memref<1x2x48xi32, #tpu.memory_space<hbm>> -> memref<2x48xi32, #tpu.memory_space<hbm>>
      %dma_wait3A_1048 = arith.constant 0 : i32
      %dma_wait3A_1049 = arith.constant 0 : i32
      %dma_wait3A_1050 = tpu.memref_slice %arg5[%dma_wait3A_1039, %dma_wait3A_1048, %dma_wait3A_1049] : memref<10x2x48xi32, #tpu.memory_space<vmem>> -> memref<1x2x48xi32, #tpu.memory_space<vmem>>
      %dma_wait3A_1051 = tpu.memref_squeeze %dma_wait3A_1050 : memref<1x2x48xi32, #tpu.memory_space<vmem>> -> memref<2x48xi32, #tpu.memory_space<vmem>>
      %dma_wait3A_1052 = arith.constant 0 : i32
      %dma_wait3A_1053 = arith.constant 0 : i32
      %dma_wait3A_1054 = tpu.memref_slice %arg3[%dma_wait3A_1038, %dma_wait3A_1052, %dma_wait3A_1053] : memref<6720x2x48xi32, #tpu.memory_space<hbm>> -> memref<1x2x48xi32, #tpu.memory_space<hbm>>
      %dma_wait3A_1055 = tpu.memref_squeeze %dma_wait3A_1054 : memref<1x2x48xi32, #tpu.memory_space<hbm>> -> memref<2x48xi32, #tpu.memory_space<hbm>>
      tpu.wait_dma2 semaphore(%arg16 : memref<!tpu.dma_semaphore, #tpu.memory_space<semaphore_mem>>) src(%dma_wait3A_1055 : memref<2x48xi32, #tpu.memory_space<hbm>>) dst(%dma_wait3A_1051 : memref<2x48xi32, #tpu.memory_space<vmem>>)
      %add3A_1056 = arith.constant 5 : i32
      %add3A_1057 = arith.addi %add3A_1001, %add3A_1056 : i32
      %dma_start3A_1058 = arith.constant 8 : i32
      %dma_start3A_1059 = arith.constant 0 : i32
      %dma_start3A_1060 = arith.constant 3 : i32
      %dma_start3A_1061 = arith.constant 0 : i32
      %dma_start3A_1062 = arith.constant 0 : i32
      %dma_start3A_1063 = tpu.memref_slice %arg6[%dma_start3A_1060, %dma_start3A_1061, %dma_start3A_1062] : memref<5x48x128xf32, #tpu.memory_space<vmem>> -> memref<1x48x128xf32, #tpu.memory_space<vmem>>
      %dma_start3A_1064 = tpu.memref_squeeze %dma_start3A_1063 : memref<1x48x128xf32, #tpu.memory_space<vmem>> -> memref<48x128xf32, #tpu.memory_space<vmem>>
      %dma_start3A_1065 = arith.constant 0 : i32
      %dma_start3A_1066 = tpu.memref_slice %arg5[%dma_start3A_1058, %dma_start3A_1059, %dma_start3A_1065] : memref<10x2x48xi32, #tpu.memory_space<vmem>> -> memref<1x1x48xi32, #tpu.memory_space<vmem>>
      %dma_start3A_1067 = tpu.memref_squeeze %dma_start3A_1066 : memref<1x1x48xi32, #tpu.memory_space<vmem>> -> memref<48xi32, #tpu.memory_space<vmem>>
      %dma_start3A_1068 = arith.constant 0 : i32
      %dma_start3A_1069 = arith.constant 0 : i32
      %dma_start3A_1070 = tpu.memref_slice %arg2[%dma_start3A_1068, %dma_start3A_1069] : memref<10000x128xf32, #tpu.memory_space<hbm>> -> memref<10000x128xf32, #tpu.memory_space<hbm>>
      tpu.enqueue_indirect_dma source(%dma_start3A_1070 : memref<10000x128xf32, #tpu.memory_space<hbm>>) target(%dma_start3A_1064 : memref<48x128xf32, #tpu.memory_space<vmem>>) offsets(%dma_start3A_1067 : memref<48xi32, #tpu.memory_space<vmem>>) semaphore(%arg21 : memref<!tpu.dma_semaphore, #tpu.memory_space<semaphore_mem>>)
      %add3A_1071 = arith.constant 4 : i32
      %add3A_1072 = arith.addi %add3A_786, %add3A_1071 : i32
      %dma_wait3A_1073 = arith.constant 0 : i32
      %dma_wait3A_1074 = arith.constant 0 : i32
      %dma_wait3A_1075 = arith.constant 4 : i32
      %dma_wait3A_1076 = arith.constant 0 : i32
      %dma_wait3A_1077 = arith.constant 0 : i32
      %dma_wait3A_1078 = tpu.memref_slice %arg6[%dma_wait3A_1075, %dma_wait3A_1076, %dma_wait3A_1077] : memref<5x48x128xf32, #tpu.memory_space<vmem>> -> memref<1x48x128xf32, #tpu.memory_space<vmem>>
      %dma_wait3A_1079 = tpu.memref_squeeze %dma_wait3A_1078 : memref<1x48x128xf32, #tpu.memory_space<vmem>> -> memref<48x128xf32, #tpu.memory_space<vmem>>
      %dma_wait3A_1080 = arith.constant 0 : i32
      %dma_wait3A_1081 = tpu.memref_slice %arg5[%dma_wait3A_1073, %dma_wait3A_1074, %dma_wait3A_1080] : memref<10x2x48xi32, #tpu.memory_space<vmem>> -> memref<1x1x48xi32, #tpu.memory_space<vmem>>
      %dma_wait3A_1082 = tpu.memref_squeeze %dma_wait3A_1081 : memref<1x1x48xi32, #tpu.memory_space<vmem>> -> memref<48xi32, #tpu.memory_space<vmem>>
      %dma_wait3A_1083 = arith.constant 0 : i32
      %dma_wait3A_1084 = arith.constant 0 : i32
      %dma_wait3A_1085 = tpu.memref_slice %arg2[%dma_wait3A_1083, %dma_wait3A_1084] : memref<10000x128xf32, #tpu.memory_space<hbm>> -> memref<10000x128xf32, #tpu.memory_space<hbm>>
      tpu.wait_indirect_dma semaphore(%arg22 : memref<!tpu.dma_semaphore, #tpu.memory_space<semaphore_mem>>) src(%dma_wait3A_1085 : memref<10000x128xf32, #tpu.memory_space<hbm>>) dst(%dma_wait3A_1079 : memref<48x128xf32, #tpu.memory_space<vmem>>)
      %run_scoped3A_1086 = arith.constant 4 : i32
      %run_scoped3A_1087 = arith.constant 4 : i32
      %run_scoped3A_1088 = arith.constant 1 : i32
      "tpu.region"() ({
        %run_scoped3A_1497 = tpu.sem_alloc : memref<!tpu.dma_semaphore, #tpu.memory_space<semaphore_mem>>
        %dma_start3A_1498 = arith.constant 0 : i32
        %dma_start3A_1499 = arith.constant 0 : i32
        %dma_start3A_1500 = tpu.memref_slice %arg6[%run_scoped3A_1086, %dma_start3A_1498, %dma_start3A_1499] : memref<5x48x128xf32, #tpu.memory_space<vmem>> -> memref<1x48x128xf32, #tpu.memory_space<vmem>>
        %dma_start3A_1501 = tpu.memref_squeeze %dma_start3A_1500 : memref<1x48x128xf32, #tpu.memory_space<vmem>> -> memref<48x128xf32, #tpu.memory_space<vmem>>
        %dma_start3A_1502 = arith.constant 0 : i32
        %dma_start3A_1503 = tpu.memref_slice %arg5[%run_scoped3A_1087, %run_scoped3A_1088, %dma_start3A_1502] : memref<10x2x48xi32, #tpu.memory_space<vmem>> -> memref<1x1x48xi32, #tpu.memory_space<vmem>>
        %dma_start3A_1504 = tpu.memref_squeeze %dma_start3A_1503 : memref<1x1x48xi32, #tpu.memory_space<vmem>> -> memref<48xi32, #tpu.memory_space<vmem>>
        %dma_start3A_1505 = arith.constant 0 : i32
        %dma_start3A_1506 = arith.constant 0 : i32
        %dma_start3A_1507 = tpu.memref_slice %arg7[%dma_start3A_1505, %dma_start3A_1506] : memref<10112x128xf32, #tpu.memory_space<vmem_shared>> -> memref<10112x128xf32, #tpu.memory_space<vmem_shared>>
        tpu.enqueue_indirect_dma source(%dma_start3A_1501 : memref<48x128xf32, #tpu.memory_space<vmem>>) target(%dma_start3A_1507 : memref<10112x128xf32, #tpu.memory_space<vmem_shared>>) offsets(%dma_start3A_1504 : memref<48xi32, #tpu.memory_space<vmem>>) semaphore(%run_scoped3A_1497 : memref<!tpu.dma_semaphore, #tpu.memory_space<semaphore_mem>>) {add = true}
        %dma_wait3A_1508 = arith.constant 0 : i32
        %dma_wait3A_1509 = arith.constant 0 : i32
        %dma_wait3A_1510 = tpu.memref_slice %arg6[%run_scoped3A_1086, %dma_wait3A_1508, %dma_wait3A_1509] : memref<5x48x128xf32, #tpu.memory_space<vmem>> -> memref<1x48x128xf32, #tpu.memory_space<vmem>>
        %dma_wait3A_1511 = tpu.memref_squeeze %dma_wait3A_1510 : memref<1x48x128xf32, #tpu.memory_space<vmem>> -> memref<48x128xf32, #tpu.memory_space<vmem>>
        %dma_wait3A_1512 = arith.constant 0 : i32
        %dma_wait3A_1513 = tpu.memref_slice %arg5[%run_scoped3A_1087, %run_scoped3A_1088, %dma_wait3A_1512] : memref<10x2x48xi32, #tpu.memory_space<vmem>> -> memref<1x1x48xi32, #tpu.memory_space<vmem>>
        %dma_wait3A_1514 = tpu.memref_squeeze %dma_wait3A_1513 : memref<1x1x48xi32, #tpu.memory_space<vmem>> -> memref<48xi32, #tpu.memory_space<vmem>>
        %dma_wait3A_1515 = arith.constant 0 : i32
        %dma_wait3A_1516 = arith.constant 0 : i32
        %dma_wait3A_1517 = tpu.memref_slice %arg7[%dma_wait3A_1515, %dma_wait3A_1516] : memref<10112x128xf32, #tpu.memory_space<vmem_shared>> -> memref<10112x128xf32, #tpu.memory_space<vmem_shared>>
        tpu.wait_indirect_dma semaphore(%run_scoped3A_1497 : memref<!tpu.dma_semaphore, #tpu.memory_space<semaphore_mem>>) src(%dma_wait3A_1511 : memref<48x128xf32, #tpu.memory_space<vmem>>) dst(%dma_wait3A_1517 : memref<10112x128xf32, #tpu.memory_space<vmem_shared>>)
        tpu.yield
      }) : () -> ()
      %add3A_1089 = arith.constant 10 : i32
      %add3A_1090 = arith.addi %add3A_1072, %add3A_1089 : i32
      %add3A_1091 = arith.addi %select_n3A_8, %add3A_1090 : i32
      %dma_start3A_1092 = arith.constant 4 : i32
      %dma_start3A_1093 = arith.constant 0 : i32
      %dma_start3A_1094 = arith.constant 0 : i32
      %dma_start3A_1095 = tpu.memref_slice %arg5[%dma_start3A_1092, %dma_start3A_1093, %dma_start3A_1094] : memref<10x2x48xi32, #tpu.memory_space<vmem>> -> memref<1x2x48xi32, #tpu.memory_space<vmem>>
      %dma_start3A_1096 = tpu.memref_squeeze %dma_start3A_1095 : memref<1x2x48xi32, #tpu.memory_space<vmem>> -> memref<2x48xi32, #tpu.memory_space<vmem>>
      %dma_start3A_1097 = arith.constant 0 : i32
      %dma_start3A_1098 = arith.constant 0 : i32
      %dma_start3A_1099 = tpu.memref_slice %arg3[%add3A_1091, %dma_start3A_1097, %dma_start3A_1098] : memref<6720x2x48xi32, #tpu.memory_space<hbm>> -> memref<1x2x48xi32, #tpu.memory_space<hbm>>
      %dma_start3A_1100 = tpu.memref_squeeze %dma_start3A_1099 : memref<1x2x48xi32, #tpu.memory_space<hbm>> -> memref<2x48xi32, #tpu.memory_space<hbm>>
      %dma_start3A_1101 = arith.constant 0 : i32
      %dma_start3A_1102 = arith.constant 0 : i32
      %dma_start3A_1103 = tpu.memref_slice %arg5[%dma_start3A_1092, %dma_start3A_1101, %dma_start3A_1102] : memref<10x2x48xi32, #tpu.memory_space<vmem>> -> memref<1x2x48xi32, #tpu.memory_space<vmem>>
      %dma_start3A_1104 = tpu.memref_squeeze %dma_start3A_1103 : memref<1x2x48xi32, #tpu.memory_space<vmem>> -> memref<2x48xi32, #tpu.memory_space<vmem>>
      %dma_start3A_1105 = arith.constant 0 : i32
      %dma_start3A_1106 = arith.constant 0 : i32
      %dma_start3A_1107 = tpu.memref_slice %arg3[%add3A_1091, %dma_start3A_1105, %dma_start3A_1106] : memref<6720x2x48xi32, #tpu.memory_space<hbm>> -> memref<1x2x48xi32, #tpu.memory_space<hbm>>
      %dma_start3A_1108 = tpu.memref_squeeze %dma_start3A_1107 : memref<1x2x48xi32, #tpu.memory_space<hbm>> -> memref<2x48xi32, #tpu.memory_space<hbm>>
      tpu.enqueue_dma source(%dma_start3A_1108 : memref<2x48xi32, #tpu.memory_space<hbm>>) target(%dma_start3A_1104 : memref<2x48xi32, #tpu.memory_space<vmem>>) target_semaphore(%arg12 : memref<!tpu.dma_semaphore, #tpu.memory_space<semaphore_mem>>)
      %dma_wait3A_1109 = arith.constant 0 : i32
      %dma_wait3A_1110 = arith.constant 9 : i32
      %dma_wait3A_1111 = arith.constant 0 : i32
      %dma_wait3A_1112 = arith.constant 0 : i32
      %dma_wait3A_1113 = tpu.memref_slice %arg5[%dma_wait3A_1110, %dma_wait3A_1111, %dma_wait3A_1112] : memref<10x2x48xi32, #tpu.memory_space<vmem>> -> memref<1x2x48xi32, #tpu.memory_space<vmem>>
      %dma_wait3A_1114 = tpu.memref_squeeze %dma_wait3A_1113 : memref<1x2x48xi32, #tpu.memory_space<vmem>> -> memref<2x48xi32, #tpu.memory_space<vmem>>
      %dma_wait3A_1115 = arith.constant 0 : i32
      %dma_wait3A_1116 = arith.constant 0 : i32
      %dma_wait3A_1117 = tpu.memref_slice %arg3[%dma_wait3A_1109, %dma_wait3A_1115, %dma_wait3A_1116] : memref<6720x2x48xi32, #tpu.memory_space<hbm>> -> memref<1x2x48xi32, #tpu.memory_space<hbm>>
      %dma_wait3A_1118 = tpu.memref_squeeze %dma_wait3A_1117 : memref<1x2x48xi32, #tpu.memory_space<hbm>> -> memref<2x48xi32, #tpu.memory_space<hbm>>
      %dma_wait3A_1119 = arith.constant 0 : i32
      %dma_wait3A_1120 = arith.constant 0 : i32
      %dma_wait3A_1121 = tpu.memref_slice %arg5[%dma_wait3A_1110, %dma_wait3A_1119, %dma_wait3A_1120] : memref<10x2x48xi32, #tpu.memory_space<vmem>> -> memref<1x2x48xi32, #tpu.memory_space<vmem>>
      %dma_wait3A_1122 = tpu.memref_squeeze %dma_wait3A_1121 : memref<1x2x48xi32, #tpu.memory_space<vmem>> -> memref<2x48xi32, #tpu.memory_space<vmem>>
      %dma_wait3A_1123 = arith.constant 0 : i32
      %dma_wait3A_1124 = arith.constant 0 : i32
      %dma_wait3A_1125 = tpu.memref_slice %arg3[%dma_wait3A_1109, %dma_wait3A_1123, %dma_wait3A_1124] : memref<6720x2x48xi32, #tpu.memory_space<hbm>> -> memref<1x2x48xi32, #tpu.memory_space<hbm>>
      %dma_wait3A_1126 = tpu.memref_squeeze %dma_wait3A_1125 : memref<1x2x48xi32, #tpu.memory_space<hbm>> -> memref<2x48xi32, #tpu.memory_space<hbm>>
      tpu.wait_dma2 semaphore(%arg17 : memref<!tpu.dma_semaphore, #tpu.memory_space<semaphore_mem>>) src(%dma_wait3A_1126 : memref<2x48xi32, #tpu.memory_space<hbm>>) dst(%dma_wait3A_1122 : memref<2x48xi32, #tpu.memory_space<vmem>>)
      %add3A_1127 = arith.constant 5 : i32
      %add3A_1128 = arith.addi %add3A_1072, %add3A_1127 : i32
      %dma_start3A_1129 = arith.constant 9 : i32
      %dma_start3A_1130 = arith.constant 0 : i32
      %dma_start3A_1131 = arith.constant 4 : i32
      %dma_start3A_1132 = arith.constant 0 : i32
      %dma_start3A_1133 = arith.constant 0 : i32
      %dma_start3A_1134 = tpu.memref_slice %arg6[%dma_start3A_1131, %dma_start3A_1132, %dma_start3A_1133] : memref<5x48x128xf32, #tpu.memory_space<vmem>> -> memref<1x48x128xf32, #tpu.memory_space<vmem>>
      %dma_start3A_1135 = tpu.memref_squeeze %dma_start3A_1134 : memref<1x48x128xf32, #tpu.memory_space<vmem>> -> memref<48x128xf32, #tpu.memory_space<vmem>>
      %dma_start3A_1136 = arith.constant 0 : i32
      %dma_start3A_1137 = tpu.memref_slice %arg5[%dma_start3A_1129, %dma_start3A_1130, %dma_start3A_1136] : memref<10x2x48xi32, #tpu.memory_space<vmem>> -> memref<1x1x48xi32, #tpu.memory_space<vmem>>
      %dma_start3A_1138 = tpu.memref_squeeze %dma_start3A_1137 : memref<1x1x48xi32, #tpu.memory_space<vmem>> -> memref<48xi32, #tpu.memory_space<vmem>>
      %dma_start3A_1139 = arith.constant 0 : i32
      %dma_start3A_1140 = arith.constant 0 : i32
      %dma_start3A_1141 = tpu.memref_slice %arg2[%dma_start3A_1139, %dma_start3A_1140] : memref<10000x128xf32, #tpu.memory_space<hbm>> -> memref<10000x128xf32, #tpu.memory_space<hbm>>
      tpu.enqueue_indirect_dma source(%dma_start3A_1141 : memref<10000x128xf32, #tpu.memory_space<hbm>>) target(%dma_start3A_1135 : memref<48x128xf32, #tpu.memory_space<vmem>>) offsets(%dma_start3A_1138 : memref<48xi32, #tpu.memory_space<vmem>>) semaphore(%arg22 : memref<!tpu.dma_semaphore, #tpu.memory_space<semaphore_mem>>)
      %add3A_1142 = arith.constant 5 : i32
      %add3A_1143 = arith.addi %add3A_786, %add3A_1142 : i32
      %dma_wait3A_1144 = arith.constant 0 : i32
      %dma_wait3A_1145 = arith.constant 0 : i32
      %dma_wait3A_1146 = arith.constant 0 : i32
      %dma_wait3A_1147 = arith.constant 0 : i32
      %dma_wait3A_1148 = arith.constant 0 : i32
      %dma_wait3A_1149 = tpu.memref_slice %arg6[%dma_wait3A_1146, %dma_wait3A_1147, %dma_wait3A_1148] : memref<5x48x128xf32, #tpu.memory_space<vmem>> -> memref<1x48x128xf32, #tpu.memory_space<vmem>>
      %dma_wait3A_1150 = tpu.memref_squeeze %dma_wait3A_1149 : memref<1x48x128xf32, #tpu.memory_space<vmem>> -> memref<48x128xf32, #tpu.memory_space<vmem>>
      %dma_wait3A_1151 = arith.constant 0 : i32
      %dma_wait3A_1152 = tpu.memref_slice %arg5[%dma_wait3A_1144, %dma_wait3A_1145, %dma_wait3A_1151] : memref<10x2x48xi32, #tpu.memory_space<vmem>> -> memref<1x1x48xi32, #tpu.memory_space<vmem>>
      %dma_wait3A_1153 = tpu.memref_squeeze %dma_wait3A_1152 : memref<1x1x48xi32, #tpu.memory_space<vmem>> -> memref<48xi32, #tpu.memory_space<vmem>>
      %dma_wait3A_1154 = arith.constant 0 : i32
      %dma_wait3A_1155 = arith.constant 0 : i32
      %dma_wait3A_1156 = tpu.memref_slice %arg2[%dma_wait3A_1154, %dma_wait3A_1155] : memref<10000x128xf32, #tpu.memory_space<hbm>> -> memref<10000x128xf32, #tpu.memory_space<hbm>>
      tpu.wait_indirect_dma semaphore(%arg18 : memref<!tpu.dma_semaphore, #tpu.memory_space<semaphore_mem>>) src(%dma_wait3A_1156 : memref<10000x128xf32, #tpu.memory_space<hbm>>) dst(%dma_wait3A_1150 : memref<48x128xf32, #tpu.memory_space<vmem>>)
      %run_scoped3A_1157 = arith.constant 0 : i32
      %run_scoped3A_1158 = arith.constant 5 : i32
      %run_scoped3A_1159 = arith.constant 1 : i32
      "tpu.region"() ({
        %run_scoped3A_1497 = tpu.sem_alloc : memref<!tpu.dma_semaphore, #tpu.memory_space<semaphore_mem>>
        %dma_start3A_1498 = arith.constant 0 : i32
        %dma_start3A_1499 = arith.constant 0 : i32
        %dma_start3A_1500 = tpu.memref_slice %arg6[%run_scoped3A_1157, %dma_start3A_1498, %dma_start3A_1499] : memref<5x48x128xf32, #tpu.memory_space<vmem>> -> memref<1x48x128xf32, #tpu.memory_space<vmem>>
        %dma_start3A_1501 = tpu.memref_squeeze %dma_start3A_1500 : memref<1x48x128xf32, #tpu.memory_space<vmem>> -> memref<48x128xf32, #tpu.memory_space<vmem>>
        %dma_start3A_1502 = arith.constant 0 : i32
        %dma_start3A_1503 = tpu.memref_slice %arg5[%run_scoped3A_1158, %run_scoped3A_1159, %dma_start3A_1502] : memref<10x2x48xi32, #tpu.memory_space<vmem>> -> memref<1x1x48xi32, #tpu.memory_space<vmem>>
        %dma_start3A_1504 = tpu.memref_squeeze %dma_start3A_1503 : memref<1x1x48xi32, #tpu.memory_space<vmem>> -> memref<48xi32, #tpu.memory_space<vmem>>
        %dma_start3A_1505 = arith.constant 0 : i32
        %dma_start3A_1506 = arith.constant 0 : i32
        %dma_start3A_1507 = tpu.memref_slice %arg7[%dma_start3A_1505, %dma_start3A_1506] : memref<10112x128xf32, #tpu.memory_space<vmem_shared>> -> memref<10112x128xf32, #tpu.memory_space<vmem_shared>>
        tpu.enqueue_indirect_dma source(%dma_start3A_1501 : memref<48x128xf32, #tpu.memory_space<vmem>>) target(%dma_start3A_1507 : memref<10112x128xf32, #tpu.memory_space<vmem_shared>>) offsets(%dma_start3A_1504 : memref<48xi32, #tpu.memory_space<vmem>>) semaphore(%run_scoped3A_1497 : memref<!tpu.dma_semaphore, #tpu.memory_space<semaphore_mem>>) {add = true}
        %dma_wait3A_1508 = arith.constant 0 : i32
        %dma_wait3A_1509 = arith.constant 0 : i32
        %dma_wait3A_1510 = tpu.memref_slice %arg6[%run_scoped3A_1157, %dma_wait3A_1508, %dma_wait3A_1509] : memref<5x48x128xf32, #tpu.memory_space<vmem>> -> memref<1x48x128xf32, #tpu.memory_space<vmem>>
        %dma_wait3A_1511 = tpu.memref_squeeze %dma_wait3A_1510 : memref<1x48x128xf32, #tpu.memory_space<vmem>> -> memref<48x128xf32, #tpu.memory_space<vmem>>
        %dma_wait3A_1512 = arith.constant 0 : i32
        %dma_wait3A_1513 = tpu.memref_slice %arg5[%run_scoped3A_1158, %run_scoped3A_1159, %dma_wait3A_1512] : memref<10x2x48xi32, #tpu.memory_space<vmem>> -> memref<1x1x48xi32, #tpu.memory_space<vmem>>
        %dma_wait3A_1514 = tpu.memref_squeeze %dma_wait3A_1513 : memref<1x1x48xi32, #tpu.memory_space<vmem>> -> memref<48xi32, #tpu.memory_space<vmem>>
        %dma_wait3A_1515 = arith.constant 0 : i32
        %dma_wait3A_1516 = arith.constant 0 : i32
        %dma_wait3A_1517 = tpu.memref_slice %arg7[%dma_wait3A_1515, %dma_wait3A_1516] : memref<10112x128xf32, #tpu.memory_space<vmem_shared>> -> memref<10112x128xf32, #tpu.memory_space<vmem_shared>>
        tpu.wait_indirect_dma semaphore(%run_scoped3A_1497 : memref<!tpu.dma_semaphore, #tpu.memory_space<semaphore_mem>>) src(%dma_wait3A_1511 : memref<48x128xf32, #tpu.memory_space<vmem>>) dst(%dma_wait3A_1517 : memref<10112x128xf32, #tpu.memory_space<vmem_shared>>)
        tpu.yield
      }) : () -> ()
      %add3A_1160 = arith.constant 10 : i32
      %add3A_1161 = arith.addi %add3A_1143, %add3A_1160 : i32
      %add3A_1162 = arith.addi %select_n3A_8, %add3A_1161 : i32
      %dma_start3A_1163 = arith.constant 5 : i32
      %dma_start3A_1164 = arith.constant 0 : i32
      %dma_start3A_1165 = arith.constant 0 : i32
      %dma_start3A_1166 = tpu.memref_slice %arg5[%dma_start3A_1163, %dma_start3A_1164, %dma_start3A_1165] : memref<10x2x48xi32, #tpu.memory_space<vmem>> -> memref<1x2x48xi32, #tpu.memory_space<vmem>>
      %dma_start3A_1167 = tpu.memref_squeeze %dma_start3A_1166 : memref<1x2x48xi32, #tpu.memory_space<vmem>> -> memref<2x48xi32, #tpu.memory_space<vmem>>
      %dma_start3A_1168 = arith.constant 0 : i32
      %dma_start3A_1169 = arith.constant 0 : i32
      %dma_start3A_1170 = tpu.memref_slice %arg3[%add3A_1162, %dma_start3A_1168, %dma_start3A_1169] : memref<6720x2x48xi32, #tpu.memory_space<hbm>> -> memref<1x2x48xi32, #tpu.memory_space<hbm>>
      %dma_start3A_1171 = tpu.memref_squeeze %dma_start3A_1170 : memref<1x2x48xi32, #tpu.memory_space<hbm>> -> memref<2x48xi32, #tpu.memory_space<hbm>>
      %dma_start3A_1172 = arith.constant 0 : i32
      %dma_start3A_1173 = arith.constant 0 : i32
      %dma_start3A_1174 = tpu.memref_slice %arg5[%dma_start3A_1163, %dma_start3A_1172, %dma_start3A_1173] : memref<10x2x48xi32, #tpu.memory_space<vmem>> -> memref<1x2x48xi32, #tpu.memory_space<vmem>>
      %dma_start3A_1175 = tpu.memref_squeeze %dma_start3A_1174 : memref<1x2x48xi32, #tpu.memory_space<vmem>> -> memref<2x48xi32, #tpu.memory_space<vmem>>
      %dma_start3A_1176 = arith.constant 0 : i32
      %dma_start3A_1177 = arith.constant 0 : i32
      %dma_start3A_1178 = tpu.memref_slice %arg3[%add3A_1162, %dma_start3A_1176, %dma_start3A_1177] : memref<6720x2x48xi32, #tpu.memory_space<hbm>> -> memref<1x2x48xi32, #tpu.memory_space<hbm>>
      %dma_start3A_1179 = tpu.memref_squeeze %dma_start3A_1178 : memref<1x2x48xi32, #tpu.memory_space<hbm>> -> memref<2x48xi32, #tpu.memory_space<hbm>>
      tpu.enqueue_dma source(%dma_start3A_1179 : memref<2x48xi32, #tpu.memory_space<hbm>>) target(%dma_start3A_1175 : memref<2x48xi32, #tpu.memory_space<vmem>>) target_semaphore(%arg13 : memref<!tpu.dma_semaphore, #tpu.memory_space<semaphore_mem>>)
      %dma_wait3A_1180 = arith.constant 0 : i32
      %dma_wait3A_1181 = arith.constant 0 : i32
      %dma_wait3A_1182 = arith.constant 0 : i32
      %dma_wait3A_1183 = arith.constant 0 : i32
      %dma_wait3A_1184 = tpu.memref_slice %arg5[%dma_wait3A_1181, %dma_wait3A_1182, %dma_wait3A_1183] : memref<10x2x48xi32, #tpu.memory_space<vmem>> -> memref<1x2x48xi32, #tpu.memory_space<vmem>>
      %dma_wait3A_1185 = tpu.memref_squeeze %dma_wait3A_1184 : memref<1x2x48xi32, #tpu.memory_space<vmem>> -> memref<2x48xi32, #tpu.memory_space<vmem>>
      %dma_wait3A_1186 = arith.constant 0 : i32
      %dma_wait3A_1187 = arith.constant 0 : i32
      %dma_wait3A_1188 = tpu.memref_slice %arg3[%dma_wait3A_1180, %dma_wait3A_1186, %dma_wait3A_1187] : memref<6720x2x48xi32, #tpu.memory_space<hbm>> -> memref<1x2x48xi32, #tpu.memory_space<hbm>>
      %dma_wait3A_1189 = tpu.memref_squeeze %dma_wait3A_1188 : memref<1x2x48xi32, #tpu.memory_space<hbm>> -> memref<2x48xi32, #tpu.memory_space<hbm>>
      %dma_wait3A_1190 = arith.constant 0 : i32
      %dma_wait3A_1191 = arith.constant 0 : i32
      %dma_wait3A_1192 = tpu.memref_slice %arg5[%dma_wait3A_1181, %dma_wait3A_1190, %dma_wait3A_1191] : memref<10x2x48xi32, #tpu.memory_space<vmem>> -> memref<1x2x48xi32, #tpu.memory_space<vmem>>
      %dma_wait3A_1193 = tpu.memref_squeeze %dma_wait3A_1192 : memref<1x2x48xi32, #tpu.memory_space<vmem>> -> memref<2x48xi32, #tpu.memory_space<vmem>>
      %dma_wait3A_1194 = arith.constant 0 : i32
      %dma_wait3A_1195 = arith.constant 0 : i32
      %dma_wait3A_1196 = tpu.memref_slice %arg3[%dma_wait3A_1180, %dma_wait3A_1194, %dma_wait3A_1195] : memref<6720x2x48xi32, #tpu.memory_space<hbm>> -> memref<1x2x48xi32, #tpu.memory_space<hbm>>
      %dma_wait3A_1197 = tpu.memref_squeeze %dma_wait3A_1196 : memref<1x2x48xi32, #tpu.memory_space<hbm>> -> memref<2x48xi32, #tpu.memory_space<hbm>>
      tpu.wait_dma2 semaphore(%arg8 : memref<!tpu.dma_semaphore, #tpu.memory_space<semaphore_mem>>) src(%dma_wait3A_1197 : memref<2x48xi32, #tpu.memory_space<hbm>>) dst(%dma_wait3A_1193 : memref<2x48xi32, #tpu.memory_space<vmem>>)
      %add3A_1198 = arith.constant 5 : i32
      %add3A_1199 = arith.addi %add3A_1143, %add3A_1198 : i32
      %dma_start3A_1200 = arith.constant 0 : i32
      %dma_start3A_1201 = arith.constant 0 : i32
      %dma_start3A_1202 = arith.constant 0 : i32
      %dma_start3A_1203 = arith.constant 0 : i32
      %dma_start3A_1204 = arith.constant 0 : i32
      %dma_start3A_1205 = tpu.memref_slice %arg6[%dma_start3A_1202, %dma_start3A_1203, %dma_start3A_1204] : memref<5x48x128xf32, #tpu.memory_space<vmem>> -> memref<1x48x128xf32, #tpu.memory_space<vmem>>
      %dma_start3A_1206 = tpu.memref_squeeze %dma_start3A_1205 : memref<1x48x128xf32, #tpu.memory_space<vmem>> -> memref<48x128xf32, #tpu.memory_space<vmem>>
      %dma_start3A_1207 = arith.constant 0 : i32
      %dma_start3A_1208 = tpu.memref_slice %arg5[%dma_start3A_1200, %dma_start3A_1201, %dma_start3A_1207] : memref<10x2x48xi32, #tpu.memory_space<vmem>> -> memref<1x1x48xi32, #tpu.memory_space<vmem>>
      %dma_start3A_1209 = tpu.memref_squeeze %dma_start3A_1208 : memref<1x1x48xi32, #tpu.memory_space<vmem>> -> memref<48xi32, #tpu.memory_space<vmem>>
      %dma_start3A_1210 = arith.constant 0 : i32
      %dma_start3A_1211 = arith.constant 0 : i32
      %dma_start3A_1212 = tpu.memref_slice %arg2[%dma_start3A_1210, %dma_start3A_1211] : memref<10000x128xf32, #tpu.memory_space<hbm>> -> memref<10000x128xf32, #tpu.memory_space<hbm>>
      tpu.enqueue_indirect_dma source(%dma_start3A_1212 : memref<10000x128xf32, #tpu.memory_space<hbm>>) target(%dma_start3A_1206 : memref<48x128xf32, #tpu.memory_space<vmem>>) offsets(%dma_start3A_1209 : memref<48xi32, #tpu.memory_space<vmem>>) semaphore(%arg18 : memref<!tpu.dma_semaphore, #tpu.memory_space<semaphore_mem>>)
      %add3A_1213 = arith.constant 6 : i32
      %add3A_1214 = arith.addi %add3A_786, %add3A_1213 : i32
      %dma_wait3A_1215 = arith.constant 0 : i32
      %dma_wait3A_1216 = arith.constant 0 : i32
      %dma_wait3A_1217 = arith.constant 1 : i32
      %dma_wait3A_1218 = arith.constant 0 : i32
      %dma_wait3A_1219 = arith.constant 0 : i32
      %dma_wait3A_1220 = tpu.memref_slice %arg6[%dma_wait3A_1217, %dma_wait3A_1218, %dma_wait3A_1219] : memref<5x48x128xf32, #tpu.memory_space<vmem>> -> memref<1x48x128xf32, #tpu.memory_space<vmem>>
      %dma_wait3A_1221 = tpu.memref_squeeze %dma_wait3A_1220 : memref<1x48x128xf32, #tpu.memory_space<vmem>> -> memref<48x128xf32, #tpu.memory_space<vmem>>
      %dma_wait3A_1222 = arith.constant 0 : i32
      %dma_wait3A_1223 = tpu.memref_slice %arg5[%dma_wait3A_1215, %dma_wait3A_1216, %dma_wait3A_1222] : memref<10x2x48xi32, #tpu.memory_space<vmem>> -> memref<1x1x48xi32, #tpu.memory_space<vmem>>
      %dma_wait3A_1224 = tpu.memref_squeeze %dma_wait3A_1223 : memref<1x1x48xi32, #tpu.memory_space<vmem>> -> memref<48xi32, #tpu.memory_space<vmem>>
      %dma_wait3A_1225 = arith.constant 0 : i32
      %dma_wait3A_1226 = arith.constant 0 : i32
      %dma_wait3A_1227 = tpu.memref_slice %arg2[%dma_wait3A_1225, %dma_wait3A_1226] : memref<10000x128xf32, #tpu.memory_space<hbm>> -> memref<10000x128xf32, #tpu.memory_space<hbm>>
      tpu.wait_indirect_dma semaphore(%arg19 : memref<!tpu.dma_semaphore, #tpu.memory_space<semaphore_mem>>) src(%dma_wait3A_1227 : memref<10000x128xf32, #tpu.memory_space<hbm>>) dst(%dma_wait3A_1221 : memref<48x128xf32, #tpu.memory_space<vmem>>)
      %run_scoped3A_1228 = arith.constant 1 : i32
      %run_scoped3A_1229 = arith.constant 6 : i32
      %run_scoped3A_1230 = arith.constant 1 : i32
      "tpu.region"() ({
        %run_scoped3A_1497 = tpu.sem_alloc : memref<!tpu.dma_semaphore, #tpu.memory_space<semaphore_mem>>
        %dma_start3A_1498 = arith.constant 0 : i32
        %dma_start3A_1499 = arith.constant 0 : i32
        %dma_start3A_1500 = tpu.memref_slice %arg6[%run_scoped3A_1228, %dma_start3A_1498, %dma_start3A_1499] : memref<5x48x128xf32, #tpu.memory_space<vmem>> -> memref<1x48x128xf32, #tpu.memory_space<vmem>>
        %dma_start3A_1501 = tpu.memref_squeeze %dma_start3A_1500 : memref<1x48x128xf32, #tpu.memory_space<vmem>> -> memref<48x128xf32, #tpu.memory_space<vmem>>
        %dma_start3A_1502 = arith.constant 0 : i32
        %dma_start3A_1503 = tpu.memref_slice %arg5[%run_scoped3A_1229, %run_scoped3A_1230, %dma_start3A_1502] : memref<10x2x48xi32, #tpu.memory_space<vmem>> -> memref<1x1x48xi32, #tpu.memory_space<vmem>>
        %dma_start3A_1504 = tpu.memref_squeeze %dma_start3A_1503 : memref<1x1x48xi32, #tpu.memory_space<vmem>> -> memref<48xi32, #tpu.memory_space<vmem>>
        %dma_start3A_1505 = arith.constant 0 : i32
        %dma_start3A_1506 = arith.constant 0 : i32
        %dma_start3A_1507 = tpu.memref_slice %arg7[%dma_start3A_1505, %dma_start3A_1506] : memref<10112x128xf32, #tpu.memory_space<vmem_shared>> -> memref<10112x128xf32, #tpu.memory_space<vmem_shared>>
        tpu.enqueue_indirect_dma source(%dma_start3A_1501 : memref<48x128xf32, #tpu.memory_space<vmem>>) target(%dma_start3A_1507 : memref<10112x128xf32, #tpu.memory_space<vmem_shared>>) offsets(%dma_start3A_1504 : memref<48xi32, #tpu.memory_space<vmem>>) semaphore(%run_scoped3A_1497 : memref<!tpu.dma_semaphore, #tpu.memory_space<semaphore_mem>>) {add = true}
        %dma_wait3A_1508 = arith.constant 0 : i32
        %dma_wait3A_1509 = arith.constant 0 : i32
        %dma_wait3A_1510 = tpu.memref_slice %arg6[%run_scoped3A_1228, %dma_wait3A_1508, %dma_wait3A_1509] : memref<5x48x128xf32, #tpu.memory_space<vmem>> -> memref<1x48x128xf32, #tpu.memory_space<vmem>>
        %dma_wait3A_1511 = tpu.memref_squeeze %dma_wait3A_1510 : memref<1x48x128xf32, #tpu.memory_space<vmem>> -> memref<48x128xf32, #tpu.memory_space<vmem>>
        %dma_wait3A_1512 = arith.constant 0 : i32
        %dma_wait3A_1513 = tpu.memref_slice %arg5[%run_scoped3A_1229, %run_scoped3A_1230, %dma_wait3A_1512] : memref<10x2x48xi32, #tpu.memory_space<vmem>> -> memref<1x1x48xi32, #tpu.memory_space<vmem>>
        %dma_wait3A_1514 = tpu.memref_squeeze %dma_wait3A_1513 : memref<1x1x48xi32, #tpu.memory_space<vmem>> -> memref<48xi32, #tpu.memory_space<vmem>>
        %dma_wait3A_1515 = arith.constant 0 : i32
        %dma_wait3A_1516 = arith.constant 0 : i32
        %dma_wait3A_1517 = tpu.memref_slice %arg7[%dma_wait3A_1515, %dma_wait3A_1516] : memref<10112x128xf32, #tpu.memory_space<vmem_shared>> -> memref<10112x128xf32, #tpu.memory_space<vmem_shared>>
        tpu.wait_indirect_dma semaphore(%run_scoped3A_1497 : memref<!tpu.dma_semaphore, #tpu.memory_space<semaphore_mem>>) src(%dma_wait3A_1511 : memref<48x128xf32, #tpu.memory_space<vmem>>) dst(%dma_wait3A_1517 : memref<10112x128xf32, #tpu.memory_space<vmem_shared>>)
        tpu.yield
      }) : () -> ()
      %add3A_1231 = arith.constant 10 : i32
      %add3A_1232 = arith.addi %add3A_1214, %add3A_1231 : i32
      %add3A_1233 = arith.addi %select_n3A_8, %add3A_1232 : i32
      %dma_start3A_1234 = arith.constant 6 : i32
      %dma_start3A_1235 = arith.constant 0 : i32
      %dma_start3A_1236 = arith.constant 0 : i32
      %dma_start3A_1237 = tpu.memref_slice %arg5[%dma_start3A_1234, %dma_start3A_1235, %dma_start3A_1236] : memref<10x2x48xi32, #tpu.memory_space<vmem>> -> memref<1x2x48xi32, #tpu.memory_space<vmem>>
      %dma_start3A_1238 = tpu.memref_squeeze %dma_start3A_1237 : memref<1x2x48xi32, #tpu.memory_space<vmem>> -> memref<2x48xi32, #tpu.memory_space<vmem>>
      %dma_start3A_1239 = arith.constant 0 : i32
      %dma_start3A_1240 = arith.constant 0 : i32
      %dma_start3A_1241 = tpu.memref_slice %arg3[%add3A_1233, %dma_start3A_1239, %dma_start3A_1240] : memref<6720x2x48xi32, #tpu.memory_space<hbm>> -> memref<1x2x48xi32, #tpu.memory_space<hbm>>
      %dma_start3A_1242 = tpu.memref_squeeze %dma_start3A_1241 : memref<1x2x48xi32, #tpu.memory_space<hbm>> -> memref<2x48xi32, #tpu.memory_space<hbm>>
      %dma_start3A_1243 = arith.constant 0 : i32
      %dma_start3A_1244 = arith.constant 0 : i32
      %dma_start3A_1245 = tpu.memref_slice %arg5[%dma_start3A_1234, %dma_start3A_1243, %dma_start3A_1244] : memref<10x2x48xi32, #tpu.memory_space<vmem>> -> memref<1x2x48xi32, #tpu.memory_space<vmem>>
      %dma_start3A_1246 = tpu.memref_squeeze %dma_start3A_1245 : memref<1x2x48xi32, #tpu.memory_space<vmem>> -> memref<2x48xi32, #tpu.memory_space<vmem>>
      %dma_start3A_1247 = arith.constant 0 : i32
      %dma_start3A_1248 = arith.constant 0 : i32
      %dma_start3A_1249 = tpu.memref_slice %arg3[%add3A_1233, %dma_start3A_1247, %dma_start3A_1248] : memref<6720x2x48xi32, #tpu.memory_space<hbm>> -> memref<1x2x48xi32, #tpu.memory_space<hbm>>
      %dma_start3A_1250 = tpu.memref_squeeze %dma_start3A_1249 : memref<1x2x48xi32, #tpu.memory_space<hbm>> -> memref<2x48xi32, #tpu.memory_space<hbm>>
      tpu.enqueue_dma source(%dma_start3A_1250 : memref<2x48xi32, #tpu.memory_space<hbm>>) target(%dma_start3A_1246 : memref<2x48xi32, #tpu.memory_space<vmem>>) target_semaphore(%arg14 : memref<!tpu.dma_semaphore, #tpu.memory_space<semaphore_mem>>)
      %dma_wait3A_1251 = arith.constant 0 : i32
      %dma_wait3A_1252 = arith.constant 1 : i32
      %dma_wait3A_1253 = arith.constant 0 : i32
      %dma_wait3A_1254 = arith.constant 0 : i32
      %dma_wait3A_1255 = tpu.memref_slice %arg5[%dma_wait3A_1252, %dma_wait3A_1253, %dma_wait3A_1254] : memref<10x2x48xi32, #tpu.memory_space<vmem>> -> memref<1x2x48xi32, #tpu.memory_space<vmem>>
      %dma_wait3A_1256 = tpu.memref_squeeze %dma_wait3A_1255 : memref<1x2x48xi32, #tpu.memory_space<vmem>> -> memref<2x48xi32, #tpu.memory_space<vmem>>
      %dma_wait3A_1257 = arith.constant 0 : i32
      %dma_wait3A_1258 = arith.constant 0 : i32
      %dma_wait3A_1259 = tpu.memref_slice %arg3[%dma_wait3A_1251, %dma_wait3A_1257, %dma_wait3A_1258] : memref<6720x2x48xi32, #tpu.memory_space<hbm>> -> memref<1x2x48xi32, #tpu.memory_space<hbm>>
      %dma_wait3A_1260 = tpu.memref_squeeze %dma_wait3A_1259 : memref<1x2x48xi32, #tpu.memory_space<hbm>> -> memref<2x48xi32, #tpu.memory_space<hbm>>
      %dma_wait3A_1261 = arith.constant 0 : i32
      %dma_wait3A_1262 = arith.constant 0 : i32
      %dma_wait3A_1263 = tpu.memref_slice %arg5[%dma_wait3A_1252, %dma_wait3A_1261, %dma_wait3A_1262] : memref<10x2x48xi32, #tpu.memory_space<vmem>> -> memref<1x2x48xi32, #tpu.memory_space<vmem>>
      %dma_wait3A_1264 = tpu.memref_squeeze %dma_wait3A_1263 : memref<1x2x48xi32, #tpu.memory_space<vmem>> -> memref<2x48xi32, #tpu.memory_space<vmem>>
      %dma_wait3A_1265 = arith.constant 0 : i32
      %dma_wait3A_1266 = arith.constant 0 : i32
      %dma_wait3A_1267 = tpu.memref_slice %arg3[%dma_wait3A_1251, %dma_wait3A_1265, %dma_wait3A_1266] : memref<6720x2x48xi32, #tpu.memory_space<hbm>> -> memref<1x2x48xi32, #tpu.memory_space<hbm>>
      %dma_wait3A_1268 = tpu.memref_squeeze %dma_wait3A_1267 : memref<1x2x48xi32, #tpu.memory_space<hbm>> -> memref<2x48xi32, #tpu.memory_space<hbm>>
      tpu.wait_dma2 semaphore(%arg9 : memref<!tpu.dma_semaphore, #tpu.memory_space<semaphore_mem>>) src(%dma_wait3A_1268 : memref<2x48xi32, #tpu.memory_space<hbm>>) dst(%dma_wait3A_1264 : memref<2x48xi32, #tpu.memory_space<vmem>>)
      %add3A_1269 = arith.constant 5 : i32
      %add3A_1270 = arith.addi %add3A_1214, %add3A_1269 : i32
      %dma_start3A_1271 = arith.constant 1 : i32
      %dma_start3A_1272 = arith.constant 0 : i32
      %dma_start3A_1273 = arith.constant 1 : i32
      %dma_start3A_1274 = arith.constant 0 : i32
      %dma_start3A_1275 = arith.constant 0 : i32
      %dma_start3A_1276 = tpu.memref_slice %arg6[%dma_start3A_1273, %dma_start3A_1274, %dma_start3A_1275] : memref<5x48x128xf32, #tpu.memory_space<vmem>> -> memref<1x48x128xf32, #tpu.memory_space<vmem>>
      %dma_start3A_1277 = tpu.memref_squeeze %dma_start3A_1276 : memref<1x48x128xf32, #tpu.memory_space<vmem>> -> memref<48x128xf32, #tpu.memory_space<vmem>>
      %dma_start3A_1278 = arith.constant 0 : i32
      %dma_start3A_1279 = tpu.memref_slice %arg5[%dma_start3A_1271, %dma_start3A_1272, %dma_start3A_1278] : memref<10x2x48xi32, #tpu.memory_space<vmem>> -> memref<1x1x48xi32, #tpu.memory_space<vmem>>
      %dma_start3A_1280 = tpu.memref_squeeze %dma_start3A_1279 : memref<1x1x48xi32, #tpu.memory_space<vmem>> -> memref<48xi32, #tpu.memory_space<vmem>>
      %dma_start3A_1281 = arith.constant 0 : i32
      %dma_start3A_1282 = arith.constant 0 : i32
      %dma_start3A_1283 = tpu.memref_slice %arg2[%dma_start3A_1281, %dma_start3A_1282] : memref<10000x128xf32, #tpu.memory_space<hbm>> -> memref<10000x128xf32, #tpu.memory_space<hbm>>
      tpu.enqueue_indirect_dma source(%dma_start3A_1283 : memref<10000x128xf32, #tpu.memory_space<hbm>>) target(%dma_start3A_1277 : memref<48x128xf32, #tpu.memory_space<vmem>>) offsets(%dma_start3A_1280 : memref<48xi32, #tpu.memory_space<vmem>>) semaphore(%arg19 : memref<!tpu.dma_semaphore, #tpu.memory_space<semaphore_mem>>)
      %add3A_1284 = arith.constant 7 : i32
      %add3A_1285 = arith.addi %add3A_786, %add3A_1284 : i32
      %dma_wait3A_1286 = arith.constant 0 : i32
      %dma_wait3A_1287 = arith.constant 0 : i32
      %dma_wait3A_1288 = arith.constant 2 : i32
      %dma_wait3A_1289 = arith.constant 0 : i32
      %dma_wait3A_1290 = arith.constant 0 : i32
      %dma_wait3A_1291 = tpu.memref_slice %arg6[%dma_wait3A_1288, %dma_wait3A_1289, %dma_wait3A_1290] : memref<5x48x128xf32, #tpu.memory_space<vmem>> -> memref<1x48x128xf32, #tpu.memory_space<vmem>>
      %dma_wait3A_1292 = tpu.memref_squeeze %dma_wait3A_1291 : memref<1x48x128xf32, #tpu.memory_space<vmem>> -> memref<48x128xf32, #tpu.memory_space<vmem>>
      %dma_wait3A_1293 = arith.constant 0 : i32
      %dma_wait3A_1294 = tpu.memref_slice %arg5[%dma_wait3A_1286, %dma_wait3A_1287, %dma_wait3A_1293] : memref<10x2x48xi32, #tpu.memory_space<vmem>> -> memref<1x1x48xi32, #tpu.memory_space<vmem>>
      %dma_wait3A_1295 = tpu.memref_squeeze %dma_wait3A_1294 : memref<1x1x48xi32, #tpu.memory_space<vmem>> -> memref<48xi32, #tpu.memory_space<vmem>>
      %dma_wait3A_1296 = arith.constant 0 : i32
      %dma_wait3A_1297 = arith.constant 0 : i32
      %dma_wait3A_1298 = tpu.memref_slice %arg2[%dma_wait3A_1296, %dma_wait3A_1297] : memref<10000x128xf32, #tpu.memory_space<hbm>> -> memref<10000x128xf32, #tpu.memory_space<hbm>>
      tpu.wait_indirect_dma semaphore(%arg20 : memref<!tpu.dma_semaphore, #tpu.memory_space<semaphore_mem>>) src(%dma_wait3A_1298 : memref<10000x128xf32, #tpu.memory_space<hbm>>) dst(%dma_wait3A_1292 : memref<48x128xf32, #tpu.memory_space<vmem>>)
      %run_scoped3A_1299 = arith.constant 2 : i32
      %run_scoped3A_1300 = arith.constant 7 : i32
      %run_scoped3A_1301 = arith.constant 1 : i32
      "tpu.region"() ({
        %run_scoped3A_1497 = tpu.sem_alloc : memref<!tpu.dma_semaphore, #tpu.memory_space<semaphore_mem>>
        %dma_start3A_1498 = arith.constant 0 : i32
        %dma_start3A_1499 = arith.constant 0 : i32
        %dma_start3A_1500 = tpu.memref_slice %arg6[%run_scoped3A_1299, %dma_start3A_1498, %dma_start3A_1499] : memref<5x48x128xf32, #tpu.memory_space<vmem>> -> memref<1x48x128xf32, #tpu.memory_space<vmem>>
        %dma_start3A_1501 = tpu.memref_squeeze %dma_start3A_1500 : memref<1x48x128xf32, #tpu.memory_space<vmem>> -> memref<48x128xf32, #tpu.memory_space<vmem>>
        %dma_start3A_1502 = arith.constant 0 : i32
        %dma_start3A_1503 = tpu.memref_slice %arg5[%run_scoped3A_1300, %run_scoped3A_1301, %dma_start3A_1502] : memref<10x2x48xi32, #tpu.memory_space<vmem>> -> memref<1x1x48xi32, #tpu.memory_space<vmem>>
        %dma_start3A_1504 = tpu.memref_squeeze %dma_start3A_1503 : memref<1x1x48xi32, #tpu.memory_space<vmem>> -> memref<48xi32, #tpu.memory_space<vmem>>
        %dma_start3A_1505 = arith.constant 0 : i32
        %dma_start3A_1506 = arith.constant 0 : i32
        %dma_start3A_1507 = tpu.memref_slice %arg7[%dma_start3A_1505, %dma_start3A_1506] : memref<10112x128xf32, #tpu.memory_space<vmem_shared>> -> memref<10112x128xf32, #tpu.memory_space<vmem_shared>>
        tpu.enqueue_indirect_dma source(%dma_start3A_1501 : memref<48x128xf32, #tpu.memory_space<vmem>>) target(%dma_start3A_1507 : memref<10112x128xf32, #tpu.memory_space<vmem_shared>>) offsets(%dma_start3A_1504 : memref<48xi32, #tpu.memory_space<vmem>>) semaphore(%run_scoped3A_1497 : memref<!tpu.dma_semaphore, #tpu.memory_space<semaphore_mem>>) {add = true}
        %dma_wait3A_1508 = arith.constant 0 : i32
        %dma_wait3A_1509 = arith.constant 0 : i32
        %dma_wait3A_1510 = tpu.memref_slice %arg6[%run_scoped3A_1299, %dma_wait3A_1508, %dma_wait3A_1509] : memref<5x48x128xf32, #tpu.memory_space<vmem>> -> memref<1x48x128xf32, #tpu.memory_space<vmem>>
        %dma_wait3A_1511 = tpu.memref_squeeze %dma_wait3A_1510 : memref<1x48x128xf32, #tpu.memory_space<vmem>> -> memref<48x128xf32, #tpu.memory_space<vmem>>
        %dma_wait3A_1512 = arith.constant 0 : i32
        %dma_wait3A_1513 = tpu.memref_slice %arg5[%run_scoped3A_1300, %run_scoped3A_1301, %dma_wait3A_1512] : memref<10x2x48xi32, #tpu.memory_space<vmem>> -> memref<1x1x48xi32, #tpu.memory_space<vmem>>
        %dma_wait3A_1514 = tpu.memref_squeeze %dma_wait3A_1513 : memref<1x1x48xi32, #tpu.memory_space<vmem>> -> memref<48xi32, #tpu.memory_space<vmem>>
        %dma_wait3A_1515 = arith.constant 0 : i32
        %dma_wait3A_1516 = arith.constant 0 : i32
        %dma_wait3A_1517 = tpu.memref_slice %arg7[%dma_wait3A_1515, %dma_wait3A_1516] : memref<10112x128xf32, #tpu.memory_space<vmem_shared>> -> memref<10112x128xf32, #tpu.memory_space<vmem_shared>>
        tpu.wait_indirect_dma semaphore(%run_scoped3A_1497 : memref<!tpu.dma_semaphore, #tpu.memory_space<semaphore_mem>>) src(%dma_wait3A_1511 : memref<48x128xf32, #tpu.memory_space<vmem>>) dst(%dma_wait3A_1517 : memref<10112x128xf32, #tpu.memory_space<vmem_shared>>)
        tpu.yield
      }) : () -> ()
      %add3A_1302 = arith.constant 10 : i32
      %add3A_1303 = arith.addi %add3A_1285, %add3A_1302 : i32
      %add3A_1304 = arith.addi %select_n3A_8, %add3A_1303 : i32
      %dma_start3A_1305 = arith.constant 7 : i32
      %dma_start3A_1306 = arith.constant 0 : i32
      %dma_start3A_1307 = arith.constant 0 : i32
      %dma_start3A_1308 = tpu.memref_slice %arg5[%dma_start3A_1305, %dma_start3A_1306, %dma_start3A_1307] : memref<10x2x48xi32, #tpu.memory_space<vmem>> -> memref<1x2x48xi32, #tpu.memory_space<vmem>>
      %dma_start3A_1309 = tpu.memref_squeeze %dma_start3A_1308 : memref<1x2x48xi32, #tpu.memory_space<vmem>> -> memref<2x48xi32, #tpu.memory_space<vmem>>
      %dma_start3A_1310 = arith.constant 0 : i32
      %dma_start3A_1311 = arith.constant 0 : i32
      %dma_start3A_1312 = tpu.memref_slice %arg3[%add3A_1304, %dma_start3A_1310, %dma_start3A_1311] : memref<6720x2x48xi32, #tpu.memory_space<hbm>> -> memref<1x2x48xi32, #tpu.memory_space<hbm>>
      %dma_start3A_1313 = tpu.memref_squeeze %dma_start3A_1312 : memref<1x2x48xi32, #tpu.memory_space<hbm>> -> memref<2x48xi32, #tpu.memory_space<hbm>>
      %dma_start3A_1314 = arith.constant 0 : i32
      %dma_start3A_1315 = arith.constant 0 : i32
      %dma_start3A_1316 = tpu.memref_slice %arg5[%dma_start3A_1305, %dma_start3A_1314, %dma_start3A_1315] : memref<10x2x48xi32, #tpu.memory_space<vmem>> -> memref<1x2x48xi32, #tpu.memory_space<vmem>>
      %dma_start3A_1317 = tpu.memref_squeeze %dma_start3A_1316 : memref<1x2x48xi32, #tpu.memory_space<vmem>> -> memref<2x48xi32, #tpu.memory_space<vmem>>
      %dma_start3A_1318 = arith.constant 0 : i32
      %dma_start3A_1319 = arith.constant 0 : i32
      %dma_start3A_1320 = tpu.memref_slice %arg3[%add3A_1304, %dma_start3A_1318, %dma_start3A_1319] : memref<6720x2x48xi32, #tpu.memory_space<hbm>> -> memref<1x2x48xi32, #tpu.memory_space<hbm>>
      %dma_start3A_1321 = tpu.memref_squeeze %dma_start3A_1320 : memref<1x2x48xi32, #tpu.memory_space<hbm>> -> memref<2x48xi32, #tpu.memory_space<hbm>>
      tpu.enqueue_dma source(%dma_start3A_1321 : memref<2x48xi32, #tpu.memory_space<hbm>>) target(%dma_start3A_1317 : memref<2x48xi32, #tpu.memory_space<vmem>>) target_semaphore(%arg15 : memref<!tpu.dma_semaphore, #tpu.memory_space<semaphore_mem>>)
      %dma_wait3A_1322 = arith.constant 0 : i32
      %dma_wait3A_1323 = arith.constant 2 : i32
      %dma_wait3A_1324 = arith.constant 0 : i32
      %dma_wait3A_1325 = arith.constant 0 : i32
      %dma_wait3A_1326 = tpu.memref_slice %arg5[%dma_wait3A_1323, %dma_wait3A_1324, %dma_wait3A_1325] : memref<10x2x48xi32, #tpu.memory_space<vmem>> -> memref<1x2x48xi32, #tpu.memory_space<vmem>>
      %dma_wait3A_1327 = tpu.memref_squeeze %dma_wait3A_1326 : memref<1x2x48xi32, #tpu.memory_space<vmem>> -> memref<2x48xi32, #tpu.memory_space<vmem>>
      %dma_wait3A_1328 = arith.constant 0 : i32
      %dma_wait3A_1329 = arith.constant 0 : i32
      %dma_wait3A_1330 = tpu.memref_slice %arg3[%dma_wait3A_1322, %dma_wait3A_1328, %dma_wait3A_1329] : memref<6720x2x48xi32, #tpu.memory_space<hbm>> -> memref<1x2x48xi32, #tpu.memory_space<hbm>>
      %dma_wait3A_1331 = tpu.memref_squeeze %dma_wait3A_1330 : memref<1x2x48xi32, #tpu.memory_space<hbm>> -> memref<2x48xi32, #tpu.memory_space<hbm>>
      %dma_wait3A_1332 = arith.constant 0 : i32
      %dma_wait3A_1333 = arith.constant 0 : i32
      %dma_wait3A_1334 = tpu.memref_slice %arg5[%dma_wait3A_1323, %dma_wait3A_1332, %dma_wait3A_1333] : memref<10x2x48xi32, #tpu.memory_space<vmem>> -> memref<1x2x48xi32, #tpu.memory_space<vmem>>
      %dma_wait3A_1335 = tpu.memref_squeeze %dma_wait3A_1334 : memref<1x2x48xi32, #tpu.memory_space<vmem>> -> memref<2x48xi32, #tpu.memory_space<vmem>>
      %dma_wait3A_1336 = arith.constant 0 : i32
      %dma_wait3A_1337 = arith.constant 0 : i32
      %dma_wait3A_1338 = tpu.memref_slice %arg3[%dma_wait3A_1322, %dma_wait3A_1336, %dma_wait3A_1337] : memref<6720x2x48xi32, #tpu.memory_space<hbm>> -> memref<1x2x48xi32, #tpu.memory_space<hbm>>
      %dma_wait3A_1339 = tpu.memref_squeeze %dma_wait3A_1338 : memref<1x2x48xi32, #tpu.memory_space<hbm>> -> memref<2x48xi32, #tpu.memory_space<hbm>>
      tpu.wait_dma2 semaphore(%arg10 : memref<!tpu.dma_semaphore, #tpu.memory_space<semaphore_mem>>) src(%dma_wait3A_1339 : memref<2x48xi32, #tpu.memory_space<hbm>>) dst(%dma_wait3A_1335 : memref<2x48xi32, #tpu.memory_space<vmem>>)
      %add3A_1340 = arith.constant 5 : i32
      %add3A_1341 = arith.addi %add3A_1285, %add3A_1340 : i32
      %dma_start3A_1342 = arith.constant 2 : i32
      %dma_start3A_1343 = arith.constant 0 : i32
      %dma_start3A_1344 = arith.constant 2 : i32
      %dma_start3A_1345 = arith.constant 0 : i32
      %dma_start3A_1346 = arith.constant 0 : i32
      %dma_start3A_1347 = tpu.memref_slice %arg6[%dma_start3A_1344, %dma_start3A_1345, %dma_start3A_1346] : memref<5x48x128xf32, #tpu.memory_space<vmem>> -> memref<1x48x128xf32, #tpu.memory_space<vmem>>
      %dma_start3A_1348 = tpu.memref_squeeze %dma_start3A_1347 : memref<1x48x128xf32, #tpu.memory_space<vmem>> -> memref<48x128xf32, #tpu.memory_space<vmem>>
      %dma_start3A_1349 = arith.constant 0 : i32
      %dma_start3A_1350 = tpu.memref_slice %arg5[%dma_start3A_1342, %dma_start3A_1343, %dma_start3A_1349] : memref<10x2x48xi32, #tpu.memory_space<vmem>> -> memref<1x1x48xi32, #tpu.memory_space<vmem>>
      %dma_start3A_1351 = tpu.memref_squeeze %dma_start3A_1350 : memref<1x1x48xi32, #tpu.memory_space<vmem>> -> memref<48xi32, #tpu.memory_space<vmem>>
      %dma_start3A_1352 = arith.constant 0 : i32
      %dma_start3A_1353 = arith.constant 0 : i32
      %dma_start3A_1354 = tpu.memref_slice %arg2[%dma_start3A_1352, %dma_start3A_1353] : memref<10000x128xf32, #tpu.memory_space<hbm>> -> memref<10000x128xf32, #tpu.memory_space<hbm>>
      tpu.enqueue_indirect_dma source(%dma_start3A_1354 : memref<10000x128xf32, #tpu.memory_space<hbm>>) target(%dma_start3A_1348 : memref<48x128xf32, #tpu.memory_space<vmem>>) offsets(%dma_start3A_1351 : memref<48xi32, #tpu.memory_space<vmem>>) semaphore(%arg20 : memref<!tpu.dma_semaphore, #tpu.memory_space<semaphore_mem>>)
      %add3A_1355 = arith.constant 8 : i32
      %add3A_1356 = arith.addi %add3A_786, %add3A_1355 : i32
      %dma_wait3A_1357 = arith.constant 0 : i32
      %dma_wait3A_1358 = arith.constant 0 : i32
      %dma_wait3A_1359 = arith.constant 3 : i32
      %dma_wait3A_1360 = arith.constant 0 : i32
      %dma_wait3A_1361 = arith.constant 0 : i32
      %dma_wait3A_1362 = tpu.memref_slice %arg6[%dma_wait3A_1359, %dma_wait3A_1360, %dma_wait3A_1361] : memref<5x48x128xf32, #tpu.memory_space<vmem>> -> memref<1x48x128xf32, #tpu.memory_space<vmem>>
      %dma_wait3A_1363 = tpu.memref_squeeze %dma_wait3A_1362 : memref<1x48x128xf32, #tpu.memory_space<vmem>> -> memref<48x128xf32, #tpu.memory_space<vmem>>
      %dma_wait3A_1364 = arith.constant 0 : i32
      %dma_wait3A_1365 = tpu.memref_slice %arg5[%dma_wait3A_1357, %dma_wait3A_1358, %dma_wait3A_1364] : memref<10x2x48xi32, #tpu.memory_space<vmem>> -> memref<1x1x48xi32, #tpu.memory_space<vmem>>
      %dma_wait3A_1366 = tpu.memref_squeeze %dma_wait3A_1365 : memref<1x1x48xi32, #tpu.memory_space<vmem>> -> memref<48xi32, #tpu.memory_space<vmem>>
      %dma_wait3A_1367 = arith.constant 0 : i32
      %dma_wait3A_1368 = arith.constant 0 : i32
      %dma_wait3A_1369 = tpu.memref_slice %arg2[%dma_wait3A_1367, %dma_wait3A_1368] : memref<10000x128xf32, #tpu.memory_space<hbm>> -> memref<10000x128xf32, #tpu.memory_space<hbm>>
      tpu.wait_indirect_dma semaphore(%arg21 : memref<!tpu.dma_semaphore, #tpu.memory_space<semaphore_mem>>) src(%dma_wait3A_1369 : memref<10000x128xf32, #tpu.memory_space<hbm>>) dst(%dma_wait3A_1363 : memref<48x128xf32, #tpu.memory_space<vmem>>)
      %run_scoped3A_1370 = arith.constant 3 : i32
      %run_scoped3A_1371 = arith.constant 8 : i32
      %run_scoped3A_1372 = arith.constant 1 : i32
      "tpu.region"() ({
        %run_scoped3A_1497 = tpu.sem_alloc : memref<!tpu.dma_semaphore, #tpu.memory_space<semaphore_mem>>
        %dma_start3A_1498 = arith.constant 0 : i32
        %dma_start3A_1499 = arith.constant 0 : i32
        %dma_start3A_1500 = tpu.memref_slice %arg6[%run_scoped3A_1370, %dma_start3A_1498, %dma_start3A_1499] : memref<5x48x128xf32, #tpu.memory_space<vmem>> -> memref<1x48x128xf32, #tpu.memory_space<vmem>>
        %dma_start3A_1501 = tpu.memref_squeeze %dma_start3A_1500 : memref<1x48x128xf32, #tpu.memory_space<vmem>> -> memref<48x128xf32, #tpu.memory_space<vmem>>
        %dma_start3A_1502 = arith.constant 0 : i32
        %dma_start3A_1503 = tpu.memref_slice %arg5[%run_scoped3A_1371, %run_scoped3A_1372, %dma_start3A_1502] : memref<10x2x48xi32, #tpu.memory_space<vmem>> -> memref<1x1x48xi32, #tpu.memory_space<vmem>>
        %dma_start3A_1504 = tpu.memref_squeeze %dma_start3A_1503 : memref<1x1x48xi32, #tpu.memory_space<vmem>> -> memref<48xi32, #tpu.memory_space<vmem>>
        %dma_start3A_1505 = arith.constant 0 : i32
        %dma_start3A_1506 = arith.constant 0 : i32
        %dma_start3A_1507 = tpu.memref_slice %arg7[%dma_start3A_1505, %dma_start3A_1506] : memref<10112x128xf32, #tpu.memory_space<vmem_shared>> -> memref<10112x128xf32, #tpu.memory_space<vmem_shared>>
        tpu.enqueue_indirect_dma source(%dma_start3A_1501 : memref<48x128xf32, #tpu.memory_space<vmem>>) target(%dma_start3A_1507 : memref<10112x128xf32, #tpu.memory_space<vmem_shared>>) offsets(%dma_start3A_1504 : memref<48xi32, #tpu.memory_space<vmem>>) semaphore(%run_scoped3A_1497 : memref<!tpu.dma_semaphore, #tpu.memory_space<semaphore_mem>>) {add = true}
        %dma_wait3A_1508 = arith.constant 0 : i32
        %dma_wait3A_1509 = arith.constant 0 : i32
        %dma_wait3A_1510 = tpu.memref_slice %arg6[%run_scoped3A_1370, %dma_wait3A_1508, %dma_wait3A_1509] : memref<5x48x128xf32, #tpu.memory_space<vmem>> -> memref<1x48x128xf32, #tpu.memory_space<vmem>>
        %dma_wait3A_1511 = tpu.memref_squeeze %dma_wait3A_1510 : memref<1x48x128xf32, #tpu.memory_space<vmem>> -> memref<48x128xf32, #tpu.memory_space<vmem>>
        %dma_wait3A_1512 = arith.constant 0 : i32
        %dma_wait3A_1513 = tpu.memref_slice %arg5[%run_scoped3A_1371, %run_scoped3A_1372, %dma_wait3A_1512] : memref<10x2x48xi32, #tpu.memory_space<vmem>> -> memref<1x1x48xi32, #tpu.memory_space<vmem>>
        %dma_wait3A_1514 = tpu.memref_squeeze %dma_wait3A_1513 : memref<1x1x48xi32, #tpu.memory_space<vmem>> -> memref<48xi32, #tpu.memory_space<vmem>>
        %dma_wait3A_1515 = arith.constant 0 : i32
        %dma_wait3A_1516 = arith.constant 0 : i32
        %dma_wait3A_1517 = tpu.memref_slice %arg7[%dma_wait3A_1515, %dma_wait3A_1516] : memref<10112x128xf32, #tpu.memory_space<vmem_shared>> -> memref<10112x128xf32, #tpu.memory_space<vmem_shared>>
        tpu.wait_indirect_dma semaphore(%run_scoped3A_1497 : memref<!tpu.dma_semaphore, #tpu.memory_space<semaphore_mem>>) src(%dma_wait3A_1511 : memref<48x128xf32, #tpu.memory_space<vmem>>) dst(%dma_wait3A_1517 : memref<10112x128xf32, #tpu.memory_space<vmem_shared>>)
        tpu.yield
      }) : () -> ()
      %add3A_1373 = arith.constant 10 : i32
      %add3A_1374 = arith.addi %add3A_1356, %add3A_1373 : i32
      %add3A_1375 = arith.addi %select_n3A_8, %add3A_1374 : i32
      %dma_start3A_1376 = arith.constant 8 : i32
      %dma_start3A_1377 = arith.constant 0 : i32
      %dma_start3A_1378 = arith.constant 0 : i32
      %dma_start3A_1379 = tpu.memref_slice %arg5[%dma_start3A_1376, %dma_start3A_1377, %dma_start3A_1378] : memref<10x2x48xi32, #tpu.memory_space<vmem>> -> memref<1x2x48xi32, #tpu.memory_space<vmem>>
      %dma_start3A_1380 = tpu.memref_squeeze %dma_start3A_1379 : memref<1x2x48xi32, #tpu.memory_space<vmem>> -> memref<2x48xi32, #tpu.memory_space<vmem>>
      %dma_start3A_1381 = arith.constant 0 : i32
      %dma_start3A_1382 = arith.constant 0 : i32
      %dma_start3A_1383 = tpu.memref_slice %arg3[%add3A_1375, %dma_start3A_1381, %dma_start3A_1382] : memref<6720x2x48xi32, #tpu.memory_space<hbm>> -> memref<1x2x48xi32, #tpu.memory_space<hbm>>
      %dma_start3A_1384 = tpu.memref_squeeze %dma_start3A_1383 : memref<1x2x48xi32, #tpu.memory_space<hbm>> -> memref<2x48xi32, #tpu.memory_space<hbm>>
      %dma_start3A_1385 = arith.constant 0 : i32
      %dma_start3A_1386 = arith.constant 0 : i32
      %dma_start3A_1387 = tpu.memref_slice %arg5[%dma_start3A_1376, %dma_start3A_1385, %dma_start3A_1386] : memref<10x2x48xi32, #tpu.memory_space<vmem>> -> memref<1x2x48xi32, #tpu.memory_space<vmem>>
      %dma_start3A_1388 = tpu.memref_squeeze %dma_start3A_1387 : memref<1x2x48xi32, #tpu.memory_space<vmem>> -> memref<2x48xi32, #tpu.memory_space<vmem>>
      %dma_start3A_1389 = arith.constant 0 : i32
      %dma_start3A_1390 = arith.constant 0 : i32
      %dma_start3A_1391 = tpu.memref_slice %arg3[%add3A_1375, %dma_start3A_1389, %dma_start3A_1390] : memref<6720x2x48xi32, #tpu.memory_space<hbm>> -> memref<1x2x48xi32, #tpu.memory_space<hbm>>
      %dma_start3A_1392 = tpu.memref_squeeze %dma_start3A_1391 : memref<1x2x48xi32, #tpu.memory_space<hbm>> -> memref<2x48xi32, #tpu.memory_space<hbm>>
      tpu.enqueue_dma source(%dma_start3A_1392 : memref<2x48xi32, #tpu.memory_space<hbm>>) target(%dma_start3A_1388 : memref<2x48xi32, #tpu.memory_space<vmem>>) target_semaphore(%arg16 : memref<!tpu.dma_semaphore, #tpu.memory_space<semaphore_mem>>)
      %dma_wait3A_1393 = arith.constant 0 : i32
      %dma_wait3A_1394 = arith.constant 3 : i32
      %dma_wait3A_1395 = arith.constant 0 : i32
      %dma_wait3A_1396 = arith.constant 0 : i32
      %dma_wait3A_1397 = tpu.memref_slice %arg5[%dma_wait3A_1394, %dma_wait3A_1395, %dma_wait3A_1396] : memref<10x2x48xi32, #tpu.memory_space<vmem>> -> memref<1x2x48xi32, #tpu.memory_space<vmem>>
      %dma_wait3A_1398 = tpu.memref_squeeze %dma_wait3A_1397 : memref<1x2x48xi32, #tpu.memory_space<vmem>> -> memref<2x48xi32, #tpu.memory_space<vmem>>
      %dma_wait3A_1399 = arith.constant 0 : i32
      %dma_wait3A_1400 = arith.constant 0 : i32
      %dma_wait3A_1401 = tpu.memref_slice %arg3[%dma_wait3A_1393, %dma_wait3A_1399, %dma_wait3A_1400] : memref<6720x2x48xi32, #tpu.memory_space<hbm>> -> memref<1x2x48xi32, #tpu.memory_space<hbm>>
      %dma_wait3A_1402 = tpu.memref_squeeze %dma_wait3A_1401 : memref<1x2x48xi32, #tpu.memory_space<hbm>> -> memref<2x48xi32, #tpu.memory_space<hbm>>
      %dma_wait3A_1403 = arith.constant 0 : i32
      %dma_wait3A_1404 = arith.constant 0 : i32
      %dma_wait3A_1405 = tpu.memref_slice %arg5[%dma_wait3A_1394, %dma_wait3A_1403, %dma_wait3A_1404] : memref<10x2x48xi32, #tpu.memory_space<vmem>> -> memref<1x2x48xi32, #tpu.memory_space<vmem>>
      %dma_wait3A_1406 = tpu.memref_squeeze %dma_wait3A_1405 : memref<1x2x48xi32, #tpu.memory_space<vmem>> -> memref<2x48xi32, #tpu.memory_space<vmem>>
      %dma_wait3A_1407 = arith.constant 0 : i32
      %dma_wait3A_1408 = arith.constant 0 : i32
      %dma_wait3A_1409 = tpu.memref_slice %arg3[%dma_wait3A_1393, %dma_wait3A_1407, %dma_wait3A_1408] : memref<6720x2x48xi32, #tpu.memory_space<hbm>> -> memref<1x2x48xi32, #tpu.memory_space<hbm>>
      %dma_wait3A_1410 = tpu.memref_squeeze %dma_wait3A_1409 : memref<1x2x48xi32, #tpu.memory_space<hbm>> -> memref<2x48xi32, #tpu.memory_space<hbm>>
      tpu.wait_dma2 semaphore(%arg11 : memref<!tpu.dma_semaphore, #tpu.memory_space<semaphore_mem>>) src(%dma_wait3A_1410 : memref<2x48xi32, #tpu.memory_space<hbm>>) dst(%dma_wait3A_1406 : memref<2x48xi32, #tpu.memory_space<vmem>>)
      %add3A_1411 = arith.constant 5 : i32
      %add3A_1412 = arith.addi %add3A_1356, %add3A_1411 : i32
      %dma_start3A_1413 = arith.constant 3 : i32
      %dma_start3A_1414 = arith.constant 0 : i32
      %dma_start3A_1415 = arith.constant 3 : i32
      %dma_start3A_1416 = arith.constant 0 : i32
      %dma_start3A_1417 = arith.constant 0 : i32
      %dma_start3A_1418 = tpu.memref_slice %arg6[%dma_start3A_1415, %dma_start3A_1416, %dma_start3A_1417] : memref<5x48x128xf32, #tpu.memory_space<vmem>> -> memref<1x48x128xf32, #tpu.memory_space<vmem>>
      %dma_start3A_1419 = tpu.memref_squeeze %dma_start3A_1418 : memref<1x48x128xf32, #tpu.memory_space<vmem>> -> memref<48x128xf32, #tpu.memory_space<vmem>>
      %dma_start3A_1420 = arith.constant 0 : i32
      %dma_start3A_1421 = tpu.memref_slice %arg5[%dma_start3A_1413, %dma_start3A_1414, %dma_start3A_1420] : memref<10x2x48xi32, #tpu.memory_space<vmem>> -> memref<1x1x48xi32, #tpu.memory_space<vmem>>
      %dma_start3A_1422 = tpu.memref_squeeze %dma_start3A_1421 : memref<1x1x48xi32, #tpu.memory_space<vmem>> -> memref<48xi32, #tpu.memory_space<vmem>>
      %dma_start3A_1423 = arith.constant 0 : i32
      %dma_start3A_1424 = arith.constant 0 : i32
      %dma_start3A_1425 = tpu.memref_slice %arg2[%dma_start3A_1423, %dma_start3A_1424] : memref<10000x128xf32, #tpu.memory_space<hbm>> -> memref<10000x128xf32, #tpu.memory_space<hbm>>
      tpu.enqueue_indirect_dma source(%dma_start3A_1425 : memref<10000x128xf32, #tpu.memory_space<hbm>>) target(%dma_start3A_1419 : memref<48x128xf32, #tpu.memory_space<vmem>>) offsets(%dma_start3A_1422 : memref<48xi32, #tpu.memory_space<vmem>>) semaphore(%arg21 : memref<!tpu.dma_semaphore, #tpu.memory_space<semaphore_mem>>)
      %add3A_1426 = arith.constant 9 : i32
      %add3A_1427 = arith.addi %add3A_786, %add3A_1426 : i32
      %dma_wait3A_1428 = arith.constant 0 : i32
      %dma_wait3A_1429 = arith.constant 0 : i32
      %dma_wait3A_1430 = arith.constant 4 : i32
      %dma_wait3A_1431 = arith.constant 0 : i32
      %dma_wait3A_1432 = arith.constant 0 : i32
      %dma_wait3A_1433 = tpu.memref_slice %arg6[%dma_wait3A_1430, %dma_wait3A_1431, %dma_wait3A_1432] : memref<5x48x128xf32, #tpu.memory_space<vmem>> -> memref<1x48x128xf32, #tpu.memory_space<vmem>>
      %dma_wait3A_1434 = tpu.memref_squeeze %dma_wait3A_1433 : memref<1x48x128xf32, #tpu.memory_space<vmem>> -> memref<48x128xf32, #tpu.memory_space<vmem>>
      %dma_wait3A_1435 = arith.constant 0 : i32
      %dma_wait3A_1436 = tpu.memref_slice %arg5[%dma_wait3A_1428, %dma_wait3A_1429, %dma_wait3A_1435] : memref<10x2x48xi32, #tpu.memory_space<vmem>> -> memref<1x1x48xi32, #tpu.memory_space<vmem>>
      %dma_wait3A_1437 = tpu.memref_squeeze %dma_wait3A_1436 : memref<1x1x48xi32, #tpu.memory_space<vmem>> -> memref<48xi32, #tpu.memory_space<vmem>>
      %dma_wait3A_1438 = arith.constant 0 : i32
      %dma_wait3A_1439 = arith.constant 0 : i32
      %dma_wait3A_1440 = tpu.memref_slice %arg2[%dma_wait3A_1438, %dma_wait3A_1439] : memref<10000x128xf32, #tpu.memory_space<hbm>> -> memref<10000x128xf32, #tpu.memory_space<hbm>>
      tpu.wait_indirect_dma semaphore(%arg22 : memref<!tpu.dma_semaphore, #tpu.memory_space<semaphore_mem>>) src(%dma_wait3A_1440 : memref<10000x128xf32, #tpu.memory_space<hbm>>) dst(%dma_wait3A_1434 : memref<48x128xf32, #tpu.memory_space<vmem>>)
      %run_scoped3A_1441 = arith.constant 4 : i32
      %run_scoped3A_1442 = arith.constant 9 : i32
      %run_scoped3A_1443 = arith.constant 1 : i32
      "tpu.region"() ({
        %run_scoped3A_1497 = tpu.sem_alloc : memref<!tpu.dma_semaphore, #tpu.memory_space<semaphore_mem>>
        %dma_start3A_1498 = arith.constant 0 : i32
        %dma_start3A_1499 = arith.constant 0 : i32
        %dma_start3A_1500 = tpu.memref_slice %arg6[%run_scoped3A_1441, %dma_start3A_1498, %dma_start3A_1499] : memref<5x48x128xf32, #tpu.memory_space<vmem>> -> memref<1x48x128xf32, #tpu.memory_space<vmem>>
        %dma_start3A_1501 = tpu.memref_squeeze %dma_start3A_1500 : memref<1x48x128xf32, #tpu.memory_space<vmem>> -> memref<48x128xf32, #tpu.memory_space<vmem>>
        %dma_start3A_1502 = arith.constant 0 : i32
        %dma_start3A_1503 = tpu.memref_slice %arg5[%run_scoped3A_1442, %run_scoped3A_1443, %dma_start3A_1502] : memref<10x2x48xi32, #tpu.memory_space<vmem>> -> memref<1x1x48xi32, #tpu.memory_space<vmem>>
        %dma_start3A_1504 = tpu.memref_squeeze %dma_start3A_1503 : memref<1x1x48xi32, #tpu.memory_space<vmem>> -> memref<48xi32, #tpu.memory_space<vmem>>
        %dma_start3A_1505 = arith.constant 0 : i32
        %dma_start3A_1506 = arith.constant 0 : i32
        %dma_start3A_1507 = tpu.memref_slice %arg7[%dma_start3A_1505, %dma_start3A_1506] : memref<10112x128xf32, #tpu.memory_space<vmem_shared>> -> memref<10112x128xf32, #tpu.memory_space<vmem_shared>>
        tpu.enqueue_indirect_dma source(%dma_start3A_1501 : memref<48x128xf32, #tpu.memory_space<vmem>>) target(%dma_start3A_1507 : memref<10112x128xf32, #tpu.memory_space<vmem_shared>>) offsets(%dma_start3A_1504 : memref<48xi32, #tpu.memory_space<vmem>>) semaphore(%run_scoped3A_1497 : memref<!tpu.dma_semaphore, #tpu.memory_space<semaphore_mem>>) {add = true}
        %dma_wait3A_1508 = arith.constant 0 : i32
        %dma_wait3A_1509 = arith.constant 0 : i32
        %dma_wait3A_1510 = tpu.memref_slice %arg6[%run_scoped3A_1441, %dma_wait3A_1508, %dma_wait3A_1509] : memref<5x48x128xf32, #tpu.memory_space<vmem>> -> memref<1x48x128xf32, #tpu.memory_space<vmem>>
        %dma_wait3A_1511 = tpu.memref_squeeze %dma_wait3A_1510 : memref<1x48x128xf32, #tpu.memory_space<vmem>> -> memref<48x128xf32, #tpu.memory_space<vmem>>
        %dma_wait3A_1512 = arith.constant 0 : i32
        %dma_wait3A_1513 = tpu.memref_slice %arg5[%run_scoped3A_1442, %run_scoped3A_1443, %dma_wait3A_1512] : memref<10x2x48xi32, #tpu.memory_space<vmem>> -> memref<1x1x48xi32, #tpu.memory_space<vmem>>
        %dma_wait3A_1514 = tpu.memref_squeeze %dma_wait3A_1513 : memref<1x1x48xi32, #tpu.memory_space<vmem>> -> memref<48xi32, #tpu.memory_space<vmem>>
        %dma_wait3A_1515 = arith.constant 0 : i32
        %dma_wait3A_1516 = arith.constant 0 : i32
        %dma_wait3A_1517 = tpu.memref_slice %arg7[%dma_wait3A_1515, %dma_wait3A_1516] : memref<10112x128xf32, #tpu.memory_space<vmem_shared>> -> memref<10112x128xf32, #tpu.memory_space<vmem_shared>>
        tpu.wait_indirect_dma semaphore(%run_scoped3A_1497 : memref<!tpu.dma_semaphore, #tpu.memory_space<semaphore_mem>>) src(%dma_wait3A_1511 : memref<48x128xf32, #tpu.memory_space<vmem>>) dst(%dma_wait3A_1517 : memref<10112x128xf32, #tpu.memory_space<vmem_shared>>)
        tpu.yield
      }) : () -> ()
      %add3A_1444 = arith.constant 10 : i32
      %add3A_1445 = arith.addi %add3A_1427, %add3A_1444 : i32
      %add3A_1446 = arith.addi %select_n3A_8, %add3A_1445 : i32
      %dma_start3A_1447 = arith.constant 9 : i32
      %dma_start3A_1448 = arith.constant 0 : i32
      %dma_start3A_1449 = arith.constant 0 : i32
      %dma_start3A_1450 = tpu.memref_slice %arg5[%dma_start3A_1447, %dma_start3A_1448, %dma_start3A_1449] : memref<10x2x48xi32, #tpu.memory_space<vmem>> -> memref<1x2x48xi32, #tpu.memory_space<vmem>>
      %dma_start3A_1451 = tpu.memref_squeeze %dma_start3A_1450 : memref<1x2x48xi32, #tpu.memory_space<vmem>> -> memref<2x48xi32, #tpu.memory_space<vmem>>
      %dma_start3A_1452 = arith.constant 0 : i32
      %dma_start3A_1453 = arith.constant 0 : i32
      %dma_start3A_1454 = tpu.memref_slice %arg3[%add3A_1446, %dma_start3A_1452, %dma_start3A_1453] : memref<6720x2x48xi32, #tpu.memory_space<hbm>> -> memref<1x2x48xi32, #tpu.memory_space<hbm>>
      %dma_start3A_1455 = tpu.memref_squeeze %dma_start3A_1454 : memref<1x2x48xi32, #tpu.memory_space<hbm>> -> memref<2x48xi32, #tpu.memory_space<hbm>>
      %dma_start3A_1456 = arith.constant 0 : i32
      %dma_start3A_1457 = arith.constant 0 : i32
      %dma_start3A_1458 = tpu.memref_slice %arg5[%dma_start3A_1447, %dma_start3A_1456, %dma_start3A_1457] : memref<10x2x48xi32, #tpu.memory_space<vmem>> -> memref<1x2x48xi32, #tpu.memory_space<vmem>>
      %dma_start3A_1459 = tpu.memref_squeeze %dma_start3A_1458 : memref<1x2x48xi32, #tpu.memory_space<vmem>> -> memref<2x48xi32, #tpu.memory_space<vmem>>
      %dma_start3A_1460 = arith.constant 0 : i32
      %dma_start3A_1461 = arith.constant 0 : i32
      %dma_start3A_1462 = tpu.memref_slice %arg3[%add3A_1446, %dma_start3A_1460, %dma_start3A_1461] : memref<6720x2x48xi32, #tpu.memory_space<hbm>> -> memref<1x2x48xi32, #tpu.memory_space<hbm>>
      %dma_start3A_1463 = tpu.memref_squeeze %dma_start3A_1462 : memref<1x2x48xi32, #tpu.memory_space<hbm>> -> memref<2x48xi32, #tpu.memory_space<hbm>>
      tpu.enqueue_dma source(%dma_start3A_1463 : memref<2x48xi32, #tpu.memory_space<hbm>>) target(%dma_start3A_1459 : memref<2x48xi32, #tpu.memory_space<vmem>>) target_semaphore(%arg17 : memref<!tpu.dma_semaphore, #tpu.memory_space<semaphore_mem>>)
      %dma_wait3A_1464 = arith.constant 0 : i32
      %dma_wait3A_1465 = arith.constant 4 : i32
      %dma_wait3A_1466 = arith.constant 0 : i32
      %dma_wait3A_1467 = arith.constant 0 : i32
      %dma_wait3A_1468 = tpu.memref_slice %arg5[%dma_wait3A_1465, %dma_wait3A_1466, %dma_wait3A_1467] : memref<10x2x48xi32, #tpu.memory_space<vmem>> -> memref<1x2x48xi32, #tpu.memory_space<vmem>>
      %dma_wait3A_1469 = tpu.memref_squeeze %dma_wait3A_1468 : memref<1x2x48xi32, #tpu.memory_space<vmem>> -> memref<2x48xi32, #tpu.memory_space<vmem>>
      %dma_wait3A_1470 = arith.constant 0 : i32
      %dma_wait3A_1471 = arith.constant 0 : i32
      %dma_wait3A_1472 = tpu.memref_slice %arg3[%dma_wait3A_1464, %dma_wait3A_1470, %dma_wait3A_1471] : memref<6720x2x48xi32, #tpu.memory_space<hbm>> -> memref<1x2x48xi32, #tpu.memory_space<hbm>>
      %dma_wait3A_1473 = tpu.memref_squeeze %dma_wait3A_1472 : memref<1x2x48xi32, #tpu.memory_space<hbm>> -> memref<2x48xi32, #tpu.memory_space<hbm>>
      %dma_wait3A_1474 = arith.constant 0 : i32
      %dma_wait3A_1475 = arith.constant 0 : i32
      %dma_wait3A_1476 = tpu.memref_slice %arg5[%dma_wait3A_1465, %dma_wait3A_1474, %dma_wait3A_1475] : memref<10x2x48xi32, #tpu.memory_space<vmem>> -> memref<1x2x48xi32, #tpu.memory_space<vmem>>
      %dma_wait3A_1477 = tpu.memref_squeeze %dma_wait3A_1476 : memref<1x2x48xi32, #tpu.memory_space<vmem>> -> memref<2x48xi32, #tpu.memory_space<vmem>>
      %dma_wait3A_1478 = arith.constant 0 : i32
      %dma_wait3A_1479 = arith.constant 0 : i32
      %dma_wait3A_1480 = tpu.memref_slice %arg3[%dma_wait3A_1464, %dma_wait3A_1478, %dma_wait3A_1479] : memref<6720x2x48xi32, #tpu.memory_space<hbm>> -> memref<1x2x48xi32, #tpu.memory_space<hbm>>
      %dma_wait3A_1481 = tpu.memref_squeeze %dma_wait3A_1480 : memref<1x2x48xi32, #tpu.memory_space<hbm>> -> memref<2x48xi32, #tpu.memory_space<hbm>>
      tpu.wait_dma2 semaphore(%arg12 : memref<!tpu.dma_semaphore, #tpu.memory_space<semaphore_mem>>) src(%dma_wait3A_1481 : memref<2x48xi32, #tpu.memory_space<hbm>>) dst(%dma_wait3A_1477 : memref<2x48xi32, #tpu.memory_space<vmem>>)
      %add3A_1482 = arith.constant 5 : i32
      %add3A_1483 = arith.addi %add3A_1427, %add3A_1482 : i32
      %dma_start3A_1484 = arith.constant 4 : i32
      %dma_start3A_1485 = arith.constant 0 : i32
      %dma_start3A_1486 = arith.constant 4 : i32
      %dma_start3A_1487 = arith.constant 0 : i32
      %dma_start3A_1488 = arith.constant 0 : i32
      %dma_start3A_1489 = tpu.memref_slice %arg6[%dma_start3A_1486, %dma_start3A_1487, %dma_start3A_1488] : memref<5x48x128xf32, #tpu.memory_space<vmem>> -> memref<1x48x128xf32, #tpu.memory_space<vmem>>
      %dma_start3A_1490 = tpu.memref_squeeze %dma_start3A_1489 : memref<1x48x128xf32, #tpu.memory_space<vmem>> -> memref<48x128xf32, #tpu.memory_space<vmem>>
      %dma_start3A_1491 = arith.constant 0 : i32
      %dma_start3A_1492 = tpu.memref_slice %arg5[%dma_start3A_1484, %dma_start3A_1485, %dma_start3A_1491] : memref<10x2x48xi32, #tpu.memory_space<vmem>> -> memref<1x1x48xi32, #tpu.memory_space<vmem>>
      %dma_start3A_1493 = tpu.memref_squeeze %dma_start3A_1492 : memref<1x1x48xi32, #tpu.memory_space<vmem>> -> memref<48xi32, #tpu.memory_space<vmem>>
      %dma_start3A_1494 = arith.constant 0 : i32
      %dma_start3A_1495 = arith.constant 0 : i32
      %dma_start3A_1496 = tpu.memref_slice %arg2[%dma_start3A_1494, %dma_start3A_1495] : memref<10000x128xf32, #tpu.memory_space<hbm>> -> memref<10000x128xf32, #tpu.memory_space<hbm>>
      tpu.enqueue_indirect_dma source(%dma_start3A_1496 : memref<10000x128xf32, #tpu.memory_space<hbm>>) target(%dma_start3A_1490 : memref<48x128xf32, #tpu.memory_space<vmem>>) offsets(%dma_start3A_1493 : memref<48xi32, #tpu.memory_space<vmem>>) semaphore(%arg22 : memref<!tpu.dma_semaphore, #tpu.memory_space<semaphore_mem>>)
    }
    %while3A_417 = arith.constant 1 : i32
    scf.for %while3A_784 = %while3A_415 to %while3A_411 step %while3A_417  : i32 {
      %mul3A_785 = arith.muli %while3A_784, %while3A : i32
      %add3A_786 = arith.addi %while3A_408, %mul3A_785 : i32
      %add3A_787 = arith.constant 0 : i32
      %add3A_788 = arith.addi %add3A_786, %add3A_787 : i32
      %dma_wait3A_789 = arith.constant 0 : i32
      %dma_wait3A_790 = arith.constant 0 : i32
      %dma_wait3A_791 = arith.constant 0 : i32
      %dma_wait3A_792 = arith.constant 0 : i32
      %dma_wait3A_793 = arith.constant 0 : i32
      %dma_wait3A_794 = tpu.memref_slice %arg6[%dma_wait3A_791, %dma_wait3A_792, %dma_wait3A_793] : memref<5x48x128xf32, #tpu.memory_space<vmem>> -> memref<1x48x128xf32, #tpu.memory_space<vmem>>
      %dma_wait3A_795 = tpu.memref_squeeze %dma_wait3A_794 : memref<1x48x128xf32, #tpu.memory_space<vmem>> -> memref<48x128xf32, #tpu.memory_space<vmem>>
      %dma_wait3A_796 = arith.constant 0 : i32
      %dma_wait3A_797 = tpu.memref_slice %arg5[%dma_wait3A_789, %dma_wait3A_790, %dma_wait3A_796] : memref<10x2x48xi32, #tpu.memory_space<vmem>> -> memref<1x1x48xi32, #tpu.memory_space<vmem>>
      %dma_wait3A_798 = tpu.memref_squeeze %dma_wait3A_797 : memref<1x1x48xi32, #tpu.memory_space<vmem>> -> memref<48xi32, #tpu.memory_space<vmem>>
      %dma_wait3A_799 = arith.constant 0 : i32
      %dma_wait3A_800 = arith.constant 0 : i32
      %dma_wait3A_801 = tpu.memref_slice %arg2[%dma_wait3A_799, %dma_wait3A_800] : memref<10000x128xf32, #tpu.memory_space<hbm>> -> memref<10000x128xf32, #tpu.memory_space<hbm>>
      tpu.wait_indirect_dma semaphore(%arg18 : memref<!tpu.dma_semaphore, #tpu.memory_space<semaphore_mem>>) src(%dma_wait3A_801 : memref<10000x128xf32, #tpu.memory_space<hbm>>) dst(%dma_wait3A_795 : memref<48x128xf32, #tpu.memory_space<vmem>>)
      %run_scoped3A_802 = arith.constant 0 : i32
      %run_scoped3A_803 = arith.constant 0 : i32
      %run_scoped3A_804 = arith.constant 1 : i32
      "tpu.region"() ({
        %run_scoped3A_1497 = tpu.sem_alloc : memref<!tpu.dma_semaphore, #tpu.memory_space<semaphore_mem>>
        %dma_start3A_1498 = arith.constant 0 : i32
        %dma_start3A_1499 = arith.constant 0 : i32
        %dma_start3A_1500 = tpu.memref_slice %arg6[%run_scoped3A_802, %dma_start3A_1498, %dma_start3A_1499] : memref<5x48x128xf32, #tpu.memory_space<vmem>> -> memref<1x48x128xf32, #tpu.memory_space<vmem>>
        %dma_start3A_1501 = tpu.memref_squeeze %dma_start3A_1500 : memref<1x48x128xf32, #tpu.memory_space<vmem>> -> memref<48x128xf32, #tpu.memory_space<vmem>>
        %dma_start3A_1502 = arith.constant 0 : i32
        %dma_start3A_1503 = tpu.memref_slice %arg5[%run_scoped3A_803, %run_scoped3A_804, %dma_start3A_1502] : memref<10x2x48xi32, #tpu.memory_space<vmem>> -> memref<1x1x48xi32, #tpu.memory_space<vmem>>
        %dma_start3A_1504 = tpu.memref_squeeze %dma_start3A_1503 : memref<1x1x48xi32, #tpu.memory_space<vmem>> -> memref<48xi32, #tpu.memory_space<vmem>>
        %dma_start3A_1505 = arith.constant 0 : i32
        %dma_start3A_1506 = arith.constant 0 : i32
        %dma_start3A_1507 = tpu.memref_slice %arg7[%dma_start3A_1505, %dma_start3A_1506] : memref<10112x128xf32, #tpu.memory_space<vmem_shared>> -> memref<10112x128xf32, #tpu.memory_space<vmem_shared>>
        tpu.enqueue_indirect_dma source(%dma_start3A_1501 : memref<48x128xf32, #tpu.memory_space<vmem>>) target(%dma_start3A_1507 : memref<10112x128xf32, #tpu.memory_space<vmem_shared>>) offsets(%dma_start3A_1504 : memref<48xi32, #tpu.memory_space<vmem>>) semaphore(%run_scoped3A_1497 : memref<!tpu.dma_semaphore, #tpu.memory_space<semaphore_mem>>) {add = true}
        %dma_wait3A_1508 = arith.constant 0 : i32
        %dma_wait3A_1509 = arith.constant 0 : i32
        %dma_wait3A_1510 = tpu.memref_slice %arg6[%run_scoped3A_802, %dma_wait3A_1508, %dma_wait3A_1509] : memref<5x48x128xf32, #tpu.memory_space<vmem>> -> memref<1x48x128xf32, #tpu.memory_space<vmem>>
        %dma_wait3A_1511 = tpu.memref_squeeze %dma_wait3A_1510 : memref<1x48x128xf32, #tpu.memory_space<vmem>> -> memref<48x128xf32, #tpu.memory_space<vmem>>
        %dma_wait3A_1512 = arith.constant 0 : i32
        %dma_wait3A_1513 = tpu.memref_slice %arg5[%run_scoped3A_803, %run_scoped3A_804, %dma_wait3A_1512] : memref<10x2x48xi32, #tpu.memory_space<vmem>> -> memref<1x1x48xi32, #tpu.memory_space<vmem>>
        %dma_wait3A_1514 = tpu.memref_squeeze %dma_wait3A_1513 : memref<1x1x48xi32, #tpu.memory_space<vmem>> -> memref<48xi32, #tpu.memory_space<vmem>>
        %dma_wait3A_1515 = arith.constant 0 : i32
        %dma_wait3A_1516 = arith.constant 0 : i32
        %dma_wait3A_1517 = tpu.memref_slice %arg7[%dma_wait3A_1515, %dma_wait3A_1516] : memref<10112x128xf32, #tpu.memory_space<vmem_shared>> -> memref<10112x128xf32, #tpu.memory_space<vmem_shared>>
        tpu.wait_indirect_dma semaphore(%run_scoped3A_1497 : memref<!tpu.dma_semaphore, #tpu.memory_space<semaphore_mem>>) src(%dma_wait3A_1511 : memref<48x128xf32, #tpu.memory_space<vmem>>) dst(%dma_wait3A_1517 : memref<10112x128xf32, #tpu.memory_space<vmem_shared>>)
        tpu.yield
      }) : () -> ()
      %add3A_805 = arith.constant 10 : i32
      %add3A_806 = arith.addi %add3A_788, %add3A_805 : i32
      %add3A_807 = arith.addi %select_n3A_8, %add3A_806 : i32
      %dma_start3A_808 = arith.constant 0 : i32
      %dma_start3A_809 = arith.constant 0 : i32
      %dma_start3A_810 = arith.constant 0 : i32
      %dma_start3A_811 = tpu.memref_slice %arg5[%dma_start3A_808, %dma_start3A_809, %dma_start3A_810] : memref<10x2x48xi32, #tpu.memory_space<vmem>> -> memref<1x2x48xi32, #tpu.memory_space<vmem>>
      %dma_start3A_812 = tpu.memref_squeeze %dma_start3A_811 : memref<1x2x48xi32, #tpu.memory_space<vmem>> -> memref<2x48xi32, #tpu.memory_space<vmem>>
      %dma_start3A_813 = arith.constant 0 : i32
      %dma_start3A_814 = arith.constant 0 : i32
      %dma_start3A_815 = tpu.memref_slice %arg3[%add3A_807, %dma_start3A_813, %dma_start3A_814] : memref<6720x2x48xi32, #tpu.memory_space<hbm>> -> memref<1x2x48xi32, #tpu.memory_space<hbm>>
      %dma_start3A_816 = tpu.memref_squeeze %dma_start3A_815 : memref<1x2x48xi32, #tpu.memory_space<hbm>> -> memref<2x48xi32, #tpu.memory_space<hbm>>
      %dma_start3A_817 = arith.constant 0 : i32
      %dma_start3A_818 = arith.constant 0 : i32
      %dma_start3A_819 = tpu.memref_slice %arg5[%dma_start3A_808, %dma_start3A_817, %dma_start3A_818] : memref<10x2x48xi32, #tpu.memory_space<vmem>> -> memref<1x2x48xi32, #tpu.memory_space<vmem>>
      %dma_start3A_820 = tpu.memref_squeeze %dma_start3A_819 : memref<1x2x48xi32, #tpu.memory_space<vmem>> -> memref<2x48xi32, #tpu.memory_space<vmem>>
      %dma_start3A_821 = arith.constant 0 : i32
      %dma_start3A_822 = arith.constant 0 : i32
      %dma_start3A_823 = tpu.memref_slice %arg3[%add3A_807, %dma_start3A_821, %dma_start3A_822] : memref<6720x2x48xi32, #tpu.memory_space<hbm>> -> memref<1x2x48xi32, #tpu.memory_space<hbm>>
      %dma_start3A_824 = tpu.memref_squeeze %dma_start3A_823 : memref<1x2x48xi32, #tpu.memory_space<hbm>> -> memref<2x48xi32, #tpu.memory_space<hbm>>
      tpu.enqueue_dma source(%dma_start3A_824 : memref<2x48xi32, #tpu.memory_space<hbm>>) target(%dma_start3A_820 : memref<2x48xi32, #tpu.memory_space<vmem>>) target_semaphore(%arg8 : memref<!tpu.dma_semaphore, #tpu.memory_space<semaphore_mem>>)
      %dma_wait3A_825 = arith.constant 0 : i32
      %dma_wait3A_826 = arith.constant 5 : i32
      %dma_wait3A_827 = arith.constant 0 : i32
      %dma_wait3A_828 = arith.constant 0 : i32
      %dma_wait3A_829 = tpu.memref_slice %arg5[%dma_wait3A_826, %dma_wait3A_827, %dma_wait3A_828] : memref<10x2x48xi32, #tpu.memory_space<vmem>> -> memref<1x2x48xi32, #tpu.memory_space<vmem>>
      %dma_wait3A_830 = tpu.memref_squeeze %dma_wait3A_829 : memref<1x2x48xi32, #tpu.memory_space<vmem>> -> memref<2x48xi32, #tpu.memory_space<vmem>>
      %dma_wait3A_831 = arith.constant 0 : i32
      %dma_wait3A_832 = arith.constant 0 : i32
      %dma_wait3A_833 = tpu.memref_slice %arg3[%dma_wait3A_825, %dma_wait3A_831, %dma_wait3A_832] : memref<6720x2x48xi32, #tpu.memory_space<hbm>> -> memref<1x2x48xi32, #tpu.memory_space<hbm>>
      %dma_wait3A_834 = tpu.memref_squeeze %dma_wait3A_833 : memref<1x2x48xi32, #tpu.memory_space<hbm>> -> memref<2x48xi32, #tpu.memory_space<hbm>>
      %dma_wait3A_835 = arith.constant 0 : i32
      %dma_wait3A_836 = arith.constant 0 : i32
      %dma_wait3A_837 = tpu.memref_slice %arg5[%dma_wait3A_826, %dma_wait3A_835, %dma_wait3A_836] : memref<10x2x48xi32, #tpu.memory_space<vmem>> -> memref<1x2x48xi32, #tpu.memory_space<vmem>>
      %dma_wait3A_838 = tpu.memref_squeeze %dma_wait3A_837 : memref<1x2x48xi32, #tpu.memory_space<vmem>> -> memref<2x48xi32, #tpu.memory_space<vmem>>
      %dma_wait3A_839 = arith.constant 0 : i32
      %dma_wait3A_840 = arith.constant 0 : i32
      %dma_wait3A_841 = tpu.memref_slice %arg3[%dma_wait3A_825, %dma_wait3A_839, %dma_wait3A_840] : memref<6720x2x48xi32, #tpu.memory_space<hbm>> -> memref<1x2x48xi32, #tpu.memory_space<hbm>>
      %dma_wait3A_842 = tpu.memref_squeeze %dma_wait3A_841 : memref<1x2x48xi32, #tpu.memory_space<hbm>> -> memref<2x48xi32, #tpu.memory_space<hbm>>
      tpu.wait_dma2 semaphore(%arg13 : memref<!tpu.dma_semaphore, #tpu.memory_space<semaphore_mem>>) src(%dma_wait3A_842 : memref<2x48xi32, #tpu.memory_space<hbm>>) dst(%dma_wait3A_838 : memref<2x48xi32, #tpu.memory_space<vmem>>)
      %add3A_843 = arith.constant 5 : i32
      %add3A_844 = arith.addi %add3A_788, %add3A_843 : i32
      %dma_start3A_845 = arith.constant 5 : i32
      %dma_start3A_846 = arith.constant 0 : i32
      %dma_start3A_847 = arith.constant 0 : i32
      %dma_start3A_848 = arith.constant 0 : i32
      %dma_start3A_849 = arith.constant 0 : i32
      %dma_start3A_850 = tpu.memref_slice %arg6[%dma_start3A_847, %dma_start3A_848, %dma_start3A_849] : memref<5x48x128xf32, #tpu.memory_space<vmem>> -> memref<1x48x128xf32, #tpu.memory_space<vmem>>
      %dma_start3A_851 = tpu.memref_squeeze %dma_start3A_850 : memref<1x48x128xf32, #tpu.memory_space<vmem>> -> memref<48x128xf32, #tpu.memory_space<vmem>>
      %dma_start3A_852 = arith.constant 0 : i32
      %dma_start3A_853 = tpu.memref_slice %arg5[%dma_start3A_845, %dma_start3A_846, %dma_start3A_852] : memref<10x2x48xi32, #tpu.memory_space<vmem>> -> memref<1x1x48xi32, #tpu.memory_space<vmem>>
      %dma_start3A_854 = tpu.memref_squeeze %dma_start3A_853 : memref<1x1x48xi32, #tpu.memory_space<vmem>> -> memref<48xi32, #tpu.memory_space<vmem>>
      %dma_start3A_855 = arith.constant 0 : i32
      %dma_start3A_856 = arith.constant 0 : i32
      %dma_start3A_857 = tpu.memref_slice %arg2[%dma_start3A_855, %dma_start3A_856] : memref<10000x128xf32, #tpu.memory_space<hbm>> -> memref<10000x128xf32, #tpu.memory_space<hbm>>
      tpu.enqueue_indirect_dma source(%dma_start3A_857 : memref<10000x128xf32, #tpu.memory_space<hbm>>) target(%dma_start3A_851 : memref<48x128xf32, #tpu.memory_space<vmem>>) offsets(%dma_start3A_854 : memref<48xi32, #tpu.memory_space<vmem>>) semaphore(%arg18 : memref<!tpu.dma_semaphore, #tpu.memory_space<semaphore_mem>>)
      %add3A_858 = arith.constant 1 : i32
      %add3A_859 = arith.addi %add3A_786, %add3A_858 : i32
      %dma_wait3A_860 = arith.constant 0 : i32
      %dma_wait3A_861 = arith.constant 0 : i32
      %dma_wait3A_862 = arith.constant 1 : i32
      %dma_wait3A_863 = arith.constant 0 : i32
      %dma_wait3A_864 = arith.constant 0 : i32
      %dma_wait3A_865 = tpu.memref_slice %arg6[%dma_wait3A_862, %dma_wait3A_863, %dma_wait3A_864] : memref<5x48x128xf32, #tpu.memory_space<vmem>> -> memref<1x48x128xf32, #tpu.memory_space<vmem>>
      %dma_wait3A_866 = tpu.memref_squeeze %dma_wait3A_865 : memref<1x48x128xf32, #tpu.memory_space<vmem>> -> memref<48x128xf32, #tpu.memory_space<vmem>>
      %dma_wait3A_867 = arith.constant 0 : i32
      %dma_wait3A_868 = tpu.memref_slice %arg5[%dma_wait3A_860, %dma_wait3A_861, %dma_wait3A_867] : memref<10x2x48xi32, #tpu.memory_space<vmem>> -> memref<1x1x48xi32, #tpu.memory_space<vmem>>
      %dma_wait3A_869 = tpu.memref_squeeze %dma_wait3A_868 : memref<1x1x48xi32, #tpu.memory_space<vmem>> -> memref<48xi32, #tpu.memory_space<vmem>>
      %dma_wait3A_870 = arith.constant 0 : i32
      %dma_wait3A_871 = arith.constant 0 : i32
      %dma_wait3A_872 = tpu.memref_slice %arg2[%dma_wait3A_870, %dma_wait3A_871] : memref<10000x128xf32, #tpu.memory_space<hbm>> -> memref<10000x128xf32, #tpu.memory_space<hbm>>
      tpu.wait_indirect_dma semaphore(%arg19 : memref<!tpu.dma_semaphore, #tpu.memory_space<semaphore_mem>>) src(%dma_wait3A_872 : memref<10000x128xf32, #tpu.memory_space<hbm>>) dst(%dma_wait3A_866 : memref<48x128xf32, #tpu.memory_space<vmem>>)
      %run_scoped3A_873 = arith.constant 1 : i32
      %run_scoped3A_874 = arith.constant 1 : i32
      %run_scoped3A_875 = arith.constant 1 : i32
      "tpu.region"() ({
        %run_scoped3A_1497 = tpu.sem_alloc : memref<!tpu.dma_semaphore, #tpu.memory_space<semaphore_mem>>
        %dma_start3A_1498 = arith.constant 0 : i32
        %dma_start3A_1499 = arith.constant 0 : i32
        %dma_start3A_1500 = tpu.memref_slice %arg6[%run_scoped3A_873, %dma_start3A_1498, %dma_start3A_1499] : memref<5x48x128xf32, #tpu.memory_space<vmem>> -> memref<1x48x128xf32, #tpu.memory_space<vmem>>
        %dma_start3A_1501 = tpu.memref_squeeze %dma_start3A_1500 : memref<1x48x128xf32, #tpu.memory_space<vmem>> -> memref<48x128xf32, #tpu.memory_space<vmem>>
        %dma_start3A_1502 = arith.constant 0 : i32
        %dma_start3A_1503 = tpu.memref_slice %arg5[%run_scoped3A_874, %run_scoped3A_875, %dma_start3A_1502] : memref<10x2x48xi32, #tpu.memory_space<vmem>> -> memref<1x1x48xi32, #tpu.memory_space<vmem>>
        %dma_start3A_1504 = tpu.memref_squeeze %dma_start3A_1503 : memref<1x1x48xi32, #tpu.memory_space<vmem>> -> memref<48xi32, #tpu.memory_space<vmem>>
        %dma_start3A_1505 = arith.constant 0 : i32
        %dma_start3A_1506 = arith.constant 0 : i32
        %dma_start3A_1507 = tpu.memref_slice %arg7[%dma_start3A_1505, %dma_start3A_1506] : memref<10112x128xf32, #tpu.memory_space<vmem_shared>> -> memref<10112x128xf32, #tpu.memory_space<vmem_shared>>
        tpu.enqueue_indirect_dma source(%dma_start3A_1501 : memref<48x128xf32, #tpu.memory_space<vmem>>) target(%dma_start3A_1507 : memref<10112x128xf32, #tpu.memory_space<vmem_shared>>) offsets(%dma_start3A_1504 : memref<48xi32, #tpu.memory_space<vmem>>) semaphore(%run_scoped3A_1497 : memref<!tpu.dma_semaphore, #tpu.memory_space<semaphore_mem>>) {add = true}
        %dma_wait3A_1508 = arith.constant 0 : i32
        %dma_wait3A_1509 = arith.constant 0 : i32
        %dma_wait3A_1510 = tpu.memref_slice %arg6[%run_scoped3A_873, %dma_wait3A_1508, %dma_wait3A_1509] : memref<5x48x128xf32, #tpu.memory_space<vmem>> -> memref<1x48x128xf32, #tpu.memory_space<vmem>>
        %dma_wait3A_1511 = tpu.memref_squeeze %dma_wait3A_1510 : memref<1x48x128xf32, #tpu.memory_space<vmem>> -> memref<48x128xf32, #tpu.memory_space<vmem>>
        %dma_wait3A_1512 = arith.constant 0 : i32
        %dma_wait3A_1513 = tpu.memref_slice %arg5[%run_scoped3A_874, %run_scoped3A_875, %dma_wait3A_1512] : memref<10x2x48xi32, #tpu.memory_space<vmem>> -> memref<1x1x48xi32, #tpu.memory_space<vmem>>
        %dma_wait3A_1514 = tpu.memref_squeeze %dma_wait3A_1513 : memref<1x1x48xi32, #tpu.memory_space<vmem>> -> memref<48xi32, #tpu.memory_space<vmem>>
        %dma_wait3A_1515 = arith.constant 0 : i32
        %dma_wait3A_1516 = arith.constant 0 : i32
        %dma_wait3A_1517 = tpu.memref_slice %arg7[%dma_wait3A_1515, %dma_wait3A_1516] : memref<10112x128xf32, #tpu.memory_space<vmem_shared>> -> memref<10112x128xf32, #tpu.memory_space<vmem_shared>>
        tpu.wait_indirect_dma semaphore(%run_scoped3A_1497 : memref<!tpu.dma_semaphore, #tpu.memory_space<semaphore_mem>>) src(%dma_wait3A_1511 : memref<48x128xf32, #tpu.memory_space<vmem>>) dst(%dma_wait3A_1517 : memref<10112x128xf32, #tpu.memory_space<vmem_shared>>)
        tpu.yield
      }) : () -> ()
      %add3A_876 = arith.constant 10 : i32
      %add3A_877 = arith.addi %add3A_859, %add3A_876 : i32
      %add3A_878 = arith.addi %select_n3A_8, %add3A_877 : i32
      %dma_start3A_879 = arith.constant 1 : i32
      %dma_start3A_880 = arith.constant 0 : i32
      %dma_start3A_881 = arith.constant 0 : i32
      %dma_start3A_882 = tpu.memref_slice %arg5[%dma_start3A_879, %dma_start3A_880, %dma_start3A_881] : memref<10x2x48xi32, #tpu.memory_space<vmem>> -> memref<1x2x48xi32, #tpu.memory_space<vmem>>
      %dma_start3A_883 = tpu.memref_squeeze %dma_start3A_882 : memref<1x2x48xi32, #tpu.memory_space<vmem>> -> memref<2x48xi32, #tpu.memory_space<vmem>>
      %dma_start3A_884 = arith.constant 0 : i32
      %dma_start3A_885 = arith.constant 0 : i32
      %dma_start3A_886 = tpu.memref_slice %arg3[%add3A_878, %dma_start3A_884, %dma_start3A_885] : memref<6720x2x48xi32, #tpu.memory_space<hbm>> -> memref<1x2x48xi32, #tpu.memory_space<hbm>>
      %dma_start3A_887 = tpu.memref_squeeze %dma_start3A_886 : memref<1x2x48xi32, #tpu.memory_space<hbm>> -> memref<2x48xi32, #tpu.memory_space<hbm>>
      %dma_start3A_888 = arith.constant 0 : i32
      %dma_start3A_889 = arith.constant 0 : i32
      %dma_start3A_890 = tpu.memref_slice %arg5[%dma_start3A_879, %dma_start3A_888, %dma_start3A_889] : memref<10x2x48xi32, #tpu.memory_space<vmem>> -> memref<1x2x48xi32, #tpu.memory_space<vmem>>
      %dma_start3A_891 = tpu.memref_squeeze %dma_start3A_890 : memref<1x2x48xi32, #tpu.memory_space<vmem>> -> memref<2x48xi32, #tpu.memory_space<vmem>>
      %dma_start3A_892 = arith.constant 0 : i32
      %dma_start3A_893 = arith.constant 0 : i32
      %dma_start3A_894 = tpu.memref_slice %arg3[%add3A_878, %dma_start3A_892, %dma_start3A_893] : memref<6720x2x48xi32, #tpu.memory_space<hbm>> -> memref<1x2x48xi32, #tpu.memory_space<hbm>>
      %dma_start3A_895 = tpu.memref_squeeze %dma_start3A_894 : memref<1x2x48xi32, #tpu.memory_space<hbm>> -> memref<2x48xi32, #tpu.memory_space<hbm>>
      tpu.enqueue_dma source(%dma_start3A_895 : memref<2x48xi32, #tpu.memory_space<hbm>>) target(%dma_start3A_891 : memref<2x48xi32, #tpu.memory_space<vmem>>) target_semaphore(%arg9 : memref<!tpu.dma_semaphore, #tpu.memory_space<semaphore_mem>>)
      %dma_wait3A_896 = arith.constant 0 : i32
      %dma_wait3A_897 = arith.constant 6 : i32
      %dma_wait3A_898 = arith.constant 0 : i32
      %dma_wait3A_899 = arith.constant 0 : i32
      %dma_wait3A_900 = tpu.memref_slice %arg5[%dma_wait3A_897, %dma_wait3A_898, %dma_wait3A_899] : memref<10x2x48xi32, #tpu.memory_space<vmem>> -> memref<1x2x48xi32, #tpu.memory_space<vmem>>
      %dma_wait3A_901 = tpu.memref_squeeze %dma_wait3A_900 : memref<1x2x48xi32, #tpu.memory_space<vmem>> -> memref<2x48xi32, #tpu.memory_space<vmem>>
      %dma_wait3A_902 = arith.constant 0 : i32
      %dma_wait3A_903 = arith.constant 0 : i32
      %dma_wait3A_904 = tpu.memref_slice %arg3[%dma_wait3A_896, %dma_wait3A_902, %dma_wait3A_903] : memref<6720x2x48xi32, #tpu.memory_space<hbm>> -> memref<1x2x48xi32, #tpu.memory_space<hbm>>
      %dma_wait3A_905 = tpu.memref_squeeze %dma_wait3A_904 : memref<1x2x48xi32, #tpu.memory_space<hbm>> -> memref<2x48xi32, #tpu.memory_space<hbm>>
      %dma_wait3A_906 = arith.constant 0 : i32
      %dma_wait3A_907 = arith.constant 0 : i32
      %dma_wait3A_908 = tpu.memref_slice %arg5[%dma_wait3A_897, %dma_wait3A_906, %dma_wait3A_907] : memref<10x2x48xi32, #tpu.memory_space<vmem>> -> memref<1x2x48xi32, #tpu.memory_space<vmem>>
      %dma_wait3A_909 = tpu.memref_squeeze %dma_wait3A_908 : memref<1x2x48xi32, #tpu.memory_space<vmem>> -> memref<2x48xi32, #tpu.memory_space<vmem>>
      %dma_wait3A_910 = arith.constant 0 : i32
      %dma_wait3A_911 = arith.constant 0 : i32
      %dma_wait3A_912 = tpu.memref_slice %arg3[%dma_wait3A_896, %dma_wait3A_910, %dma_wait3A_911] : memref<6720x2x48xi32, #tpu.memory_space<hbm>> -> memref<1x2x48xi32, #tpu.memory_space<hbm>>
      %dma_wait3A_913 = tpu.memref_squeeze %dma_wait3A_912 : memref<1x2x48xi32, #tpu.memory_space<hbm>> -> memref<2x48xi32, #tpu.memory_space<hbm>>
      tpu.wait_dma2 semaphore(%arg14 : memref<!tpu.dma_semaphore, #tpu.memory_space<semaphore_mem>>) src(%dma_wait3A_913 : memref<2x48xi32, #tpu.memory_space<hbm>>) dst(%dma_wait3A_909 : memref<2x48xi32, #tpu.memory_space<vmem>>)
      %add3A_914 = arith.constant 5 : i32
      %add3A_915 = arith.addi %add3A_859, %add3A_914 : i32
      %dma_start3A_916 = arith.constant 6 : i32
      %dma_start3A_917 = arith.constant 0 : i32
      %dma_start3A_918 = arith.constant 1 : i32
      %dma_start3A_919 = arith.constant 0 : i32
      %dma_start3A_920 = arith.constant 0 : i32
      %dma_start3A_921 = tpu.memref_slice %arg6[%dma_start3A_918, %dma_start3A_919, %dma_start3A_920] : memref<5x48x128xf32, #tpu.memory_space<vmem>> -> memref<1x48x128xf32, #tpu.memory_space<vmem>>
      %dma_start3A_922 = tpu.memref_squeeze %dma_start3A_921 : memref<1x48x128xf32, #tpu.memory_space<vmem>> -> memref<48x128xf32, #tpu.memory_space<vmem>>
      %dma_start3A_923 = arith.constant 0 : i32
      %dma_start3A_924 = tpu.memref_slice %arg5[%dma_start3A_916, %dma_start3A_917, %dma_start3A_923] : memref<10x2x48xi32, #tpu.memory_space<vmem>> -> memref<1x1x48xi32, #tpu.memory_space<vmem>>
      %dma_start3A_925 = tpu.memref_squeeze %dma_start3A_924 : memref<1x1x48xi32, #tpu.memory_space<vmem>> -> memref<48xi32, #tpu.memory_space<vmem>>
      %dma_start3A_926 = arith.constant 0 : i32
      %dma_start3A_927 = arith.constant 0 : i32
      %dma_start3A_928 = tpu.memref_slice %arg2[%dma_start3A_926, %dma_start3A_927] : memref<10000x128xf32, #tpu.memory_space<hbm>> -> memref<10000x128xf32, #tpu.memory_space<hbm>>
      tpu.enqueue_indirect_dma source(%dma_start3A_928 : memref<10000x128xf32, #tpu.memory_space<hbm>>) target(%dma_start3A_922 : memref<48x128xf32, #tpu.memory_space<vmem>>) offsets(%dma_start3A_925 : memref<48xi32, #tpu.memory_space<vmem>>) semaphore(%arg19 : memref<!tpu.dma_semaphore, #tpu.memory_space<semaphore_mem>>)
      %add3A_929 = arith.constant 2 : i32
      %add3A_930 = arith.addi %add3A_786, %add3A_929 : i32
      %dma_wait3A_931 = arith.constant 0 : i32
      %dma_wait3A_932 = arith.constant 0 : i32
      %dma_wait3A_933 = arith.constant 2 : i32
      %dma_wait3A_934 = arith.constant 0 : i32
      %dma_wait3A_935 = arith.constant 0 : i32
      %dma_wait3A_936 = tpu.memref_slice %arg6[%dma_wait3A_933, %dma_wait3A_934, %dma_wait3A_935] : memref<5x48x128xf32, #tpu.memory_space<vmem>> -> memref<1x48x128xf32, #tpu.memory_space<vmem>>
      %dma_wait3A_937 = tpu.memref_squeeze %dma_wait3A_936 : memref<1x48x128xf32, #tpu.memory_space<vmem>> -> memref<48x128xf32, #tpu.memory_space<vmem>>
      %dma_wait3A_938 = arith.constant 0 : i32
      %dma_wait3A_939 = tpu.memref_slice %arg5[%dma_wait3A_931, %dma_wait3A_932, %dma_wait3A_938] : memref<10x2x48xi32, #tpu.memory_space<vmem>> -> memref<1x1x48xi32, #tpu.memory_space<vmem>>
      %dma_wait3A_940 = tpu.memref_squeeze %dma_wait3A_939 : memref<1x1x48xi32, #tpu.memory_space<vmem>> -> memref<48xi32, #tpu.memory_space<vmem>>
      %dma_wait3A_941 = arith.constant 0 : i32
      %dma_wait3A_942 = arith.constant 0 : i32
      %dma_wait3A_943 = tpu.memref_slice %arg2[%dma_wait3A_941, %dma_wait3A_942] : memref<10000x128xf32, #tpu.memory_space<hbm>> -> memref<10000x128xf32, #tpu.memory_space<hbm>>
      tpu.wait_indirect_dma semaphore(%arg20 : memref<!tpu.dma_semaphore, #tpu.memory_space<semaphore_mem>>) src(%dma_wait3A_943 : memref<10000x128xf32, #tpu.memory_space<hbm>>) dst(%dma_wait3A_937 : memref<48x128xf32, #tpu.memory_space<vmem>>)
      %run_scoped3A_944 = arith.constant 2 : i32
      %run_scoped3A_945 = arith.constant 2 : i32
      %run_scoped3A_946 = arith.constant 1 : i32
      "tpu.region"() ({
        %run_scoped3A_1497 = tpu.sem_alloc : memref<!tpu.dma_semaphore, #tpu.memory_space<semaphore_mem>>
        %dma_start3A_1498 = arith.constant 0 : i32
        %dma_start3A_1499 = arith.constant 0 : i32
        %dma_start3A_1500 = tpu.memref_slice %arg6[%run_scoped3A_944, %dma_start3A_1498, %dma_start3A_1499] : memref<5x48x128xf32, #tpu.memory_space<vmem>> -> memref<1x48x128xf32, #tpu.memory_space<vmem>>
        %dma_start3A_1501 = tpu.memref_squeeze %dma_start3A_1500 : memref<1x48x128xf32, #tpu.memory_space<vmem>> -> memref<48x128xf32, #tpu.memory_space<vmem>>
        %dma_start3A_1502 = arith.constant 0 : i32
        %dma_start3A_1503 = tpu.memref_slice %arg5[%run_scoped3A_945, %run_scoped3A_946, %dma_start3A_1502] : memref<10x2x48xi32, #tpu.memory_space<vmem>> -> memref<1x1x48xi32, #tpu.memory_space<vmem>>
        %dma_start3A_1504 = tpu.memref_squeeze %dma_start3A_1503 : memref<1x1x48xi32, #tpu.memory_space<vmem>> -> memref<48xi32, #tpu.memory_space<vmem>>
        %dma_start3A_1505 = arith.constant 0 : i32
        %dma_start3A_1506 = arith.constant 0 : i32
        %dma_start3A_1507 = tpu.memref_slice %arg7[%dma_start3A_1505, %dma_start3A_1506] : memref<10112x128xf32, #tpu.memory_space<vmem_shared>> -> memref<10112x128xf32, #tpu.memory_space<vmem_shared>>
        tpu.enqueue_indirect_dma source(%dma_start3A_1501 : memref<48x128xf32, #tpu.memory_space<vmem>>) target(%dma_start3A_1507 : memref<10112x128xf32, #tpu.memory_space<vmem_shared>>) offsets(%dma_start3A_1504 : memref<48xi32, #tpu.memory_space<vmem>>) semaphore(%run_scoped3A_1497 : memref<!tpu.dma_semaphore, #tpu.memory_space<semaphore_mem>>) {add = true}
        %dma_wait3A_1508 = arith.constant 0 : i32
        %dma_wait3A_1509 = arith.constant 0 : i32
        %dma_wait3A_1510 = tpu.memref_slice %arg6[%run_scoped3A_944, %dma_wait3A_1508, %dma_wait3A_1509] : memref<5x48x128xf32, #tpu.memory_space<vmem>> -> memref<1x48x128xf32, #tpu.memory_space<vmem>>
        %dma_wait3A_1511 = tpu.memref_squeeze %dma_wait3A_1510 : memref<1x48x128xf32, #tpu.memory_space<vmem>> -> memref<48x128xf32, #tpu.memory_space<vmem>>
        %dma_wait3A_1512 = arith.constant 0 : i32
        %dma_wait3A_1513 = tpu.memref_slice %arg5[%run_scoped3A_945, %run_scoped3A_946, %dma_wait3A_1512] : memref<10x2x48xi32, #tpu.memory_space<vmem>> -> memref<1x1x48xi32, #tpu.memory_space<vmem>>
        %dma_wait3A_1514 = tpu.memref_squeeze %dma_wait3A_1513 : memref<1x1x48xi32, #tpu.memory_space<vmem>> -> memref<48xi32, #tpu.memory_space<vmem>>
        %dma_wait3A_1515 = arith.constant 0 : i32
        %dma_wait3A_1516 = arith.constant 0 : i32
        %dma_wait3A_1517 = tpu.memref_slice %arg7[%dma_wait3A_1515, %dma_wait3A_1516] : memref<10112x128xf32, #tpu.memory_space<vmem_shared>> -> memref<10112x128xf32, #tpu.memory_space<vmem_shared>>
        tpu.wait_indirect_dma semaphore(%run_scoped3A_1497 : memref<!tpu.dma_semaphore, #tpu.memory_space<semaphore_mem>>) src(%dma_wait3A_1511 : memref<48x128xf32, #tpu.memory_space<vmem>>) dst(%dma_wait3A_1517 : memref<10112x128xf32, #tpu.memory_space<vmem_shared>>)
        tpu.yield
      }) : () -> ()
      %add3A_947 = arith.constant 10 : i32
      %add3A_948 = arith.addi %add3A_930, %add3A_947 : i32
      %add3A_949 = arith.addi %select_n3A_8, %add3A_948 : i32
      %dma_start3A_950 = arith.constant 2 : i32
      %dma_start3A_951 = arith.constant 0 : i32
      %dma_start3A_952 = arith.constant 0 : i32
      %dma_start3A_953 = tpu.memref_slice %arg5[%dma_start3A_950, %dma_start3A_951, %dma_start3A_952] : memref<10x2x48xi32, #tpu.memory_space<vmem>> -> memref<1x2x48xi32, #tpu.memory_space<vmem>>
      %dma_start3A_954 = tpu.memref_squeeze %dma_start3A_953 : memref<1x2x48xi32, #tpu.memory_space<vmem>> -> memref<2x48xi32, #tpu.memory_space<vmem>>
      %dma_start3A_955 = arith.constant 0 : i32
      %dma_start3A_956 = arith.constant 0 : i32
      %dma_start3A_957 = tpu.memref_slice %arg3[%add3A_949, %dma_start3A_955, %dma_start3A_956] : memref<6720x2x48xi32, #tpu.memory_space<hbm>> -> memref<1x2x48xi32, #tpu.memory_space<hbm>>
      %dma_start3A_958 = tpu.memref_squeeze %dma_start3A_957 : memref<1x2x48xi32, #tpu.memory_space<hbm>> -> memref<2x48xi32, #tpu.memory_space<hbm>>
      %dma_start3A_959 = arith.constant 0 : i32
      %dma_start3A_960 = arith.constant 0 : i32
      %dma_start3A_961 = tpu.memref_slice %arg5[%dma_start3A_950, %dma_start3A_959, %dma_start3A_960] : memref<10x2x48xi32, #tpu.memory_space<vmem>> -> memref<1x2x48xi32, #tpu.memory_space<vmem>>
      %dma_start3A_962 = tpu.memref_squeeze %dma_start3A_961 : memref<1x2x48xi32, #tpu.memory_space<vmem>> -> memref<2x48xi32, #tpu.memory_space<vmem>>
      %dma_start3A_963 = arith.constant 0 : i32
      %dma_start3A_964 = arith.constant 0 : i32
      %dma_start3A_965 = tpu.memref_slice %arg3[%add3A_949, %dma_start3A_963, %dma_start3A_964] : memref<6720x2x48xi32, #tpu.memory_space<hbm>> -> memref<1x2x48xi32, #tpu.memory_space<hbm>>
      %dma_start3A_966 = tpu.memref_squeeze %dma_start3A_965 : memref<1x2x48xi32, #tpu.memory_space<hbm>> -> memref<2x48xi32, #tpu.memory_space<hbm>>
      tpu.enqueue_dma source(%dma_start3A_966 : memref<2x48xi32, #tpu.memory_space<hbm>>) target(%dma_start3A_962 : memref<2x48xi32, #tpu.memory_space<vmem>>) target_semaphore(%arg10 : memref<!tpu.dma_semaphore, #tpu.memory_space<semaphore_mem>>)
      %dma_wait3A_967 = arith.constant 0 : i32
      %dma_wait3A_968 = arith.constant 7 : i32
      %dma_wait3A_969 = arith.constant 0 : i32
      %dma_wait3A_970 = arith.constant 0 : i32
      %dma_wait3A_971 = tpu.memref_slice %arg5[%dma_wait3A_968, %dma_wait3A_969, %dma_wait3A_970] : memref<10x2x48xi32, #tpu.memory_space<vmem>> -> memref<1x2x48xi32, #tpu.memory_space<vmem>>
      %dma_wait3A_972 = tpu.memref_squeeze %dma_wait3A_971 : memref<1x2x48xi32, #tpu.memory_space<vmem>> -> memref<2x48xi32, #tpu.memory_space<vmem>>
      %dma_wait3A_973 = arith.constant 0 : i32
      %dma_wait3A_974 = arith.constant 0 : i32
      %dma_wait3A_975 = tpu.memref_slice %arg3[%dma_wait3A_967, %dma_wait3A_973, %dma_wait3A_974] : memref<6720x2x48xi32, #tpu.memory_space<hbm>> -> memref<1x2x48xi32, #tpu.memory_space<hbm>>
      %dma_wait3A_976 = tpu.memref_squeeze %dma_wait3A_975 : memref<1x2x48xi32, #tpu.memory_space<hbm>> -> memref<2x48xi32, #tpu.memory_space<hbm>>
      %dma_wait3A_977 = arith.constant 0 : i32
      %dma_wait3A_978 = arith.constant 0 : i32
      %dma_wait3A_979 = tpu.memref_slice %arg5[%dma_wait3A_968, %dma_wait3A_977, %dma_wait3A_978] : memref<10x2x48xi32, #tpu.memory_space<vmem>> -> memref<1x2x48xi32, #tpu.memory_space<vmem>>
      %dma_wait3A_980 = tpu.memref_squeeze %dma_wait3A_979 : memref<1x2x48xi32, #tpu.memory_space<vmem>> -> memref<2x48xi32, #tpu.memory_space<vmem>>
      %dma_wait3A_981 = arith.constant 0 : i32
      %dma_wait3A_982 = arith.constant 0 : i32
      %dma_wait3A_983 = tpu.memref_slice %arg3[%dma_wait3A_967, %dma_wait3A_981, %dma_wait3A_982] : memref<6720x2x48xi32, #tpu.memory_space<hbm>> -> memref<1x2x48xi32, #tpu.memory_space<hbm>>
      %dma_wait3A_984 = tpu.memref_squeeze %dma_wait3A_983 : memref<1x2x48xi32, #tpu.memory_space<hbm>> -> memref<2x48xi32, #tpu.memory_space<hbm>>
      tpu.wait_dma2 semaphore(%arg15 : memref<!tpu.dma_semaphore, #tpu.memory_space<semaphore_mem>>) src(%dma_wait3A_984 : memref<2x48xi32, #tpu.memory_space<hbm>>) dst(%dma_wait3A_980 : memref<2x48xi32, #tpu.memory_space<vmem>>)
      %add3A_985 = arith.constant 5 : i32
      %add3A_986 = arith.addi %add3A_930, %add3A_985 : i32
      %dma_start3A_987 = arith.constant 7 : i32
      %dma_start3A_988 = arith.constant 0 : i32
      %dma_start3A_989 = arith.constant 2 : i32
      %dma_start3A_990 = arith.constant 0 : i32
      %dma_start3A_991 = arith.constant 0 : i32
      %dma_start3A_992 = tpu.memref_slice %arg6[%dma_start3A_989, %dma_start3A_990, %dma_start3A_991] : memref<5x48x128xf32, #tpu.memory_space<vmem>> -> memref<1x48x128xf32, #tpu.memory_space<vmem>>
      %dma_start3A_993 = tpu.memref_squeeze %dma_start3A_992 : memref<1x48x128xf32, #tpu.memory_space<vmem>> -> memref<48x128xf32, #tpu.memory_space<vmem>>
      %dma_start3A_994 = arith.constant 0 : i32
      %dma_start3A_995 = tpu.memref_slice %arg5[%dma_start3A_987, %dma_start3A_988, %dma_start3A_994] : memref<10x2x48xi32, #tpu.memory_space<vmem>> -> memref<1x1x48xi32, #tpu.memory_space<vmem>>
      %dma_start3A_996 = tpu.memref_squeeze %dma_start3A_995 : memref<1x1x48xi32, #tpu.memory_space<vmem>> -> memref<48xi32, #tpu.memory_space<vmem>>
      %dma_start3A_997 = arith.constant 0 : i32
      %dma_start3A_998 = arith.constant 0 : i32
      %dma_start3A_999 = tpu.memref_slice %arg2[%dma_start3A_997, %dma_start3A_998] : memref<10000x128xf32, #tpu.memory_space<hbm>> -> memref<10000x128xf32, #tpu.memory_space<hbm>>
      tpu.enqueue_indirect_dma source(%dma_start3A_999 : memref<10000x128xf32, #tpu.memory_space<hbm>>) target(%dma_start3A_993 : memref<48x128xf32, #tpu.memory_space<vmem>>) offsets(%dma_start3A_996 : memref<48xi32, #tpu.memory_space<vmem>>) semaphore(%arg20 : memref<!tpu.dma_semaphore, #tpu.memory_space<semaphore_mem>>)
      %add3A_1000 = arith.constant 3 : i32
      %add3A_1001 = arith.addi %add3A_786, %add3A_1000 : i32
      %dma_wait3A_1002 = arith.constant 0 : i32
      %dma_wait3A_1003 = arith.constant 0 : i32
      %dma_wait3A_1004 = arith.constant 3 : i32
      %dma_wait3A_1005 = arith.constant 0 : i32
      %dma_wait3A_1006 = arith.constant 0 : i32
      %dma_wait3A_1007 = tpu.memref_slice %arg6[%dma_wait3A_1004, %dma_wait3A_1005, %dma_wait3A_1006] : memref<5x48x128xf32, #tpu.memory_space<vmem>> -> memref<1x48x128xf32, #tpu.memory_space<vmem>>
      %dma_wait3A_1008 = tpu.memref_squeeze %dma_wait3A_1007 : memref<1x48x128xf32, #tpu.memory_space<vmem>> -> memref<48x128xf32, #tpu.memory_space<vmem>>
      %dma_wait3A_1009 = arith.constant 0 : i32
      %dma_wait3A_1010 = tpu.memref_slice %arg5[%dma_wait3A_1002, %dma_wait3A_1003, %dma_wait3A_1009] : memref<10x2x48xi32, #tpu.memory_space<vmem>> -> memref<1x1x48xi32, #tpu.memory_space<vmem>>
      %dma_wait3A_1011 = tpu.memref_squeeze %dma_wait3A_1010 : memref<1x1x48xi32, #tpu.memory_space<vmem>> -> memref<48xi32, #tpu.memory_space<vmem>>
      %dma_wait3A_1012 = arith.constant 0 : i32
      %dma_wait3A_1013 = arith.constant 0 : i32
      %dma_wait3A_1014 = tpu.memref_slice %arg2[%dma_wait3A_1012, %dma_wait3A_1013] : memref<10000x128xf32, #tpu.memory_space<hbm>> -> memref<10000x128xf32, #tpu.memory_space<hbm>>
      tpu.wait_indirect_dma semaphore(%arg21 : memref<!tpu.dma_semaphore, #tpu.memory_space<semaphore_mem>>) src(%dma_wait3A_1014 : memref<10000x128xf32, #tpu.memory_space<hbm>>) dst(%dma_wait3A_1008 : memref<48x128xf32, #tpu.memory_space<vmem>>)
      %run_scoped3A_1015 = arith.constant 3 : i32
      %run_scoped3A_1016 = arith.constant 3 : i32
      %run_scoped3A_1017 = arith.constant 1 : i32
      "tpu.region"() ({
        %run_scoped3A_1497 = tpu.sem_alloc : memref<!tpu.dma_semaphore, #tpu.memory_space<semaphore_mem>>
        %dma_start3A_1498 = arith.constant 0 : i32
        %dma_start3A_1499 = arith.constant 0 : i32
        %dma_start3A_1500 = tpu.memref_slice %arg6[%run_scoped3A_1015, %dma_start3A_1498, %dma_start3A_1499] : memref<5x48x128xf32, #tpu.memory_space<vmem>> -> memref<1x48x128xf32, #tpu.memory_space<vmem>>
        %dma_start3A_1501 = tpu.memref_squeeze %dma_start3A_1500 : memref<1x48x128xf32, #tpu.memory_space<vmem>> -> memref<48x128xf32, #tpu.memory_space<vmem>>
        %dma_start3A_1502 = arith.constant 0 : i32
        %dma_start3A_1503 = tpu.memref_slice %arg5[%run_scoped3A_1016, %run_scoped3A_1017, %dma_start3A_1502] : memref<10x2x48xi32, #tpu.memory_space<vmem>> -> memref<1x1x48xi32, #tpu.memory_space<vmem>>
        %dma_start3A_1504 = tpu.memref_squeeze %dma_start3A_1503 : memref<1x1x48xi32, #tpu.memory_space<vmem>> -> memref<48xi32, #tpu.memory_space<vmem>>
        %dma_start3A_1505 = arith.constant 0 : i32
        %dma_start3A_1506 = arith.constant 0 : i32
        %dma_start3A_1507 = tpu.memref_slice %arg7[%dma_start3A_1505, %dma_start3A_1506] : memref<10112x128xf32, #tpu.memory_space<vmem_shared>> -> memref<10112x128xf32, #tpu.memory_space<vmem_shared>>
        tpu.enqueue_indirect_dma source(%dma_start3A_1501 : memref<48x128xf32, #tpu.memory_space<vmem>>) target(%dma_start3A_1507 : memref<10112x128xf32, #tpu.memory_space<vmem_shared>>) offsets(%dma_start3A_1504 : memref<48xi32, #tpu.memory_space<vmem>>) semaphore(%run_scoped3A_1497 : memref<!tpu.dma_semaphore, #tpu.memory_space<semaphore_mem>>) {add = true}
        %dma_wait3A_1508 = arith.constant 0 : i32
        %dma_wait3A_1509 = arith.constant 0 : i32
        %dma_wait3A_1510 = tpu.memref_slice %arg6[%run_scoped3A_1015, %dma_wait3A_1508, %dma_wait3A_1509] : memref<5x48x128xf32, #tpu.memory_space<vmem>> -> memref<1x48x128xf32, #tpu.memory_space<vmem>>
        %dma_wait3A_1511 = tpu.memref_squeeze %dma_wait3A_1510 : memref<1x48x128xf32, #tpu.memory_space<vmem>> -> memref<48x128xf32, #tpu.memory_space<vmem>>
        %dma_wait3A_1512 = arith.constant 0 : i32
        %dma_wait3A_1513 = tpu.memref_slice %arg5[%run_scoped3A_1016, %run_scoped3A_1017, %dma_wait3A_1512] : memref<10x2x48xi32, #tpu.memory_space<vmem>> -> memref<1x1x48xi32, #tpu.memory_space<vmem>>
        %dma_wait3A_1514 = tpu.memref_squeeze %dma_wait3A_1513 : memref<1x1x48xi32, #tpu.memory_space<vmem>> -> memref<48xi32, #tpu.memory_space<vmem>>
        %dma_wait3A_1515 = arith.constant 0 : i32
        %dma_wait3A_1516 = arith.constant 0 : i32
        %dma_wait3A_1517 = tpu.memref_slice %arg7[%dma_wait3A_1515, %dma_wait3A_1516] : memref<10112x128xf32, #tpu.memory_space<vmem_shared>> -> memref<10112x128xf32, #tpu.memory_space<vmem_shared>>
        tpu.wait_indirect_dma semaphore(%run_scoped3A_1497 : memref<!tpu.dma_semaphore, #tpu.memory_space<semaphore_mem>>) src(%dma_wait3A_1511 : memref<48x128xf32, #tpu.memory_space<vmem>>) dst(%dma_wait3A_1517 : memref<10112x128xf32, #tpu.memory_space<vmem_shared>>)
        tpu.yield
      }) : () -> ()
      %add3A_1018 = arith.constant 10 : i32
      %add3A_1019 = arith.addi %add3A_1001, %add3A_1018 : i32
      %add3A_1020 = arith.addi %select_n3A_8, %add3A_1019 : i32
      %dma_start3A_1021 = arith.constant 3 : i32
      %dma_start3A_1022 = arith.constant 0 : i32
      %dma_start3A_1023 = arith.constant 0 : i32
      %dma_start3A_1024 = tpu.memref_slice %arg5[%dma_start3A_1021, %dma_start3A_1022, %dma_start3A_1023] : memref<10x2x48xi32, #tpu.memory_space<vmem>> -> memref<1x2x48xi32, #tpu.memory_space<vmem>>
      %dma_start3A_1025 = tpu.memref_squeeze %dma_start3A_1024 : memref<1x2x48xi32, #tpu.memory_space<vmem>> -> memref<2x48xi32, #tpu.memory_space<vmem>>
      %dma_start3A_1026 = arith.constant 0 : i32
      %dma_start3A_1027 = arith.constant 0 : i32
      %dma_start3A_1028 = tpu.memref_slice %arg3[%add3A_1020, %dma_start3A_1026, %dma_start3A_1027] : memref<6720x2x48xi32, #tpu.memory_space<hbm>> -> memref<1x2x48xi32, #tpu.memory_space<hbm>>
      %dma_start3A_1029 = tpu.memref_squeeze %dma_start3A_1028 : memref<1x2x48xi32, #tpu.memory_space<hbm>> -> memref<2x48xi32, #tpu.memory_space<hbm>>
      %dma_start3A_1030 = arith.constant 0 : i32
      %dma_start3A_1031 = arith.constant 0 : i32
      %dma_start3A_1032 = tpu.memref_slice %arg5[%dma_start3A_1021, %dma_start3A_1030, %dma_start3A_1031] : memref<10x2x48xi32, #tpu.memory_space<vmem>> -> memref<1x2x48xi32, #tpu.memory_space<vmem>>
      %dma_start3A_1033 = tpu.memref_squeeze %dma_start3A_1032 : memref<1x2x48xi32, #tpu.memory_space<vmem>> -> memref<2x48xi32, #tpu.memory_space<vmem>>
      %dma_start3A_1034 = arith.constant 0 : i32
      %dma_start3A_1035 = arith.constant 0 : i32
      %dma_start3A_1036 = tpu.memref_slice %arg3[%add3A_1020, %dma_start3A_1034, %dma_start3A_1035] : memref<6720x2x48xi32, #tpu.memory_space<hbm>> -> memref<1x2x48xi32, #tpu.memory_space<hbm>>
      %dma_start3A_1037 = tpu.memref_squeeze %dma_start3A_1036 : memref<1x2x48xi32, #tpu.memory_space<hbm>> -> memref<2x48xi32, #tpu.memory_space<hbm>>
      tpu.enqueue_dma source(%dma_start3A_1037 : memref<2x48xi32, #tpu.memory_space<hbm>>) target(%dma_start3A_1033 : memref<2x48xi32, #tpu.memory_space<vmem>>) target_semaphore(%arg11 : memref<!tpu.dma_semaphore, #tpu.memory_space<semaphore_mem>>)
      %dma_wait3A_1038 = arith.constant 0 : i32
      %dma_wait3A_1039 = arith.constant 8 : i32
      %dma_wait3A_1040 = arith.constant 0 : i32
      %dma_wait3A_1041 = arith.constant 0 : i32
      %dma_wait3A_1042 = tpu.memref_slice %arg5[%dma_wait3A_1039, %dma_wait3A_1040, %dma_wait3A_1041] : memref<10x2x48xi32, #tpu.memory_space<vmem>> -> memref<1x2x48xi32, #tpu.memory_space<vmem>>
      %dma_wait3A_1043 = tpu.memref_squeeze %dma_wait3A_1042 : memref<1x2x48xi32, #tpu.memory_space<vmem>> -> memref<2x48xi32, #tpu.memory_space<vmem>>
      %dma_wait3A_1044 = arith.constant 0 : i32
      %dma_wait3A_1045 = arith.constant 0 : i32
      %dma_wait3A_1046 = tpu.memref_slice %arg3[%dma_wait3A_1038, %dma_wait3A_1044, %dma_wait3A_1045] : memref<6720x2x48xi32, #tpu.memory_space<hbm>> -> memref<1x2x48xi32, #tpu.memory_space<hbm>>
      %dma_wait3A_1047 = tpu.memref_squeeze %dma_wait3A_1046 : memref<1x2x48xi32, #tpu.memory_space<hbm>> -> memref<2x48xi32, #tpu.memory_space<hbm>>
      %dma_wait3A_1048 = arith.constant 0 : i32
      %dma_wait3A_1049 = arith.constant 0 : i32
      %dma_wait3A_1050 = tpu.memref_slice %arg5[%dma_wait3A_1039, %dma_wait3A_1048, %dma_wait3A_1049] : memref<10x2x48xi32, #tpu.memory_space<vmem>> -> memref<1x2x48xi32, #tpu.memory_space<vmem>>
      %dma_wait3A_1051 = tpu.memref_squeeze %dma_wait3A_1050 : memref<1x2x48xi32, #tpu.memory_space<vmem>> -> memref<2x48xi32, #tpu.memory_space<vmem>>
      %dma_wait3A_1052 = arith.constant 0 : i32
      %dma_wait3A_1053 = arith.constant 0 : i32
      %dma_wait3A_1054 = tpu.memref_slice %arg3[%dma_wait3A_1038, %dma_wait3A_1052, %dma_wait3A_1053] : memref<6720x2x48xi32, #tpu.memory_space<hbm>> -> memref<1x2x48xi32, #tpu.memory_space<hbm>>
      %dma_wait3A_1055 = tpu.memref_squeeze %dma_wait3A_1054 : memref<1x2x48xi32, #tpu.memory_space<hbm>> -> memref<2x48xi32, #tpu.memory_space<hbm>>
      tpu.wait_dma2 semaphore(%arg16 : memref<!tpu.dma_semaphore, #tpu.memory_space<semaphore_mem>>) src(%dma_wait3A_1055 : memref<2x48xi32, #tpu.memory_space<hbm>>) dst(%dma_wait3A_1051 : memref<2x48xi32, #tpu.memory_space<vmem>>)
      %add3A_1056 = arith.constant 5 : i32
      %add3A_1057 = arith.addi %add3A_1001, %add3A_1056 : i32
      %dma_start3A_1058 = arith.constant 8 : i32
      %dma_start3A_1059 = arith.constant 0 : i32
      %dma_start3A_1060 = arith.constant 3 : i32
      %dma_start3A_1061 = arith.constant 0 : i32
      %dma_start3A_1062 = arith.constant 0 : i32
      %dma_start3A_1063 = tpu.memref_slice %arg6[%dma_start3A_1060, %dma_start3A_1061, %dma_start3A_1062] : memref<5x48x128xf32, #tpu.memory_space<vmem>> -> memref<1x48x128xf32, #tpu.memory_space<vmem>>
      %dma_start3A_1064 = tpu.memref_squeeze %dma_start3A_1063 : memref<1x48x128xf32, #tpu.memory_space<vmem>> -> memref<48x128xf32, #tpu.memory_space<vmem>>
      %dma_start3A_1065 = arith.constant 0 : i32
      %dma_start3A_1066 = tpu.memref_slice %arg5[%dma_start3A_1058, %dma_start3A_1059, %dma_start3A_1065] : memref<10x2x48xi32, #tpu.memory_space<vmem>> -> memref<1x1x48xi32, #tpu.memory_space<vmem>>
      %dma_start3A_1067 = tpu.memref_squeeze %dma_start3A_1066 : memref<1x1x48xi32, #tpu.memory_space<vmem>> -> memref<48xi32, #tpu.memory_space<vmem>>
      %dma_start3A_1068 = arith.constant 0 : i32
      %dma_start3A_1069 = arith.constant 0 : i32
      %dma_start3A_1070 = tpu.memref_slice %arg2[%dma_start3A_1068, %dma_start3A_1069] : memref<10000x128xf32, #tpu.memory_space<hbm>> -> memref<10000x128xf32, #tpu.memory_space<hbm>>
      tpu.enqueue_indirect_dma source(%dma_start3A_1070 : memref<10000x128xf32, #tpu.memory_space<hbm>>) target(%dma_start3A_1064 : memref<48x128xf32, #tpu.memory_space<vmem>>) offsets(%dma_start3A_1067 : memref<48xi32, #tpu.memory_space<vmem>>) semaphore(%arg21 : memref<!tpu.dma_semaphore, #tpu.memory_space<semaphore_mem>>)
      %add3A_1071 = arith.constant 4 : i32
      %add3A_1072 = arith.addi %add3A_786, %add3A_1071 : i32
      %dma_wait3A_1073 = arith.constant 0 : i32
      %dma_wait3A_1074 = arith.constant 0 : i32
      %dma_wait3A_1075 = arith.constant 4 : i32
      %dma_wait3A_1076 = arith.constant 0 : i32
      %dma_wait3A_1077 = arith.constant 0 : i32
      %dma_wait3A_1078 = tpu.memref_slice %arg6[%dma_wait3A_1075, %dma_wait3A_1076, %dma_wait3A_1077] : memref<5x48x128xf32, #tpu.memory_space<vmem>> -> memref<1x48x128xf32, #tpu.memory_space<vmem>>
      %dma_wait3A_1079 = tpu.memref_squeeze %dma_wait3A_1078 : memref<1x48x128xf32, #tpu.memory_space<vmem>> -> memref<48x128xf32, #tpu.memory_space<vmem>>
      %dma_wait3A_1080 = arith.constant 0 : i32
      %dma_wait3A_1081 = tpu.memref_slice %arg5[%dma_wait3A_1073, %dma_wait3A_1074, %dma_wait3A_1080] : memref<10x2x48xi32, #tpu.memory_space<vmem>> -> memref<1x1x48xi32, #tpu.memory_space<vmem>>
      %dma_wait3A_1082 = tpu.memref_squeeze %dma_wait3A_1081 : memref<1x1x48xi32, #tpu.memory_space<vmem>> -> memref<48xi32, #tpu.memory_space<vmem>>
      %dma_wait3A_1083 = arith.constant 0 : i32
      %dma_wait3A_1084 = arith.constant 0 : i32
      %dma_wait3A_1085 = tpu.memref_slice %arg2[%dma_wait3A_1083, %dma_wait3A_1084] : memref<10000x128xf32, #tpu.memory_space<hbm>> -> memref<10000x128xf32, #tpu.memory_space<hbm>>
      tpu.wait_indirect_dma semaphore(%arg22 : memref<!tpu.dma_semaphore, #tpu.memory_space<semaphore_mem>>) src(%dma_wait3A_1085 : memref<10000x128xf32, #tpu.memory_space<hbm>>) dst(%dma_wait3A_1079 : memref<48x128xf32, #tpu.memory_space<vmem>>)
      %run_scoped3A_1086 = arith.constant 4 : i32
      %run_scoped3A_1087 = arith.constant 4 : i32
      %run_scoped3A_1088 = arith.constant 1 : i32
      "tpu.region"() ({
        %run_scoped3A_1497 = tpu.sem_alloc : memref<!tpu.dma_semaphore, #tpu.memory_space<semaphore_mem>>
        %dma_start3A_1498 = arith.constant 0 : i32
        %dma_start3A_1499 = arith.constant 0 : i32
        %dma_start3A_1500 = tpu.memref_slice %arg6[%run_scoped3A_1086, %dma_start3A_1498, %dma_start3A_1499] : memref<5x48x128xf32, #tpu.memory_space<vmem>> -> memref<1x48x128xf32, #tpu.memory_space<vmem>>
        %dma_start3A_1501 = tpu.memref_squeeze %dma_start3A_1500 : memref<1x48x128xf32, #tpu.memory_space<vmem>> -> memref<48x128xf32, #tpu.memory_space<vmem>>
        %dma_start3A_1502 = arith.constant 0 : i32
        %dma_start3A_1503 = tpu.memref_slice %arg5[%run_scoped3A_1087, %run_scoped3A_1088, %dma_start3A_1502] : memref<10x2x48xi32, #tpu.memory_space<vmem>> -> memref<1x1x48xi32, #tpu.memory_space<vmem>>
        %dma_start3A_1504 = tpu.memref_squeeze %dma_start3A_1503 : memref<1x1x48xi32, #tpu.memory_space<vmem>> -> memref<48xi32, #tpu.memory_space<vmem>>
        %dma_start3A_1505 = arith.constant 0 : i32
        %dma_start3A_1506 = arith.constant 0 : i32
        %dma_start3A_1507 = tpu.memref_slice %arg7[%dma_start3A_1505, %dma_start3A_1506] : memref<10112x128xf32, #tpu.memory_space<vmem_shared>> -> memref<10112x128xf32, #tpu.memory_space<vmem_shared>>
        tpu.enqueue_indirect_dma source(%dma_start3A_1501 : memref<48x128xf32, #tpu.memory_space<vmem>>) target(%dma_start3A_1507 : memref<10112x128xf32, #tpu.memory_space<vmem_shared>>) offsets(%dma_start3A_1504 : memref<48xi32, #tpu.memory_space<vmem>>) semaphore(%run_scoped3A_1497 : memref<!tpu.dma_semaphore, #tpu.memory_space<semaphore_mem>>) {add = true}
        %dma_wait3A_1508 = arith.constant 0 : i32
        %dma_wait3A_1509 = arith.constant 0 : i32
        %dma_wait3A_1510 = tpu.memref_slice %arg6[%run_scoped3A_1086, %dma_wait3A_1508, %dma_wait3A_1509] : memref<5x48x128xf32, #tpu.memory_space<vmem>> -> memref<1x48x128xf32, #tpu.memory_space<vmem>>
        %dma_wait3A_1511 = tpu.memref_squeeze %dma_wait3A_1510 : memref<1x48x128xf32, #tpu.memory_space<vmem>> -> memref<48x128xf32, #tpu.memory_space<vmem>>
        %dma_wait3A_1512 = arith.constant 0 : i32
        %dma_wait3A_1513 = tpu.memref_slice %arg5[%run_scoped3A_1087, %run_scoped3A_1088, %dma_wait3A_1512] : memref<10x2x48xi32, #tpu.memory_space<vmem>> -> memref<1x1x48xi32, #tpu.memory_space<vmem>>
        %dma_wait3A_1514 = tpu.memref_squeeze %dma_wait3A_1513 : memref<1x1x48xi32, #tpu.memory_space<vmem>> -> memref<48xi32, #tpu.memory_space<vmem>>
        %dma_wait3A_1515 = arith.constant 0 : i32
        %dma_wait3A_1516 = arith.constant 0 : i32
        %dma_wait3A_1517 = tpu.memref_slice %arg7[%dma_wait3A_1515, %dma_wait3A_1516] : memref<10112x128xf32, #tpu.memory_space<vmem_shared>> -> memref<10112x128xf32, #tpu.memory_space<vmem_shared>>
        tpu.wait_indirect_dma semaphore(%run_scoped3A_1497 : memref<!tpu.dma_semaphore, #tpu.memory_space<semaphore_mem>>) src(%dma_wait3A_1511 : memref<48x128xf32, #tpu.memory_space<vmem>>) dst(%dma_wait3A_1517 : memref<10112x128xf32, #tpu.memory_space<vmem_shared>>)
        tpu.yield
      }) : () -> ()
      %add3A_1089 = arith.constant 10 : i32
      %add3A_1090 = arith.addi %add3A_1072, %add3A_1089 : i32
      %add3A_1091 = arith.addi %select_n3A_8, %add3A_1090 : i32
      %dma_start3A_1092 = arith.constant 4 : i32
      %dma_start3A_1093 = arith.constant 0 : i32
      %dma_start3A_1094 = arith.constant 0 : i32
      %dma_start3A_1095 = tpu.memref_slice %arg5[%dma_start3A_1092, %dma_start3A_1093, %dma_start3A_1094] : memref<10x2x48xi32, #tpu.memory_space<vmem>> -> memref<1x2x48xi32, #tpu.memory_space<vmem>>
      %dma_start3A_1096 = tpu.memref_squeeze %dma_start3A_1095 : memref<1x2x48xi32, #tpu.memory_space<vmem>> -> memref<2x48xi32, #tpu.memory_space<vmem>>
      %dma_start3A_1097 = arith.constant 0 : i32
      %dma_start3A_1098 = arith.constant 0 : i32
      %dma_start3A_1099 = tpu.memref_slice %arg3[%add3A_1091, %dma_start3A_1097, %dma_start3A_1098] : memref<6720x2x48xi32, #tpu.memory_space<hbm>> -> memref<1x2x48xi32, #tpu.memory_space<hbm>>
      %dma_start3A_1100 = tpu.memref_squeeze %dma_start3A_1099 : memref<1x2x48xi32, #tpu.memory_space<hbm>> -> memref<2x48xi32, #tpu.memory_space<hbm>>
      %dma_start3A_1101 = arith.constant 0 : i32
      %dma_start3A_1102 = arith.constant 0 : i32
      %dma_start3A_1103 = tpu.memref_slice %arg5[%dma_start3A_1092, %dma_start3A_1101, %dma_start3A_1102] : memref<10x2x48xi32, #tpu.memory_space<vmem>> -> memref<1x2x48xi32, #tpu.memory_space<vmem>>
      %dma_start3A_1104 = tpu.memref_squeeze %dma_start3A_1103 : memref<1x2x48xi32, #tpu.memory_space<vmem>> -> memref<2x48xi32, #tpu.memory_space<vmem>>
      %dma_start3A_1105 = arith.constant 0 : i32
      %dma_start3A_1106 = arith.constant 0 : i32
      %dma_start3A_1107 = tpu.memref_slice %arg3[%add3A_1091, %dma_start3A_1105, %dma_start3A_1106] : memref<6720x2x48xi32, #tpu.memory_space<hbm>> -> memref<1x2x48xi32, #tpu.memory_space<hbm>>
      %dma_start3A_1108 = tpu.memref_squeeze %dma_start3A_1107 : memref<1x2x48xi32, #tpu.memory_space<hbm>> -> memref<2x48xi32, #tpu.memory_space<hbm>>
      tpu.enqueue_dma source(%dma_start3A_1108 : memref<2x48xi32, #tpu.memory_space<hbm>>) target(%dma_start3A_1104 : memref<2x48xi32, #tpu.memory_space<vmem>>) target_semaphore(%arg12 : memref<!tpu.dma_semaphore, #tpu.memory_space<semaphore_mem>>)
      %dma_wait3A_1109 = arith.constant 0 : i32
      %dma_wait3A_1110 = arith.constant 9 : i32
      %dma_wait3A_1111 = arith.constant 0 : i32
      %dma_wait3A_1112 = arith.constant 0 : i32
      %dma_wait3A_1113 = tpu.memref_slice %arg5[%dma_wait3A_1110, %dma_wait3A_1111, %dma_wait3A_1112] : memref<10x2x48xi32, #tpu.memory_space<vmem>> -> memref<1x2x48xi32, #tpu.memory_space<vmem>>
      %dma_wait3A_1114 = tpu.memref_squeeze %dma_wait3A_1113 : memref<1x2x48xi32, #tpu.memory_space<vmem>> -> memref<2x48xi32, #tpu.memory_space<vmem>>
      %dma_wait3A_1115 = arith.constant 0 : i32
      %dma_wait3A_1116 = arith.constant 0 : i32
      %dma_wait3A_1117 = tpu.memref_slice %arg3[%dma_wait3A_1109, %dma_wait3A_1115, %dma_wait3A_1116] : memref<6720x2x48xi32, #tpu.memory_space<hbm>> -> memref<1x2x48xi32, #tpu.memory_space<hbm>>
      %dma_wait3A_1118 = tpu.memref_squeeze %dma_wait3A_1117 : memref<1x2x48xi32, #tpu.memory_space<hbm>> -> memref<2x48xi32, #tpu.memory_space<hbm>>
      %dma_wait3A_1119 = arith.constant 0 : i32
      %dma_wait3A_1120 = arith.constant 0 : i32
      %dma_wait3A_1121 = tpu.memref_slice %arg5[%dma_wait3A_1110, %dma_wait3A_1119, %dma_wait3A_1120] : memref<10x2x48xi32, #tpu.memory_space<vmem>> -> memref<1x2x48xi32, #tpu.memory_space<vmem>>
      %dma_wait3A_1122 = tpu.memref_squeeze %dma_wait3A_1121 : memref<1x2x48xi32, #tpu.memory_space<vmem>> -> memref<2x48xi32, #tpu.memory_space<vmem>>
      %dma_wait3A_1123 = arith.constant 0 : i32
      %dma_wait3A_1124 = arith.constant 0 : i32
      %dma_wait3A_1125 = tpu.memref_slice %arg3[%dma_wait3A_1109, %dma_wait3A_1123, %dma_wait3A_1124] : memref<6720x2x48xi32, #tpu.memory_space<hbm>> -> memref<1x2x48xi32, #tpu.memory_space<hbm>>
      %dma_wait3A_1126 = tpu.memref_squeeze %dma_wait3A_1125 : memref<1x2x48xi32, #tpu.memory_space<hbm>> -> memref<2x48xi32, #tpu.memory_space<hbm>>
      tpu.wait_dma2 semaphore(%arg17 : memref<!tpu.dma_semaphore, #tpu.memory_space<semaphore_mem>>) src(%dma_wait3A_1126 : memref<2x48xi32, #tpu.memory_space<hbm>>) dst(%dma_wait3A_1122 : memref<2x48xi32, #tpu.memory_space<vmem>>)
      %add3A_1127 = arith.constant 5 : i32
      %add3A_1128 = arith.addi %add3A_1072, %add3A_1127 : i32
      %dma_start3A_1129 = arith.constant 9 : i32
      %dma_start3A_1130 = arith.constant 0 : i32
      %dma_start3A_1131 = arith.constant 4 : i32
      %dma_start3A_1132 = arith.constant 0 : i32
      %dma_start3A_1133 = arith.constant 0 : i32
      %dma_start3A_1134 = tpu.memref_slice %arg6[%dma_start3A_1131, %dma_start3A_1132, %dma_start3A_1133] : memref<5x48x128xf32, #tpu.memory_space<vmem>> -> memref<1x48x128xf32, #tpu.memory_space<vmem>>
      %dma_start3A_1135 = tpu.memref_squeeze %dma_start3A_1134 : memref<1x48x128xf32, #tpu.memory_space<vmem>> -> memref<48x128xf32, #tpu.memory_space<vmem>>
      %dma_start3A_1136 = arith.constant 0 : i32
      %dma_start3A_1137 = tpu.memref_slice %arg5[%dma_start3A_1129, %dma_start3A_1130, %dma_start3A_1136] : memref<10x2x48xi32, #tpu.memory_space<vmem>> -> memref<1x1x48xi32, #tpu.memory_space<vmem>>
      %dma_start3A_1138 = tpu.memref_squeeze %dma_start3A_1137 : memref<1x1x48xi32, #tpu.memory_space<vmem>> -> memref<48xi32, #tpu.memory_space<vmem>>
      %dma_start3A_1139 = arith.constant 0 : i32
      %dma_start3A_1140 = arith.constant 0 : i32
      %dma_start3A_1141 = tpu.memref_slice %arg2[%dma_start3A_1139, %dma_start3A_1140] : memref<10000x128xf32, #tpu.memory_space<hbm>> -> memref<10000x128xf32, #tpu.memory_space<hbm>>
      tpu.enqueue_indirect_dma source(%dma_start3A_1141 : memref<10000x128xf32, #tpu.memory_space<hbm>>) target(%dma_start3A_1135 : memref<48x128xf32, #tpu.memory_space<vmem>>) offsets(%dma_start3A_1138 : memref<48xi32, #tpu.memory_space<vmem>>) semaphore(%arg22 : memref<!tpu.dma_semaphore, #tpu.memory_space<semaphore_mem>>)
      %add3A_1142 = arith.constant 5 : i32
      %add3A_1143 = arith.addi %add3A_786, %add3A_1142 : i32
      %dma_wait3A_1144 = arith.constant 0 : i32
      %dma_wait3A_1145 = arith.constant 0 : i32
      %dma_wait3A_1146 = arith.constant 0 : i32
      %dma_wait3A_1147 = arith.constant 0 : i32
      %dma_wait3A_1148 = arith.constant 0 : i32
      %dma_wait3A_1149 = tpu.memref_slice %arg6[%dma_wait3A_1146, %dma_wait3A_1147, %dma_wait3A_1148] : memref<5x48x128xf32, #tpu.memory_space<vmem>> -> memref<1x48x128xf32, #tpu.memory_space<vmem>>
      %dma_wait3A_1150 = tpu.memref_squeeze %dma_wait3A_1149 : memref<1x48x128xf32, #tpu.memory_space<vmem>> -> memref<48x128xf32, #tpu.memory_space<vmem>>
      %dma_wait3A_1151 = arith.constant 0 : i32
      %dma_wait3A_1152 = tpu.memref_slice %arg5[%dma_wait3A_1144, %dma_wait3A_1145, %dma_wait3A_1151] : memref<10x2x48xi32, #tpu.memory_space<vmem>> -> memref<1x1x48xi32, #tpu.memory_space<vmem>>
      %dma_wait3A_1153 = tpu.memref_squeeze %dma_wait3A_1152 : memref<1x1x48xi32, #tpu.memory_space<vmem>> -> memref<48xi32, #tpu.memory_space<vmem>>
      %dma_wait3A_1154 = arith.constant 0 : i32
      %dma_wait3A_1155 = arith.constant 0 : i32
      %dma_wait3A_1156 = tpu.memref_slice %arg2[%dma_wait3A_1154, %dma_wait3A_1155] : memref<10000x128xf32, #tpu.memory_space<hbm>> -> memref<10000x128xf32, #tpu.memory_space<hbm>>
      tpu.wait_indirect_dma semaphore(%arg18 : memref<!tpu.dma_semaphore, #tpu.memory_space<semaphore_mem>>) src(%dma_wait3A_1156 : memref<10000x128xf32, #tpu.memory_space<hbm>>) dst(%dma_wait3A_1150 : memref<48x128xf32, #tpu.memory_space<vmem>>)
      %run_scoped3A_1157 = arith.constant 0 : i32
      %run_scoped3A_1158 = arith.constant 5 : i32
      %run_scoped3A_1159 = arith.constant 1 : i32
      "tpu.region"() ({
        %run_scoped3A_1497 = tpu.sem_alloc : memref<!tpu.dma_semaphore, #tpu.memory_space<semaphore_mem>>
        %dma_start3A_1498 = arith.constant 0 : i32
        %dma_start3A_1499 = arith.constant 0 : i32
        %dma_start3A_1500 = tpu.memref_slice %arg6[%run_scoped3A_1157, %dma_start3A_1498, %dma_start3A_1499] : memref<5x48x128xf32, #tpu.memory_space<vmem>> -> memref<1x48x128xf32, #tpu.memory_space<vmem>>
        %dma_start3A_1501 = tpu.memref_squeeze %dma_start3A_1500 : memref<1x48x128xf32, #tpu.memory_space<vmem>> -> memref<48x128xf32, #tpu.memory_space<vmem>>
        %dma_start3A_1502 = arith.constant 0 : i32
        %dma_start3A_1503 = tpu.memref_slice %arg5[%run_scoped3A_1158, %run_scoped3A_1159, %dma_start3A_1502] : memref<10x2x48xi32, #tpu.memory_space<vmem>> -> memref<1x1x48xi32, #tpu.memory_space<vmem>>
        %dma_start3A_1504 = tpu.memref_squeeze %dma_start3A_1503 : memref<1x1x48xi32, #tpu.memory_space<vmem>> -> memref<48xi32, #tpu.memory_space<vmem>>
        %dma_start3A_1505 = arith.constant 0 : i32
        %dma_start3A_1506 = arith.constant 0 : i32
        %dma_start3A_1507 = tpu.memref_slice %arg7[%dma_start3A_1505, %dma_start3A_1506] : memref<10112x128xf32, #tpu.memory_space<vmem_shared>> -> memref<10112x128xf32, #tpu.memory_space<vmem_shared>>
        tpu.enqueue_indirect_dma source(%dma_start3A_1501 : memref<48x128xf32, #tpu.memory_space<vmem>>) target(%dma_start3A_1507 : memref<10112x128xf32, #tpu.memory_space<vmem_shared>>) offsets(%dma_start3A_1504 : memref<48xi32, #tpu.memory_space<vmem>>) semaphore(%run_scoped3A_1497 : memref<!tpu.dma_semaphore, #tpu.memory_space<semaphore_mem>>) {add = true}
        %dma_wait3A_1508 = arith.constant 0 : i32
        %dma_wait3A_1509 = arith.constant 0 : i32
        %dma_wait3A_1510 = tpu.memref_slice %arg6[%run_scoped3A_1157, %dma_wait3A_1508, %dma_wait3A_1509] : memref<5x48x128xf32, #tpu.memory_space<vmem>> -> memref<1x48x128xf32, #tpu.memory_space<vmem>>
        %dma_wait3A_1511 = tpu.memref_squeeze %dma_wait3A_1510 : memref<1x48x128xf32, #tpu.memory_space<vmem>> -> memref<48x128xf32, #tpu.memory_space<vmem>>
        %dma_wait3A_1512 = arith.constant 0 : i32
        %dma_wait3A_1513 = tpu.memref_slice %arg5[%run_scoped3A_1158, %run_scoped3A_1159, %dma_wait3A_1512] : memref<10x2x48xi32, #tpu.memory_space<vmem>> -> memref<1x1x48xi32, #tpu.memory_space<vmem>>
        %dma_wait3A_1514 = tpu.memref_squeeze %dma_wait3A_1513 : memref<1x1x48xi32, #tpu.memory_space<vmem>> -> memref<48xi32, #tpu.memory_space<vmem>>
        %dma_wait3A_1515 = arith.constant 0 : i32
        %dma_wait3A_1516 = arith.constant 0 : i32
        %dma_wait3A_1517 = tpu.memref_slice %arg7[%dma_wait3A_1515, %dma_wait3A_1516] : memref<10112x128xf32, #tpu.memory_space<vmem_shared>> -> memref<10112x128xf32, #tpu.memory_space<vmem_shared>>
        tpu.wait_indirect_dma semaphore(%run_scoped3A_1497 : memref<!tpu.dma_semaphore, #tpu.memory_space<semaphore_mem>>) src(%dma_wait3A_1511 : memref<48x128xf32, #tpu.memory_space<vmem>>) dst(%dma_wait3A_1517 : memref<10112x128xf32, #tpu.memory_space<vmem_shared>>)
        tpu.yield
      }) : () -> ()
      %add3A_1160 = arith.constant 10 : i32
      %add3A_1161 = arith.addi %add3A_1143, %add3A_1160 : i32
      %add3A_1162 = arith.addi %select_n3A_8, %add3A_1161 : i32
      %dma_start3A_1163 = arith.constant 5 : i32
      %dma_start3A_1164 = arith.constant 0 : i32
      %dma_start3A_1165 = arith.constant 0 : i32
      %dma_start3A_1166 = tpu.memref_slice %arg5[%dma_start3A_1163, %dma_start3A_1164, %dma_start3A_1165] : memref<10x2x48xi32, #tpu.memory_space<vmem>> -> memref<1x2x48xi32, #tpu.memory_space<vmem>>
      %dma_start3A_1167 = tpu.memref_squeeze %dma_start3A_1166 : memref<1x2x48xi32, #tpu.memory_space<vmem>> -> memref<2x48xi32, #tpu.memory_space<vmem>>
      %dma_start3A_1168 = arith.constant 0 : i32
      %dma_start3A_1169 = arith.constant 0 : i32
      %dma_start3A_1170 = tpu.memref_slice %arg3[%add3A_1162, %dma_start3A_1168, %dma_start3A_1169] : memref<6720x2x48xi32, #tpu.memory_space<hbm>> -> memref<1x2x48xi32, #tpu.memory_space<hbm>>
      %dma_start3A_1171 = tpu.memref_squeeze %dma_start3A_1170 : memref<1x2x48xi32, #tpu.memory_space<hbm>> -> memref<2x48xi32, #tpu.memory_space<hbm>>
      %dma_start3A_1172 = arith.constant 0 : i32
      %dma_start3A_1173 = arith.constant 0 : i32
      %dma_start3A_1174 = tpu.memref_slice %arg5[%dma_start3A_1163, %dma_start3A_1172, %dma_start3A_1173] : memref<10x2x48xi32, #tpu.memory_space<vmem>> -> memref<1x2x48xi32, #tpu.memory_space<vmem>>
      %dma_start3A_1175 = tpu.memref_squeeze %dma_start3A_1174 : memref<1x2x48xi32, #tpu.memory_space<vmem>> -> memref<2x48xi32, #tpu.memory_space<vmem>>
      %dma_start3A_1176 = arith.constant 0 : i32
      %dma_start3A_1177 = arith.constant 0 : i32
      %dma_start3A_1178 = tpu.memref_slice %arg3[%add3A_1162, %dma_start3A_1176, %dma_start3A_1177] : memref<6720x2x48xi32, #tpu.memory_space<hbm>> -> memref<1x2x48xi32, #tpu.memory_space<hbm>>
      %dma_start3A_1179 = tpu.memref_squeeze %dma_start3A_1178 : memref<1x2x48xi32, #tpu.memory_space<hbm>> -> memref<2x48xi32, #tpu.memory_space<hbm>>
      tpu.enqueue_dma source(%dma_start3A_1179 : memref<2x48xi32, #tpu.memory_space<hbm>>) target(%dma_start3A_1175 : memref<2x48xi32, #tpu.memory_space<vmem>>) target_semaphore(%arg13 : memref<!tpu.dma_semaphore, #tpu.memory_space<semaphore_mem>>)
      %dma_wait3A_1180 = arith.constant 0 : i32
      %dma_wait3A_1181 = arith.constant 0 : i32
      %dma_wait3A_1182 = arith.constant 0 : i32
      %dma_wait3A_1183 = arith.constant 0 : i32
      %dma_wait3A_1184 = tpu.memref_slice %arg5[%dma_wait3A_1181, %dma_wait3A_1182, %dma_wait3A_1183] : memref<10x2x48xi32, #tpu.memory_space<vmem>> -> memref<1x2x48xi32, #tpu.memory_space<vmem>>
      %dma_wait3A_1185 = tpu.memref_squeeze %dma_wait3A_1184 : memref<1x2x48xi32, #tpu.memory_space<vmem>> -> memref<2x48xi32, #tpu.memory_space<vmem>>
      %dma_wait3A_1186 = arith.constant 0 : i32
      %dma_wait3A_1187 = arith.constant 0 : i32
      %dma_wait3A_1188 = tpu.memref_slice %arg3[%dma_wait3A_1180, %dma_wait3A_1186, %dma_wait3A_1187] : memref<6720x2x48xi32, #tpu.memory_space<hbm>> -> memref<1x2x48xi32, #tpu.memory_space<hbm>>
      %dma_wait3A_1189 = tpu.memref_squeeze %dma_wait3A_1188 : memref<1x2x48xi32, #tpu.memory_space<hbm>> -> memref<2x48xi32, #tpu.memory_space<hbm>>
      %dma_wait3A_1190 = arith.constant 0 : i32
      %dma_wait3A_1191 = arith.constant 0 : i32
      %dma_wait3A_1192 = tpu.memref_slice %arg5[%dma_wait3A_1181, %dma_wait3A_1190, %dma_wait3A_1191] : memref<10x2x48xi32, #tpu.memory_space<vmem>> -> memref<1x2x48xi32, #tpu.memory_space<vmem>>
      %dma_wait3A_1193 = tpu.memref_squeeze %dma_wait3A_1192 : memref<1x2x48xi32, #tpu.memory_space<vmem>> -> memref<2x48xi32, #tpu.memory_space<vmem>>
      %dma_wait3A_1194 = arith.constant 0 : i32
      %dma_wait3A_1195 = arith.constant 0 : i32
      %dma_wait3A_1196 = tpu.memref_slice %arg3[%dma_wait3A_1180, %dma_wait3A_1194, %dma_wait3A_1195] : memref<6720x2x48xi32, #tpu.memory_space<hbm>> -> memref<1x2x48xi32, #tpu.memory_space<hbm>>
      %dma_wait3A_1197 = tpu.memref_squeeze %dma_wait3A_1196 : memref<1x2x48xi32, #tpu.memory_space<hbm>> -> memref<2x48xi32, #tpu.memory_space<hbm>>
      tpu.wait_dma2 semaphore(%arg8 : memref<!tpu.dma_semaphore, #tpu.memory_space<semaphore_mem>>) src(%dma_wait3A_1197 : memref<2x48xi32, #tpu.memory_space<hbm>>) dst(%dma_wait3A_1193 : memref<2x48xi32, #tpu.memory_space<vmem>>)
      %add3A_1198 = arith.constant 5 : i32
      %add3A_1199 = arith.addi %add3A_1143, %add3A_1198 : i32
      %dma_start3A_1200 = arith.constant 0 : i32
      %dma_start3A_1201 = arith.constant 0 : i32
      %dma_start3A_1202 = arith.constant 0 : i32
      %dma_start3A_1203 = arith.constant 0 : i32
      %dma_start3A_1204 = arith.constant 0 : i32
      %dma_start3A_1205 = tpu.memref_slice %arg6[%dma_start3A_1202, %dma_start3A_1203, %dma_start3A_1204] : memref<5x48x128xf32, #tpu.memory_space<vmem>> -> memref<1x48x128xf32, #tpu.memory_space<vmem>>
      %dma_start3A_1206 = tpu.memref_squeeze %dma_start3A_1205 : memref<1x48x128xf32, #tpu.memory_space<vmem>> -> memref<48x128xf32, #tpu.memory_space<vmem>>
      %dma_start3A_1207 = arith.constant 0 : i32
      %dma_start3A_1208 = tpu.memref_slice %arg5[%dma_start3A_1200, %dma_start3A_1201, %dma_start3A_1207] : memref<10x2x48xi32, #tpu.memory_space<vmem>> -> memref<1x1x48xi32, #tpu.memory_space<vmem>>
      %dma_start3A_1209 = tpu.memref_squeeze %dma_start3A_1208 : memref<1x1x48xi32, #tpu.memory_space<vmem>> -> memref<48xi32, #tpu.memory_space<vmem>>
      %dma_start3A_1210 = arith.constant 0 : i32
      %dma_start3A_1211 = arith.constant 0 : i32
      %dma_start3A_1212 = tpu.memref_slice %arg2[%dma_start3A_1210, %dma_start3A_1211] : memref<10000x128xf32, #tpu.memory_space<hbm>> -> memref<10000x128xf32, #tpu.memory_space<hbm>>
      tpu.enqueue_indirect_dma source(%dma_start3A_1212 : memref<10000x128xf32, #tpu.memory_space<hbm>>) target(%dma_start3A_1206 : memref<48x128xf32, #tpu.memory_space<vmem>>) offsets(%dma_start3A_1209 : memref<48xi32, #tpu.memory_space<vmem>>) semaphore(%arg18 : memref<!tpu.dma_semaphore, #tpu.memory_space<semaphore_mem>>)
      %add3A_1213 = arith.constant 6 : i32
      %add3A_1214 = arith.addi %add3A_786, %add3A_1213 : i32
      %dma_wait3A_1215 = arith.constant 0 : i32
      %dma_wait3A_1216 = arith.constant 0 : i32
      %dma_wait3A_1217 = arith.constant 1 : i32
      %dma_wait3A_1218 = arith.constant 0 : i32
      %dma_wait3A_1219 = arith.constant 0 : i32
      %dma_wait3A_1220 = tpu.memref_slice %arg6[%dma_wait3A_1217, %dma_wait3A_1218, %dma_wait3A_1219] : memref<5x48x128xf32, #tpu.memory_space<vmem>> -> memref<1x48x128xf32, #tpu.memory_space<vmem>>
      %dma_wait3A_1221 = tpu.memref_squeeze %dma_wait3A_1220 : memref<1x48x128xf32, #tpu.memory_space<vmem>> -> memref<48x128xf32, #tpu.memory_space<vmem>>
      %dma_wait3A_1222 = arith.constant 0 : i32
      %dma_wait3A_1223 = tpu.memref_slice %arg5[%dma_wait3A_1215, %dma_wait3A_1216, %dma_wait3A_1222] : memref<10x2x48xi32, #tpu.memory_space<vmem>> -> memref<1x1x48xi32, #tpu.memory_space<vmem>>
      %dma_wait3A_1224 = tpu.memref_squeeze %dma_wait3A_1223 : memref<1x1x48xi32, #tpu.memory_space<vmem>> -> memref<48xi32, #tpu.memory_space<vmem>>
      %dma_wait3A_1225 = arith.constant 0 : i32
      %dma_wait3A_1226 = arith.constant 0 : i32
      %dma_wait3A_1227 = tpu.memref_slice %arg2[%dma_wait3A_1225, %dma_wait3A_1226] : memref<10000x128xf32, #tpu.memory_space<hbm>> -> memref<10000x128xf32, #tpu.memory_space<hbm>>
      tpu.wait_indirect_dma semaphore(%arg19 : memref<!tpu.dma_semaphore, #tpu.memory_space<semaphore_mem>>) src(%dma_wait3A_1227 : memref<10000x128xf32, #tpu.memory_space<hbm>>) dst(%dma_wait3A_1221 : memref<48x128xf32, #tpu.memory_space<vmem>>)
      %run_scoped3A_1228 = arith.constant 1 : i32
      %run_scoped3A_1229 = arith.constant 6 : i32
      %run_scoped3A_1230 = arith.constant 1 : i32
      "tpu.region"() ({
        %run_scoped3A_1497 = tpu.sem_alloc : memref<!tpu.dma_semaphore, #tpu.memory_space<semaphore_mem>>
        %dma_start3A_1498 = arith.constant 0 : i32
        %dma_start3A_1499 = arith.constant 0 : i32
        %dma_start3A_1500 = tpu.memref_slice %arg6[%run_scoped3A_1228, %dma_start3A_1498, %dma_start3A_1499] : memref<5x48x128xf32, #tpu.memory_space<vmem>> -> memref<1x48x128xf32, #tpu.memory_space<vmem>>
        %dma_start3A_1501 = tpu.memref_squeeze %dma_start3A_1500 : memref<1x48x128xf32, #tpu.memory_space<vmem>> -> memref<48x128xf32, #tpu.memory_space<vmem>>
        %dma_start3A_1502 = arith.constant 0 : i32
        %dma_start3A_1503 = tpu.memref_slice %arg5[%run_scoped3A_1229, %run_scoped3A_1230, %dma_start3A_1502] : memref<10x2x48xi32, #tpu.memory_space<vmem>> -> memref<1x1x48xi32, #tpu.memory_space<vmem>>
        %dma_start3A_1504 = tpu.memref_squeeze %dma_start3A_1503 : memref<1x1x48xi32, #tpu.memory_space<vmem>> -> memref<48xi32, #tpu.memory_space<vmem>>
        %dma_start3A_1505 = arith.constant 0 : i32
        %dma_start3A_1506 = arith.constant 0 : i32
        %dma_start3A_1507 = tpu.memref_slice %arg7[%dma_start3A_1505, %dma_start3A_1506] : memref<10112x128xf32, #tpu.memory_space<vmem_shared>> -> memref<10112x128xf32, #tpu.memory_space<vmem_shared>>
        tpu.enqueue_indirect_dma source(%dma_start3A_1501 : memref<48x128xf32, #tpu.memory_space<vmem>>) target(%dma_start3A_1507 : memref<10112x128xf32, #tpu.memory_space<vmem_shared>>) offsets(%dma_start3A_1504 : memref<48xi32, #tpu.memory_space<vmem>>) semaphore(%run_scoped3A_1497 : memref<!tpu.dma_semaphore, #tpu.memory_space<semaphore_mem>>) {add = true}
        %dma_wait3A_1508 = arith.constant 0 : i32
        %dma_wait3A_1509 = arith.constant 0 : i32
        %dma_wait3A_1510 = tpu.memref_slice %arg6[%run_scoped3A_1228, %dma_wait3A_1508, %dma_wait3A_1509] : memref<5x48x128xf32, #tpu.memory_space<vmem>> -> memref<1x48x128xf32, #tpu.memory_space<vmem>>
        %dma_wait3A_1511 = tpu.memref_squeeze %dma_wait3A_1510 : memref<1x48x128xf32, #tpu.memory_space<vmem>> -> memref<48x128xf32, #tpu.memory_space<vmem>>
        %dma_wait3A_1512 = arith.constant 0 : i32
        %dma_wait3A_1513 = tpu.memref_slice %arg5[%run_scoped3A_1229, %run_scoped3A_1230, %dma_wait3A_1512] : memref<10x2x48xi32, #tpu.memory_space<vmem>> -> memref<1x1x48xi32, #tpu.memory_space<vmem>>
        %dma_wait3A_1514 = tpu.memref_squeeze %dma_wait3A_1513 : memref<1x1x48xi32, #tpu.memory_space<vmem>> -> memref<48xi32, #tpu.memory_space<vmem>>
        %dma_wait3A_1515 = arith.constant 0 : i32
        %dma_wait3A_1516 = arith.constant 0 : i32
        %dma_wait3A_1517 = tpu.memref_slice %arg7[%dma_wait3A_1515, %dma_wait3A_1516] : memref<10112x128xf32, #tpu.memory_space<vmem_shared>> -> memref<10112x128xf32, #tpu.memory_space<vmem_shared>>
        tpu.wait_indirect_dma semaphore(%run_scoped3A_1497 : memref<!tpu.dma_semaphore, #tpu.memory_space<semaphore_mem>>) src(%dma_wait3A_1511 : memref<48x128xf32, #tpu.memory_space<vmem>>) dst(%dma_wait3A_1517 : memref<10112x128xf32, #tpu.memory_space<vmem_shared>>)
        tpu.yield
      }) : () -> ()
      %add3A_1231 = arith.constant 10 : i32
      %add3A_1232 = arith.addi %add3A_1214, %add3A_1231 : i32
      %add3A_1233 = arith.addi %select_n3A_8, %add3A_1232 : i32
      %dma_start3A_1234 = arith.constant 6 : i32
      %dma_start3A_1235 = arith.constant 0 : i32
      %dma_start3A_1236 = arith.constant 0 : i32
      %dma_start3A_1237 = tpu.memref_slice %arg5[%dma_start3A_1234, %dma_start3A_1235, %dma_start3A_1236] : memref<10x2x48xi32, #tpu.memory_space<vmem>> -> memref<1x2x48xi32, #tpu.memory_space<vmem>>
      %dma_start3A_1238 = tpu.memref_squeeze %dma_start3A_1237 : memref<1x2x48xi32, #tpu.memory_space<vmem>> -> memref<2x48xi32, #tpu.memory_space<vmem>>
      %dma_start3A_1239 = arith.constant 0 : i32
      %dma_start3A_1240 = arith.constant 0 : i32
      %dma_start3A_1241 = tpu.memref_slice %arg3[%add3A_1233, %dma_start3A_1239, %dma_start3A_1240] : memref<6720x2x48xi32, #tpu.memory_space<hbm>> -> memref<1x2x48xi32, #tpu.memory_space<hbm>>
      %dma_start3A_1242 = tpu.memref_squeeze %dma_start3A_1241 : memref<1x2x48xi32, #tpu.memory_space<hbm>> -> memref<2x48xi32, #tpu.memory_space<hbm>>
      %dma_start3A_1243 = arith.constant 0 : i32
      %dma_start3A_1244 = arith.constant 0 : i32
      %dma_start3A_1245 = tpu.memref_slice %arg5[%dma_start3A_1234, %dma_start3A_1243, %dma_start3A_1244] : memref<10x2x48xi32, #tpu.memory_space<vmem>> -> memref<1x2x48xi32, #tpu.memory_space<vmem>>
      %dma_start3A_1246 = tpu.memref_squeeze %dma_start3A_1245 : memref<1x2x48xi32, #tpu.memory_space<vmem>> -> memref<2x48xi32, #tpu.memory_space<vmem>>
      %dma_start3A_1247 = arith.constant 0 : i32
      %dma_start3A_1248 = arith.constant 0 : i32
      %dma_start3A_1249 = tpu.memref_slice %arg3[%add3A_1233, %dma_start3A_1247, %dma_start3A_1248] : memref<6720x2x48xi32, #tpu.memory_space<hbm>> -> memref<1x2x48xi32, #tpu.memory_space<hbm>>
      %dma_start3A_1250 = tpu.memref_squeeze %dma_start3A_1249 : memref<1x2x48xi32, #tpu.memory_space<hbm>> -> memref<2x48xi32, #tpu.memory_space<hbm>>
      tpu.enqueue_dma source(%dma_start3A_1250 : memref<2x48xi32, #tpu.memory_space<hbm>>) target(%dma_start3A_1246 : memref<2x48xi32, #tpu.memory_space<vmem>>) target_semaphore(%arg14 : memref<!tpu.dma_semaphore, #tpu.memory_space<semaphore_mem>>)
      %dma_wait3A_1251 = arith.constant 0 : i32
      %dma_wait3A_1252 = arith.constant 1 : i32
      %dma_wait3A_1253 = arith.constant 0 : i32
      %dma_wait3A_1254 = arith.constant 0 : i32
      %dma_wait3A_1255 = tpu.memref_slice %arg5[%dma_wait3A_1252, %dma_wait3A_1253, %dma_wait3A_1254] : memref<10x2x48xi32, #tpu.memory_space<vmem>> -> memref<1x2x48xi32, #tpu.memory_space<vmem>>
      %dma_wait3A_1256 = tpu.memref_squeeze %dma_wait3A_1255 : memref<1x2x48xi32, #tpu.memory_space<vmem>> -> memref<2x48xi32, #tpu.memory_space<vmem>>
      %dma_wait3A_1257 = arith.constant 0 : i32
      %dma_wait3A_1258 = arith.constant 0 : i32
      %dma_wait3A_1259 = tpu.memref_slice %arg3[%dma_wait3A_1251, %dma_wait3A_1257, %dma_wait3A_1258] : memref<6720x2x48xi32, #tpu.memory_space<hbm>> -> memref<1x2x48xi32, #tpu.memory_space<hbm>>
      %dma_wait3A_1260 = tpu.memref_squeeze %dma_wait3A_1259 : memref<1x2x48xi32, #tpu.memory_space<hbm>> -> memref<2x48xi32, #tpu.memory_space<hbm>>
      %dma_wait3A_1261 = arith.constant 0 : i32
      %dma_wait3A_1262 = arith.constant 0 : i32
      %dma_wait3A_1263 = tpu.memref_slice %arg5[%dma_wait3A_1252, %dma_wait3A_1261, %dma_wait3A_1262] : memref<10x2x48xi32, #tpu.memory_space<vmem>> -> memref<1x2x48xi32, #tpu.memory_space<vmem>>
      %dma_wait3A_1264 = tpu.memref_squeeze %dma_wait3A_1263 : memref<1x2x48xi32, #tpu.memory_space<vmem>> -> memref<2x48xi32, #tpu.memory_space<vmem>>
      %dma_wait3A_1265 = arith.constant 0 : i32
      %dma_wait3A_1266 = arith.constant 0 : i32
      %dma_wait3A_1267 = tpu.memref_slice %arg3[%dma_wait3A_1251, %dma_wait3A_1265, %dma_wait3A_1266] : memref<6720x2x48xi32, #tpu.memory_space<hbm>> -> memref<1x2x48xi32, #tpu.memory_space<hbm>>
      %dma_wait3A_1268 = tpu.memref_squeeze %dma_wait3A_1267 : memref<1x2x48xi32, #tpu.memory_space<hbm>> -> memref<2x48xi32, #tpu.memory_space<hbm>>
      tpu.wait_dma2 semaphore(%arg9 : memref<!tpu.dma_semaphore, #tpu.memory_space<semaphore_mem>>) src(%dma_wait3A_1268 : memref<2x48xi32, #tpu.memory_space<hbm>>) dst(%dma_wait3A_1264 : memref<2x48xi32, #tpu.memory_space<vmem>>)
      %add3A_1269 = arith.constant 5 : i32
      %add3A_1270 = arith.addi %add3A_1214, %add3A_1269 : i32
      %dma_start3A_1271 = arith.constant 1 : i32
      %dma_start3A_1272 = arith.constant 0 : i32
      %dma_start3A_1273 = arith.constant 1 : i32
      %dma_start3A_1274 = arith.constant 0 : i32
      %dma_start3A_1275 = arith.constant 0 : i32
      %dma_start3A_1276 = tpu.memref_slice %arg6[%dma_start3A_1273, %dma_start3A_1274, %dma_start3A_1275] : memref<5x48x128xf32, #tpu.memory_space<vmem>> -> memref<1x48x128xf32, #tpu.memory_space<vmem>>
      %dma_start3A_1277 = tpu.memref_squeeze %dma_start3A_1276 : memref<1x48x128xf32, #tpu.memory_space<vmem>> -> memref<48x128xf32, #tpu.memory_space<vmem>>
      %dma_start3A_1278 = arith.constant 0 : i32
      %dma_start3A_1279 = tpu.memref_slice %arg5[%dma_start3A_1271, %dma_start3A_1272, %dma_start3A_1278] : memref<10x2x48xi32, #tpu.memory_space<vmem>> -> memref<1x1x48xi32, #tpu.memory_space<vmem>>
      %dma_start3A_1280 = tpu.memref_squeeze %dma_start3A_1279 : memref<1x1x48xi32, #tpu.memory_space<vmem>> -> memref<48xi32, #tpu.memory_space<vmem>>
      %dma_start3A_1281 = arith.constant 0 : i32
      %dma_start3A_1282 = arith.constant 0 : i32
      %dma_start3A_1283 = tpu.memref_slice %arg2[%dma_start3A_1281, %dma_start3A_1282] : memref<10000x128xf32, #tpu.memory_space<hbm>> -> memref<10000x128xf32, #tpu.memory_space<hbm>>
      tpu.enqueue_indirect_dma source(%dma_start3A_1283 : memref<10000x128xf32, #tpu.memory_space<hbm>>) target(%dma_start3A_1277 : memref<48x128xf32, #tpu.memory_space<vmem>>) offsets(%dma_start3A_1280 : memref<48xi32, #tpu.memory_space<vmem>>) semaphore(%arg19 : memref<!tpu.dma_semaphore, #tpu.memory_space<semaphore_mem>>)
      %add3A_1284 = arith.constant 7 : i32
      %add3A_1285 = arith.addi %add3A_786, %add3A_1284 : i32
      %dma_wait3A_1286 = arith.constant 0 : i32
      %dma_wait3A_1287 = arith.constant 0 : i32
      %dma_wait3A_1288 = arith.constant 2 : i32
      %dma_wait3A_1289 = arith.constant 0 : i32
      %dma_wait3A_1290 = arith.constant 0 : i32
      %dma_wait3A_1291 = tpu.memref_slice %arg6[%dma_wait3A_1288, %dma_wait3A_1289, %dma_wait3A_1290] : memref<5x48x128xf32, #tpu.memory_space<vmem>> -> memref<1x48x128xf32, #tpu.memory_space<vmem>>
      %dma_wait3A_1292 = tpu.memref_squeeze %dma_wait3A_1291 : memref<1x48x128xf32, #tpu.memory_space<vmem>> -> memref<48x128xf32, #tpu.memory_space<vmem>>
      %dma_wait3A_1293 = arith.constant 0 : i32
      %dma_wait3A_1294 = tpu.memref_slice %arg5[%dma_wait3A_1286, %dma_wait3A_1287, %dma_wait3A_1293] : memref<10x2x48xi32, #tpu.memory_space<vmem>> -> memref<1x1x48xi32, #tpu.memory_space<vmem>>
      %dma_wait3A_1295 = tpu.memref_squeeze %dma_wait3A_1294 : memref<1x1x48xi32, #tpu.memory_space<vmem>> -> memref<48xi32, #tpu.memory_space<vmem>>
      %dma_wait3A_1296 = arith.constant 0 : i32
      %dma_wait3A_1297 = arith.constant 0 : i32
      %dma_wait3A_1298 = tpu.memref_slice %arg2[%dma_wait3A_1296, %dma_wait3A_1297] : memref<10000x128xf32, #tpu.memory_space<hbm>> -> memref<10000x128xf32, #tpu.memory_space<hbm>>
      tpu.wait_indirect_dma semaphore(%arg20 : memref<!tpu.dma_semaphore, #tpu.memory_space<semaphore_mem>>) src(%dma_wait3A_1298 : memref<10000x128xf32, #tpu.memory_space<hbm>>) dst(%dma_wait3A_1292 : memref<48x128xf32, #tpu.memory_space<vmem>>)
      %run_scoped3A_1299 = arith.constant 2 : i32
      %run_scoped3A_1300 = arith.constant 7 : i32
      %run_scoped3A_1301 = arith.constant 1 : i32
      "tpu.region"() ({
        %run_scoped3A_1497 = tpu.sem_alloc : memref<!tpu.dma_semaphore, #tpu.memory_space<semaphore_mem>>
        %dma_start3A_1498 = arith.constant 0 : i32
        %dma_start3A_1499 = arith.constant 0 : i32
        %dma_start3A_1500 = tpu.memref_slice %arg6[%run_scoped3A_1299, %dma_start3A_1498, %dma_start3A_1499] : memref<5x48x128xf32, #tpu.memory_space<vmem>> -> memref<1x48x128xf32, #tpu.memory_space<vmem>>
        %dma_start3A_1501 = tpu.memref_squeeze %dma_start3A_1500 : memref<1x48x128xf32, #tpu.memory_space<vmem>> -> memref<48x128xf32, #tpu.memory_space<vmem>>
        %dma_start3A_1502 = arith.constant 0 : i32
        %dma_start3A_1503 = tpu.memref_slice %arg5[%run_scoped3A_1300, %run_scoped3A_1301, %dma_start3A_1502] : memref<10x2x48xi32, #tpu.memory_space<vmem>> -> memref<1x1x48xi32, #tpu.memory_space<vmem>>
        %dma_start3A_1504 = tpu.memref_squeeze %dma_start3A_1503 : memref<1x1x48xi32, #tpu.memory_space<vmem>> -> memref<48xi32, #tpu.memory_space<vmem>>
        %dma_start3A_1505 = arith.constant 0 : i32
        %dma_start3A_1506 = arith.constant 0 : i32
        %dma_start3A_1507 = tpu.memref_slice %arg7[%dma_start3A_1505, %dma_start3A_1506] : memref<10112x128xf32, #tpu.memory_space<vmem_shared>> -> memref<10112x128xf32, #tpu.memory_space<vmem_shared>>
        tpu.enqueue_indirect_dma source(%dma_start3A_1501 : memref<48x128xf32, #tpu.memory_space<vmem>>) target(%dma_start3A_1507 : memref<10112x128xf32, #tpu.memory_space<vmem_shared>>) offsets(%dma_start3A_1504 : memref<48xi32, #tpu.memory_space<vmem>>) semaphore(%run_scoped3A_1497 : memref<!tpu.dma_semaphore, #tpu.memory_space<semaphore_mem>>) {add = true}
        %dma_wait3A_1508 = arith.constant 0 : i32
        %dma_wait3A_1509 = arith.constant 0 : i32
        %dma_wait3A_1510 = tpu.memref_slice %arg6[%run_scoped3A_1299, %dma_wait3A_1508, %dma_wait3A_1509] : memref<5x48x128xf32, #tpu.memory_space<vmem>> -> memref<1x48x128xf32, #tpu.memory_space<vmem>>
        %dma_wait3A_1511 = tpu.memref_squeeze %dma_wait3A_1510 : memref<1x48x128xf32, #tpu.memory_space<vmem>> -> memref<48x128xf32, #tpu.memory_space<vmem>>
        %dma_wait3A_1512 = arith.constant 0 : i32
        %dma_wait3A_1513 = tpu.memref_slice %arg5[%run_scoped3A_1300, %run_scoped3A_1301, %dma_wait3A_1512] : memref<10x2x48xi32, #tpu.memory_space<vmem>> -> memref<1x1x48xi32, #tpu.memory_space<vmem>>
        %dma_wait3A_1514 = tpu.memref_squeeze %dma_wait3A_1513 : memref<1x1x48xi32, #tpu.memory_space<vmem>> -> memref<48xi32, #tpu.memory_space<vmem>>
        %dma_wait3A_1515 = arith.constant 0 : i32
        %dma_wait3A_1516 = arith.constant 0 : i32
        %dma_wait3A_1517 = tpu.memref_slice %arg7[%dma_wait3A_1515, %dma_wait3A_1516] : memref<10112x128xf32, #tpu.memory_space<vmem_shared>> -> memref<10112x128xf32, #tpu.memory_space<vmem_shared>>
        tpu.wait_indirect_dma semaphore(%run_scoped3A_1497 : memref<!tpu.dma_semaphore, #tpu.memory_space<semaphore_mem>>) src(%dma_wait3A_1511 : memref<48x128xf32, #tpu.memory_space<vmem>>) dst(%dma_wait3A_1517 : memref<10112x128xf32, #tpu.memory_space<vmem_shared>>)
        tpu.yield
      }) : () -> ()
      %add3A_1302 = arith.constant 10 : i32
      %add3A_1303 = arith.addi %add3A_1285, %add3A_1302 : i32
      %add3A_1304 = arith.addi %select_n3A_8, %add3A_1303 : i32
      %dma_start3A_1305 = arith.constant 7 : i32
      %dma_start3A_1306 = arith.constant 0 : i32
      %dma_start3A_1307 = arith.constant 0 : i32
      %dma_start3A_1308 = tpu.memref_slice %arg5[%dma_start3A_1305, %dma_start3A_1306, %dma_start3A_1307] : memref<10x2x48xi32, #tpu.memory_space<vmem>> -> memref<1x2x48xi32, #tpu.memory_space<vmem>>
      %dma_start3A_1309 = tpu.memref_squeeze %dma_start3A_1308 : memref<1x2x48xi32, #tpu.memory_space<vmem>> -> memref<2x48xi32, #tpu.memory_space<vmem>>
      %dma_start3A_1310 = arith.constant 0 : i32
      %dma_start3A_1311 = arith.constant 0 : i32
      %dma_start3A_1312 = tpu.memref_slice %arg3[%add3A_1304, %dma_start3A_1310, %dma_start3A_1311] : memref<6720x2x48xi32, #tpu.memory_space<hbm>> -> memref<1x2x48xi32, #tpu.memory_space<hbm>>
      %dma_start3A_1313 = tpu.memref_squeeze %dma_start3A_1312 : memref<1x2x48xi32, #tpu.memory_space<hbm>> -> memref<2x48xi32, #tpu.memory_space<hbm>>
      %dma_start3A_1314 = arith.constant 0 : i32
      %dma_start3A_1315 = arith.constant 0 : i32
      %dma_start3A_1316 = tpu.memref_slice %arg5[%dma_start3A_1305, %dma_start3A_1314, %dma_start3A_1315] : memref<10x2x48xi32, #tpu.memory_space<vmem>> -> memref<1x2x48xi32, #tpu.memory_space<vmem>>
      %dma_start3A_1317 = tpu.memref_squeeze %dma_start3A_1316 : memref<1x2x48xi32, #tpu.memory_space<vmem>> -> memref<2x48xi32, #tpu.memory_space<vmem>>
      %dma_start3A_1318 = arith.constant 0 : i32
      %dma_start3A_1319 = arith.constant 0 : i32
      %dma_start3A_1320 = tpu.memref_slice %arg3[%add3A_1304, %dma_start3A_1318, %dma_start3A_1319] : memref<6720x2x48xi32, #tpu.memory_space<hbm>> -> memref<1x2x48xi32, #tpu.memory_space<hbm>>
      %dma_start3A_1321 = tpu.memref_squeeze %dma_start3A_1320 : memref<1x2x48xi32, #tpu.memory_space<hbm>> -> memref<2x48xi32, #tpu.memory_space<hbm>>
      tpu.enqueue_dma source(%dma_start3A_1321 : memref<2x48xi32, #tpu.memory_space<hbm>>) target(%dma_start3A_1317 : memref<2x48xi32, #tpu.memory_space<vmem>>) target_semaphore(%arg15 : memref<!tpu.dma_semaphore, #tpu.memory_space<semaphore_mem>>)
      %dma_wait3A_1322 = arith.constant 0 : i32
      %dma_wait3A_1323 = arith.constant 2 : i32
      %dma_wait3A_1324 = arith.constant 0 : i32
      %dma_wait3A_1325 = arith.constant 0 : i32
      %dma_wait3A_1326 = tpu.memref_slice %arg5[%dma_wait3A_1323, %dma_wait3A_1324, %dma_wait3A_1325] : memref<10x2x48xi32, #tpu.memory_space<vmem>> -> memref<1x2x48xi32, #tpu.memory_space<vmem>>
      %dma_wait3A_1327 = tpu.memref_squeeze %dma_wait3A_1326 : memref<1x2x48xi32, #tpu.memory_space<vmem>> -> memref<2x48xi32, #tpu.memory_space<vmem>>
      %dma_wait3A_1328 = arith.constant 0 : i32
      %dma_wait3A_1329 = arith.constant 0 : i32
      %dma_wait3A_1330 = tpu.memref_slice %arg3[%dma_wait3A_1322, %dma_wait3A_1328, %dma_wait3A_1329] : memref<6720x2x48xi32, #tpu.memory_space<hbm>> -> memref<1x2x48xi32, #tpu.memory_space<hbm>>
      %dma_wait3A_1331 = tpu.memref_squeeze %dma_wait3A_1330 : memref<1x2x48xi32, #tpu.memory_space<hbm>> -> memref<2x48xi32, #tpu.memory_space<hbm>>
      %dma_wait3A_1332 = arith.constant 0 : i32
      %dma_wait3A_1333 = arith.constant 0 : i32
      %dma_wait3A_1334 = tpu.memref_slice %arg5[%dma_wait3A_1323, %dma_wait3A_1332, %dma_wait3A_1333] : memref<10x2x48xi32, #tpu.memory_space<vmem>> -> memref<1x2x48xi32, #tpu.memory_space<vmem>>
      %dma_wait3A_1335 = tpu.memref_squeeze %dma_wait3A_1334 : memref<1x2x48xi32, #tpu.memory_space<vmem>> -> memref<2x48xi32, #tpu.memory_space<vmem>>
      %dma_wait3A_1336 = arith.constant 0 : i32
      %dma_wait3A_1337 = arith.constant 0 : i32
      %dma_wait3A_1338 = tpu.memref_slice %arg3[%dma_wait3A_1322, %dma_wait3A_1336, %dma_wait3A_1337] : memref<6720x2x48xi32, #tpu.memory_space<hbm>> -> memref<1x2x48xi32, #tpu.memory_space<hbm>>
      %dma_wait3A_1339 = tpu.memref_squeeze %dma_wait3A_1338 : memref<1x2x48xi32, #tpu.memory_space<hbm>> -> memref<2x48xi32, #tpu.memory_space<hbm>>
      tpu.wait_dma2 semaphore(%arg10 : memref<!tpu.dma_semaphore, #tpu.memory_space<semaphore_mem>>) src(%dma_wait3A_1339 : memref<2x48xi32, #tpu.memory_space<hbm>>) dst(%dma_wait3A_1335 : memref<2x48xi32, #tpu.memory_space<vmem>>)
      %add3A_1340 = arith.constant 5 : i32
      %add3A_1341 = arith.addi %add3A_1285, %add3A_1340 : i32
      %dma_start3A_1342 = arith.constant 2 : i32
      %dma_start3A_1343 = arith.constant 0 : i32
      %dma_start3A_1344 = arith.constant 2 : i32
      %dma_start3A_1345 = arith.constant 0 : i32
      %dma_start3A_1346 = arith.constant 0 : i32
      %dma_start3A_1347 = tpu.memref_slice %arg6[%dma_start3A_1344, %dma_start3A_1345, %dma_start3A_1346] : memref<5x48x128xf32, #tpu.memory_space<vmem>> -> memref<1x48x128xf32, #tpu.memory_space<vmem>>
      %dma_start3A_1348 = tpu.memref_squeeze %dma_start3A_1347 : memref<1x48x128xf32, #tpu.memory_space<vmem>> -> memref<48x128xf32, #tpu.memory_space<vmem>>
      %dma_start3A_1349 = arith.constant 0 : i32
      %dma_start3A_1350 = tpu.memref_slice %arg5[%dma_start3A_1342, %dma_start3A_1343, %dma_start3A_1349] : memref<10x2x48xi32, #tpu.memory_space<vmem>> -> memref<1x1x48xi32, #tpu.memory_space<vmem>>
      %dma_start3A_1351 = tpu.memref_squeeze %dma_start3A_1350 : memref<1x1x48xi32, #tpu.memory_space<vmem>> -> memref<48xi32, #tpu.memory_space<vmem>>
      %dma_start3A_1352 = arith.constant 0 : i32
      %dma_start3A_1353 = arith.constant 0 : i32
      %dma_start3A_1354 = tpu.memref_slice %arg2[%dma_start3A_1352, %dma_start3A_1353] : memref<10000x128xf32, #tpu.memory_space<hbm>> -> memref<10000x128xf32, #tpu.memory_space<hbm>>
      tpu.enqueue_indirect_dma source(%dma_start3A_1354 : memref<10000x128xf32, #tpu.memory_space<hbm>>) target(%dma_start3A_1348 : memref<48x128xf32, #tpu.memory_space<vmem>>) offsets(%dma_start3A_1351 : memref<48xi32, #tpu.memory_space<vmem>>) semaphore(%arg20 : memref<!tpu.dma_semaphore, #tpu.memory_space<semaphore_mem>>)
      %add3A_1355 = arith.constant 8 : i32
      %add3A_1356 = arith.addi %add3A_786, %add3A_1355 : i32
      %dma_wait3A_1357 = arith.constant 0 : i32
      %dma_wait3A_1358 = arith.constant 0 : i32
      %dma_wait3A_1359 = arith.constant 3 : i32
      %dma_wait3A_1360 = arith.constant 0 : i32
      %dma_wait3A_1361 = arith.constant 0 : i32
      %dma_wait3A_1362 = tpu.memref_slice %arg6[%dma_wait3A_1359, %dma_wait3A_1360, %dma_wait3A_1361] : memref<5x48x128xf32, #tpu.memory_space<vmem>> -> memref<1x48x128xf32, #tpu.memory_space<vmem>>
      %dma_wait3A_1363 = tpu.memref_squeeze %dma_wait3A_1362 : memref<1x48x128xf32, #tpu.memory_space<vmem>> -> memref<48x128xf32, #tpu.memory_space<vmem>>
      %dma_wait3A_1364 = arith.constant 0 : i32
      %dma_wait3A_1365 = tpu.memref_slice %arg5[%dma_wait3A_1357, %dma_wait3A_1358, %dma_wait3A_1364] : memref<10x2x48xi32, #tpu.memory_space<vmem>> -> memref<1x1x48xi32, #tpu.memory_space<vmem>>
      %dma_wait3A_1366 = tpu.memref_squeeze %dma_wait3A_1365 : memref<1x1x48xi32, #tpu.memory_space<vmem>> -> memref<48xi32, #tpu.memory_space<vmem>>
      %dma_wait3A_1367 = arith.constant 0 : i32
      %dma_wait3A_1368 = arith.constant 0 : i32
      %dma_wait3A_1369 = tpu.memref_slice %arg2[%dma_wait3A_1367, %dma_wait3A_1368] : memref<10000x128xf32, #tpu.memory_space<hbm>> -> memref<10000x128xf32, #tpu.memory_space<hbm>>
      tpu.wait_indirect_dma semaphore(%arg21 : memref<!tpu.dma_semaphore, #tpu.memory_space<semaphore_mem>>) src(%dma_wait3A_1369 : memref<10000x128xf32, #tpu.memory_space<hbm>>) dst(%dma_wait3A_1363 : memref<48x128xf32, #tpu.memory_space<vmem>>)
      %run_scoped3A_1370 = arith.constant 3 : i32
      %run_scoped3A_1371 = arith.constant 8 : i32
      %run_scoped3A_1372 = arith.constant 1 : i32
      "tpu.region"() ({
        %run_scoped3A_1497 = tpu.sem_alloc : memref<!tpu.dma_semaphore, #tpu.memory_space<semaphore_mem>>
        %dma_start3A_1498 = arith.constant 0 : i32
        %dma_start3A_1499 = arith.constant 0 : i32
        %dma_start3A_1500 = tpu.memref_slice %arg6[%run_scoped3A_1370, %dma_start3A_1498, %dma_start3A_1499] : memref<5x48x128xf32, #tpu.memory_space<vmem>> -> memref<1x48x128xf32, #tpu.memory_space<vmem>>
        %dma_start3A_1501 = tpu.memref_squeeze %dma_start3A_1500 : memref<1x48x128xf32, #tpu.memory_space<vmem>> -> memref<48x128xf32, #tpu.memory_space<vmem>>
        %dma_start3A_1502 = arith.constant 0 : i32
        %dma_start3A_1503 = tpu.memref_slice %arg5[%run_scoped3A_1371, %run_scoped3A_1372, %dma_start3A_1502] : memref<10x2x48xi32, #tpu.memory_space<vmem>> -> memref<1x1x48xi32, #tpu.memory_space<vmem>>
        %dma_start3A_1504 = tpu.memref_squeeze %dma_start3A_1503 : memref<1x1x48xi32, #tpu.memory_space<vmem>> -> memref<48xi32, #tpu.memory_space<vmem>>
        %dma_start3A_1505 = arith.constant 0 : i32
        %dma_start3A_1506 = arith.constant 0 : i32
        %dma_start3A_1507 = tpu.memref_slice %arg7[%dma_start3A_1505, %dma_start3A_1506] : memref<10112x128xf32, #tpu.memory_space<vmem_shared>> -> memref<10112x128xf32, #tpu.memory_space<vmem_shared>>
        tpu.enqueue_indirect_dma source(%dma_start3A_1501 : memref<48x128xf32, #tpu.memory_space<vmem>>) target(%dma_start3A_1507 : memref<10112x128xf32, #tpu.memory_space<vmem_shared>>) offsets(%dma_start3A_1504 : memref<48xi32, #tpu.memory_space<vmem>>) semaphore(%run_scoped3A_1497 : memref<!tpu.dma_semaphore, #tpu.memory_space<semaphore_mem>>) {add = true}
        %dma_wait3A_1508 = arith.constant 0 : i32
        %dma_wait3A_1509 = arith.constant 0 : i32
        %dma_wait3A_1510 = tpu.memref_slice %arg6[%run_scoped3A_1370, %dma_wait3A_1508, %dma_wait3A_1509] : memref<5x48x128xf32, #tpu.memory_space<vmem>> -> memref<1x48x128xf32, #tpu.memory_space<vmem>>
        %dma_wait3A_1511 = tpu.memref_squeeze %dma_wait3A_1510 : memref<1x48x128xf32, #tpu.memory_space<vmem>> -> memref<48x128xf32, #tpu.memory_space<vmem>>
        %dma_wait3A_1512 = arith.constant 0 : i32
        %dma_wait3A_1513 = tpu.memref_slice %arg5[%run_scoped3A_1371, %run_scoped3A_1372, %dma_wait3A_1512] : memref<10x2x48xi32, #tpu.memory_space<vmem>> -> memref<1x1x48xi32, #tpu.memory_space<vmem>>
        %dma_wait3A_1514 = tpu.memref_squeeze %dma_wait3A_1513 : memref<1x1x48xi32, #tpu.memory_space<vmem>> -> memref<48xi32, #tpu.memory_space<vmem>>
        %dma_wait3A_1515 = arith.constant 0 : i32
        %dma_wait3A_1516 = arith.constant 0 : i32
        %dma_wait3A_1517 = tpu.memref_slice %arg7[%dma_wait3A_1515, %dma_wait3A_1516] : memref<10112x128xf32, #tpu.memory_space<vmem_shared>> -> memref<10112x128xf32, #tpu.memory_space<vmem_shared>>
        tpu.wait_indirect_dma semaphore(%run_scoped3A_1497 : memref<!tpu.dma_semaphore, #tpu.memory_space<semaphore_mem>>) src(%dma_wait3A_1511 : memref<48x128xf32, #tpu.memory_space<vmem>>) dst(%dma_wait3A_1517 : memref<10112x128xf32, #tpu.memory_space<vmem_shared>>)
        tpu.yield
      }) : () -> ()
      %add3A_1373 = arith.constant 10 : i32
      %add3A_1374 = arith.addi %add3A_1356, %add3A_1373 : i32
      %add3A_1375 = arith.addi %select_n3A_8, %add3A_1374 : i32
      %dma_start3A_1376 = arith.constant 8 : i32
      %dma_start3A_1377 = arith.constant 0 : i32
      %dma_start3A_1378 = arith.constant 0 : i32
      %dma_start3A_1379 = tpu.memref_slice %arg5[%dma_start3A_1376, %dma_start3A_1377, %dma_start3A_1378] : memref<10x2x48xi32, #tpu.memory_space<vmem>> -> memref<1x2x48xi32, #tpu.memory_space<vmem>>
      %dma_start3A_1380 = tpu.memref_squeeze %dma_start3A_1379 : memref<1x2x48xi32, #tpu.memory_space<vmem>> -> memref<2x48xi32, #tpu.memory_space<vmem>>
      %dma_start3A_1381 = arith.constant 0 : i32
      %dma_start3A_1382 = arith.constant 0 : i32
      %dma_start3A_1383 = tpu.memref_slice %arg3[%add3A_1375, %dma_start3A_1381, %dma_start3A_1382] : memref<6720x2x48xi32, #tpu.memory_space<hbm>> -> memref<1x2x48xi32, #tpu.memory_space<hbm>>
      %dma_start3A_1384 = tpu.memref_squeeze %dma_start3A_1383 : memref<1x2x48xi32, #tpu.memory_space<hbm>> -> memref<2x48xi32, #tpu.memory_space<hbm>>
      %dma_start3A_1385 = arith.constant 0 : i32
      %dma_start3A_1386 = arith.constant 0 : i32
      %dma_start3A_1387 = tpu.memref_slice %arg5[%dma_start3A_1376, %dma_start3A_1385, %dma_start3A_1386] : memref<10x2x48xi32, #tpu.memory_space<vmem>> -> memref<1x2x48xi32, #tpu.memory_space<vmem>>
      %dma_start3A_1388 = tpu.memref_squeeze %dma_start3A_1387 : memref<1x2x48xi32, #tpu.memory_space<vmem>> -> memref<2x48xi32, #tpu.memory_space<vmem>>
      %dma_start3A_1389 = arith.constant 0 : i32
      %dma_start3A_1390 = arith.constant 0 : i32
      %dma_start3A_1391 = tpu.memref_slice %arg3[%add3A_1375, %dma_start3A_1389, %dma_start3A_1390] : memref<6720x2x48xi32, #tpu.memory_space<hbm>> -> memref<1x2x48xi32, #tpu.memory_space<hbm>>
      %dma_start3A_1392 = tpu.memref_squeeze %dma_start3A_1391 : memref<1x2x48xi32, #tpu.memory_space<hbm>> -> memref<2x48xi32, #tpu.memory_space<hbm>>
      tpu.enqueue_dma source(%dma_start3A_1392 : memref<2x48xi32, #tpu.memory_space<hbm>>) target(%dma_start3A_1388 : memref<2x48xi32, #tpu.memory_space<vmem>>) target_semaphore(%arg16 : memref<!tpu.dma_semaphore, #tpu.memory_space<semaphore_mem>>)
      %dma_wait3A_1393 = arith.constant 0 : i32
      %dma_wait3A_1394 = arith.constant 3 : i32
      %dma_wait3A_1395 = arith.constant 0 : i32
      %dma_wait3A_1396 = arith.constant 0 : i32
      %dma_wait3A_1397 = tpu.memref_slice %arg5[%dma_wait3A_1394, %dma_wait3A_1395, %dma_wait3A_1396] : memref<10x2x48xi32, #tpu.memory_space<vmem>> -> memref<1x2x48xi32, #tpu.memory_space<vmem>>
      %dma_wait3A_1398 = tpu.memref_squeeze %dma_wait3A_1397 : memref<1x2x48xi32, #tpu.memory_space<vmem>> -> memref<2x48xi32, #tpu.memory_space<vmem>>
      %dma_wait3A_1399 = arith.constant 0 : i32
      %dma_wait3A_1400 = arith.constant 0 : i32
      %dma_wait3A_1401 = tpu.memref_slice %arg3[%dma_wait3A_1393, %dma_wait3A_1399, %dma_wait3A_1400] : memref<6720x2x48xi32, #tpu.memory_space<hbm>> -> memref<1x2x48xi32, #tpu.memory_space<hbm>>
      %dma_wait3A_1402 = tpu.memref_squeeze %dma_wait3A_1401 : memref<1x2x48xi32, #tpu.memory_space<hbm>> -> memref<2x48xi32, #tpu.memory_space<hbm>>
      %dma_wait3A_1403 = arith.constant 0 : i32
      %dma_wait3A_1404 = arith.constant 0 : i32
      %dma_wait3A_1405 = tpu.memref_slice %arg5[%dma_wait3A_1394, %dma_wait3A_1403, %dma_wait3A_1404] : memref<10x2x48xi32, #tpu.memory_space<vmem>> -> memref<1x2x48xi32, #tpu.memory_space<vmem>>
      %dma_wait3A_1406 = tpu.memref_squeeze %dma_wait3A_1405 : memref<1x2x48xi32, #tpu.memory_space<vmem>> -> memref<2x48xi32, #tpu.memory_space<vmem>>
      %dma_wait3A_1407 = arith.constant 0 : i32
      %dma_wait3A_1408 = arith.constant 0 : i32
      %dma_wait3A_1409 = tpu.memref_slice %arg3[%dma_wait3A_1393, %dma_wait3A_1407, %dma_wait3A_1408] : memref<6720x2x48xi32, #tpu.memory_space<hbm>> -> memref<1x2x48xi32, #tpu.memory_space<hbm>>
      %dma_wait3A_1410 = tpu.memref_squeeze %dma_wait3A_1409 : memref<1x2x48xi32, #tpu.memory_space<hbm>> -> memref<2x48xi32, #tpu.memory_space<hbm>>
      tpu.wait_dma2 semaphore(%arg11 : memref<!tpu.dma_semaphore, #tpu.memory_space<semaphore_mem>>) src(%dma_wait3A_1410 : memref<2x48xi32, #tpu.memory_space<hbm>>) dst(%dma_wait3A_1406 : memref<2x48xi32, #tpu.memory_space<vmem>>)
      %add3A_1411 = arith.constant 5 : i32
      %add3A_1412 = arith.addi %add3A_1356, %add3A_1411 : i32
      %dma_start3A_1413 = arith.constant 3 : i32
      %dma_start3A_1414 = arith.constant 0 : i32
      %dma_start3A_1415 = arith.constant 3 : i32
      %dma_start3A_1416 = arith.constant 0 : i32
      %dma_start3A_1417 = arith.constant 0 : i32
      %dma_start3A_1418 = tpu.memref_slice %arg6[%dma_start3A_1415, %dma_start3A_1416, %dma_start3A_1417] : memref<5x48x128xf32, #tpu.memory_space<vmem>> -> memref<1x48x128xf32, #tpu.memory_space<vmem>>
      %dma_start3A_1419 = tpu.memref_squeeze %dma_start3A_1418 : memref<1x48x128xf32, #tpu.memory_space<vmem>> -> memref<48x128xf32, #tpu.memory_space<vmem>>
      %dma_start3A_1420 = arith.constant 0 : i32
      %dma_start3A_1421 = tpu.memref_slice %arg5[%dma_start3A_1413, %dma_start3A_1414, %dma_start3A_1420] : memref<10x2x48xi32, #tpu.memory_space<vmem>> -> memref<1x1x48xi32, #tpu.memory_space<vmem>>
      %dma_start3A_1422 = tpu.memref_squeeze %dma_start3A_1421 : memref<1x1x48xi32, #tpu.memory_space<vmem>> -> memref<48xi32, #tpu.memory_space<vmem>>
      %dma_start3A_1423 = arith.constant 0 : i32
      %dma_start3A_1424 = arith.constant 0 : i32
      %dma_start3A_1425 = tpu.memref_slice %arg2[%dma_start3A_1423, %dma_start3A_1424] : memref<10000x128xf32, #tpu.memory_space<hbm>> -> memref<10000x128xf32, #tpu.memory_space<hbm>>
      tpu.enqueue_indirect_dma source(%dma_start3A_1425 : memref<10000x128xf32, #tpu.memory_space<hbm>>) target(%dma_start3A_1419 : memref<48x128xf32, #tpu.memory_space<vmem>>) offsets(%dma_start3A_1422 : memref<48xi32, #tpu.memory_space<vmem>>) semaphore(%arg21 : memref<!tpu.dma_semaphore, #tpu.memory_space<semaphore_mem>>)
      %add3A_1426 = arith.constant 9 : i32
      %add3A_1427 = arith.addi %add3A_786, %add3A_1426 : i32
      %dma_wait3A_1428 = arith.constant 0 : i32
      %dma_wait3A_1429 = arith.constant 0 : i32
      %dma_wait3A_1430 = arith.constant 4 : i32
      %dma_wait3A_1431 = arith.constant 0 : i32
      %dma_wait3A_1432 = arith.constant 0 : i32
      %dma_wait3A_1433 = tpu.memref_slice %arg6[%dma_wait3A_1430, %dma_wait3A_1431, %dma_wait3A_1432] : memref<5x48x128xf32, #tpu.memory_space<vmem>> -> memref<1x48x128xf32, #tpu.memory_space<vmem>>
      %dma_wait3A_1434 = tpu.memref_squeeze %dma_wait3A_1433 : memref<1x48x128xf32, #tpu.memory_space<vmem>> -> memref<48x128xf32, #tpu.memory_space<vmem>>
      %dma_wait3A_1435 = arith.constant 0 : i32
      %dma_wait3A_1436 = tpu.memref_slice %arg5[%dma_wait3A_1428, %dma_wait3A_1429, %dma_wait3A_1435] : memref<10x2x48xi32, #tpu.memory_space<vmem>> -> memref<1x1x48xi32, #tpu.memory_space<vmem>>
      %dma_wait3A_1437 = tpu.memref_squeeze %dma_wait3A_1436 : memref<1x1x48xi32, #tpu.memory_space<vmem>> -> memref<48xi32, #tpu.memory_space<vmem>>
      %dma_wait3A_1438 = arith.constant 0 : i32
      %dma_wait3A_1439 = arith.constant 0 : i32
      %dma_wait3A_1440 = tpu.memref_slice %arg2[%dma_wait3A_1438, %dma_wait3A_1439] : memref<10000x128xf32, #tpu.memory_space<hbm>> -> memref<10000x128xf32, #tpu.memory_space<hbm>>
      tpu.wait_indirect_dma semaphore(%arg22 : memref<!tpu.dma_semaphore, #tpu.memory_space<semaphore_mem>>) src(%dma_wait3A_1440 : memref<10000x128xf32, #tpu.memory_space<hbm>>) dst(%dma_wait3A_1434 : memref<48x128xf32, #tpu.memory_space<vmem>>)
      %run_scoped3A_1441 = arith.constant 4 : i32
      %run_scoped3A_1442 = arith.constant 9 : i32
      %run_scoped3A_1443 = arith.constant 1 : i32
      "tpu.region"() ({
        %run_scoped3A_1497 = tpu.sem_alloc : memref<!tpu.dma_semaphore, #tpu.memory_space<semaphore_mem>>
        %dma_start3A_1498 = arith.constant 0 : i32
        %dma_start3A_1499 = arith.constant 0 : i32
        %dma_start3A_1500 = tpu.memref_slice %arg6[%run_scoped3A_1441, %dma_start3A_1498, %dma_start3A_1499] : memref<5x48x128xf32, #tpu.memory_space<vmem>> -> memref<1x48x128xf32, #tpu.memory_space<vmem>>
        %dma_start3A_1501 = tpu.memref_squeeze %dma_start3A_1500 : memref<1x48x128xf32, #tpu.memory_space<vmem>> -> memref<48x128xf32, #tpu.memory_space<vmem>>
        %dma_start3A_1502 = arith.constant 0 : i32
        %dma_start3A_1503 = tpu.memref_slice %arg5[%run_scoped3A_1442, %run_scoped3A_1443, %dma_start3A_1502] : memref<10x2x48xi32, #tpu.memory_space<vmem>> -> memref<1x1x48xi32, #tpu.memory_space<vmem>>
        %dma_start3A_1504 = tpu.memref_squeeze %dma_start3A_1503 : memref<1x1x48xi32, #tpu.memory_space<vmem>> -> memref<48xi32, #tpu.memory_space<vmem>>
        %dma_start3A_1505 = arith.constant 0 : i32
        %dma_start3A_1506 = arith.constant 0 : i32
        %dma_start3A_1507 = tpu.memref_slice %arg7[%dma_start3A_1505, %dma_start3A_1506] : memref<10112x128xf32, #tpu.memory_space<vmem_shared>> -> memref<10112x128xf32, #tpu.memory_space<vmem_shared>>
        tpu.enqueue_indirect_dma source(%dma_start3A_1501 : memref<48x128xf32, #tpu.memory_space<vmem>>) target(%dma_start3A_1507 : memref<10112x128xf32, #tpu.memory_space<vmem_shared>>) offsets(%dma_start3A_1504 : memref<48xi32, #tpu.memory_space<vmem>>) semaphore(%run_scoped3A_1497 : memref<!tpu.dma_semaphore, #tpu.memory_space<semaphore_mem>>) {add = true}
        %dma_wait3A_1508 = arith.constant 0 : i32
        %dma_wait3A_1509 = arith.constant 0 : i32
        %dma_wait3A_1510 = tpu.memref_slice %arg6[%run_scoped3A_1441, %dma_wait3A_1508, %dma_wait3A_1509] : memref<5x48x128xf32, #tpu.memory_space<vmem>> -> memref<1x48x128xf32, #tpu.memory_space<vmem>>
        %dma_wait3A_1511 = tpu.memref_squeeze %dma_wait3A_1510 : memref<1x48x128xf32, #tpu.memory_space<vmem>> -> memref<48x128xf32, #tpu.memory_space<vmem>>
        %dma_wait3A_1512 = arith.constant 0 : i32
        %dma_wait3A_1513 = tpu.memref_slice %arg5[%run_scoped3A_1442, %run_scoped3A_1443, %dma_wait3A_1512] : memref<10x2x48xi32, #tpu.memory_space<vmem>> -> memref<1x1x48xi32, #tpu.memory_space<vmem>>
        %dma_wait3A_1514 = tpu.memref_squeeze %dma_wait3A_1513 : memref<1x1x48xi32, #tpu.memory_space<vmem>> -> memref<48xi32, #tpu.memory_space<vmem>>
        %dma_wait3A_1515 = arith.constant 0 : i32
        %dma_wait3A_1516 = arith.constant 0 : i32
        %dma_wait3A_1517 = tpu.memref_slice %arg7[%dma_wait3A_1515, %dma_wait3A_1516] : memref<10112x128xf32, #tpu.memory_space<vmem_shared>> -> memref<10112x128xf32, #tpu.memory_space<vmem_shared>>
        tpu.wait_indirect_dma semaphore(%run_scoped3A_1497 : memref<!tpu.dma_semaphore, #tpu.memory_space<semaphore_mem>>) src(%dma_wait3A_1511 : memref<48x128xf32, #tpu.memory_space<vmem>>) dst(%dma_wait3A_1517 : memref<10112x128xf32, #tpu.memory_space<vmem_shared>>)
        tpu.yield
      }) : () -> ()
      %add3A_1444 = arith.constant 10 : i32
      %add3A_1445 = arith.addi %add3A_1427, %add3A_1444 : i32
      %add3A_1446 = arith.addi %select_n3A_8, %add3A_1445 : i32
      %dma_start3A_1447 = arith.constant 9 : i32
      %dma_start3A_1448 = arith.constant 0 : i32
      %dma_start3A_1449 = arith.constant 0 : i32
      %dma_start3A_1450 = tpu.memref_slice %arg5[%dma_start3A_1447, %dma_start3A_1448, %dma_start3A_1449] : memref<10x2x48xi32, #tpu.memory_space<vmem>> -> memref<1x2x48xi32, #tpu.memory_space<vmem>>
      %dma_start3A_1451 = tpu.memref_squeeze %dma_start3A_1450 : memref<1x2x48xi32, #tpu.memory_space<vmem>> -> memref<2x48xi32, #tpu.memory_space<vmem>>
      %dma_start3A_1452 = arith.constant 0 : i32
      %dma_start3A_1453 = arith.constant 0 : i32
      %dma_start3A_1454 = tpu.memref_slice %arg3[%add3A_1446, %dma_start3A_1452, %dma_start3A_1453] : memref<6720x2x48xi32, #tpu.memory_space<hbm>> -> memref<1x2x48xi32, #tpu.memory_space<hbm>>
      %dma_start3A_1455 = tpu.memref_squeeze %dma_start3A_1454 : memref<1x2x48xi32, #tpu.memory_space<hbm>> -> memref<2x48xi32, #tpu.memory_space<hbm>>
      %dma_start3A_1456 = arith.constant 0 : i32
      %dma_start3A_1457 = arith.constant 0 : i32
      %dma_start3A_1458 = tpu.memref_slice %arg5[%dma_start3A_1447, %dma_start3A_1456, %dma_start3A_1457] : memref<10x2x48xi32, #tpu.memory_space<vmem>> -> memref<1x2x48xi32, #tpu.memory_space<vmem>>
      %dma_start3A_1459 = tpu.memref_squeeze %dma_start3A_1458 : memref<1x2x48xi32, #tpu.memory_space<vmem>> -> memref<2x48xi32, #tpu.memory_space<vmem>>
      %dma_start3A_1460 = arith.constant 0 : i32
      %dma_start3A_1461 = arith.constant 0 : i32
      %dma_start3A_1462 = tpu.memref_slice %arg3[%add3A_1446, %dma_start3A_1460, %dma_start3A_1461] : memref<6720x2x48xi32, #tpu.memory_space<hbm>> -> memref<1x2x48xi32, #tpu.memory_space<hbm>>
      %dma_start3A_1463 = tpu.memref_squeeze %dma_start3A_1462 : memref<1x2x48xi32, #tpu.memory_space<hbm>> -> memref<2x48xi32, #tpu.memory_space<hbm>>
      tpu.enqueue_dma source(%dma_start3A_1463 : memref<2x48xi32, #tpu.memory_space<hbm>>) target(%dma_start3A_1459 : memref<2x48xi32, #tpu.memory_space<vmem>>) target_semaphore(%arg17 : memref<!tpu.dma_semaphore, #tpu.memory_space<semaphore_mem>>)
      %dma_wait3A_1464 = arith.constant 0 : i32
      %dma_wait3A_1465 = arith.constant 4 : i32
      %dma_wait3A_1466 = arith.constant 0 : i32
      %dma_wait3A_1467 = arith.constant 0 : i32
      %dma_wait3A_1468 = tpu.memref_slice %arg5[%dma_wait3A_1465, %dma_wait3A_1466, %dma_wait3A_1467] : memref<10x2x48xi32, #tpu.memory_space<vmem>> -> memref<1x2x48xi32, #tpu.memory_space<vmem>>
      %dma_wait3A_1469 = tpu.memref_squeeze %dma_wait3A_1468 : memref<1x2x48xi32, #tpu.memory_space<vmem>> -> memref<2x48xi32, #tpu.memory_space<vmem>>
      %dma_wait3A_1470 = arith.constant 0 : i32
      %dma_wait3A_1471 = arith.constant 0 : i32
      %dma_wait3A_1472 = tpu.memref_slice %arg3[%dma_wait3A_1464, %dma_wait3A_1470, %dma_wait3A_1471] : memref<6720x2x48xi32, #tpu.memory_space<hbm>> -> memref<1x2x48xi32, #tpu.memory_space<hbm>>
      %dma_wait3A_1473 = tpu.memref_squeeze %dma_wait3A_1472 : memref<1x2x48xi32, #tpu.memory_space<hbm>> -> memref<2x48xi32, #tpu.memory_space<hbm>>
      %dma_wait3A_1474 = arith.constant 0 : i32
      %dma_wait3A_1475 = arith.constant 0 : i32
      %dma_wait3A_1476 = tpu.memref_slice %arg5[%dma_wait3A_1465, %dma_wait3A_1474, %dma_wait3A_1475] : memref<10x2x48xi32, #tpu.memory_space<vmem>> -> memref<1x2x48xi32, #tpu.memory_space<vmem>>
      %dma_wait3A_1477 = tpu.memref_squeeze %dma_wait3A_1476 : memref<1x2x48xi32, #tpu.memory_space<vmem>> -> memref<2x48xi32, #tpu.memory_space<vmem>>
      %dma_wait3A_1478 = arith.constant 0 : i32
      %dma_wait3A_1479 = arith.constant 0 : i32
      %dma_wait3A_1480 = tpu.memref_slice %arg3[%dma_wait3A_1464, %dma_wait3A_1478, %dma_wait3A_1479] : memref<6720x2x48xi32, #tpu.memory_space<hbm>> -> memref<1x2x48xi32, #tpu.memory_space<hbm>>
      %dma_wait3A_1481 = tpu.memref_squeeze %dma_wait3A_1480 : memref<1x2x48xi32, #tpu.memory_space<hbm>> -> memref<2x48xi32, #tpu.memory_space<hbm>>
      tpu.wait_dma2 semaphore(%arg12 : memref<!tpu.dma_semaphore, #tpu.memory_space<semaphore_mem>>) src(%dma_wait3A_1481 : memref<2x48xi32, #tpu.memory_space<hbm>>) dst(%dma_wait3A_1477 : memref<2x48xi32, #tpu.memory_space<vmem>>)
      %add3A_1482 = arith.constant 5 : i32
      %add3A_1483 = arith.addi %add3A_1427, %add3A_1482 : i32
      %dma_start3A_1484 = arith.constant 4 : i32
      %dma_start3A_1485 = arith.constant 0 : i32
      %dma_start3A_1486 = arith.constant 4 : i32
      %dma_start3A_1487 = arith.constant 0 : i32
      %dma_start3A_1488 = arith.constant 0 : i32
      %dma_start3A_1489 = tpu.memref_slice %arg6[%dma_start3A_1486, %dma_start3A_1487, %dma_start3A_1488] : memref<5x48x128xf32, #tpu.memory_space<vmem>> -> memref<1x48x128xf32, #tpu.memory_space<vmem>>
      %dma_start3A_1490 = tpu.memref_squeeze %dma_start3A_1489 : memref<1x48x128xf32, #tpu.memory_space<vmem>> -> memref<48x128xf32, #tpu.memory_space<vmem>>
      %dma_start3A_1491 = arith.constant 0 : i32
      %dma_start3A_1492 = tpu.memref_slice %arg5[%dma_start3A_1484, %dma_start3A_1485, %dma_start3A_1491] : memref<10x2x48xi32, #tpu.memory_space<vmem>> -> memref<1x1x48xi32, #tpu.memory_space<vmem>>
      %dma_start3A_1493 = tpu.memref_squeeze %dma_start3A_1492 : memref<1x1x48xi32, #tpu.memory_space<vmem>> -> memref<48xi32, #tpu.memory_space<vmem>>
      %dma_start3A_1494 = arith.constant 0 : i32
      %dma_start3A_1495 = arith.constant 0 : i32
      %dma_start3A_1496 = tpu.memref_slice %arg2[%dma_start3A_1494, %dma_start3A_1495] : memref<10000x128xf32, #tpu.memory_space<hbm>> -> memref<10000x128xf32, #tpu.memory_space<hbm>>
      tpu.enqueue_indirect_dma source(%dma_start3A_1496 : memref<10000x128xf32, #tpu.memory_space<hbm>>) target(%dma_start3A_1490 : memref<48x128xf32, #tpu.memory_space<vmem>>) offsets(%dma_start3A_1493 : memref<48xi32, #tpu.memory_space<vmem>>) semaphore(%arg22 : memref<!tpu.dma_semaphore, #tpu.memory_space<semaphore_mem>>)
    }
    %sub3A_418 = arith.constant 10 : i32
    %sub3A_419 = arith.subi %select_n3A, %sub3A_418 : i32
    %add3A_420 = arith.constant 0 : i32
    %add3A_421 = arith.addi %sub3A_419, %add3A_420 : i32
    %dma_wait3A_422 = arith.constant 0 : i32
    %dma_wait3A_423 = arith.constant 0 : i32
    %dma_wait3A_424 = arith.constant 0 : i32
    %dma_wait3A_425 = arith.constant 0 : i32
    %dma_wait3A_426 = arith.constant 0 : i32
    %dma_wait3A_427 = tpu.memref_slice %arg6[%dma_wait3A_424, %dma_wait3A_425, %dma_wait3A_426] : memref<5x48x128xf32, #tpu.memory_space<vmem>> -> memref<1x48x128xf32, #tpu.memory_space<vmem>>
    %dma_wait3A_428 = tpu.memref_squeeze %dma_wait3A_427 : memref<1x48x128xf32, #tpu.memory_space<vmem>> -> memref<48x128xf32, #tpu.memory_space<vmem>>
    %dma_wait3A_429 = arith.constant 0 : i32
    %dma_wait3A_430 = tpu.memref_slice %arg5[%dma_wait3A_422, %dma_wait3A_423, %dma_wait3A_429] : memref<10x2x48xi32, #tpu.memory_space<vmem>> -> memref<1x1x48xi32, #tpu.memory_space<vmem>>
    %dma_wait3A_431 = tpu.memref_squeeze %dma_wait3A_430 : memref<1x1x48xi32, #tpu.memory_space<vmem>> -> memref<48xi32, #tpu.memory_space<vmem>>
    %dma_wait3A_432 = arith.constant 0 : i32
    %dma_wait3A_433 = arith.constant 0 : i32
    %dma_wait3A_434 = tpu.memref_slice %arg2[%dma_wait3A_432, %dma_wait3A_433] : memref<10000x128xf32, #tpu.memory_space<hbm>> -> memref<10000x128xf32, #tpu.memory_space<hbm>>
    tpu.wait_indirect_dma semaphore(%arg18 : memref<!tpu.dma_semaphore, #tpu.memory_space<semaphore_mem>>) src(%dma_wait3A_434 : memref<10000x128xf32, #tpu.memory_space<hbm>>) dst(%dma_wait3A_428 : memref<48x128xf32, #tpu.memory_space<vmem>>)
    %run_scoped3A_435 = arith.constant 0 : i32
    %run_scoped3A_436 = arith.constant 0 : i32
    %run_scoped3A_437 = arith.constant 1 : i32
    "tpu.region"() ({
      %run_scoped3A_784 = tpu.sem_alloc : memref<!tpu.dma_semaphore, #tpu.memory_space<semaphore_mem>>
      %dma_start3A_785 = arith.constant 0 : i32
      %dma_start3A_786 = arith.constant 0 : i32
      %dma_start3A_787 = tpu.memref_slice %arg6[%run_scoped3A_435, %dma_start3A_785, %dma_start3A_786] : memref<5x48x128xf32, #tpu.memory_space<vmem>> -> memref<1x48x128xf32, #tpu.memory_space<vmem>>
      %dma_start3A_788 = tpu.memref_squeeze %dma_start3A_787 : memref<1x48x128xf32, #tpu.memory_space<vmem>> -> memref<48x128xf32, #tpu.memory_space<vmem>>
      %dma_start3A_789 = arith.constant 0 : i32
      %dma_start3A_790 = tpu.memref_slice %arg5[%run_scoped3A_436, %run_scoped3A_437, %dma_start3A_789] : memref<10x2x48xi32, #tpu.memory_space<vmem>> -> memref<1x1x48xi32, #tpu.memory_space<vmem>>
      %dma_start3A_791 = tpu.memref_squeeze %dma_start3A_790 : memref<1x1x48xi32, #tpu.memory_space<vmem>> -> memref<48xi32, #tpu.memory_space<vmem>>
      %dma_start3A_792 = arith.constant 0 : i32
      %dma_start3A_793 = arith.constant 0 : i32
      %dma_start3A_794 = tpu.memref_slice %arg7[%dma_start3A_792, %dma_start3A_793] : memref<10112x128xf32, #tpu.memory_space<vmem_shared>> -> memref<10112x128xf32, #tpu.memory_space<vmem_shared>>
      tpu.enqueue_indirect_dma source(%dma_start3A_788 : memref<48x128xf32, #tpu.memory_space<vmem>>) target(%dma_start3A_794 : memref<10112x128xf32, #tpu.memory_space<vmem_shared>>) offsets(%dma_start3A_791 : memref<48xi32, #tpu.memory_space<vmem>>) semaphore(%run_scoped3A_784 : memref<!tpu.dma_semaphore, #tpu.memory_space<semaphore_mem>>) {add = true}
      %dma_wait3A_795 = arith.constant 0 : i32
      %dma_wait3A_796 = arith.constant 0 : i32
      %dma_wait3A_797 = tpu.memref_slice %arg6[%run_scoped3A_435, %dma_wait3A_795, %dma_wait3A_796] : memref<5x48x128xf32, #tpu.memory_space<vmem>> -> memref<1x48x128xf32, #tpu.memory_space<vmem>>
      %dma_wait3A_798 = tpu.memref_squeeze %dma_wait3A_797 : memref<1x48x128xf32, #tpu.memory_space<vmem>> -> memref<48x128xf32, #tpu.memory_space<vmem>>
      %dma_wait3A_799 = arith.constant 0 : i32
      %dma_wait3A_800 = tpu.memref_slice %arg5[%run_scoped3A_436, %run_scoped3A_437, %dma_wait3A_799] : memref<10x2x48xi32, #tpu.memory_space<vmem>> -> memref<1x1x48xi32, #tpu.memory_space<vmem>>
      %dma_wait3A_801 = tpu.memref_squeeze %dma_wait3A_800 : memref<1x1x48xi32, #tpu.memory_space<vmem>> -> memref<48xi32, #tpu.memory_space<vmem>>
      %dma_wait3A_802 = arith.constant 0 : i32
      %dma_wait3A_803 = arith.constant 0 : i32
      %dma_wait3A_804 = tpu.memref_slice %arg7[%dma_wait3A_802, %dma_wait3A_803] : memref<10112x128xf32, #tpu.memory_space<vmem_shared>> -> memref<10112x128xf32, #tpu.memory_space<vmem_shared>>
      tpu.wait_indirect_dma semaphore(%run_scoped3A_784 : memref<!tpu.dma_semaphore, #tpu.memory_space<semaphore_mem>>) src(%dma_wait3A_798 : memref<48x128xf32, #tpu.memory_space<vmem>>) dst(%dma_wait3A_804 : memref<10112x128xf32, #tpu.memory_space<vmem_shared>>)
      tpu.yield
    }) : () -> ()
    %dma_wait3A_438 = arith.constant 0 : i32
    %dma_wait3A_439 = arith.constant 5 : i32
    %dma_wait3A_440 = arith.constant 0 : i32
    %dma_wait3A_441 = arith.constant 0 : i32
    %dma_wait3A_442 = tpu.memref_slice %arg5[%dma_wait3A_439, %dma_wait3A_440, %dma_wait3A_441] : memref<10x2x48xi32, #tpu.memory_space<vmem>> -> memref<1x2x48xi32, #tpu.memory_space<vmem>>
    %dma_wait3A_443 = tpu.memref_squeeze %dma_wait3A_442 : memref<1x2x48xi32, #tpu.memory_space<vmem>> -> memref<2x48xi32, #tpu.memory_space<vmem>>
    %dma_wait3A_444 = arith.constant 0 : i32
    %dma_wait3A_445 = arith.constant 0 : i32
    %dma_wait3A_446 = tpu.memref_slice %arg3[%dma_wait3A_438, %dma_wait3A_444, %dma_wait3A_445] : memref<6720x2x48xi32, #tpu.memory_space<hbm>> -> memref<1x2x48xi32, #tpu.memory_space<hbm>>
    %dma_wait3A_447 = tpu.memref_squeeze %dma_wait3A_446 : memref<1x2x48xi32, #tpu.memory_space<hbm>> -> memref<2x48xi32, #tpu.memory_space<hbm>>
    %dma_wait3A_448 = arith.constant 0 : i32
    %dma_wait3A_449 = arith.constant 0 : i32
    %dma_wait3A_450 = tpu.memref_slice %arg5[%dma_wait3A_439, %dma_wait3A_448, %dma_wait3A_449] : memref<10x2x48xi32, #tpu.memory_space<vmem>> -> memref<1x2x48xi32, #tpu.memory_space<vmem>>
    %dma_wait3A_451 = tpu.memref_squeeze %dma_wait3A_450 : memref<1x2x48xi32, #tpu.memory_space<vmem>> -> memref<2x48xi32, #tpu.memory_space<vmem>>
    %dma_wait3A_452 = arith.constant 0 : i32
    %dma_wait3A_453 = arith.constant 0 : i32
    %dma_wait3A_454 = tpu.memref_slice %arg3[%dma_wait3A_438, %dma_wait3A_452, %dma_wait3A_453] : memref<6720x2x48xi32, #tpu.memory_space<hbm>> -> memref<1x2x48xi32, #tpu.memory_space<hbm>>
    %dma_wait3A_455 = tpu.memref_squeeze %dma_wait3A_454 : memref<1x2x48xi32, #tpu.memory_space<hbm>> -> memref<2x48xi32, #tpu.memory_space<hbm>>
    tpu.wait_dma2 semaphore(%arg13 : memref<!tpu.dma_semaphore, #tpu.memory_space<semaphore_mem>>) src(%dma_wait3A_455 : memref<2x48xi32, #tpu.memory_space<hbm>>) dst(%dma_wait3A_451 : memref<2x48xi32, #tpu.memory_space<vmem>>)
    %add3A_456 = arith.constant 5 : i32
    %add3A_457 = arith.addi %add3A_421, %add3A_456 : i32
    %dma_start3A_458 = arith.constant 5 : i32
    %dma_start3A_459 = arith.constant 0 : i32
    %dma_start3A_460 = arith.constant 0 : i32
    %dma_start3A_461 = arith.constant 0 : i32
    %dma_start3A_462 = arith.constant 0 : i32
    %dma_start3A_463 = tpu.memref_slice %arg6[%dma_start3A_460, %dma_start3A_461, %dma_start3A_462] : memref<5x48x128xf32, #tpu.memory_space<vmem>> -> memref<1x48x128xf32, #tpu.memory_space<vmem>>
    %dma_start3A_464 = tpu.memref_squeeze %dma_start3A_463 : memref<1x48x128xf32, #tpu.memory_space<vmem>> -> memref<48x128xf32, #tpu.memory_space<vmem>>
    %dma_start3A_465 = arith.constant 0 : i32
    %dma_start3A_466 = tpu.memref_slice %arg5[%dma_start3A_458, %dma_start3A_459, %dma_start3A_465] : memref<10x2x48xi32, #tpu.memory_space<vmem>> -> memref<1x1x48xi32, #tpu.memory_space<vmem>>
    %dma_start3A_467 = tpu.memref_squeeze %dma_start3A_466 : memref<1x1x48xi32, #tpu.memory_space<vmem>> -> memref<48xi32, #tpu.memory_space<vmem>>
    %dma_start3A_468 = arith.constant 0 : i32
    %dma_start3A_469 = arith.constant 0 : i32
    %dma_start3A_470 = tpu.memref_slice %arg2[%dma_start3A_468, %dma_start3A_469] : memref<10000x128xf32, #tpu.memory_space<hbm>> -> memref<10000x128xf32, #tpu.memory_space<hbm>>
    tpu.enqueue_indirect_dma source(%dma_start3A_470 : memref<10000x128xf32, #tpu.memory_space<hbm>>) target(%dma_start3A_464 : memref<48x128xf32, #tpu.memory_space<vmem>>) offsets(%dma_start3A_467 : memref<48xi32, #tpu.memory_space<vmem>>) semaphore(%arg18 : memref<!tpu.dma_semaphore, #tpu.memory_space<semaphore_mem>>)
    %sub3A_471 = arith.constant 10 : i32
    %sub3A_472 = arith.subi %select_n3A, %sub3A_471 : i32
    %add3A_473 = arith.constant 1 : i32
    %add3A_474 = arith.addi %sub3A_472, %add3A_473 : i32
    %dma_wait3A_475 = arith.constant 0 : i32
    %dma_wait3A_476 = arith.constant 0 : i32
    %dma_wait3A_477 = arith.constant 1 : i32
    %dma_wait3A_478 = arith.constant 0 : i32
    %dma_wait3A_479 = arith.constant 0 : i32
    %dma_wait3A_480 = tpu.memref_slice %arg6[%dma_wait3A_477, %dma_wait3A_478, %dma_wait3A_479] : memref<5x48x128xf32, #tpu.memory_space<vmem>> -> memref<1x48x128xf32, #tpu.memory_space<vmem>>
    %dma_wait3A_481 = tpu.memref_squeeze %dma_wait3A_480 : memref<1x48x128xf32, #tpu.memory_space<vmem>> -> memref<48x128xf32, #tpu.memory_space<vmem>>
    %dma_wait3A_482 = arith.constant 0 : i32
    %dma_wait3A_483 = tpu.memref_slice %arg5[%dma_wait3A_475, %dma_wait3A_476, %dma_wait3A_482] : memref<10x2x48xi32, #tpu.memory_space<vmem>> -> memref<1x1x48xi32, #tpu.memory_space<vmem>>
    %dma_wait3A_484 = tpu.memref_squeeze %dma_wait3A_483 : memref<1x1x48xi32, #tpu.memory_space<vmem>> -> memref<48xi32, #tpu.memory_space<vmem>>
    %dma_wait3A_485 = arith.constant 0 : i32
    %dma_wait3A_486 = arith.constant 0 : i32
    %dma_wait3A_487 = tpu.memref_slice %arg2[%dma_wait3A_485, %dma_wait3A_486] : memref<10000x128xf32, #tpu.memory_space<hbm>> -> memref<10000x128xf32, #tpu.memory_space<hbm>>
    tpu.wait_indirect_dma semaphore(%arg19 : memref<!tpu.dma_semaphore, #tpu.memory_space<semaphore_mem>>) src(%dma_wait3A_487 : memref<10000x128xf32, #tpu.memory_space<hbm>>) dst(%dma_wait3A_481 : memref<48x128xf32, #tpu.memory_space<vmem>>)
    %run_scoped3A_488 = arith.constant 1 : i32
    %run_scoped3A_489 = arith.constant 1 : i32
    %run_scoped3A_490 = arith.constant 1 : i32
    "tpu.region"() ({
      %run_scoped3A_784 = tpu.sem_alloc : memref<!tpu.dma_semaphore, #tpu.memory_space<semaphore_mem>>
      %dma_start3A_785 = arith.constant 0 : i32
      %dma_start3A_786 = arith.constant 0 : i32
      %dma_start3A_787 = tpu.memref_slice %arg6[%run_scoped3A_488, %dma_start3A_785, %dma_start3A_786] : memref<5x48x128xf32, #tpu.memory_space<vmem>> -> memref<1x48x128xf32, #tpu.memory_space<vmem>>
      %dma_start3A_788 = tpu.memref_squeeze %dma_start3A_787 : memref<1x48x128xf32, #tpu.memory_space<vmem>> -> memref<48x128xf32, #tpu.memory_space<vmem>>
      %dma_start3A_789 = arith.constant 0 : i32
      %dma_start3A_790 = tpu.memref_slice %arg5[%run_scoped3A_489, %run_scoped3A_490, %dma_start3A_789] : memref<10x2x48xi32, #tpu.memory_space<vmem>> -> memref<1x1x48xi32, #tpu.memory_space<vmem>>
      %dma_start3A_791 = tpu.memref_squeeze %dma_start3A_790 : memref<1x1x48xi32, #tpu.memory_space<vmem>> -> memref<48xi32, #tpu.memory_space<vmem>>
      %dma_start3A_792 = arith.constant 0 : i32
      %dma_start3A_793 = arith.constant 0 : i32
      %dma_start3A_794 = tpu.memref_slice %arg7[%dma_start3A_792, %dma_start3A_793] : memref<10112x128xf32, #tpu.memory_space<vmem_shared>> -> memref<10112x128xf32, #tpu.memory_space<vmem_shared>>
      tpu.enqueue_indirect_dma source(%dma_start3A_788 : memref<48x128xf32, #tpu.memory_space<vmem>>) target(%dma_start3A_794 : memref<10112x128xf32, #tpu.memory_space<vmem_shared>>) offsets(%dma_start3A_791 : memref<48xi32, #tpu.memory_space<vmem>>) semaphore(%run_scoped3A_784 : memref<!tpu.dma_semaphore, #tpu.memory_space<semaphore_mem>>) {add = true}
      %dma_wait3A_795 = arith.constant 0 : i32
      %dma_wait3A_796 = arith.constant 0 : i32
      %dma_wait3A_797 = tpu.memref_slice %arg6[%run_scoped3A_488, %dma_wait3A_795, %dma_wait3A_796] : memref<5x48x128xf32, #tpu.memory_space<vmem>> -> memref<1x48x128xf32, #tpu.memory_space<vmem>>
      %dma_wait3A_798 = tpu.memref_squeeze %dma_wait3A_797 : memref<1x48x128xf32, #tpu.memory_space<vmem>> -> memref<48x128xf32, #tpu.memory_space<vmem>>
      %dma_wait3A_799 = arith.constant 0 : i32
      %dma_wait3A_800 = tpu.memref_slice %arg5[%run_scoped3A_489, %run_scoped3A_490, %dma_wait3A_799] : memref<10x2x48xi32, #tpu.memory_space<vmem>> -> memref<1x1x48xi32, #tpu.memory_space<vmem>>
      %dma_wait3A_801 = tpu.memref_squeeze %dma_wait3A_800 : memref<1x1x48xi32, #tpu.memory_space<vmem>> -> memref<48xi32, #tpu.memory_space<vmem>>
      %dma_wait3A_802 = arith.constant 0 : i32
      %dma_wait3A_803 = arith.constant 0 : i32
      %dma_wait3A_804 = tpu.memref_slice %arg7[%dma_wait3A_802, %dma_wait3A_803] : memref<10112x128xf32, #tpu.memory_space<vmem_shared>> -> memref<10112x128xf32, #tpu.memory_space<vmem_shared>>
      tpu.wait_indirect_dma semaphore(%run_scoped3A_784 : memref<!tpu.dma_semaphore, #tpu.memory_space<semaphore_mem>>) src(%dma_wait3A_798 : memref<48x128xf32, #tpu.memory_space<vmem>>) dst(%dma_wait3A_804 : memref<10112x128xf32, #tpu.memory_space<vmem_shared>>)
      tpu.yield
    }) : () -> ()
    %dma_wait3A_491 = arith.constant 0 : i32
    %dma_wait3A_492 = arith.constant 6 : i32
    %dma_wait3A_493 = arith.constant 0 : i32
    %dma_wait3A_494 = arith.constant 0 : i32
    %dma_wait3A_495 = tpu.memref_slice %arg5[%dma_wait3A_492, %dma_wait3A_493, %dma_wait3A_494] : memref<10x2x48xi32, #tpu.memory_space<vmem>> -> memref<1x2x48xi32, #tpu.memory_space<vmem>>
    %dma_wait3A_496 = tpu.memref_squeeze %dma_wait3A_495 : memref<1x2x48xi32, #tpu.memory_space<vmem>> -> memref<2x48xi32, #tpu.memory_space<vmem>>
    %dma_wait3A_497 = arith.constant 0 : i32
    %dma_wait3A_498 = arith.constant 0 : i32
    %dma_wait3A_499 = tpu.memref_slice %arg3[%dma_wait3A_491, %dma_wait3A_497, %dma_wait3A_498] : memref<6720x2x48xi32, #tpu.memory_space<hbm>> -> memref<1x2x48xi32, #tpu.memory_space<hbm>>
    %dma_wait3A_500 = tpu.memref_squeeze %dma_wait3A_499 : memref<1x2x48xi32, #tpu.memory_space<hbm>> -> memref<2x48xi32, #tpu.memory_space<hbm>>
    %dma_wait3A_501 = arith.constant 0 : i32
    %dma_wait3A_502 = arith.constant 0 : i32
    %dma_wait3A_503 = tpu.memref_slice %arg5[%dma_wait3A_492, %dma_wait3A_501, %dma_wait3A_502] : memref<10x2x48xi32, #tpu.memory_space<vmem>> -> memref<1x2x48xi32, #tpu.memory_space<vmem>>
    %dma_wait3A_504 = tpu.memref_squeeze %dma_wait3A_503 : memref<1x2x48xi32, #tpu.memory_space<vmem>> -> memref<2x48xi32, #tpu.memory_space<vmem>>
    %dma_wait3A_505 = arith.constant 0 : i32
    %dma_wait3A_506 = arith.constant 0 : i32
    %dma_wait3A_507 = tpu.memref_slice %arg3[%dma_wait3A_491, %dma_wait3A_505, %dma_wait3A_506] : memref<6720x2x48xi32, #tpu.memory_space<hbm>> -> memref<1x2x48xi32, #tpu.memory_space<hbm>>
    %dma_wait3A_508 = tpu.memref_squeeze %dma_wait3A_507 : memref<1x2x48xi32, #tpu.memory_space<hbm>> -> memref<2x48xi32, #tpu.memory_space<hbm>>
    tpu.wait_dma2 semaphore(%arg14 : memref<!tpu.dma_semaphore, #tpu.memory_space<semaphore_mem>>) src(%dma_wait3A_508 : memref<2x48xi32, #tpu.memory_space<hbm>>) dst(%dma_wait3A_504 : memref<2x48xi32, #tpu.memory_space<vmem>>)
    %add3A_509 = arith.constant 5 : i32
    %add3A_510 = arith.addi %add3A_474, %add3A_509 : i32
    %dma_start3A_511 = arith.constant 6 : i32
    %dma_start3A_512 = arith.constant 0 : i32
    %dma_start3A_513 = arith.constant 1 : i32
    %dma_start3A_514 = arith.constant 0 : i32
    %dma_start3A_515 = arith.constant 0 : i32
    %dma_start3A_516 = tpu.memref_slice %arg6[%dma_start3A_513, %dma_start3A_514, %dma_start3A_515] : memref<5x48x128xf32, #tpu.memory_space<vmem>> -> memref<1x48x128xf32, #tpu.memory_space<vmem>>
    %dma_start3A_517 = tpu.memref_squeeze %dma_start3A_516 : memref<1x48x128xf32, #tpu.memory_space<vmem>> -> memref<48x128xf32, #tpu.memory_space<vmem>>
    %dma_start3A_518 = arith.constant 0 : i32
    %dma_start3A_519 = tpu.memref_slice %arg5[%dma_start3A_511, %dma_start3A_512, %dma_start3A_518] : memref<10x2x48xi32, #tpu.memory_space<vmem>> -> memref<1x1x48xi32, #tpu.memory_space<vmem>>
    %dma_start3A_520 = tpu.memref_squeeze %dma_start3A_519 : memref<1x1x48xi32, #tpu.memory_space<vmem>> -> memref<48xi32, #tpu.memory_space<vmem>>
    %dma_start3A_521 = arith.constant 0 : i32
    %dma_start3A_522 = arith.constant 0 : i32
    %dma_start3A_523 = tpu.memref_slice %arg2[%dma_start3A_521, %dma_start3A_522] : memref<10000x128xf32, #tpu.memory_space<hbm>> -> memref<10000x128xf32, #tpu.memory_space<hbm>>
    tpu.enqueue_indirect_dma source(%dma_start3A_523 : memref<10000x128xf32, #tpu.memory_space<hbm>>) target(%dma_start3A_517 : memref<48x128xf32, #tpu.memory_space<vmem>>) offsets(%dma_start3A_520 : memref<48xi32, #tpu.memory_space<vmem>>) semaphore(%arg19 : memref<!tpu.dma_semaphore, #tpu.memory_space<semaphore_mem>>)
    %sub3A_524 = arith.constant 10 : i32
    %sub3A_525 = arith.subi %select_n3A, %sub3A_524 : i32
    %add3A_526 = arith.constant 2 : i32
    %add3A_527 = arith.addi %sub3A_525, %add3A_526 : i32
    %dma_wait3A_528 = arith.constant 0 : i32
    %dma_wait3A_529 = arith.constant 0 : i32
    %dma_wait3A_530 = arith.constant 2 : i32
    %dma_wait3A_531 = arith.constant 0 : i32
    %dma_wait3A_532 = arith.constant 0 : i32
    %dma_wait3A_533 = tpu.memref_slice %arg6[%dma_wait3A_530, %dma_wait3A_531, %dma_wait3A_532] : memref<5x48x128xf32, #tpu.memory_space<vmem>> -> memref<1x48x128xf32, #tpu.memory_space<vmem>>
    %dma_wait3A_534 = tpu.memref_squeeze %dma_wait3A_533 : memref<1x48x128xf32, #tpu.memory_space<vmem>> -> memref<48x128xf32, #tpu.memory_space<vmem>>
    %dma_wait3A_535 = arith.constant 0 : i32
    %dma_wait3A_536 = tpu.memref_slice %arg5[%dma_wait3A_528, %dma_wait3A_529, %dma_wait3A_535] : memref<10x2x48xi32, #tpu.memory_space<vmem>> -> memref<1x1x48xi32, #tpu.memory_space<vmem>>
    %dma_wait3A_537 = tpu.memref_squeeze %dma_wait3A_536 : memref<1x1x48xi32, #tpu.memory_space<vmem>> -> memref<48xi32, #tpu.memory_space<vmem>>
    %dma_wait3A_538 = arith.constant 0 : i32
    %dma_wait3A_539 = arith.constant 0 : i32
    %dma_wait3A_540 = tpu.memref_slice %arg2[%dma_wait3A_538, %dma_wait3A_539] : memref<10000x128xf32, #tpu.memory_space<hbm>> -> memref<10000x128xf32, #tpu.memory_space<hbm>>
    tpu.wait_indirect_dma semaphore(%arg20 : memref<!tpu.dma_semaphore, #tpu.memory_space<semaphore_mem>>) src(%dma_wait3A_540 : memref<10000x128xf32, #tpu.memory_space<hbm>>) dst(%dma_wait3A_534 : memref<48x128xf32, #tpu.memory_space<vmem>>)
    %run_scoped3A_541 = arith.constant 2 : i32
    %run_scoped3A_542 = arith.constant 2 : i32
    %run_scoped3A_543 = arith.constant 1 : i32
    "tpu.region"() ({
      %run_scoped3A_784 = tpu.sem_alloc : memref<!tpu.dma_semaphore, #tpu.memory_space<semaphore_mem>>
      %dma_start3A_785 = arith.constant 0 : i32
      %dma_start3A_786 = arith.constant 0 : i32
      %dma_start3A_787 = tpu.memref_slice %arg6[%run_scoped3A_541, %dma_start3A_785, %dma_start3A_786] : memref<5x48x128xf32, #tpu.memory_space<vmem>> -> memref<1x48x128xf32, #tpu.memory_space<vmem>>
      %dma_start3A_788 = tpu.memref_squeeze %dma_start3A_787 : memref<1x48x128xf32, #tpu.memory_space<vmem>> -> memref<48x128xf32, #tpu.memory_space<vmem>>
      %dma_start3A_789 = arith.constant 0 : i32
      %dma_start3A_790 = tpu.memref_slice %arg5[%run_scoped3A_542, %run_scoped3A_543, %dma_start3A_789] : memref<10x2x48xi32, #tpu.memory_space<vmem>> -> memref<1x1x48xi32, #tpu.memory_space<vmem>>
      %dma_start3A_791 = tpu.memref_squeeze %dma_start3A_790 : memref<1x1x48xi32, #tpu.memory_space<vmem>> -> memref<48xi32, #tpu.memory_space<vmem>>
      %dma_start3A_792 = arith.constant 0 : i32
      %dma_start3A_793 = arith.constant 0 : i32
      %dma_start3A_794 = tpu.memref_slice %arg7[%dma_start3A_792, %dma_start3A_793] : memref<10112x128xf32, #tpu.memory_space<vmem_shared>> -> memref<10112x128xf32, #tpu.memory_space<vmem_shared>>
      tpu.enqueue_indirect_dma source(%dma_start3A_788 : memref<48x128xf32, #tpu.memory_space<vmem>>) target(%dma_start3A_794 : memref<10112x128xf32, #tpu.memory_space<vmem_shared>>) offsets(%dma_start3A_791 : memref<48xi32, #tpu.memory_space<vmem>>) semaphore(%run_scoped3A_784 : memref<!tpu.dma_semaphore, #tpu.memory_space<semaphore_mem>>) {add = true}
      %dma_wait3A_795 = arith.constant 0 : i32
      %dma_wait3A_796 = arith.constant 0 : i32
      %dma_wait3A_797 = tpu.memref_slice %arg6[%run_scoped3A_541, %dma_wait3A_795, %dma_wait3A_796] : memref<5x48x128xf32, #tpu.memory_space<vmem>> -> memref<1x48x128xf32, #tpu.memory_space<vmem>>
      %dma_wait3A_798 = tpu.memref_squeeze %dma_wait3A_797 : memref<1x48x128xf32, #tpu.memory_space<vmem>> -> memref<48x128xf32, #tpu.memory_space<vmem>>
      %dma_wait3A_799 = arith.constant 0 : i32
      %dma_wait3A_800 = tpu.memref_slice %arg5[%run_scoped3A_542, %run_scoped3A_543, %dma_wait3A_799] : memref<10x2x48xi32, #tpu.memory_space<vmem>> -> memref<1x1x48xi32, #tpu.memory_space<vmem>>
      %dma_wait3A_801 = tpu.memref_squeeze %dma_wait3A_800 : memref<1x1x48xi32, #tpu.memory_space<vmem>> -> memref<48xi32, #tpu.memory_space<vmem>>
      %dma_wait3A_802 = arith.constant 0 : i32
      %dma_wait3A_803 = arith.constant 0 : i32
      %dma_wait3A_804 = tpu.memref_slice %arg7[%dma_wait3A_802, %dma_wait3A_803] : memref<10112x128xf32, #tpu.memory_space<vmem_shared>> -> memref<10112x128xf32, #tpu.memory_space<vmem_shared>>
      tpu.wait_indirect_dma semaphore(%run_scoped3A_784 : memref<!tpu.dma_semaphore, #tpu.memory_space<semaphore_mem>>) src(%dma_wait3A_798 : memref<48x128xf32, #tpu.memory_space<vmem>>) dst(%dma_wait3A_804 : memref<10112x128xf32, #tpu.memory_space<vmem_shared>>)
      tpu.yield
    }) : () -> ()
    %dma_wait3A_544 = arith.constant 0 : i32
    %dma_wait3A_545 = arith.constant 7 : i32
    %dma_wait3A_546 = arith.constant 0 : i32
    %dma_wait3A_547 = arith.constant 0 : i32
    %dma_wait3A_548 = tpu.memref_slice %arg5[%dma_wait3A_545, %dma_wait3A_546, %dma_wait3A_547] : memref<10x2x48xi32, #tpu.memory_space<vmem>> -> memref<1x2x48xi32, #tpu.memory_space<vmem>>
    %dma_wait3A_549 = tpu.memref_squeeze %dma_wait3A_548 : memref<1x2x48xi32, #tpu.memory_space<vmem>> -> memref<2x48xi32, #tpu.memory_space<vmem>>
    %dma_wait3A_550 = arith.constant 0 : i32
    %dma_wait3A_551 = arith.constant 0 : i32
    %dma_wait3A_552 = tpu.memref_slice %arg3[%dma_wait3A_544, %dma_wait3A_550, %dma_wait3A_551] : memref<6720x2x48xi32, #tpu.memory_space<hbm>> -> memref<1x2x48xi32, #tpu.memory_space<hbm>>
    %dma_wait3A_553 = tpu.memref_squeeze %dma_wait3A_552 : memref<1x2x48xi32, #tpu.memory_space<hbm>> -> memref<2x48xi32, #tpu.memory_space<hbm>>
    %dma_wait3A_554 = arith.constant 0 : i32
    %dma_wait3A_555 = arith.constant 0 : i32
    %dma_wait3A_556 = tpu.memref_slice %arg5[%dma_wait3A_545, %dma_wait3A_554, %dma_wait3A_555] : memref<10x2x48xi32, #tpu.memory_space<vmem>> -> memref<1x2x48xi32, #tpu.memory_space<vmem>>
    %dma_wait3A_557 = tpu.memref_squeeze %dma_wait3A_556 : memref<1x2x48xi32, #tpu.memory_space<vmem>> -> memref<2x48xi32, #tpu.memory_space<vmem>>
    %dma_wait3A_558 = arith.constant 0 : i32
    %dma_wait3A_559 = arith.constant 0 : i32
    %dma_wait3A_560 = tpu.memref_slice %arg3[%dma_wait3A_544, %dma_wait3A_558, %dma_wait3A_559] : memref<6720x2x48xi32, #tpu.memory_space<hbm>> -> memref<1x2x48xi32, #tpu.memory_space<hbm>>
    %dma_wait3A_561 = tpu.memref_squeeze %dma_wait3A_560 : memref<1x2x48xi32, #tpu.memory_space<hbm>> -> memref<2x48xi32, #tpu.memory_space<hbm>>
    tpu.wait_dma2 semaphore(%arg15 : memref<!tpu.dma_semaphore, #tpu.memory_space<semaphore_mem>>) src(%dma_wait3A_561 : memref<2x48xi32, #tpu.memory_space<hbm>>) dst(%dma_wait3A_557 : memref<2x48xi32, #tpu.memory_space<vmem>>)
    %add3A_562 = arith.constant 5 : i32
    %add3A_563 = arith.addi %add3A_527, %add3A_562 : i32
    %dma_start3A_564 = arith.constant 7 : i32
    %dma_start3A_565 = arith.constant 0 : i32
    %dma_start3A_566 = arith.constant 2 : i32
    %dma_start3A_567 = arith.constant 0 : i32
    %dma_start3A_568 = arith.constant 0 : i32
    %dma_start3A_569 = tpu.memref_slice %arg6[%dma_start3A_566, %dma_start3A_567, %dma_start3A_568] : memref<5x48x128xf32, #tpu.memory_space<vmem>> -> memref<1x48x128xf32, #tpu.memory_space<vmem>>
    %dma_start3A_570 = tpu.memref_squeeze %dma_start3A_569 : memref<1x48x128xf32, #tpu.memory_space<vmem>> -> memref<48x128xf32, #tpu.memory_space<vmem>>
    %dma_start3A_571 = arith.constant 0 : i32
    %dma_start3A_572 = tpu.memref_slice %arg5[%dma_start3A_564, %dma_start3A_565, %dma_start3A_571] : memref<10x2x48xi32, #tpu.memory_space<vmem>> -> memref<1x1x48xi32, #tpu.memory_space<vmem>>
    %dma_start3A_573 = tpu.memref_squeeze %dma_start3A_572 : memref<1x1x48xi32, #tpu.memory_space<vmem>> -> memref<48xi32, #tpu.memory_space<vmem>>
    %dma_start3A_574 = arith.constant 0 : i32
    %dma_start3A_575 = arith.constant 0 : i32
    %dma_start3A_576 = tpu.memref_slice %arg2[%dma_start3A_574, %dma_start3A_575] : memref<10000x128xf32, #tpu.memory_space<hbm>> -> memref<10000x128xf32, #tpu.memory_space<hbm>>
    tpu.enqueue_indirect_dma source(%dma_start3A_576 : memref<10000x128xf32, #tpu.memory_space<hbm>>) target(%dma_start3A_570 : memref<48x128xf32, #tpu.memory_space<vmem>>) offsets(%dma_start3A_573 : memref<48xi32, #tpu.memory_space<vmem>>) semaphore(%arg20 : memref<!tpu.dma_semaphore, #tpu.memory_space<semaphore_mem>>)
    %sub3A_577 = arith.constant 10 : i32
    %sub3A_578 = arith.subi %select_n3A, %sub3A_577 : i32
    %add3A_579 = arith.constant 3 : i32
    %add3A_580 = arith.addi %sub3A_578, %add3A_579 : i32
    %dma_wait3A_581 = arith.constant 0 : i32
    %dma_wait3A_582 = arith.constant 0 : i32
    %dma_wait3A_583 = arith.constant 3 : i32
    %dma_wait3A_584 = arith.constant 0 : i32
    %dma_wait3A_585 = arith.constant 0 : i32
    %dma_wait3A_586 = tpu.memref_slice %arg6[%dma_wait3A_583, %dma_wait3A_584, %dma_wait3A_585] : memref<5x48x128xf32, #tpu.memory_space<vmem>> -> memref<1x48x128xf32, #tpu.memory_space<vmem>>
    %dma_wait3A_587 = tpu.memref_squeeze %dma_wait3A_586 : memref<1x48x128xf32, #tpu.memory_space<vmem>> -> memref<48x128xf32, #tpu.memory_space<vmem>>
    %dma_wait3A_588 = arith.constant 0 : i32
    %dma_wait3A_589 = tpu.memref_slice %arg5[%dma_wait3A_581, %dma_wait3A_582, %dma_wait3A_588] : memref<10x2x48xi32, #tpu.memory_space<vmem>> -> memref<1x1x48xi32, #tpu.memory_space<vmem>>
    %dma_wait3A_590 = tpu.memref_squeeze %dma_wait3A_589 : memref<1x1x48xi32, #tpu.memory_space<vmem>> -> memref<48xi32, #tpu.memory_space<vmem>>
    %dma_wait3A_591 = arith.constant 0 : i32
    %dma_wait3A_592 = arith.constant 0 : i32
    %dma_wait3A_593 = tpu.memref_slice %arg2[%dma_wait3A_591, %dma_wait3A_592] : memref<10000x128xf32, #tpu.memory_space<hbm>> -> memref<10000x128xf32, #tpu.memory_space<hbm>>
    tpu.wait_indirect_dma semaphore(%arg21 : memref<!tpu.dma_semaphore, #tpu.memory_space<semaphore_mem>>) src(%dma_wait3A_593 : memref<10000x128xf32, #tpu.memory_space<hbm>>) dst(%dma_wait3A_587 : memref<48x128xf32, #tpu.memory_space<vmem>>)
    %run_scoped3A_594 = arith.constant 3 : i32
    %run_scoped3A_595 = arith.constant 3 : i32
    %run_scoped3A_596 = arith.constant 1 : i32
    "tpu.region"() ({
      %run_scoped3A_784 = tpu.sem_alloc : memref<!tpu.dma_semaphore, #tpu.memory_space<semaphore_mem>>
      %dma_start3A_785 = arith.constant 0 : i32
      %dma_start3A_786 = arith.constant 0 : i32
      %dma_start3A_787 = tpu.memref_slice %arg6[%run_scoped3A_594, %dma_start3A_785, %dma_start3A_786] : memref<5x48x128xf32, #tpu.memory_space<vmem>> -> memref<1x48x128xf32, #tpu.memory_space<vmem>>
      %dma_start3A_788 = tpu.memref_squeeze %dma_start3A_787 : memref<1x48x128xf32, #tpu.memory_space<vmem>> -> memref<48x128xf32, #tpu.memory_space<vmem>>
      %dma_start3A_789 = arith.constant 0 : i32
      %dma_start3A_790 = tpu.memref_slice %arg5[%run_scoped3A_595, %run_scoped3A_596, %dma_start3A_789] : memref<10x2x48xi32, #tpu.memory_space<vmem>> -> memref<1x1x48xi32, #tpu.memory_space<vmem>>
      %dma_start3A_791 = tpu.memref_squeeze %dma_start3A_790 : memref<1x1x48xi32, #tpu.memory_space<vmem>> -> memref<48xi32, #tpu.memory_space<vmem>>
      %dma_start3A_792 = arith.constant 0 : i32
      %dma_start3A_793 = arith.constant 0 : i32
      %dma_start3A_794 = tpu.memref_slice %arg7[%dma_start3A_792, %dma_start3A_793] : memref<10112x128xf32, #tpu.memory_space<vmem_shared>> -> memref<10112x128xf32, #tpu.memory_space<vmem_shared>>
      tpu.enqueue_indirect_dma source(%dma_start3A_788 : memref<48x128xf32, #tpu.memory_space<vmem>>) target(%dma_start3A_794 : memref<10112x128xf32, #tpu.memory_space<vmem_shared>>) offsets(%dma_start3A_791 : memref<48xi32, #tpu.memory_space<vmem>>) semaphore(%run_scoped3A_784 : memref<!tpu.dma_semaphore, #tpu.memory_space<semaphore_mem>>) {add = true}
      %dma_wait3A_795 = arith.constant 0 : i32
      %dma_wait3A_796 = arith.constant 0 : i32
      %dma_wait3A_797 = tpu.memref_slice %arg6[%run_scoped3A_594, %dma_wait3A_795, %dma_wait3A_796] : memref<5x48x128xf32, #tpu.memory_space<vmem>> -> memref<1x48x128xf32, #tpu.memory_space<vmem>>
      %dma_wait3A_798 = tpu.memref_squeeze %dma_wait3A_797 : memref<1x48x128xf32, #tpu.memory_space<vmem>> -> memref<48x128xf32, #tpu.memory_space<vmem>>
      %dma_wait3A_799 = arith.constant 0 : i32
      %dma_wait3A_800 = tpu.memref_slice %arg5[%run_scoped3A_595, %run_scoped3A_596, %dma_wait3A_799] : memref<10x2x48xi32, #tpu.memory_space<vmem>> -> memref<1x1x48xi32, #tpu.memory_space<vmem>>
      %dma_wait3A_801 = tpu.memref_squeeze %dma_wait3A_800 : memref<1x1x48xi32, #tpu.memory_space<vmem>> -> memref<48xi32, #tpu.memory_space<vmem>>
      %dma_wait3A_802 = arith.constant 0 : i32
      %dma_wait3A_803 = arith.constant 0 : i32
      %dma_wait3A_804 = tpu.memref_slice %arg7[%dma_wait3A_802, %dma_wait3A_803] : memref<10112x128xf32, #tpu.memory_space<vmem_shared>> -> memref<10112x128xf32, #tpu.memory_space<vmem_shared>>
      tpu.wait_indirect_dma semaphore(%run_scoped3A_784 : memref<!tpu.dma_semaphore, #tpu.memory_space<semaphore_mem>>) src(%dma_wait3A_798 : memref<48x128xf32, #tpu.memory_space<vmem>>) dst(%dma_wait3A_804 : memref<10112x128xf32, #tpu.memory_space<vmem_shared>>)
      tpu.yield
    }) : () -> ()
    %dma_wait3A_597 = arith.constant 0 : i32
    %dma_wait3A_598 = arith.constant 8 : i32
    %dma_wait3A_599 = arith.constant 0 : i32
    %dma_wait3A_600 = arith.constant 0 : i32
    %dma_wait3A_601 = tpu.memref_slice %arg5[%dma_wait3A_598, %dma_wait3A_599, %dma_wait3A_600] : memref<10x2x48xi32, #tpu.memory_space<vmem>> -> memref<1x2x48xi32, #tpu.memory_space<vmem>>
    %dma_wait3A_602 = tpu.memref_squeeze %dma_wait3A_601 : memref<1x2x48xi32, #tpu.memory_space<vmem>> -> memref<2x48xi32, #tpu.memory_space<vmem>>
    %dma_wait3A_603 = arith.constant 0 : i32
    %dma_wait3A_604 = arith.constant 0 : i32
    %dma_wait3A_605 = tpu.memref_slice %arg3[%dma_wait3A_597, %dma_wait3A_603, %dma_wait3A_604] : memref<6720x2x48xi32, #tpu.memory_space<hbm>> -> memref<1x2x48xi32, #tpu.memory_space<hbm>>
    %dma_wait3A_606 = tpu.memref_squeeze %dma_wait3A_605 : memref<1x2x48xi32, #tpu.memory_space<hbm>> -> memref<2x48xi32, #tpu.memory_space<hbm>>
    %dma_wait3A_607 = arith.constant 0 : i32
    %dma_wait3A_608 = arith.constant 0 : i32
    %dma_wait3A_609 = tpu.memref_slice %arg5[%dma_wait3A_598, %dma_wait3A_607, %dma_wait3A_608] : memref<10x2x48xi32, #tpu.memory_space<vmem>> -> memref<1x2x48xi32, #tpu.memory_space<vmem>>
    %dma_wait3A_610 = tpu.memref_squeeze %dma_wait3A_609 : memref<1x2x48xi32, #tpu.memory_space<vmem>> -> memref<2x48xi32, #tpu.memory_space<vmem>>
    %dma_wait3A_611 = arith.constant 0 : i32
    %dma_wait3A_612 = arith.constant 0 : i32
    %dma_wait3A_613 = tpu.memref_slice %arg3[%dma_wait3A_597, %dma_wait3A_611, %dma_wait3A_612] : memref<6720x2x48xi32, #tpu.memory_space<hbm>> -> memref<1x2x48xi32, #tpu.memory_space<hbm>>
    %dma_wait3A_614 = tpu.memref_squeeze %dma_wait3A_613 : memref<1x2x48xi32, #tpu.memory_space<hbm>> -> memref<2x48xi32, #tpu.memory_space<hbm>>
    tpu.wait_dma2 semaphore(%arg16 : memref<!tpu.dma_semaphore, #tpu.memory_space<semaphore_mem>>) src(%dma_wait3A_614 : memref<2x48xi32, #tpu.memory_space<hbm>>) dst(%dma_wait3A_610 : memref<2x48xi32, #tpu.memory_space<vmem>>)
    %add3A_615 = arith.constant 5 : i32
    %add3A_616 = arith.addi %add3A_580, %add3A_615 : i32
    %dma_start3A_617 = arith.constant 8 : i32
    %dma_start3A_618 = arith.constant 0 : i32
    %dma_start3A_619 = arith.constant 3 : i32
    %dma_start3A_620 = arith.constant 0 : i32
    %dma_start3A_621 = arith.constant 0 : i32
    %dma_start3A_622 = tpu.memref_slice %arg6[%dma_start3A_619, %dma_start3A_620, %dma_start3A_621] : memref<5x48x128xf32, #tpu.memory_space<vmem>> -> memref<1x48x128xf32, #tpu.memory_space<vmem>>
    %dma_start3A_623 = tpu.memref_squeeze %dma_start3A_622 : memref<1x48x128xf32, #tpu.memory_space<vmem>> -> memref<48x128xf32, #tpu.memory_space<vmem>>
    %dma_start3A_624 = arith.constant 0 : i32
    %dma_start3A_625 = tpu.memref_slice %arg5[%dma_start3A_617, %dma_start3A_618, %dma_start3A_624] : memref<10x2x48xi32, #tpu.memory_space<vmem>> -> memref<1x1x48xi32, #tpu.memory_space<vmem>>
    %dma_start3A_626 = tpu.memref_squeeze %dma_start3A_625 : memref<1x1x48xi32, #tpu.memory_space<vmem>> -> memref<48xi32, #tpu.memory_space<vmem>>
    %dma_start3A_627 = arith.constant 0 : i32
    %dma_start3A_628 = arith.constant 0 : i32
    %dma_start3A_629 = tpu.memref_slice %arg2[%dma_start3A_627, %dma_start3A_628] : memref<10000x128xf32, #tpu.memory_space<hbm>> -> memref<10000x128xf32, #tpu.memory_space<hbm>>
    tpu.enqueue_indirect_dma source(%dma_start3A_629 : memref<10000x128xf32, #tpu.memory_space<hbm>>) target(%dma_start3A_623 : memref<48x128xf32, #tpu.memory_space<vmem>>) offsets(%dma_start3A_626 : memref<48xi32, #tpu.memory_space<vmem>>) semaphore(%arg21 : memref<!tpu.dma_semaphore, #tpu.memory_space<semaphore_mem>>)
    %sub3A_630 = arith.constant 10 : i32
    %sub3A_631 = arith.subi %select_n3A, %sub3A_630 : i32
    %add3A_632 = arith.constant 4 : i32
    %add3A_633 = arith.addi %sub3A_631, %add3A_632 : i32
    %dma_wait3A_634 = arith.constant 0 : i32
    %dma_wait3A_635 = arith.constant 0 : i32
    %dma_wait3A_636 = arith.constant 4 : i32
    %dma_wait3A_637 = arith.constant 0 : i32
    %dma_wait3A_638 = arith.constant 0 : i32
    %dma_wait3A_639 = tpu.memref_slice %arg6[%dma_wait3A_636, %dma_wait3A_637, %dma_wait3A_638] : memref<5x48x128xf32, #tpu.memory_space<vmem>> -> memref<1x48x128xf32, #tpu.memory_space<vmem>>
    %dma_wait3A_640 = tpu.memref_squeeze %dma_wait3A_639 : memref<1x48x128xf32, #tpu.memory_space<vmem>> -> memref<48x128xf32, #tpu.memory_space<vmem>>
    %dma_wait3A_641 = arith.constant 0 : i32
    %dma_wait3A_642 = tpu.memref_slice %arg5[%dma_wait3A_634, %dma_wait3A_635, %dma_wait3A_641] : memref<10x2x48xi32, #tpu.memory_space<vmem>> -> memref<1x1x48xi32, #tpu.memory_space<vmem>>
    %dma_wait3A_643 = tpu.memref_squeeze %dma_wait3A_642 : memref<1x1x48xi32, #tpu.memory_space<vmem>> -> memref<48xi32, #tpu.memory_space<vmem>>
    %dma_wait3A_644 = arith.constant 0 : i32
    %dma_wait3A_645 = arith.constant 0 : i32
    %dma_wait3A_646 = tpu.memref_slice %arg2[%dma_wait3A_644, %dma_wait3A_645] : memref<10000x128xf32, #tpu.memory_space<hbm>> -> memref<10000x128xf32, #tpu.memory_space<hbm>>
    tpu.wait_indirect_dma semaphore(%arg22 : memref<!tpu.dma_semaphore, #tpu.memory_space<semaphore_mem>>) src(%dma_wait3A_646 : memref<10000x128xf32, #tpu.memory_space<hbm>>) dst(%dma_wait3A_640 : memref<48x128xf32, #tpu.memory_space<vmem>>)
    %run_scoped3A_647 = arith.constant 4 : i32
    %run_scoped3A_648 = arith.constant 4 : i32
    %run_scoped3A_649 = arith.constant 1 : i32
    "tpu.region"() ({
      %run_scoped3A_784 = tpu.sem_alloc : memref<!tpu.dma_semaphore, #tpu.memory_space<semaphore_mem>>
      %dma_start3A_785 = arith.constant 0 : i32
      %dma_start3A_786 = arith.constant 0 : i32
      %dma_start3A_787 = tpu.memref_slice %arg6[%run_scoped3A_647, %dma_start3A_785, %dma_start3A_786] : memref<5x48x128xf32, #tpu.memory_space<vmem>> -> memref<1x48x128xf32, #tpu.memory_space<vmem>>
      %dma_start3A_788 = tpu.memref_squeeze %dma_start3A_787 : memref<1x48x128xf32, #tpu.memory_space<vmem>> -> memref<48x128xf32, #tpu.memory_space<vmem>>
      %dma_start3A_789 = arith.constant 0 : i32
      %dma_start3A_790 = tpu.memref_slice %arg5[%run_scoped3A_648, %run_scoped3A_649, %dma_start3A_789] : memref<10x2x48xi32, #tpu.memory_space<vmem>> -> memref<1x1x48xi32, #tpu.memory_space<vmem>>
      %dma_start3A_791 = tpu.memref_squeeze %dma_start3A_790 : memref<1x1x48xi32, #tpu.memory_space<vmem>> -> memref<48xi32, #tpu.memory_space<vmem>>
      %dma_start3A_792 = arith.constant 0 : i32
      %dma_start3A_793 = arith.constant 0 : i32
      %dma_start3A_794 = tpu.memref_slice %arg7[%dma_start3A_792, %dma_start3A_793] : memref<10112x128xf32, #tpu.memory_space<vmem_shared>> -> memref<10112x128xf32, #tpu.memory_space<vmem_shared>>
      tpu.enqueue_indirect_dma source(%dma_start3A_788 : memref<48x128xf32, #tpu.memory_space<vmem>>) target(%dma_start3A_794 : memref<10112x128xf32, #tpu.memory_space<vmem_shared>>) offsets(%dma_start3A_791 : memref<48xi32, #tpu.memory_space<vmem>>) semaphore(%run_scoped3A_784 : memref<!tpu.dma_semaphore, #tpu.memory_space<semaphore_mem>>) {add = true}
      %dma_wait3A_795 = arith.constant 0 : i32
      %dma_wait3A_796 = arith.constant 0 : i32
      %dma_wait3A_797 = tpu.memref_slice %arg6[%run_scoped3A_647, %dma_wait3A_795, %dma_wait3A_796] : memref<5x48x128xf32, #tpu.memory_space<vmem>> -> memref<1x48x128xf32, #tpu.memory_space<vmem>>
      %dma_wait3A_798 = tpu.memref_squeeze %dma_wait3A_797 : memref<1x48x128xf32, #tpu.memory_space<vmem>> -> memref<48x128xf32, #tpu.memory_space<vmem>>
      %dma_wait3A_799 = arith.constant 0 : i32
      %dma_wait3A_800 = tpu.memref_slice %arg5[%run_scoped3A_648, %run_scoped3A_649, %dma_wait3A_799] : memref<10x2x48xi32, #tpu.memory_space<vmem>> -> memref<1x1x48xi32, #tpu.memory_space<vmem>>
      %dma_wait3A_801 = tpu.memref_squeeze %dma_wait3A_800 : memref<1x1x48xi32, #tpu.memory_space<vmem>> -> memref<48xi32, #tpu.memory_space<vmem>>
      %dma_wait3A_802 = arith.constant 0 : i32
      %dma_wait3A_803 = arith.constant 0 : i32
      %dma_wait3A_804 = tpu.memref_slice %arg7[%dma_wait3A_802, %dma_wait3A_803] : memref<10112x128xf32, #tpu.memory_space<vmem_shared>> -> memref<10112x128xf32, #tpu.memory_space<vmem_shared>>
      tpu.wait_indirect_dma semaphore(%run_scoped3A_784 : memref<!tpu.dma_semaphore, #tpu.memory_space<semaphore_mem>>) src(%dma_wait3A_798 : memref<48x128xf32, #tpu.memory_space<vmem>>) dst(%dma_wait3A_804 : memref<10112x128xf32, #tpu.memory_space<vmem_shared>>)
      tpu.yield
    }) : () -> ()
    %dma_wait3A_650 = arith.constant 0 : i32
    %dma_wait3A_651 = arith.constant 9 : i32
    %dma_wait3A_652 = arith.constant 0 : i32
    %dma_wait3A_653 = arith.constant 0 : i32
    %dma_wait3A_654 = tpu.memref_slice %arg5[%dma_wait3A_651, %dma_wait3A_652, %dma_wait3A_653] : memref<10x2x48xi32, #tpu.memory_space<vmem>> -> memref<1x2x48xi32, #tpu.memory_space<vmem>>
    %dma_wait3A_655 = tpu.memref_squeeze %dma_wait3A_654 : memref<1x2x48xi32, #tpu.memory_space<vmem>> -> memref<2x48xi32, #tpu.memory_space<vmem>>
    %dma_wait3A_656 = arith.constant 0 : i32
    %dma_wait3A_657 = arith.constant 0 : i32
    %dma_wait3A_658 = tpu.memref_slice %arg3[%dma_wait3A_650, %dma_wait3A_656, %dma_wait3A_657] : memref<6720x2x48xi32, #tpu.memory_space<hbm>> -> memref<1x2x48xi32, #tpu.memory_space<hbm>>
    %dma_wait3A_659 = tpu.memref_squeeze %dma_wait3A_658 : memref<1x2x48xi32, #tpu.memory_space<hbm>> -> memref<2x48xi32, #tpu.memory_space<hbm>>
    %dma_wait3A_660 = arith.constant 0 : i32
    %dma_wait3A_661 = arith.constant 0 : i32
    %dma_wait3A_662 = tpu.memref_slice %arg5[%dma_wait3A_651, %dma_wait3A_660, %dma_wait3A_661] : memref<10x2x48xi32, #tpu.memory_space<vmem>> -> memref<1x2x48xi32, #tpu.memory_space<vmem>>
    %dma_wait3A_663 = tpu.memref_squeeze %dma_wait3A_662 : memref<1x2x48xi32, #tpu.memory_space<vmem>> -> memref<2x48xi32, #tpu.memory_space<vmem>>
    %dma_wait3A_664 = arith.constant 0 : i32
    %dma_wait3A_665 = arith.constant 0 : i32
    %dma_wait3A_666 = tpu.memref_slice %arg3[%dma_wait3A_650, %dma_wait3A_664, %dma_wait3A_665] : memref<6720x2x48xi32, #tpu.memory_space<hbm>> -> memref<1x2x48xi32, #tpu.memory_space<hbm>>
    %dma_wait3A_667 = tpu.memref_squeeze %dma_wait3A_666 : memref<1x2x48xi32, #tpu.memory_space<hbm>> -> memref<2x48xi32, #tpu.memory_space<hbm>>
    tpu.wait_dma2 semaphore(%arg17 : memref<!tpu.dma_semaphore, #tpu.memory_space<semaphore_mem>>) src(%dma_wait3A_667 : memref<2x48xi32, #tpu.memory_space<hbm>>) dst(%dma_wait3A_663 : memref<2x48xi32, #tpu.memory_space<vmem>>)
    %add3A_668 = arith.constant 5 : i32
    %add3A_669 = arith.addi %add3A_633, %add3A_668 : i32
    %dma_start3A_670 = arith.constant 9 : i32
    %dma_start3A_671 = arith.constant 0 : i32
    %dma_start3A_672 = arith.constant 4 : i32
    %dma_start3A_673 = arith.constant 0 : i32
    %dma_start3A_674 = arith.constant 0 : i32
    %dma_start3A_675 = tpu.memref_slice %arg6[%dma_start3A_672, %dma_start3A_673, %dma_start3A_674] : memref<5x48x128xf32, #tpu.memory_space<vmem>> -> memref<1x48x128xf32, #tpu.memory_space<vmem>>
    %dma_start3A_676 = tpu.memref_squeeze %dma_start3A_675 : memref<1x48x128xf32, #tpu.memory_space<vmem>> -> memref<48x128xf32, #tpu.memory_space<vmem>>
    %dma_start3A_677 = arith.constant 0 : i32
    %dma_start3A_678 = tpu.memref_slice %arg5[%dma_start3A_670, %dma_start3A_671, %dma_start3A_677] : memref<10x2x48xi32, #tpu.memory_space<vmem>> -> memref<1x1x48xi32, #tpu.memory_space<vmem>>
    %dma_start3A_679 = tpu.memref_squeeze %dma_start3A_678 : memref<1x1x48xi32, #tpu.memory_space<vmem>> -> memref<48xi32, #tpu.memory_space<vmem>>
    %dma_start3A_680 = arith.constant 0 : i32
    %dma_start3A_681 = arith.constant 0 : i32
    %dma_start3A_682 = tpu.memref_slice %arg2[%dma_start3A_680, %dma_start3A_681] : memref<10000x128xf32, #tpu.memory_space<hbm>> -> memref<10000x128xf32, #tpu.memory_space<hbm>>
    tpu.enqueue_indirect_dma source(%dma_start3A_682 : memref<10000x128xf32, #tpu.memory_space<hbm>>) target(%dma_start3A_676 : memref<48x128xf32, #tpu.memory_space<vmem>>) offsets(%dma_start3A_679 : memref<48xi32, #tpu.memory_space<vmem>>) semaphore(%arg22 : memref<!tpu.dma_semaphore, #tpu.memory_space<semaphore_mem>>)
    %sub3A_683 = arith.constant 10 : i32
    %sub3A_684 = arith.subi %select_n3A, %sub3A_683 : i32
    %add3A_685 = arith.constant 5 : i32
    %add3A_686 = arith.addi %sub3A_684, %add3A_685 : i32
    %dma_wait3A_687 = arith.constant 0 : i32
    %dma_wait3A_688 = arith.constant 0 : i32
    %dma_wait3A_689 = arith.constant 0 : i32
    %dma_wait3A_690 = arith.constant 0 : i32
    %dma_wait3A_691 = arith.constant 0 : i32
    %dma_wait3A_692 = tpu.memref_slice %arg6[%dma_wait3A_689, %dma_wait3A_690, %dma_wait3A_691] : memref<5x48x128xf32, #tpu.memory_space<vmem>> -> memref<1x48x128xf32, #tpu.memory_space<vmem>>
    %dma_wait3A_693 = tpu.memref_squeeze %dma_wait3A_692 : memref<1x48x128xf32, #tpu.memory_space<vmem>> -> memref<48x128xf32, #tpu.memory_space<vmem>>
    %dma_wait3A_694 = arith.constant 0 : i32
    %dma_wait3A_695 = tpu.memref_slice %arg5[%dma_wait3A_687, %dma_wait3A_688, %dma_wait3A_694] : memref<10x2x48xi32, #tpu.memory_space<vmem>> -> memref<1x1x48xi32, #tpu.memory_space<vmem>>
    %dma_wait3A_696 = tpu.memref_squeeze %dma_wait3A_695 : memref<1x1x48xi32, #tpu.memory_space<vmem>> -> memref<48xi32, #tpu.memory_space<vmem>>
    %dma_wait3A_697 = arith.constant 0 : i32
    %dma_wait3A_698 = arith.constant 0 : i32
    %dma_wait3A_699 = tpu.memref_slice %arg2[%dma_wait3A_697, %dma_wait3A_698] : memref<10000x128xf32, #tpu.memory_space<hbm>> -> memref<10000x128xf32, #tpu.memory_space<hbm>>
    tpu.wait_indirect_dma semaphore(%arg18 : memref<!tpu.dma_semaphore, #tpu.memory_space<semaphore_mem>>) src(%dma_wait3A_699 : memref<10000x128xf32, #tpu.memory_space<hbm>>) dst(%dma_wait3A_693 : memref<48x128xf32, #tpu.memory_space<vmem>>)
    %run_scoped3A_700 = arith.constant 0 : i32
    %run_scoped3A_701 = arith.constant 5 : i32
    %run_scoped3A_702 = arith.constant 1 : i32
    "tpu.region"() ({
      %run_scoped3A_784 = tpu.sem_alloc : memref<!tpu.dma_semaphore, #tpu.memory_space<semaphore_mem>>
      %dma_start3A_785 = arith.constant 0 : i32
      %dma_start3A_786 = arith.constant 0 : i32
      %dma_start3A_787 = tpu.memref_slice %arg6[%run_scoped3A_700, %dma_start3A_785, %dma_start3A_786] : memref<5x48x128xf32, #tpu.memory_space<vmem>> -> memref<1x48x128xf32, #tpu.memory_space<vmem>>
      %dma_start3A_788 = tpu.memref_squeeze %dma_start3A_787 : memref<1x48x128xf32, #tpu.memory_space<vmem>> -> memref<48x128xf32, #tpu.memory_space<vmem>>
      %dma_start3A_789 = arith.constant 0 : i32
      %dma_start3A_790 = tpu.memref_slice %arg5[%run_scoped3A_701, %run_scoped3A_702, %dma_start3A_789] : memref<10x2x48xi32, #tpu.memory_space<vmem>> -> memref<1x1x48xi32, #tpu.memory_space<vmem>>
      %dma_start3A_791 = tpu.memref_squeeze %dma_start3A_790 : memref<1x1x48xi32, #tpu.memory_space<vmem>> -> memref<48xi32, #tpu.memory_space<vmem>>
      %dma_start3A_792 = arith.constant 0 : i32
      %dma_start3A_793 = arith.constant 0 : i32
      %dma_start3A_794 = tpu.memref_slice %arg7[%dma_start3A_792, %dma_start3A_793] : memref<10112x128xf32, #tpu.memory_space<vmem_shared>> -> memref<10112x128xf32, #tpu.memory_space<vmem_shared>>
      tpu.enqueue_indirect_dma source(%dma_start3A_788 : memref<48x128xf32, #tpu.memory_space<vmem>>) target(%dma_start3A_794 : memref<10112x128xf32, #tpu.memory_space<vmem_shared>>) offsets(%dma_start3A_791 : memref<48xi32, #tpu.memory_space<vmem>>) semaphore(%run_scoped3A_784 : memref<!tpu.dma_semaphore, #tpu.memory_space<semaphore_mem>>) {add = true}
      %dma_wait3A_795 = arith.constant 0 : i32
      %dma_wait3A_796 = arith.constant 0 : i32
      %dma_wait3A_797 = tpu.memref_slice %arg6[%run_scoped3A_700, %dma_wait3A_795, %dma_wait3A_796] : memref<5x48x128xf32, #tpu.memory_space<vmem>> -> memref<1x48x128xf32, #tpu.memory_space<vmem>>
      %dma_wait3A_798 = tpu.memref_squeeze %dma_wait3A_797 : memref<1x48x128xf32, #tpu.memory_space<vmem>> -> memref<48x128xf32, #tpu.memory_space<vmem>>
      %dma_wait3A_799 = arith.constant 0 : i32
      %dma_wait3A_800 = tpu.memref_slice %arg5[%run_scoped3A_701, %run_scoped3A_702, %dma_wait3A_799] : memref<10x2x48xi32, #tpu.memory_space<vmem>> -> memref<1x1x48xi32, #tpu.memory_space<vmem>>
      %dma_wait3A_801 = tpu.memref_squeeze %dma_wait3A_800 : memref<1x1x48xi32, #tpu.memory_space<vmem>> -> memref<48xi32, #tpu.memory_space<vmem>>
      %dma_wait3A_802 = arith.constant 0 : i32
      %dma_wait3A_803 = arith.constant 0 : i32
      %dma_wait3A_804 = tpu.memref_slice %arg7[%dma_wait3A_802, %dma_wait3A_803] : memref<10112x128xf32, #tpu.memory_space<vmem_shared>> -> memref<10112x128xf32, #tpu.memory_space<vmem_shared>>
      tpu.wait_indirect_dma semaphore(%run_scoped3A_784 : memref<!tpu.dma_semaphore, #tpu.memory_space<semaphore_mem>>) src(%dma_wait3A_798 : memref<48x128xf32, #tpu.memory_space<vmem>>) dst(%dma_wait3A_804 : memref<10112x128xf32, #tpu.memory_space<vmem_shared>>)
      tpu.yield
    }) : () -> ()
    %sub3A_703 = arith.constant 10 : i32
    %sub3A_704 = arith.subi %select_n3A, %sub3A_703 : i32
    %add3A_705 = arith.constant 6 : i32
    %add3A_706 = arith.addi %sub3A_704, %add3A_705 : i32
    %dma_wait3A_707 = arith.constant 0 : i32
    %dma_wait3A_708 = arith.constant 0 : i32
    %dma_wait3A_709 = arith.constant 1 : i32
    %dma_wait3A_710 = arith.constant 0 : i32
    %dma_wait3A_711 = arith.constant 0 : i32
    %dma_wait3A_712 = tpu.memref_slice %arg6[%dma_wait3A_709, %dma_wait3A_710, %dma_wait3A_711] : memref<5x48x128xf32, #tpu.memory_space<vmem>> -> memref<1x48x128xf32, #tpu.memory_space<vmem>>
    %dma_wait3A_713 = tpu.memref_squeeze %dma_wait3A_712 : memref<1x48x128xf32, #tpu.memory_space<vmem>> -> memref<48x128xf32, #tpu.memory_space<vmem>>
    %dma_wait3A_714 = arith.constant 0 : i32
    %dma_wait3A_715 = tpu.memref_slice %arg5[%dma_wait3A_707, %dma_wait3A_708, %dma_wait3A_714] : memref<10x2x48xi32, #tpu.memory_space<vmem>> -> memref<1x1x48xi32, #tpu.memory_space<vmem>>
    %dma_wait3A_716 = tpu.memref_squeeze %dma_wait3A_715 : memref<1x1x48xi32, #tpu.memory_space<vmem>> -> memref<48xi32, #tpu.memory_space<vmem>>
    %dma_wait3A_717 = arith.constant 0 : i32
    %dma_wait3A_718 = arith.constant 0 : i32
    %dma_wait3A_719 = tpu.memref_slice %arg2[%dma_wait3A_717, %dma_wait3A_718] : memref<10000x128xf32, #tpu.memory_space<hbm>> -> memref<10000x128xf32, #tpu.memory_space<hbm>>
    tpu.wait_indirect_dma semaphore(%arg19 : memref<!tpu.dma_semaphore, #tpu.memory_space<semaphore_mem>>) src(%dma_wait3A_719 : memref<10000x128xf32, #tpu.memory_space<hbm>>) dst(%dma_wait3A_713 : memref<48x128xf32, #tpu.memory_space<vmem>>)
    %run_scoped3A_720 = arith.constant 1 : i32
    %run_scoped3A_721 = arith.constant 6 : i32
    %run_scoped3A_722 = arith.constant 1 : i32
    "tpu.region"() ({
      %run_scoped3A_784 = tpu.sem_alloc : memref<!tpu.dma_semaphore, #tpu.memory_space<semaphore_mem>>
      %dma_start3A_785 = arith.constant 0 : i32
      %dma_start3A_786 = arith.constant 0 : i32
      %dma_start3A_787 = tpu.memref_slice %arg6[%run_scoped3A_720, %dma_start3A_785, %dma_start3A_786] : memref<5x48x128xf32, #tpu.memory_space<vmem>> -> memref<1x48x128xf32, #tpu.memory_space<vmem>>
      %dma_start3A_788 = tpu.memref_squeeze %dma_start3A_787 : memref<1x48x128xf32, #tpu.memory_space<vmem>> -> memref<48x128xf32, #tpu.memory_space<vmem>>
      %dma_start3A_789 = arith.constant 0 : i32
      %dma_start3A_790 = tpu.memref_slice %arg5[%run_scoped3A_721, %run_scoped3A_722, %dma_start3A_789] : memref<10x2x48xi32, #tpu.memory_space<vmem>> -> memref<1x1x48xi32, #tpu.memory_space<vmem>>
      %dma_start3A_791 = tpu.memref_squeeze %dma_start3A_790 : memref<1x1x48xi32, #tpu.memory_space<vmem>> -> memref<48xi32, #tpu.memory_space<vmem>>
      %dma_start3A_792 = arith.constant 0 : i32
      %dma_start3A_793 = arith.constant 0 : i32
      %dma_start3A_794 = tpu.memref_slice %arg7[%dma_start3A_792, %dma_start3A_793] : memref<10112x128xf32, #tpu.memory_space<vmem_shared>> -> memref<10112x128xf32, #tpu.memory_space<vmem_shared>>
      tpu.enqueue_indirect_dma source(%dma_start3A_788 : memref<48x128xf32, #tpu.memory_space<vmem>>) target(%dma_start3A_794 : memref<10112x128xf32, #tpu.memory_space<vmem_shared>>) offsets(%dma_start3A_791 : memref<48xi32, #tpu.memory_space<vmem>>) semaphore(%run_scoped3A_784 : memref<!tpu.dma_semaphore, #tpu.memory_space<semaphore_mem>>) {add = true}
      %dma_wait3A_795 = arith.constant 0 : i32
      %dma_wait3A_796 = arith.constant 0 : i32
      %dma_wait3A_797 = tpu.memref_slice %arg6[%run_scoped3A_720, %dma_wait3A_795, %dma_wait3A_796] : memref<5x48x128xf32, #tpu.memory_space<vmem>> -> memref<1x48x128xf32, #tpu.memory_space<vmem>>
      %dma_wait3A_798 = tpu.memref_squeeze %dma_wait3A_797 : memref<1x48x128xf32, #tpu.memory_space<vmem>> -> memref<48x128xf32, #tpu.memory_space<vmem>>
      %dma_wait3A_799 = arith.constant 0 : i32
      %dma_wait3A_800 = tpu.memref_slice %arg5[%run_scoped3A_721, %run_scoped3A_722, %dma_wait3A_799] : memref<10x2x48xi32, #tpu.memory_space<vmem>> -> memref<1x1x48xi32, #tpu.memory_space<vmem>>
      %dma_wait3A_801 = tpu.memref_squeeze %dma_wait3A_800 : memref<1x1x48xi32, #tpu.memory_space<vmem>> -> memref<48xi32, #tpu.memory_space<vmem>>
      %dma_wait3A_802 = arith.constant 0 : i32
      %dma_wait3A_803 = arith.constant 0 : i32
      %dma_wait3A_804 = tpu.memref_slice %arg7[%dma_wait3A_802, %dma_wait3A_803] : memref<10112x128xf32, #tpu.memory_space<vmem_shared>> -> memref<10112x128xf32, #tpu.memory_space<vmem_shared>>
      tpu.wait_indirect_dma semaphore(%run_scoped3A_784 : memref<!tpu.dma_semaphore, #tpu.memory_space<semaphore_mem>>) src(%dma_wait3A_798 : memref<48x128xf32, #tpu.memory_space<vmem>>) dst(%dma_wait3A_804 : memref<10112x128xf32, #tpu.memory_space<vmem_shared>>)
      tpu.yield
    }) : () -> ()
    %sub3A_723 = arith.constant 10 : i32
    %sub3A_724 = arith.subi %select_n3A, %sub3A_723 : i32
    %add3A_725 = arith.constant 7 : i32
    %add3A_726 = arith.addi %sub3A_724, %add3A_725 : i32
    %dma_wait3A_727 = arith.constant 0 : i32
    %dma_wait3A_728 = arith.constant 0 : i32
    %dma_wait3A_729 = arith.constant 2 : i32
    %dma_wait3A_730 = arith.constant 0 : i32
    %dma_wait3A_731 = arith.constant 0 : i32
    %dma_wait3A_732 = tpu.memref_slice %arg6[%dma_wait3A_729, %dma_wait3A_730, %dma_wait3A_731] : memref<5x48x128xf32, #tpu.memory_space<vmem>> -> memref<1x48x128xf32, #tpu.memory_space<vmem>>
    %dma_wait3A_733 = tpu.memref_squeeze %dma_wait3A_732 : memref<1x48x128xf32, #tpu.memory_space<vmem>> -> memref<48x128xf32, #tpu.memory_space<vmem>>
    %dma_wait3A_734 = arith.constant 0 : i32
    %dma_wait3A_735 = tpu.memref_slice %arg5[%dma_wait3A_727, %dma_wait3A_728, %dma_wait3A_734] : memref<10x2x48xi32, #tpu.memory_space<vmem>> -> memref<1x1x48xi32, #tpu.memory_space<vmem>>
    %dma_wait3A_736 = tpu.memref_squeeze %dma_wait3A_735 : memref<1x1x48xi32, #tpu.memory_space<vmem>> -> memref<48xi32, #tpu.memory_space<vmem>>
    %dma_wait3A_737 = arith.constant 0 : i32
    %dma_wait3A_738 = arith.constant 0 : i32
    %dma_wait3A_739 = tpu.memref_slice %arg2[%dma_wait3A_737, %dma_wait3A_738] : memref<10000x128xf32, #tpu.memory_space<hbm>> -> memref<10000x128xf32, #tpu.memory_space<hbm>>
    tpu.wait_indirect_dma semaphore(%arg20 : memref<!tpu.dma_semaphore, #tpu.memory_space<semaphore_mem>>) src(%dma_wait3A_739 : memref<10000x128xf32, #tpu.memory_space<hbm>>) dst(%dma_wait3A_733 : memref<48x128xf32, #tpu.memory_space<vmem>>)
    %run_scoped3A_740 = arith.constant 2 : i32
    %run_scoped3A_741 = arith.constant 7 : i32
    %run_scoped3A_742 = arith.constant 1 : i32
    "tpu.region"() ({
      %run_scoped3A_784 = tpu.sem_alloc : memref<!tpu.dma_semaphore, #tpu.memory_space<semaphore_mem>>
      %dma_start3A_785 = arith.constant 0 : i32
      %dma_start3A_786 = arith.constant 0 : i32
      %dma_start3A_787 = tpu.memref_slice %arg6[%run_scoped3A_740, %dma_start3A_785, %dma_start3A_786] : memref<5x48x128xf32, #tpu.memory_space<vmem>> -> memref<1x48x128xf32, #tpu.memory_space<vmem>>
      %dma_start3A_788 = tpu.memref_squeeze %dma_start3A_787 : memref<1x48x128xf32, #tpu.memory_space<vmem>> -> memref<48x128xf32, #tpu.memory_space<vmem>>
      %dma_start3A_789 = arith.constant 0 : i32
      %dma_start3A_790 = tpu.memref_slice %arg5[%run_scoped3A_741, %run_scoped3A_742, %dma_start3A_789] : memref<10x2x48xi32, #tpu.memory_space<vmem>> -> memref<1x1x48xi32, #tpu.memory_space<vmem>>
      %dma_start3A_791 = tpu.memref_squeeze %dma_start3A_790 : memref<1x1x48xi32, #tpu.memory_space<vmem>> -> memref<48xi32, #tpu.memory_space<vmem>>
      %dma_start3A_792 = arith.constant 0 : i32
      %dma_start3A_793 = arith.constant 0 : i32
      %dma_start3A_794 = tpu.memref_slice %arg7[%dma_start3A_792, %dma_start3A_793] : memref<10112x128xf32, #tpu.memory_space<vmem_shared>> -> memref<10112x128xf32, #tpu.memory_space<vmem_shared>>
      tpu.enqueue_indirect_dma source(%dma_start3A_788 : memref<48x128xf32, #tpu.memory_space<vmem>>) target(%dma_start3A_794 : memref<10112x128xf32, #tpu.memory_space<vmem_shared>>) offsets(%dma_start3A_791 : memref<48xi32, #tpu.memory_space<vmem>>) semaphore(%run_scoped3A_784 : memref<!tpu.dma_semaphore, #tpu.memory_space<semaphore_mem>>) {add = true}
      %dma_wait3A_795 = arith.constant 0 : i32
      %dma_wait3A_796 = arith.constant 0 : i32
      %dma_wait3A_797 = tpu.memref_slice %arg6[%run_scoped3A_740, %dma_wait3A_795, %dma_wait3A_796] : memref<5x48x128xf32, #tpu.memory_space<vmem>> -> memref<1x48x128xf32, #tpu.memory_space<vmem>>
      %dma_wait3A_798 = tpu.memref_squeeze %dma_wait3A_797 : memref<1x48x128xf32, #tpu.memory_space<vmem>> -> memref<48x128xf32, #tpu.memory_space<vmem>>
      %dma_wait3A_799 = arith.constant 0 : i32
      %dma_wait3A_800 = tpu.memref_slice %arg5[%run_scoped3A_741, %run_scoped3A_742, %dma_wait3A_799] : memref<10x2x48xi32, #tpu.memory_space<vmem>> -> memref<1x1x48xi32, #tpu.memory_space<vmem>>
      %dma_wait3A_801 = tpu.memref_squeeze %dma_wait3A_800 : memref<1x1x48xi32, #tpu.memory_space<vmem>> -> memref<48xi32, #tpu.memory_space<vmem>>
      %dma_wait3A_802 = arith.constant 0 : i32
      %dma_wait3A_803 = arith.constant 0 : i32
      %dma_wait3A_804 = tpu.memref_slice %arg7[%dma_wait3A_802, %dma_wait3A_803] : memref<10112x128xf32, #tpu.memory_space<vmem_shared>> -> memref<10112x128xf32, #tpu.memory_space<vmem_shared>>
      tpu.wait_indirect_dma semaphore(%run_scoped3A_784 : memref<!tpu.dma_semaphore, #tpu.memory_space<semaphore_mem>>) src(%dma_wait3A_798 : memref<48x128xf32, #tpu.memory_space<vmem>>) dst(%dma_wait3A_804 : memref<10112x128xf32, #tpu.memory_space<vmem_shared>>)
      tpu.yield
    }) : () -> ()
    %sub3A_743 = arith.constant 10 : i32
    %sub3A_744 = arith.subi %select_n3A, %sub3A_743 : i32
    %add3A_745 = arith.constant 8 : i32
    %add3A_746 = arith.addi %sub3A_744, %add3A_745 : i32
    %dma_wait3A_747 = arith.constant 0 : i32
    %dma_wait3A_748 = arith.constant 0 : i32
    %dma_wait3A_749 = arith.constant 3 : i32
    %dma_wait3A_750 = arith.constant 0 : i32
    %dma_wait3A_751 = arith.constant 0 : i32
    %dma_wait3A_752 = tpu.memref_slice %arg6[%dma_wait3A_749, %dma_wait3A_750, %dma_wait3A_751] : memref<5x48x128xf32, #tpu.memory_space<vmem>> -> memref<1x48x128xf32, #tpu.memory_space<vmem>>
    %dma_wait3A_753 = tpu.memref_squeeze %dma_wait3A_752 : memref<1x48x128xf32, #tpu.memory_space<vmem>> -> memref<48x128xf32, #tpu.memory_space<vmem>>
    %dma_wait3A_754 = arith.constant 0 : i32
    %dma_wait3A_755 = tpu.memref_slice %arg5[%dma_wait3A_747, %dma_wait3A_748, %dma_wait3A_754] : memref<10x2x48xi32, #tpu.memory_space<vmem>> -> memref<1x1x48xi32, #tpu.memory_space<vmem>>
    %dma_wait3A_756 = tpu.memref_squeeze %dma_wait3A_755 : memref<1x1x48xi32, #tpu.memory_space<vmem>> -> memref<48xi32, #tpu.memory_space<vmem>>
    %dma_wait3A_757 = arith.constant 0 : i32
    %dma_wait3A_758 = arith.constant 0 : i32
    %dma_wait3A_759 = tpu.memref_slice %arg2[%dma_wait3A_757, %dma_wait3A_758] : memref<10000x128xf32, #tpu.memory_space<hbm>> -> memref<10000x128xf32, #tpu.memory_space<hbm>>
    tpu.wait_indirect_dma semaphore(%arg21 : memref<!tpu.dma_semaphore, #tpu.memory_space<semaphore_mem>>) src(%dma_wait3A_759 : memref<10000x128xf32, #tpu.memory_space<hbm>>) dst(%dma_wait3A_753 : memref<48x128xf32, #tpu.memory_space<vmem>>)
    %run_scoped3A_760 = arith.constant 3 : i32
    %run_scoped3A_761 = arith.constant 8 : i32
    %run_scoped3A_762 = arith.constant 1 : i32
    "tpu.region"() ({
      %run_scoped3A_784 = tpu.sem_alloc : memref<!tpu.dma_semaphore, #tpu.memory_space<semaphore_mem>>
      %dma_start3A_785 = arith.constant 0 : i32
      %dma_start3A_786 = arith.constant 0 : i32
      %dma_start3A_787 = tpu.memref_slice %arg6[%run_scoped3A_760, %dma_start3A_785, %dma_start3A_786] : memref<5x48x128xf32, #tpu.memory_space<vmem>> -> memref<1x48x128xf32, #tpu.memory_space<vmem>>
      %dma_start3A_788 = tpu.memref_squeeze %dma_start3A_787 : memref<1x48x128xf32, #tpu.memory_space<vmem>> -> memref<48x128xf32, #tpu.memory_space<vmem>>
      %dma_start3A_789 = arith.constant 0 : i32
      %dma_start3A_790 = tpu.memref_slice %arg5[%run_scoped3A_761, %run_scoped3A_762, %dma_start3A_789] : memref<10x2x48xi32, #tpu.memory_space<vmem>> -> memref<1x1x48xi32, #tpu.memory_space<vmem>>
      %dma_start3A_791 = tpu.memref_squeeze %dma_start3A_790 : memref<1x1x48xi32, #tpu.memory_space<vmem>> -> memref<48xi32, #tpu.memory_space<vmem>>
      %dma_start3A_792 = arith.constant 0 : i32
      %dma_start3A_793 = arith.constant 0 : i32
      %dma_start3A_794 = tpu.memref_slice %arg7[%dma_start3A_792, %dma_start3A_793] : memref<10112x128xf32, #tpu.memory_space<vmem_shared>> -> memref<10112x128xf32, #tpu.memory_space<vmem_shared>>
      tpu.enqueue_indirect_dma source(%dma_start3A_788 : memref<48x128xf32, #tpu.memory_space<vmem>>) target(%dma_start3A_794 : memref<10112x128xf32, #tpu.memory_space<vmem_shared>>) offsets(%dma_start3A_791 : memref<48xi32, #tpu.memory_space<vmem>>) semaphore(%run_scoped3A_784 : memref<!tpu.dma_semaphore, #tpu.memory_space<semaphore_mem>>) {add = true}
      %dma_wait3A_795 = arith.constant 0 : i32
      %dma_wait3A_796 = arith.constant 0 : i32
      %dma_wait3A_797 = tpu.memref_slice %arg6[%run_scoped3A_760, %dma_wait3A_795, %dma_wait3A_796] : memref<5x48x128xf32, #tpu.memory_space<vmem>> -> memref<1x48x128xf32, #tpu.memory_space<vmem>>
      %dma_wait3A_798 = tpu.memref_squeeze %dma_wait3A_797 : memref<1x48x128xf32, #tpu.memory_space<vmem>> -> memref<48x128xf32, #tpu.memory_space<vmem>>
      %dma_wait3A_799 = arith.constant 0 : i32
      %dma_wait3A_800 = tpu.memref_slice %arg5[%run_scoped3A_761, %run_scoped3A_762, %dma_wait3A_799] : memref<10x2x48xi32, #tpu.memory_space<vmem>> -> memref<1x1x48xi32, #tpu.memory_space<vmem>>
      %dma_wait3A_801 = tpu.memref_squeeze %dma_wait3A_800 : memref<1x1x48xi32, #tpu.memory_space<vmem>> -> memref<48xi32, #tpu.memory_space<vmem>>
      %dma_wait3A_802 = arith.constant 0 : i32
      %dma_wait3A_803 = arith.constant 0 : i32
      %dma_wait3A_804 = tpu.memref_slice %arg7[%dma_wait3A_802, %dma_wait3A_803] : memref<10112x128xf32, #tpu.memory_space<vmem_shared>> -> memref<10112x128xf32, #tpu.memory_space<vmem_shared>>
      tpu.wait_indirect_dma semaphore(%run_scoped3A_784 : memref<!tpu.dma_semaphore, #tpu.memory_space<semaphore_mem>>) src(%dma_wait3A_798 : memref<48x128xf32, #tpu.memory_space<vmem>>) dst(%dma_wait3A_804 : memref<10112x128xf32, #tpu.memory_space<vmem_shared>>)
      tpu.yield
    }) : () -> ()
    %sub3A_763 = arith.constant 10 : i32
    %sub3A_764 = arith.subi %select_n3A, %sub3A_763 : i32
    %add3A_765 = arith.constant 9 : i32
    %add3A_766 = arith.addi %sub3A_764, %add3A_765 : i32
    %dma_wait3A_767 = arith.constant 0 : i32
    %dma_wait3A_768 = arith.constant 0 : i32
    %dma_wait3A_769 = arith.constant 4 : i32
    %dma_wait3A_770 = arith.constant 0 : i32
    %dma_wait3A_771 = arith.constant 0 : i32
    %dma_wait3A_772 = tpu.memref_slice %arg6[%dma_wait3A_769, %dma_wait3A_770, %dma_wait3A_771] : memref<5x48x128xf32, #tpu.memory_space<vmem>> -> memref<1x48x128xf32, #tpu.memory_space<vmem>>
    %dma_wait3A_773 = tpu.memref_squeeze %dma_wait3A_772 : memref<1x48x128xf32, #tpu.memory_space<vmem>> -> memref<48x128xf32, #tpu.memory_space<vmem>>
    %dma_wait3A_774 = arith.constant 0 : i32
    %dma_wait3A_775 = tpu.memref_slice %arg5[%dma_wait3A_767, %dma_wait3A_768, %dma_wait3A_774] : memref<10x2x48xi32, #tpu.memory_space<vmem>> -> memref<1x1x48xi32, #tpu.memory_space<vmem>>
    %dma_wait3A_776 = tpu.memref_squeeze %dma_wait3A_775 : memref<1x1x48xi32, #tpu.memory_space<vmem>> -> memref<48xi32, #tpu.memory_space<vmem>>
    %dma_wait3A_777 = arith.constant 0 : i32
    %dma_wait3A_778 = arith.constant 0 : i32
    %dma_wait3A_779 = tpu.memref_slice %arg2[%dma_wait3A_777, %dma_wait3A_778] : memref<10000x128xf32, #tpu.memory_space<hbm>> -> memref<10000x128xf32, #tpu.memory_space<hbm>>
    tpu.wait_indirect_dma semaphore(%arg22 : memref<!tpu.dma_semaphore, #tpu.memory_space<semaphore_mem>>) src(%dma_wait3A_779 : memref<10000x128xf32, #tpu.memory_space<hbm>>) dst(%dma_wait3A_773 : memref<48x128xf32, #tpu.memory_space<vmem>>)
    %run_scoped3A_780 = arith.constant 4 : i32
    %run_scoped3A_781 = arith.constant 9 : i32
    %run_scoped3A_782 = arith.constant 1 : i32
    "tpu.region"() ({
      %run_scoped3A_784 = tpu.sem_alloc : memref<!tpu.dma_semaphore, #tpu.memory_space<semaphore_mem>>
      %dma_start3A_785 = arith.constant 0 : i32
      %dma_start3A_786 = arith.constant 0 : i32
      %dma_start3A_787 = tpu.memref_slice %arg6[%run_scoped3A_780, %dma_start3A_785, %dma_start3A_786] : memref<5x48x128xf32, #tpu.memory_space<vmem>> -> memref<1x48x128xf32, #tpu.memory_space<vmem>>
      %dma_start3A_788 = tpu.memref_squeeze %dma_start3A_787 : memref<1x48x128xf32, #tpu.memory_space<vmem>> -> memref<48x128xf32, #tpu.memory_space<vmem>>
      %dma_start3A_789 = arith.constant 0 : i32
      %dma_start3A_790 = tpu.memref_slice %arg5[%run_scoped3A_781, %run_scoped3A_782, %dma_start3A_789] : memref<10x2x48xi32, #tpu.memory_space<vmem>> -> memref<1x1x48xi32, #tpu.memory_space<vmem>>
      %dma_start3A_791 = tpu.memref_squeeze %dma_start3A_790 : memref<1x1x48xi32, #tpu.memory_space<vmem>> -> memref<48xi32, #tpu.memory_space<vmem>>
      %dma_start3A_792 = arith.constant 0 : i32
      %dma_start3A_793 = arith.constant 0 : i32
      %dma_start3A_794 = tpu.memref_slice %arg7[%dma_start3A_792, %dma_start3A_793] : memref<10112x128xf32, #tpu.memory_space<vmem_shared>> -> memref<10112x128xf32, #tpu.memory_space<vmem_shared>>
      tpu.enqueue_indirect_dma source(%dma_start3A_788 : memref<48x128xf32, #tpu.memory_space<vmem>>) target(%dma_start3A_794 : memref<10112x128xf32, #tpu.memory_space<vmem_shared>>) offsets(%dma_start3A_791 : memref<48xi32, #tpu.memory_space<vmem>>) semaphore(%run_scoped3A_784 : memref<!tpu.dma_semaphore, #tpu.memory_space<semaphore_mem>>) {add = true}
      %dma_wait3A_795 = arith.constant 0 : i32
      %dma_wait3A_796 = arith.constant 0 : i32
      %dma_wait3A_797 = tpu.memref_slice %arg6[%run_scoped3A_780, %dma_wait3A_795, %dma_wait3A_796] : memref<5x48x128xf32, #tpu.memory_space<vmem>> -> memref<1x48x128xf32, #tpu.memory_space<vmem>>
      %dma_wait3A_798 = tpu.memref_squeeze %dma_wait3A_797 : memref<1x48x128xf32, #tpu.memory_space<vmem>> -> memref<48x128xf32, #tpu.memory_space<vmem>>
      %dma_wait3A_799 = arith.constant 0 : i32
      %dma_wait3A_800 = tpu.memref_slice %arg5[%run_scoped3A_781, %run_scoped3A_782, %dma_wait3A_799] : memref<10x2x48xi32, #tpu.memory_space<vmem>> -> memref<1x1x48xi32, #tpu.memory_space<vmem>>
      %dma_wait3A_801 = tpu.memref_squeeze %dma_wait3A_800 : memref<1x1x48xi32, #tpu.memory_space<vmem>> -> memref<48xi32, #tpu.memory_space<vmem>>
      %dma_wait3A_802 = arith.constant 0 : i32
      %dma_wait3A_803 = arith.constant 0 : i32
      %dma_wait3A_804 = tpu.memref_slice %arg7[%dma_wait3A_802, %dma_wait3A_803] : memref<10112x128xf32, #tpu.memory_space<vmem_shared>> -> memref<10112x128xf32, #tpu.memory_space<vmem_shared>>
      tpu.wait_indirect_dma semaphore(%run_scoped3A_784 : memref<!tpu.dma_semaphore, #tpu.memory_space<semaphore_mem>>) src(%dma_wait3A_798 : memref<48x128xf32, #tpu.memory_space<vmem>>) dst(%dma_wait3A_804 : memref<10112x128xf32, #tpu.memory_space<vmem_shared>>)
      tpu.yield
    }) : () -> ()
    %barrier3A_783 = arith.constant 0 : index
    tpu.barrier barrier_id(%barrier3A_783)
    "tpu.trace_stop"() : () -> ()
    "tpu.trace_start"() <{level = 10 : i32, message = "ph_writeback"}> : () -> ()
    "tpu.region"() ({
      %run_scoped3A_784 = tpu.sem_alloc : memref<!tpu.dma_semaphore, #tpu.memory_space<semaphore_mem>>
      %dma_start3A_785 = arith.constant 0 : i32
      %dma_start3A_786 = tpu.memref_slice %arg4[%arg0, %mul3A_15, %dma_start3A_785] : memref<2x10112x128xf32, #tpu.memory_space<hbm>> -> memref<1x632x128xf32, #tpu.memory_space<hbm>>
      %dma_start3A_787 = tpu.memref_squeeze %dma_start3A_786 : memref<1x632x128xf32, #tpu.memory_space<hbm>> -> memref<632x128xf32, #tpu.memory_space<hbm>>
      %dma_start3A_788 = arith.constant 0 : i32
      %dma_start3A_789 = tpu.memref_slice %arg7[%mul3A_15, %dma_start3A_788] : memref<10112x128xf32, #tpu.memory_space<vmem_shared>> -> memref<632x128xf32, #tpu.memory_space<vmem_shared>>
      tpu.enqueue_dma source(%dma_start3A_789 : memref<632x128xf32, #tpu.memory_space<vmem_shared>>) target(%dma_start3A_787 : memref<632x128xf32, #tpu.memory_space<hbm>>) target_semaphore(%run_scoped3A_784 : memref<!tpu.dma_semaphore, #tpu.memory_space<semaphore_mem>>)
      %dma_wait3A_790 = arith.constant 0 : i32
      %dma_wait3A_791 = tpu.memref_slice %arg4[%arg0, %mul3A_15, %dma_wait3A_790] : memref<2x10112x128xf32, #tpu.memory_space<hbm>> -> memref<1x632x128xf32, #tpu.memory_space<hbm>>
      %dma_wait3A_792 = tpu.memref_squeeze %dma_wait3A_791 : memref<1x632x128xf32, #tpu.memory_space<hbm>> -> memref<632x128xf32, #tpu.memory_space<hbm>>
      %dma_wait3A_793 = arith.constant 0 : i32
      %dma_wait3A_794 = tpu.memref_slice %arg7[%mul3A_15, %dma_wait3A_793] : memref<10112x128xf32, #tpu.memory_space<vmem_shared>> -> memref<632x128xf32, #tpu.memory_space<vmem_shared>>
      tpu.wait_dma2 semaphore(%run_scoped3A_784 : memref<!tpu.dma_semaphore, #tpu.memory_space<semaphore_mem>>) src(%dma_wait3A_794 : memref<632x128xf32, #tpu.memory_space<vmem_shared>>) dst(%dma_wait3A_792 : memref<632x128xf32, #tpu.memory_space<hbm>>)
      tpu.yield
    }) : () -> ()
    "tpu.trace_stop"() : () -> ()
    return
  }
}

module attributes {stable_mosaic.version = 14 : i64} {
  func.func @body(%arg0: i32, %arg1: memref<1000x128xf32, #tpu.memory_space<vmem>>, %arg2: memref<2x1000x128xf32, #tpu.memory_space<vmem>>, %arg3: memref<1000x256xf32, #tpu.memory_space<vmem>>) attributes {dimension_semantics = [#tpu.dimension_semantics<arbitrary>], iteration_bounds = array<i64: 10>, scalar_prefetch = 0 : i64, scratch_operands = 0 : i64, tpu.core_type = #tpu.core_type<tc>, window_params = [{transform_indices = @transform_0, window_bounds = array<i64: 1000, 128>}, {transform_indices = @transform_1, window_bounds = array<i64: 2, 1000, 128>}, {transform_indices = @transform_2, window_bounds = array<i64: 1000, 256>}]} {
    %get3A = arith.constant 0 : index
    %get3A_0 = arith.constant 0 : index
    %get3A_1 = vector.load %arg1[%get3A, %get3A_0] : memref<1000x128xf32, #tpu.memory_space<vmem>>, vector<1000x128xf32>
    %swap3A = arith.constant 0 : index
    %swap3A_2 = arith.constant 0 : index
    %swap3A_3 = vector.load %arg3[%swap3A, %swap3A_2] : memref<1000x256xf32, #tpu.memory_space<vmem>>, vector<1000x128xf32>
    tpu.vector_store %arg3[%swap3A, %swap3A_2], %get3A_1 {strides = array<i32>} : memref<1000x256xf32, #tpu.memory_space<vmem>>, vector<1000x128xf32>,
    %get3A_4 = arith.constant 0 : index
    %get3A_5 = arith.constant 0 : index
    %get3A_6 = arith.constant 0 : index
    %get3A_7 = vector.load %arg2[%get3A_4, %get3A_5, %get3A_6] : memref<2x1000x128xf32, #tpu.memory_space<vmem>>, vector<1x1000x128xf32>
    %get3A_8 = vector.shape_cast %get3A_7 : vector<1x1000x128xf32> to vector<1000x128xf32>
    %get3A_9 = arith.constant 1 : index
    %get3A_10 = arith.constant 0 : index
    %get3A_11 = arith.constant 0 : index
    %get3A_12 = vector.load %arg2[%get3A_9, %get3A_10, %get3A_11] : memref<2x1000x128xf32, #tpu.memory_space<vmem>>, vector<1x1000x128xf32>
    %get3A_13 = vector.shape_cast %get3A_12 : vector<1x1000x128xf32> to vector<1000x128xf32>
    %add3A = arith.addf %get3A_8, %get3A_13 : vector<1000x128xf32>
    %swap3A_14 = arith.constant 0 : index
    %swap3A_15 = arith.constant 128 : index
    %swap3A_16 = vector.load %arg3[%swap3A_14, %swap3A_15] : memref<1000x256xf32, #tpu.memory_space<vmem>>, vector<1000x128xf32>
    tpu.vector_store %arg3[%swap3A_14, %swap3A_15], %add3A {strides = array<i32>} : memref<1000x256xf32, #tpu.memory_space<vmem>>, vector<1000x128xf32>,
    return
  }
  func.func @transform_0(%arg0: i32) -> (i32, i32) {
    %c0_i32 = arith.constant 0 : i32
    %c0_i32_0 = arith.constant 0 : i32
    return %arg0, %c0_i32 : i32, i32
  }
  func.func @transform_1(%arg0: i32) -> (i32, i32, i32) {
    %c0_i32 = arith.constant 0 : i32
    %c0_i32_0 = arith.constant 0 : i32
    %c0_i32_1 = arith.constant 0 : i32
    return %c0_i32, %arg0, %c0_i32_0 : i32, i32, i32
  }
  func.func @transform_2(%arg0: i32) -> (i32, i32) {
    %c0_i32 = arith.constant 0 : i32
    %c0_i32_0 = arith.constant 0 : i32
    return %arg0, %c0_i32 : i32, i32
  }
}

</mosaic_0001>

<sc_bundles>
// kernel: _run.4.cloned.1.call-start
scs
__scs_entry_jumppad:
0x0: {  	(pc) =	sbr.rel $0x88, $3  }
0x1: {  	(tag) =	ssettag $0x0;
	lr =	simm.s32 $0x1  }
0x2: {  	[smem:$0x3F9F] =	sst lr;
	_ =	strace $0xD0000000  }
0x3: {  	_ = 	snop  }
0x4: {  	_ = 	snop  }
0x5: {  	_ = 	snop  }
0x6: {  	_ = 	snop  }
0x7: {  	_ = 	snop  }
__scs_overlays_trampoline_lowered:
0x8: {  	[smem:$0x3FAE] =	sst s0  }
0x9: {  	[smem:$0x3FAF] =	sst s1  }
0xa: {  	[smem:$0x3FB0] =	sst s2  }
0xb: {  	[smem:$0x3FB1] =	sst s3  }
0xc: {  	[smem:$0x3FB2] =	sst s4  }
0xd: {  	[smem:$0x3FB3] =	sst s5  }
0xe: {  	[smem:$0x3FB4] =	sst s6  }
0xf: {  	[smem:$0x3FB5] =	sst s7  }
0x10: {  	[smem:$0x3FB6] =	sst s8  }
0x11: {  	[smem:$0x3FB7] =	sst s9;
	s0 =	simm.s32 @!p0 $0x0  }
0x12: {  	s1 =	sld [smem:$0x3F9D];
	s0 =	simm.s32 @p0 $0x1  }
0x13: {  	[smem:$0x3FB8] =	sst s0;
	s0 =	simm.s32 @!p1 $0x0  }
0x14: {  	s2 =	sld [smem:$0x3F9C];
	s0 =	simm.s32 @p1 $0x1  }
0x15: {  	[smem:$0x3FB9] =	sst s0;
	s0 =	simm.s32 @!p2 $0x0  }
0x16: {  	s3 =	sld [smem:$0x3FDB];
	s0 =	simm.s32 @p2 $0x1  }
0x17: {  	s4 =	simm.s32 $0x1BF5;
	[smem:$0x3FBB] =	sst s0  }
0x18: {  	s0 =	sld [smem:$0x3F9E];
	_ =	swait.ge [sflag:s4], $0x0  }
0x19: {  	s7 =	sld [smem:$0x3F9F]  }
0x1a: {  	s8 =	sadd.s32 $0xFFFFE003, lr  }
0x1b: {  	s9 =	sadd.s32 $0xFFFFFEF7, lr;
	s5 =	simm.s32 $0xFFFFFFFF;
	p2 =	slt.u32 s8, $0xFFFFF086  }
0x1c: {  	p1 =	slt.u32 s9, $0xF7A;
	s5 =	simm.s32 @!p2 $0x0  }
0x1d: {  	s5 =	simm.s32 @p1 $0x1;
	p0 =	seq.s32 s7, s2  }
0x1e: {  	s7 =	smul.u32 @!p0 $0xF7A, s2;
	p2 =	seq.s32 @!p0 s5, $0x0  }
0x1f: {  	s9 =	smul.u32 $0xF7A, s1;
	s8 =	simm.s32 @!p0 $0x1BF5;
	p2 =	por !p2, p0  }
0x20: {  	[sflag:s8] =	ssyncset.s32 @!p0 $0xFFFFF086;
	s6 =	sadd.s32 @!p0 s3, s7;
	s7 =	simm.s32 @!p0 $0x108  }
0x21: {  	s3 =	sadd.s32 s3, s9;
	s6 =	sadd.s32 @!p0 $0x88, s6;
	s7 =	simm.s32 @p2 $0x1082  }
0x22: {  	[simem:s7], [sflag:s8] =	dma.local @!p0 [hbm:s6], $0xF7A  }
0x23: {  	s9 =	sor.u32 $0xD0000000, s2;
	s6 =	simm.s32 $0x108;
	_ =	swait.ge @!p0 [sflag:s8], $0x0  }
0x24: {  	s3 =	sadd.s32 $0x88, s3;
	s6 =	simm.s32 @!p1 $0x1082;
	[sflag:s4] =	ssyncset.s32 $0xFFFFF086  }
0x25: {  	[simem:s6], [sflag:s4] =	dma.local [hbm:s3], $0xF7A  }
0x26: {  	[smem:$0x3F9F] =	sst s1;
	(tag) =	ssettag s2;
	_ =	strace s9  }
0x27: {  	s1 =	sld [smem:$0x3FAF]  }
0x28: {  	s2 =	sld [smem:$0x3FB0]  }
0x29: {  	s4 =	sld [smem:$0x3FB2]  }
0x2a: {  	p0 =	seq.s32 s5, $0x0;
	s5 =	sld [smem:$0x3FB3]  }
0x2b: {  	s6 =	sld [smem:$0x3FB4]  }
0x2c: {  	s7 =	sld [smem:$0x3FB5]  }
0x2d: {  	s3 =	simm.s32 $0x108;
	s8 =	sld [smem:$0x3FB6]  }
0x2e: {  	s3 =	simm.s32 @!p0 $0x1082;
	s9 =	sld [smem:$0x3FB7]  }
0x2f: {  	lr =	sadd.s32 s0, s3;
	s0 =	sld [smem:$0x3FAE]  }
0x30: {  	s3 =	sld [smem:$0x3FB1]  }
0x31: {  	[smem:$0x3FBA] =	sst s10  }
0x32: {  	s10 =	sld [smem:$0x3FB8];
	_ =	sdelay $0x3  }
0x33: {  	p0 =	seq.s32 s10, $0x1;
	s10 =	sld [smem:$0x3FBA];
	_ =	sdelay $0x3  }
0x34: {  	[smem:$0x3FBA] =	sst s10  }
0x35: {  	s10 =	sld [smem:$0x3FB9];
	_ =	sdelay $0x3  }
0x36: {  	p1 =	seq.s32 s10, $0x1;
	s10 =	sld [smem:$0x3FBA];
	_ =	sdelay $0x3  }
0x37: {  	[smem:$0x3FBA] =	sst s10  }
0x38: {  	s10 =	sld [smem:$0x3FBB]  }
0x39: {  	_ = 	snop;
	(pc) =	sbr.ind lr, $3  }
0x3a: {  	_ = 	snop  }
0x3b: {  	_ = 	snop  }
0x3c: {  	p2 =	seq.s32 s10, $0x1;
	s10 =	sld [smem:$0x3FBA]  }
0x3d: {  	_ =	shalt  }
0x3e: {  	_ =	shalt  }
0x3f: {  	_ =	shalt  }
0x40: {  	_ =	shalt  }
0x41: {  	_ =	shalt  }
0x42: {  	_ =	shalt  }
0x43: {  	_ =	shalt  }
0x44: {  	_ =	shalt  }
0x45: {  	_ =	shalt  }
0x46: {  	_ =	shalt  }
0x47: {  	_ =	shalt  }
0x48: {  	_ =	shalt  }
0x49: {  	_ =	shalt  }
0x4a: {  	_ =	shalt  }
0x4b: {  	_ =	shalt  }
0x4c: {  	_ =	shalt  }
0x4d: {  	_ =	shalt  }
0x4e: {  	_ =	shalt  }
0x4f: {  	_ =	shalt  }
0x50: {  	_ =	shalt  }
0x51: {  	_ =	shalt  }
0x52: {  	_ =	shalt  }
0x53: {  	_ =	shalt  }
0x54: {  	_ =	shalt  }
0x55: {  	_ =	shalt  }
0x56: {  	_ =	shalt  }
0x57: {  	_ =	shalt  }
0x58: {  	_ =	shalt  }
0x59: {  	_ =	shalt  }
0x5a: {  	_ =	shalt  }
0x5b: {  	_ =	shalt  }
0x5c: {  	_ =	shalt  }
0x5d: {  	_ =	shalt  }
0x5e: {  	_ =	shalt  }
0x5f: {  	_ =	shalt  }
0x60: {  	_ =	shalt  }
0x61: {  	_ =	shalt  }
0x62: {  	_ =	shalt  }
0x63: {  	_ =	shalt  }
0x64: {  	_ =	shalt  }
0x65: {  	_ =	shalt  }
0x66: {  	_ =	shalt  }
0x67: {  	_ =	shalt  }
0x68: {  	_ =	shalt  }
0x69: {  	_ =	shalt  }
0x6a: {  	_ =	shalt  }
0x6b: {  	_ =	shalt  }
0x6c: {  	_ =	shalt  }
0x6d: {  	_ =	shalt  }
0x6e: {  	_ =	shalt  }
0x6f: {  	_ =	shalt  }
0x70: {  	_ =	shalt  }
0x71: {  	_ =	shalt  }
0x72: {  	_ =	shalt  }
0x73: {  	_ =	shalt  }
0x74: {  	_ =	shalt  }
0x75: {  	_ =	shalt  }
0x76: {  	_ =	shalt  }
0x77: {  	_ =	shalt  }
0x78: {  	_ =	shalt  }
0x79: {  	_ =	shalt  }
0x7a: {  	_ =	shalt  }
0x7b: {  	_ =	shalt  }
0x7c: {  	_ =	shalt  }
0x7d: {  	_ =	shalt  }
0x7e: {  	_ =	shalt  }
0x7f: {  	_ =	shalt  }
0x80: {  	_ =	shalt  }
0x81: {  	_ =	shalt  }
0x82: {  	_ =	shalt  }
0x83: {  	_ =	shalt  }
0x84: {  	_ =	shalt  }
0x85: {  	_ =	shalt  }
0x86: {  	_ =	shalt  }
0x87: {  	_ =	shalt  }
.Lfunc_end0:
.L_simem_size_0:
called_computation_lowered:
.L_overlay_start_0:
0x88: {  	s2 =	sld [smem:$0x3FD9]  }
0x89: {  	s3 =	sld [smem:$0x3FFE];
	_ =	sdelay $0x1  }
0x8a: {  	s1 =	srdreg.scid  }
0x8b: {  	s0 =	sand.u32 $0x1, s1  }
0x8c: {  	s17 =	sshll.u32 s0, $0xA;
	s2 =	sadd.s32 s3, s2  }
0x8d: {  	s2 =	sadd.s32 s2, s17  }
0x8e: {  	[smem:$0x3FC6] =	sst s2  }
0x8f: {  	_ = 	snop  }
0x90: {  	s2 =	sld [smem:$0x3FC9]  }
0x91: {  	s18 =	sld [smem:$0x3FD0];
	(tm) =	ssettm $0x1  }
0x92: {  	s4 =	sld [smem:$0x3FFB];
	_ =	sdelay $0x3  }
0x93: {  	_ =	strace s4  }
0x94: {  	s4 =	sld [smem:$0x3FFC];
	_ =	sdelay $0x3  }
0x95: {  	_ =	strace s4  }
0x96: {  	s4 =	sld [smem:$0x3FFD];
	_ =	sdelay $0x3  }
0x97: {  	_ =	strace s4  }
0x98: {  	_ =	strace $0x8FFFFFFF  }
0x99: {  	s19 =	sld [smem:$0x3FDB];
	_ =	sdelay $0x1  }
0x9a: {  	s5 =	simm.s32 $_scs_section_size  }
0x9b: {  	s6 =	simm.s32 $_size__tile_overlayer_lowered;
	s7 =	simm.s32 $_tile_overlayer_lowered  }
0x9c: {  	s22 =	simm.s32 $0x1BFF;
	s21 =	sshll.u32 s7, $0x1;
	s4 =	sadd.s32 s5, s19  }
0x9d: {  	s8 =	simm.s32 $0x0;
	s20 =	sshll.u32 s6, $0x1;
	s6 =	sadd.s32 s21, s4  }
0x9e: {  	[timem:s8], [sflag:s22] =	dma.local [hbm:s6], s20  }
0x9f: {  	_ =	swait.ge [sflag:s22], s20  }
0xa0: {  	s5 =	ssub.s32 $0x0, s20;
	[sflag:s22] =	ssyncset.done $0x0  }
0xa1: {  	[sflag:s22] =	ssyncadd.s32 s5;
	_ =	sdelay $0x1  }
0xa2: {  	s23 =	simm.s32 $0x1B8B  }
0xa3: {  	_ =	swait.ge [sflag:s23], $0x1  }
0xa4: {  	[sflag:s23] =	ssyncset.done $0x0  }
0xa5: {  	s25 =	simm.s32 $0x1B8E;
	s24 =	sld [smem:$0x3FFE];
	[sflag:s23] =	ssyncadd.s32 $0xFFFFFFFF  }
0xa6: {  	s26 =	simm.s32 $execute0_lowered;
	[smem:$0x3FD2] =	sst s25  }
0xa7: {  	s6 =	sshll.u32 s26, $0x1;
	_ =	strace $0x80000046;
	[dreg:$0x1] =	wrdreg $0xFFFFFFFF  }
0xa8: {  	s28 =	simm.s32 $_size_execute0_lowered;
	s4 =	sadd.s32 s4, s6;
	[dreg:$0x0] =	wrdreg $0x0  }
0xa9: {  	s6 =	sshll.u32 s28, $0x1;
	[dreg:$0x2] =	wrdreg s4  }
0xaa: {  	[dreg:$0x3] =	wrdreg s6  }
0xab: {  	[dreg:$0x4] =	wrdreg $0xC0  }
0xac: {  	_ =	task [dreg:s8], $0x5FFFF  }
0xad: {  	[dreg:$0x1] =	wrdreg $0xFFFFFFFF  }
0xae: {  	[dreg:$0x0] =	wrdreg $0x60  }
0xaf: {  	[dreg:$0x2] =	wrdreg s2  }
0xb0: {  	[dreg:$0x3] =	wrdreg s18  }
0xb1: {  	[dreg:$0x4] =	wrdreg s24  }
0xb2: {  	[dreg:$0x5] =	wrdreg $0x82000  }
0xb3: {  	[dreg:$0x6] =	wrdreg $0x9  }
0xb4: {  	_ =	task.clear_ibuf [dreg:s8], $0x7FFFF;
	_ =	strace $0x90000046  }
0xb5: {  	s29 =	simm.s32 $0x9;
	_ =	strace $0x8000004B  }
0xb6: {  	_ =	swait.ge [sflag:s29], $0x1  }
0xb7: {  	[sflag:s29] =	ssyncadd.s32 $0xFFFFFFFF  }
0xb8: {  	_ =	strace $0x9000004B  }
0xb9: {  	_ =	sfence  }
0xba: {  	s30 =	sld [smem:$0x0];
	_ =	sdelay $0x2  }
0xbb: {  	s31 =	sshll.u32 s1, $0xD;
	s1 =	sshrl.u32 s1, $0x2  }
0xbc: {  	s3 =	sand.u32 $0x4000, s31;
	s1 =	sadd.s32 s1, s30  }
0xbd: {  	s0 =	sor.u32 s3, s0;
	s1 =	sshll.u32 s1, $0x11  }
0xbe: {  	s0 =	sor.u32 s1, s0  }
0xbf: {  	s0 =	sadd.s32 $0x8F2B, s0  }
0xc0: {  	[sflag:s0] =	ssyncadd.remote.s32 $0x1  }
0xc1: {  	_ =	sfence.sel $0xFFFF  }
0xc2: {  	[dreg:$0x0] =	wrdreg $0xFFFFFFFF;
	(pc) =	sbr.abs _section_cstart, $3  }
0xc3: {  	[dreg:$0x1] =	wrdreg $0xFFFFFFFF  }
0xc4: {  	_ =	task.clear_ibuf [dreg:s8], $0x2FFFF;
	_ =	strace $0x9FFFFFFF  }
0xc5: {  	(tm) =	ssettm $0x7FFFFFFF  }
tec
execute0_lowered:
.L_overlay_start_1:
0x0: {  	(tag) =	ssettag $0x1  }
0x1: {  	s0 =	rddreg [dreg:$0x0]  }
0x2: {  	s1 =	rddreg [dreg:$0x1];
	s10 =	stileid.u32  }
0x3: {  	s2 =	rddreg [dreg:$0x2];
	s8 =	smul.u32 $0x4F000, s10  }
0x4: {  	s4 =	srdreg.scid;
	s3 =	rddreg [dreg:$0x3]  }
0x5: {  	s5 =	sand.u32 $0x1, s4;
	s4 =	simm.s32 $0x0;
	s8 =	sshrl.u32 s8, $0x2  }
0x6: {  	[smem:$0x7FF] =	sst s4;
	s11 =	sadd.s32 s8, s3  }
0x7: {  	_ =	strace $0x80000047;
	s21 =	sadd.s32 $0x1800, s11;
	[dreg:$0x6] =	wrdreg s11  }
0x8: {  	s7 =	smul.u32 $0x13C00, s10;
	s22 =	sadd.s32 $0x3000, s11;
	[dreg:$0x7] =	wrdreg s21  }
0x9: {  	s9 =	smul.u32 $0x1E, s10;
	s23 =	sadd.s32 $0x4800, s11;
	[dreg:$0x8] =	wrdreg s22  }
0xa: {  	s6 =	smul.u32 $0x13C000, s5;
	s24 =	sadd.s32 $0x6000, s11;
	[dreg:$0x9] =	wrdreg s23  }
0xb: {  	s19 =	ssub.s32 $0x2, s5;
	s25 =	sadd.s32 $0x7800, s11;
	[dreg:$0xa] =	wrdreg s24  }
0xc: {  	p0 =	seq.s32 s5, $0x0;
	s26 =	sadd.s32 $0x9000, s11;
	[dreg:$0xb] =	wrdreg s25  }
0xd: {  	s5 =	sadd.s32 $0x1860, s9;
	s8 =	sadd.s32 $0xA800, s11;
	[dreg:$0xc] =	wrdreg s26  }
0xe: {  	s6 =	sadd.s32 s7, s6;
	s9 =	sadd.s32 $0xC000, s11;
	[dreg:$0xd] =	wrdreg s8  }
0xf: {  	s7 =	smul.u32 $0x186, s10;
	s10 =	sadd.s32 $0xD800, s11;
	[dreg:$0xe] =	wrdreg s9  }
0x10: {  	s20 =	sshrl.u32 s19, $0x1;
	s12 =	sadd.s32 $0xF000, s11;
	[dreg:$0xf] =	wrdreg s10  }
0x11: {  	s6 =	sshrl.u32 s6, $0x3;
	s13 =	sadd.s32 $0x10800, s11;
	[dreg:$0x10] =	wrdreg s12  }
0x12: {  	s14 =	sadd.s32 $0x12000, s11;
	s15 =	sadd.s32 $0x13800, s11;
	[dreg:$0x11] =	wrdreg s13  }
0x13: {  	s2 =	sadd.s32 s6, s2;
	s6 =	ssub.s32 s19, s20;
	[dreg:$0x12] =	wrdreg s14  }
0x14: {  	s5 =	smov.u32 @p0 s7;
	[dreg:$0x14] =	wrdreg s15;
	s20 =	sadd.s32 $0xE00, s2  }
0x15: {  	s5 =	sshll.u32 s5, $0x5;
	s21 =	smax.u32 s6, $0x1;
	[dreg:$0x19] =	wrdreg s20  }
0x16: {  	s29 =	simm.s32 $0x5;
	s5 =	sadd.s32 s1, s5;
	[dreg:$0x1a] =	wrdreg s21  }
0x17: {  	s30 =	simm.s32 $0xB;
	s16 =	sadd.s32 $0x20, s5;
	[dreg:$0x13] =	wrdreg s5  }
0x18: {  	s28 =	simm.s32 $0xC;
	s17 =	sadd.s32 $0x40, s5;
	[dreg:$0x15] =	wrdreg s16  }
0x19: {  	s1 =	simm.s32 $0x2F80;
	s18 =	sadd.s32 $0x60, s5;
	[dreg:$0x16] =	wrdreg s17  }
0x1a: {  	s31 =	simm.s32 $0x200;
	s1 =	simm.s32 @!p0 $0x280;
	[dreg:$0x17] =	wrdreg s18  }
0x1b: {  	s15 =	simm.s32 $0x900;
	s19 =	sadd.s32 $0x80, s5;
	[dreg:$0x5] =	wrdreg s1  }
0x1c: {  	s2 =	simm.s32 $0x10;
	s22 =	sadd.s32 $0xA0, s5;
	[dreg:$0x18] =	wrdreg s19  }
0x1d: {  	s6 =	simm.s32 $0x0;
	s23 =	sadd.s32 $0xC0, s5;
	[dreg:$0x1b] =	wrdreg s22  }
0x1e: {  	s21 =	simm.s32 $0xA00;
	s24 =	sadd.s32 $0xE0, s5;
	[dreg:$0x1c] =	wrdreg s23  }
0x1f: {  	s20 =	simm.s32 $0x300;
	s25 =	sadd.s32 $0x100, s5;
	[dreg:$0x1d] =	wrdreg s24  }
0x20: {  	s26 =	sadd.s32 $0x120, s5;
	s5 =	simm.s32 $0x2200;
	[dreg:$0x1e] =	wrdreg s25  }
0x21: {  	[dreg:$0x1f] =	wrdreg s26;
	s1 =	simm.s32 $0xA00;
	s16 =	simm.s32 $0x30  }
0x22: {  	s19 =	simm.s32 $0x3A00;
	s23 =	simm.s32 $0x5200;
	s22 =	simm.s32 $0x6A00  }
0x23: {  	v0 =	vimm.f32 $0.0e+00;
	s24 =	simm.s32 $0x6;
	s18 =	simm.s32 $0xD;
	s25 =	simm.s32 $0x6A00  }
.LBB2_1:
0x24: {  	[smem:$0x7FD] =	sst s6  }
0x25: {  	s9 =	simm.s32 $0x0;
	s10 =	simm.s32 $0x200;
	_ =	strace $0x80000048  }
.LBB2_2:
0x26: {  	p0 =	sne.s32 s10, $0x5E00;
	[tilespmem:s9+$0xA70] =	vst v0  }
0x27: {  	[tilespmem:s9+$0xA00] =	vst v0  }
0x28: {  	[tilespmem:s9+$0xA10] =	vst v0  }
.Ltmp0:
0x29: {  	[tilespmem:s9+$0xA20] =	vst v0;
	(pc) =	sbr.rel @p0 .LBB2_2-.Ltmp0, $4  }
0x2a: {  	[tilespmem:s9+$0xA30] =	vst v0  }
0x2b: {  	[tilespmem:s9+$0xA40] =	vst v0  }
0x2c: {  	[tilespmem:s9+$0xA50] =	vst v0  }
0x2d: {  	[tilespmem:s9+$0xA60] =	vst v0;
	s9 =	sshra.s32 s10, $0x2;
	s10 =	sadd.s32 $0x200, s10  }
0x2e: {  	[tilespmem:s9+$0xA70] =	vst v0  }
0x2f: {  	[tilespmem:s9+$0xA00] =	vst v0  }
0x30: {  	[tilespmem:s9+$0xA10] =	vst v0  }
0x31: {  	[tilespmem:s9+$0xA20] =	vst v0  }
0x32: {  	[tilespmem:s9+$0xA30] =	vst v0  }
0x33: {  	[tilespmem:s9+$0xA40] =	vst v0  }
0x34: {  	[tilespmem:s9+$0xA50] =	vst v0  }
0x35: {  	[tilespmem:s9+$0xA60] =	vst v0  }
0x36: {  	[spmem:s11] =	stream.linear.scatter [tilespmem:s1], [sflag:$0x10], $0x1800, $0x200038;
	[tilespmem:$0x1BE00] =	vst v63  }
0x37: {  	_ =	swait.ge [sflag:s2], $0x1800  }
0x38: {  	[sflag:s2] =	ssyncset.done $0x0  }
0x39: {  	s12 =	rddreg [dreg:$0x7];
	[sflag:s2] =	ssyncadd.s32 $0xFFFFE800  }
0x3a: {  	[spmem:s12] =	stream.linear.scatter [tilespmem:s1], [sflag:$0x10], $0x1800, $0x200038;
	[tilespmem:$0x1BE00] =	vst v63  }
0x3b: {  	_ =	swait.ge [sflag:s2], $0x1800  }
0x3c: {  	[sflag:s2] =	ssyncset.done $0x0  }
0x3d: {  	s13 =	rddreg [dreg:$0x8];
	[sflag:s2] =	ssyncadd.s32 $0xFFFFE800  }
0x3e: {  	[spmem:s13] =	stream.linear.scatter [tilespmem:s1], [sflag:$0x10], $0x1800, $0x200038;
	[tilespmem:$0x1BE00] =	vst v63  }
0x3f: {  	_ =	swait.ge [sflag:s2], $0x1800  }
0x40: {  	[sflag:s2] =	ssyncset.done $0x0  }
0x41: {  	s14 =	rddreg [dreg:$0x9];
	[sflag:s2] =	ssyncadd.s32 $0xFFFFE800  }
0x42: {  	[spmem:s14] =	stream.linear.scatter [tilespmem:s1], [sflag:$0x10], $0x1800, $0x200038;
	[tilespmem:$0x1BE00] =	vst v63  }
0x43: {  	_ =	swait.ge [sflag:s2], $0x1800  }
0x44: {  	[sflag:s2] =	ssyncset.done $0x0  }
0x45: {  	s17 =	rddreg [dreg:$0xa];
	[sflag:s2] =	ssyncadd.s32 $0xFFFFE800  }
0x46: {  	[spmem:s17] =	stream.linear.scatter [tilespmem:s1], [sflag:$0x10], $0x1800, $0x200038;
	[tilespmem:$0x1BE00] =	vst v63  }
0x47: {  	_ =	swait.ge [sflag:s2], $0x1800  }
0x48: {  	[sflag:s2] =	ssyncset.done $0x0  }
0x49: {  	s26 =	rddreg [dreg:$0xb];
	[sflag:s2] =	ssyncadd.s32 $0xFFFFE800  }
0x4a: {  	[spmem:s26] =	stream.linear.scatter [tilespmem:s1], [sflag:$0x10], $0x1800, $0x200038;
	[tilespmem:$0x1BE00] =	vst v63  }
0x4b: {  	_ =	swait.ge [sflag:s2], $0x1800  }
0x4c: {  	[sflag:s2] =	ssyncset.done $0x0  }
0x4d: {  	s6 =	rddreg [dreg:$0xc];
	[sflag:s2] =	ssyncadd.s32 $0xFFFFE800  }
0x4e: {  	[spmem:s6] =	stream.linear.scatter [tilespmem:s1], [sflag:$0x10], $0x1800, $0x200038;
	[tilespmem:$0x1BE00] =	vst v63  }
0x4f: {  	_ =	swait.ge [sflag:s2], $0x1800  }
0x50: {  	[sflag:s2] =	ssyncset.done $0x0  }
0x51: {  	s7 =	rddreg [dreg:$0xd];
	[sflag:s2] =	ssyncadd.s32 $0xFFFFE800  }
0x52: {  	[spmem:s7] =	stream.linear.scatter [tilespmem:s1], [sflag:$0x10], $0x1800, $0x200038;
	[tilespmem:$0x1BE00] =	vst v63  }
0x53: {  	_ =	swait.ge [sflag:s2], $0x1800  }
0x54: {  	[sflag:s2] =	ssyncset.done $0x0  }
0x55: {  	s8 =	rddreg [dreg:$0xe];
	[sflag:s2] =	ssyncadd.s32 $0xFFFFE800  }
0x56: {  	[spmem:s8] =	stream.linear.scatter [tilespmem:s1], [sflag:$0x10], $0x1800, $0x200038;
	[tilespmem:$0x1BE00] =	vst v63  }
0x57: {  	_ =	swait.ge [sflag:s2], $0x1800  }
0x58: {  	[sflag:s2] =	ssyncset.done $0x0  }
0x59: {  	s10 =	rddreg [dreg:$0xf];
	[sflag:s2] =	ssyncadd.s32 $0xFFFFE800  }
0x5a: {  	[spmem:s10] =	stream.linear.scatter [tilespmem:s1], [sflag:$0x10], $0x1800, $0x200038;
	[tilespmem:$0x1BE00] =	vst v63  }
0x5b: {  	_ =	swait.ge [sflag:s2], $0x1800  }
0x5c: {  	[sflag:s2] =	ssyncset.done $0x0  }
0x5d: {  	s11 =	rddreg [dreg:$0x10];
	[sflag:s2] =	ssyncadd.s32 $0xFFFFE800  }
0x5e: {  	[spmem:s11] =	stream.linear.scatter [tilespmem:s1], [sflag:$0x10], $0x1800, $0x200038;
	[tilespmem:$0x1BE00] =	vst v63  }
0x5f: {  	_ =	swait.ge [sflag:s2], $0x1800  }
0x60: {  	[sflag:s2] =	ssyncset.done $0x0  }
0x61: {  	s12 =	rddreg [dreg:$0x11];
	[sflag:s2] =	ssyncadd.s32 $0xFFFFE800  }
0x62: {  	[spmem:s12] =	stream.linear.scatter [tilespmem:s1], [sflag:$0x10], $0x1800, $0x200038;
	[tilespmem:$0x1BE00] =	vst v63  }
0x63: {  	_ =	swait.ge [sflag:s2], $0x1800  }
0x64: {  	[sflag:s2] =	ssyncset.done $0x0  }
0x65: {  	s13 =	rddreg [dreg:$0x12];
	[sflag:s2] =	ssyncadd.s32 $0xFFFFE800  }
0x66: {  	[spmem:s13] =	stream.linear.scatter [tilespmem:s1], [sflag:$0x10], $0x1800, $0x200038;
	[tilespmem:$0x1BE00] =	vst v63  }
0x67: {  	_ =	swait.ge [sflag:s2], $0x1800  }
0x68: {  	[sflag:s2] =	ssyncset.done $0x0  }
0x69: {  	s14 =	rddreg [dreg:$0x14];
	[sflag:s2] =	ssyncadd.s32 $0xFFFFE800  }
0x6a: {  	[spmem:s14] =	stream.linear.scatter [tilespmem:s1], [sflag:$0x10], $0x400, $0x200038;
	[tilespmem:$0x1BE00] =	vst v63  }
0x6b: {  	_ =	swait.ge [sflag:s2], $0x400  }
0x6c: {  	[sflag:s2] =	ssyncset.done $0x0  }
0x6d: {  	[sflag:s2] =	ssyncadd.s32 $0xFFFFFC00  }
0x6e: {  	[bflag:$0x0] =	sbarrier.arrive $0xFFFF  }
0x6f: {  	_ =	strace $0x90000048  }
0x70: {  	_ =	strace $0x80000049  }
0x71: {  	s9 =	simm.s32 $0x0;
	s6 =	rddreg [dreg:$0x13]  }
0x72: {  	[tilespmem:s9], [sflag:$0x1] =	stream.linear.gather [hbm4b:s6+s9], $0x100, $0x200038;
	[tilespmem:$0x1BE00] =	vst v63  }
0x73: {  	s7 =	simm.s32 $0x100;
	s10 =	rddreg [dreg:$0x15]  }
0x74: {  	[tilespmem:s7], [sflag:$0x2] =	stream.linear.gather [hbm4b:s10+s9], $0x100, $0x200038;
	[tilespmem:$0x1BE00] =	vst v63  }
0x75: {  	s11 =	simm.s32 $0x200;
	s17 =	rddreg [dreg:$0x16]  }
0x76: {  	[tilespmem:s11], [sflag:$0x3] =	stream.linear.gather [hbm4b:s17+s9], $0x100, $0x200038;
	[tilespmem:$0x1BE00] =	vst v63  }
0x77: {  	s12 =	simm.s32 $0x300;
	s26 =	rddreg [dreg:$0x17]  }
0x78: {  	[tilespmem:s12], [sflag:$0x4] =	stream.linear.gather [hbm4b:s26+s9], $0x100, $0x200038;
	[tilespmem:$0x1BE00] =	vst v63  }
0x79: {  	s13 =	simm.s32 $0x400;
	s6 =	rddreg [dreg:$0x18]  }
0x7a: {  	[tilespmem:s13], [sflag:$0x5] =	stream.linear.gather [hbm4b:s6+s9], $0x100, $0x200038;
	[tilespmem:$0x1BE00] =	vst v63  }
0x7b: {  	s14 =	simm.s32 $0x500;
	s8 =	rddreg [dreg:$0x1b]  }
0x7c: {  	[tilespmem:s14], [sflag:$0x6] =	stream.linear.gather [hbm4b:s8+s9], $0x100, $0x200038;
	[tilespmem:$0x1BE00] =	vst v63  }
0x7d: {  	s17 =	rddreg [dreg:$0x1c];
	s26 =	simm.s32 $0x600  }
0x7e: {  	[tilespmem:s26], [sflag:$0x7] =	stream.linear.gather [hbm4b:s17+s9], $0x100, $0x200038;
	[tilespmem:$0x1BE00] =	vst v63  }
0x7f: {  	s8 =	rddreg [dreg:$0x1d];
	s14 =	simm.s32 $0x700  }
0x80: {  	[tilespmem:s14], [sflag:$0x8] =	stream.linear.gather [hbm4b:s8+s9], $0x100, $0x200038;
	[tilespmem:$0x1BE00] =	vst v63  }
0x81: {  	s17 =	rddreg [dreg:$0x1e];
	s26 =	simm.s32 $0x800  }
0x82: {  	[tilespmem:s26], [sflag:$0x9] =	stream.linear.gather [hbm4b:s17+s9], $0x100, $0x200038;
	[tilespmem:$0x1BE00] =	vst v63  }
0x83: {  	s6 =	rddreg [dreg:$0x1f];
	s8 =	simm.s32 $0x900;
	s14 =	simm.s32 $0x1  }
0x84: {  	[tilespmem:s8], [sflag:$0xA] =	stream.linear.gather [hbm4b:s6+s9], $0x100, $0x200038;
	[tilespmem:$0x1BE00] =	vst v63  }
0x85: {  	_ =	swait.ge [sflag:s14], $0x100  }
0x86: {  	[sflag:s14] =	ssyncset.done $0x0  }
0x87: {  	s17 =	simm.s32 $0x2;
	[sflag:s14] =	ssyncadd.s32 $0xFFFFFF00  }
0x88: {  	[tilespmem:s1], [sflag:$0xB] =	stream.indirect.gather [hbm4b:s0+s16], $0x80, s9, s16, $0x2000b8;
	[tilespmem:$0x1BE00] =	vst v63  }
0x89: {  	_ =	swait.ge [sflag:s17], $0x100  }
0x8a: {  	[sflag:s17] =	ssyncset.done $0x0  }
0x8b: {  	s26 =	simm.s32 $0x3;
	[sflag:s17] =	ssyncadd.s32 $0xFFFFFF00  }
0x8c: {  	[tilespmem:s5], [sflag:$0xC] =	stream.indirect.gather [hbm4b:s0+s16], $0x80, s7, s16, $0x2000b8;
	[tilespmem:$0x1BE00] =	vst v63  }
0x8d: {  	_ =	swait.ge [sflag:s26], $0x100  }
0x8e: {  	[sflag:s26] =	ssyncset.done $0x0  }
0x8f: {  	s5 =	simm.s32 $0x4;
	[sflag:s26] =	ssyncadd.s32 $0xFFFFFF00  }
0x90: {  	[tilespmem:s19], [sflag:$0xD] =	stream.indirect.gather [hbm4b:s0+s16], $0x80, s11, s16, $0x2000b8;
	[tilespmem:$0x1BE00] =	vst v63  }
0x91: {  	_ =	swait.ge [sflag:s5], $0x100  }
0x92: {  	[sflag:s5] =	ssyncset.done $0x0  }
0x93: {  	[sflag:s5] =	ssyncadd.s32 $0xFFFFFF00  }
0x94: {  	[tilespmem:s23], [sflag:$0xE] =	stream.indirect.gather [hbm4b:s0+s16], $0x80, s12, s16, $0x2000b8;
	[tilespmem:$0x1BE00] =	vst v63  }
0x95: {  	_ =	swait.ge [sflag:s29], $0x100  }
0x96: {  	[sflag:s29] =	ssyncset.done $0x0  }
0x97: {  	[sflag:s29] =	ssyncadd.s32 $0xFFFFFF00  }
0x98: {  	[tilespmem:s22], [sflag:$0xF] =	stream.indirect.gather [hbm4b:s0+s16], $0x80, s13, s16, $0x2000b8;
	[tilespmem:$0x1BE00] =	vst v63  }
0x99: {  	s7 =	simm.s32 $0xE;
	s13 =	simm.s32 $0xF  }
.LBB2_4:
0x9a: {  	_ =	swait.ge [sflag:s30], $0x1800  }
0x9b: {  	[sflag:s30] =	ssyncset.done $0x0  }
0x9c: {  	s1 =	simm.s32 $0x80;
	[sflag:s30] =	ssyncadd.s32 $0xFFFFE800  }
0x9d: {  	[spmem:s3] =	stream.indirect.scatter.add.f32 [tilespmem:s21], [sflag:$0x10], $0x80, s1, s16, $0x2000b8;
	[tilespmem:$0x1BE00] =	vst v63  }
0x9e: {  	_ =	swait.ge [sflag:s2], $0x1800  }
0x9f: {  	s22 =	rddreg [dreg:$0x13]  }
0xa0: {  	[sflag:s2] =	ssyncset.done $0x0;
	s10 =	sadd.s32 s9, s22  }
0xa1: {  	[sflag:s2] =	ssyncadd.s32 $0xFFFFE800;
	s11 =	sadd.s32 $0x140, s10  }
0xa2: {  	[tilespmem:s4], [sflag:$0x1] =	stream.linear.gather [hbm4b:s11+s4], $0x100, $0x200038;
	[tilespmem:$0x1BE00] =	vst v63  }
0xa3: {  	_ =	swait.ge [sflag:s24], $0x100  }
0xa4: {  	[sflag:s24] =	ssyncset.done $0x0  }
0xa5: {  	s26 =	simm.s32 $0x500;
	[sflag:s24] =	ssyncadd.s32 $0xFFFFFF00  }
0xa6: {  	[tilespmem:s21], [sflag:$0xB] =	stream.indirect.gather [hbm4b:s0+s16], $0x80, s26, s16, $0x2000b8;
	[tilespmem:$0x1BE00] =	vst v63  }
0xa7: {  	_ =	swait.ge [sflag:s28], $0x1800  }
0xa8: {  	[sflag:s28] =	ssyncset.done $0x0  }
0xa9: {  	s6 =	simm.s32 $0x2200;
	s23 =	simm.s32 $0x180;
	[sflag:s28] =	ssyncadd.s32 $0xFFFFE800  }
0xaa: {  	[spmem:s3] =	stream.indirect.scatter.add.f32 [tilespmem:s6], [sflag:$0x10], $0x80, s23, s16, $0x2000b8;
	[tilespmem:$0x1BE00] =	vst v63  }
0xab: {  	_ =	swait.ge [sflag:s2], $0x1800  }
0xac: {  	s22 =	simm.s32 $0x100;
	[sflag:s2] =	ssyncset.done $0x0  }
0xad: {  	s8 =	sadd.s32 $0x160, s10;
	s11 =	simm.s32 $0x7;
	[sflag:s2] =	ssyncadd.s32 $0xFFFFE800  }
0xae: {  	[tilespmem:s22], [sflag:$0x2] =	stream.linear.gather [hbm4b:s8+s4], $0x100, $0x200038;
	[tilespmem:$0x1BE00] =	vst v63  }
0xaf: {  	_ =	swait.ge [sflag:s11], $0x100  }
0xb0: {  	[sflag:s11] =	ssyncset.done $0x0  }
0xb1: {  	s14 =	simm.s32 $0x600;
	[sflag:s11] =	ssyncadd.s32 $0xFFFFFF00  }
0xb2: {  	[tilespmem:s6], [sflag:$0xC] =	stream.indirect.gather [hbm4b:s0+s16], $0x80, s14, s16, $0x2000b8;
	[tilespmem:$0x1BE00] =	vst v63  }
0xb3: {  	_ =	swait.ge [sflag:s18], $0x1800  }
0xb4: {  	[sflag:s18] =	ssyncset.done $0x0  }
0xb5: {  	s12 =	simm.s32 $0x280;
	s8 =	simm.s32 $0x3A00;
	[sflag:s18] =	ssyncadd.s32 $0xFFFFE800  }
0xb6: {  	[spmem:s3] =	stream.indirect.scatter.add.f32 [tilespmem:s8], [sflag:$0x10], $0x80, s12, s16, $0x2000b8;
	[tilespmem:$0x1BE00] =	vst v63  }
0xb7: {  	_ =	swait.ge [sflag:s2], $0x1800  }
0xb8: {  	[sflag:s2] =	ssyncset.done $0x0  }
0xb9: {  	s19 =	simm.s32 $0x8;
	s17 =	sadd.s32 $0x180, s10;
	[sflag:s2] =	ssyncadd.s32 $0xFFFFE800  }
0xba: {  	[tilespmem:s31], [sflag:$0x3] =	stream.linear.gather [hbm4b:s17+s4], $0x100, $0x200038;
	[tilespmem:$0x1BE00] =	vst v63  }
0xbb: {  	_ =	swait.ge [sflag:s19], $0x100  }
0xbc: {  	[sflag:s19] =	ssyncset.done $0x0  }
0xbd: {  	s17 =	simm.s32 $0x700;
	[sflag:s19] =	ssyncadd.s32 $0xFFFFFF00  }
0xbe: {  	[tilespmem:s8], [sflag:$0xD] =	stream.indirect.gather [hbm4b:s0+s16], $0x80, s17, s16, $0x2000b8;
	[tilespmem:$0x1BE00] =	vst v63  }
0xbf: {  	_ =	swait.ge [sflag:s7], $0x1800  }
0xc0: {  	[sflag:s7] =	ssyncset.done $0x0  }
0xc1: {  	s23 =	simm.s32 $0x380;
	s19 =	simm.s32 $0x5200;
	[sflag:s7] =	ssyncadd.s32 $0xFFFFE800  }
0xc2: {  	[spmem:s3] =	stream.indirect.scatter.add.f32 [tilespmem:s19], [sflag:$0x10], $0x80, s23, s16, $0x2000b8;
	[tilespmem:$0x1BE00] =	vst v63  }
0xc3: {  	_ =	swait.ge [sflag:s2], $0x1800  }
0xc4: {  	[sflag:s2] =	ssyncset.done $0x0  }
0xc5: {  	s1 =	sadd.s32 $0x1A0, s10;
	s12 =	simm.s32 $0x9;
	[sflag:s2] =	ssyncadd.s32 $0xFFFFE800  }
0xc6: {  	[tilespmem:s20], [sflag:$0x4] =	stream.linear.gather [hbm4b:s1+s4], $0x100, $0x200038;
	[tilespmem:$0x1BE00] =	vst v63  }
0xc7: {  	_ =	swait.ge [sflag:s12], $0x100  }
0xc8: {  	[sflag:s12] =	ssyncset.done $0x0  }
0xc9: {  	[sflag:s12] =	ssyncadd.s32 $0xFFFFFF00;
	s12 =	simm.s32 $0x800  }
0xca: {  	[tilespmem:s19], [sflag:$0xE] =	stream.indirect.gather [hbm4b:s0+s16], $0x80, s12, s16, $0x2000b8;
	[tilespmem:$0x1BE00] =	vst v63  }
0xcb: {  	_ =	swait.ge [sflag:s13], $0x1800  }
0xcc: {  	[sflag:s13] =	ssyncset.done $0x0  }
0xcd: {  	s23 =	simm.s32 $0x480;
	[sflag:s13] =	ssyncadd.s32 $0xFFFFE800  }
0xce: {  	[spmem:s3] =	stream.indirect.scatter.add.f32 [tilespmem:s25], [sflag:$0x10], $0x80, s23, s16, $0x2000b8;
	[tilespmem:$0x1BE00] =	vst v63  }
0xcf: {  	_ =	swait.ge [sflag:s2], $0x1800  }
0xd0: {  	[sflag:s2] =	ssyncset.done $0x0  }
0xd1: {  	s1 =	sadd.s32 $0x1C0, s10;
	s23 =	simm.s32 $0x400;
	[sflag:s2] =	ssyncadd.s32 $0xFFFFE800  }
0xd2: {  	[tilespmem:s23], [sflag:$0x5] =	stream.linear.gather [hbm4b:s1+s4], $0x100, $0x200038;
	[tilespmem:$0x1BE00] =	vst v63  }
0xd3: {  	s1 =	simm.s32 $0xA  }
0xd4: {  	_ =	swait.ge [sflag:s1], $0x100  }
0xd5: {  	[sflag:s1] =	ssyncset.done $0x0  }
0xd6: {  	[sflag:s1] =	ssyncadd.s32 $0xFFFFFF00  }
0xd7: {  	[tilespmem:s25], [sflag:$0xF] =	stream.indirect.gather [hbm4b:s0+s16], $0x80, s15, s16, $0x2000b8;
	[tilespmem:$0x1BE00] =	vst v63  }
0xd8: {  	_ =	swait.ge [sflag:s30], $0x1800  }
0xd9: {  	[sflag:s30] =	ssyncset.done $0x0  }
0xda: {  	s1 =	simm.s32 $0x580;
	[sflag:s30] =	ssyncadd.s32 $0xFFFFE800  }
0xdb: {  	[spmem:s3] =	stream.indirect.scatter.add.f32 [tilespmem:s21], [sflag:$0x10], $0x80, s1, s16, $0x2000b8;
	[tilespmem:$0x1BE00] =	vst v63  }
0xdc: {  	_ =	swait.ge [sflag:s2], $0x1800  }
0xdd: {  	[sflag:s2] =	ssyncset.done $0x0  }
0xde: {  	s11 =	sadd.s32 $0x1E0, s10;
	[sflag:s2] =	ssyncadd.s32 $0xFFFFE800  }
0xdf: {  	[tilespmem:s26], [sflag:$0x6] =	stream.linear.gather [hbm4b:s11+s4], $0x100, $0x200038;
	[tilespmem:$0x1BE00] =	vst v63  }
0xe0: {  	s26 =	simm.s32 $0x1  }
0xe1: {  	_ =	swait.ge [sflag:s26], $0x100  }
0xe2: {  	[sflag:s26] =	ssyncset.done $0x0  }
0xe3: {  	[sflag:s26] =	ssyncadd.s32 $0xFFFFFF00  }
0xe4: {  	[tilespmem:s21], [sflag:$0xB] =	stream.indirect.gather [hbm4b:s0+s16], $0x80, s4, s16, $0x2000b8;
	[tilespmem:$0x1BE00] =	vst v63  }
0xe5: {  	_ =	swait.ge [sflag:s28], $0x1800  }
0xe6: {  	[sflag:s28] =	ssyncset.done $0x0  }
0xe7: {  	s26 =	simm.s32 $0x680;
	[sflag:s28] =	ssyncadd.s32 $0xFFFFE800  }
0xe8: {  	[spmem:s3] =	stream.indirect.scatter.add.f32 [tilespmem:s6], [sflag:$0x10], $0x80, s26, s16, $0x2000b8;
	[tilespmem:$0x1BE00] =	vst v63  }
0xe9: {  	_ =	swait.ge [sflag:s2], $0x1800  }
0xea: {  	[sflag:s2] =	ssyncset.done $0x0  }
0xeb: {  	s11 =	sadd.s32 $0x200, s10;
	[sflag:s2] =	ssyncadd.s32 $0xFFFFE800  }
0xec: {  	[tilespmem:s14], [sflag:$0x7] =	stream.linear.gather [hbm4b:s11+s4], $0x100, $0x200038;
	[tilespmem:$0x1BE00] =	vst v63  }
0xed: {  	s14 =	simm.s32 $0x2  }
0xee: {  	_ =	swait.ge [sflag:s14], $0x100  }
0xef: {  	[sflag:s14] =	ssyncset.done $0x0  }
0xf0: {  	[sflag:s14] =	ssyncadd.s32 $0xFFFFFF00  }
0xf1: {  	[tilespmem:s6], [sflag:$0xC] =	stream.indirect.gather [hbm4b:s0+s16], $0x80, s22, s16, $0x2000b8;
	[tilespmem:$0x1BE00] =	vst v63  }
0xf2: {  	_ =	swait.ge [sflag:s18], $0x1800  }
0xf3: {  	[sflag:s18] =	ssyncset.done $0x0  }
0xf4: {  	s22 =	simm.s32 $0x780;
	[sflag:s18] =	ssyncadd.s32 $0xFFFFE800  }
0xf5: {  	[spmem:s3] =	stream.indirect.scatter.add.f32 [tilespmem:s8], [sflag:$0x10], $0x80, s22, s16, $0x2000b8;
	[tilespmem:$0x1BE00] =	vst v63  }
0xf6: {  	_ =	swait.ge [sflag:s2], $0x1800  }
0xf7: {  	[sflag:s2] =	ssyncset.done $0x0  }
0xf8: {  	s6 =	sadd.s32 $0x220, s10;
	s22 =	simm.s32 $0x3;
	[sflag:s2] =	ssyncadd.s32 $0xFFFFE800  }
0xf9: {  	[tilespmem:s17], [sflag:$0x8] =	stream.linear.gather [hbm4b:s6+s4], $0x100, $0x200038;
	[tilespmem:$0x1BE00] =	vst v63  }
0xfa: {  	_ =	swait.ge [sflag:s22], $0x100  }
0xfb: {  	[sflag:s22] =	ssyncset.done $0x0  }
0xfc: {  	[sflag:s22] =	ssyncadd.s32 $0xFFFFFF00  }
0xfd: {  	[tilespmem:s8], [sflag:$0xD] =	stream.indirect.gather [hbm4b:s0+s16], $0x80, s31, s16, $0x2000b8;
	[tilespmem:$0x1BE00] =	vst v63  }
0xfe: {  	_ =	swait.ge [sflag:s7], $0x1800  }
0xff: {  	[sflag:s7] =	ssyncset.done $0x0  }
0x100: {  	s6 =	simm.s32 $0x880;
	[sflag:s7] =	ssyncadd.s32 $0xFFFFE800  }
0x101: {  	[spmem:s3] =	stream.indirect.scatter.add.f32 [tilespmem:s19], [sflag:$0x10], $0x80, s6, s16, $0x2000b8;
	[tilespmem:$0x1BE00] =	vst v63  }
0x102: {  	_ =	swait.ge [sflag:s2], $0x1800  }
0x103: {  	[sflag:s2] =	ssyncset.done $0x0  }
0x104: {  	s8 =	sadd.s32 $0x240, s10;
	[sflag:s2] =	ssyncadd.s32 $0xFFFFE800  }
0x105: {  	[tilespmem:s12], [sflag:$0x9] =	stream.linear.gather [hbm4b:s8+s4], $0x100, $0x200038;
	[tilespmem:$0x1BE00] =	vst v63  }
0x106: {  	_ =	swait.ge [sflag:s5], $0x100  }
0x107: {  	[sflag:s5] =	ssyncset.done $0x0  }
0x108: {  	[sflag:s5] =	ssyncadd.s32 $0xFFFFFF00  }
0x109: {  	[tilespmem:s19], [sflag:$0xE] =	stream.indirect.gather [hbm4b:s0+s16], $0x80, s20, s16, $0x2000b8;
	[tilespmem:$0x1BE00] =	vst v63  }
0x10a: {  	_ =	swait.ge [sflag:s13], $0x1800  }
0x10b: {  	[sflag:s13] =	ssyncset.done $0x0  }
0x10c: {  	s19 =	simm.s32 $0x980;
	[sflag:s13] =	ssyncadd.s32 $0xFFFFE800  }
0x10d: {  	[spmem:s3] =	stream.indirect.scatter.add.f32 [tilespmem:s25], [sflag:$0x10], $0x80, s19, s16, $0x2000b8;
	[tilespmem:$0x1BE00] =	vst v63  }
0x10e: {  	_ =	swait.ge [sflag:s2], $0x1800  }
0x10f: {  	[sflag:s2] =	ssyncset.done $0x0  }
0x110: {  	s10 =	sadd.s32 $0x260, s10;
	[sflag:s2] =	ssyncadd.s32 $0xFFFFE800  }
0x111: {  	[tilespmem:s15], [sflag:$0xA] =	stream.linear.gather [hbm4b:s10+s4], $0x100, $0x200038;
	[tilespmem:$0x1BE00] =	vst v63  }
0x112: {  	_ =	swait.ge [sflag:s29], $0x100  }
0x113: {  	s9 =	sadd.s32 $0x140, s9;
	s22 =	rddreg [dreg:$0x5]  }
0x114: {  	p0 =	sne.s32 s22, s9  }
.Ltmp1:
0x115: {  	_ = 	snop;
	(pc) =	sbr.rel @p0 .LBB2_4-.Ltmp1, $4  }
0x116: {  	s1 =	simm.s32 $0x500  }
0x117: {  	s26 =	simm.s32 $0x600;
	s11 =	simm.s32 $0x900;
	[sflag:s29] =	ssyncset.done $0x0  }
0x118: {  	s14 =	simm.s32 $0x700;
	s17 =	simm.s32 $0x800;
	[sflag:s29] =	ssyncadd.s32 $0xFFFFFF00  }
0x119: {  	[tilespmem:s25], [sflag:$0xF] =	stream.indirect.gather [hbm4b:s0+s16], $0x80, s23, s16, $0x2000b8;
	[tilespmem:$0x1BE00] =	vst v63  }
0x11a: {  	_ =	swait.ge [sflag:s30], $0x1800  }
0x11b: {  	[sflag:s30] =	ssyncset.done $0x0  }
0x11c: {  	s8 =	simm.s32 $0xA00;
	s5 =	simm.s32 $0x80;
	[sflag:s30] =	ssyncadd.s32 $0xFFFFE800  }
0x11d: {  	[spmem:s3] =	stream.indirect.scatter.add.f32 [tilespmem:s8], [sflag:$0x10], $0x80, s5, s16, $0x2000b8;
	[tilespmem:$0x1BE00] =	vst v63  }
0x11e: {  	_ =	swait.ge [sflag:s2], $0x1800  }
0x11f: {  	[sflag:s2] =	ssyncset.done $0x0  }
0x120: {  	[sflag:s2] =	ssyncadd.s32 $0xFFFFE800  }
0x121: {  	_ =	swait.ge [sflag:s24], $0x100  }
0x122: {  	[sflag:s24] =	ssyncset.done $0x0  }
0x123: {  	[sflag:s24] =	ssyncadd.s32 $0xFFFFFF00  }
0x124: {  	[tilespmem:s8], [sflag:$0xB] =	stream.indirect.gather [hbm4b:s0+s16], $0x80, s1, s16, $0x2000b8;
	[tilespmem:$0x1BE00] =	vst v63  }
0x125: {  	_ =	swait.ge [sflag:s28], $0x1800  }
0x126: {  	[sflag:s28] =	ssyncset.done $0x0  }
0x127: {  	s9 =	simm.s32 $0x2200;
	s22 =	simm.s32 $0x180;
	[sflag:s28] =	ssyncadd.s32 $0xFFFFE800  }
0x128: {  	[spmem:s3] =	stream.indirect.scatter.add.f32 [tilespmem:s9], [sflag:$0x10], $0x80, s22, s16, $0x2000b8;
	[tilespmem:$0x1BE00] =	vst v63  }
0x129: {  	_ =	swait.ge [sflag:s2], $0x1800  }
0x12a: {  	[sflag:s2] =	ssyncset.done $0x0  }
0x12b: {  	s23 =	simm.s32 $0x7;
	[sflag:s2] =	ssyncadd.s32 $0xFFFFE800  }
0x12c: {  	_ =	swait.ge [sflag:s23], $0x100  }
0x12d: {  	[sflag:s23] =	ssyncset.done $0x0  }
0x12e: {  	[sflag:s23] =	ssyncadd.s32 $0xFFFFFF00  }
0x12f: {  	[tilespmem:s9], [sflag:$0xC] =	stream.indirect.gather [hbm4b:s0+s16], $0x80, s26, s16, $0x2000b8;
	[tilespmem:$0x1BE00] =	vst v63  }
0x130: {  	_ =	swait.ge [sflag:s18], $0x1800  }
0x131: {  	[sflag:s18] =	ssyncset.done $0x0  }
0x132: {  	s10 =	simm.s32 $0x3A00;
	s5 =	simm.s32 $0x280;
	[sflag:s18] =	ssyncadd.s32 $0xFFFFE800  }
0x133: {  	[spmem:s3] =	stream.indirect.scatter.add.f32 [tilespmem:s10], [sflag:$0x10], $0x80, s5, s16, $0x2000b8;
	[tilespmem:$0x1BE00] =	vst v63  }
0x134: {  	_ =	swait.ge [sflag:s2], $0x1800  }
0x135: {  	[sflag:s2] =	ssyncset.done $0x0  }
0x136: {  	s6 =	simm.s32 $0x8;
	[sflag:s2] =	ssyncadd.s32 $0xFFFFE800  }
0x137: {  	_ =	swait.ge [sflag:s6], $0x100  }
0x138: {  	[sflag:s6] =	ssyncset.done $0x0  }
0x139: {  	[sflag:s6] =	ssyncadd.s32 $0xFFFFFF00  }
0x13a: {  	[tilespmem:s10], [sflag:$0xD] =	stream.indirect.gather [hbm4b:s0+s16], $0x80, s14, s16, $0x2000b8;
	[tilespmem:$0x1BE00] =	vst v63  }
0x13b: {  	_ =	swait.ge [sflag:s7], $0x1800  }
0x13c: {  	[sflag:s7] =	ssyncset.done $0x0  }
0x13d: {  	s12 =	simm.s32 $0x380;
	s6 =	simm.s32 $0x5200;
	[sflag:s7] =	ssyncadd.s32 $0xFFFFE800  }
0x13e: {  	[spmem:s3] =	stream.indirect.scatter.add.f32 [tilespmem:s6], [sflag:$0x10], $0x80, s12, s16, $0x2000b8;
	[tilespmem:$0x1BE00] =	vst v63  }
0x13f: {  	_ =	swait.ge [sflag:s2], $0x1800  }
0x140: {  	[sflag:s2] =	ssyncset.done $0x0  }
0x141: {  	s14 =	simm.s32 $0x9;
	[sflag:s2] =	ssyncadd.s32 $0xFFFFE800  }
0x142: {  	_ =	swait.ge [sflag:s14], $0x100  }
0x143: {  	[sflag:s14] =	ssyncset.done $0x0  }
0x144: {  	[sflag:s14] =	ssyncadd.s32 $0xFFFFFF00  }
0x145: {  	[tilespmem:s6], [sflag:$0xE] =	stream.indirect.gather [hbm4b:s0+s16], $0x80, s17, s16, $0x2000b8;
	[tilespmem:$0x1BE00] =	vst v63  }
0x146: {  	_ =	swait.ge [sflag:s13], $0x1800  }
0x147: {  	[sflag:s13] =	ssyncset.done $0x0  }
0x148: {  	s19 =	simm.s32 $0x480;
	s22 =	simm.s32 $0x6A00;
	[sflag:s13] =	ssyncadd.s32 $0xFFFFE800  }
0x149: {  	[spmem:s3] =	stream.indirect.scatter.add.f32 [tilespmem:s22], [sflag:$0x10], $0x80, s19, s16, $0x2000b8;
	[tilespmem:$0x1BE00] =	vst v63  }
0x14a: {  	_ =	swait.ge [sflag:s2], $0x1800  }
0x14b: {  	[sflag:s2] =	ssyncset.done $0x0  }
0x14c: {  	s23 =	simm.s32 $0xA;
	[sflag:s2] =	ssyncadd.s32 $0xFFFFE800  }
0x14d: {  	_ =	swait.ge [sflag:s23], $0x100  }
0x14e: {  	[sflag:s23] =	ssyncset.done $0x0  }
0x14f: {  	[sflag:s23] =	ssyncadd.s32 $0xFFFFFF00  }
0x150: {  	[tilespmem:s22], [sflag:$0xF] =	stream.indirect.gather [hbm4b:s0+s16], $0x80, s11, s16, $0x2000b8;
	[tilespmem:$0x1BE00] =	vst v63  }
0x151: {  	_ =	swait.ge [sflag:s30], $0x1800  }
0x152: {  	[sflag:s30] =	ssyncset.done $0x0  }
0x153: {  	s26 =	simm.s32 $0x580;
	[sflag:s30] =	ssyncadd.s32 $0xFFFFE800  }
0x154: {  	[spmem:s3] =	stream.indirect.scatter.add.f32 [tilespmem:s8], [sflag:$0x10], $0x80, s26, s16, $0x2000b8;
	[tilespmem:$0x1BE00] =	vst v63  }
0x155: {  	_ =	swait.ge [sflag:s2], $0x1800  }
0x156: {  	[sflag:s2] =	ssyncset.done $0x0  }
0x157: {  	[sflag:s2] =	ssyncadd.s32 $0xFFFFE800  }
0x158: {  	_ =	swait.ge [sflag:s28], $0x1800  }
0x159: {  	[sflag:s28] =	ssyncset.done $0x0  }
0x15a: {  	s11 =	simm.s32 $0x680;
	[sflag:s28] =	ssyncadd.s32 $0xFFFFE800  }
0x15b: {  	[spmem:s3] =	stream.indirect.scatter.add.f32 [tilespmem:s9], [sflag:$0x10], $0x80, s11, s16, $0x2000b8;
	[tilespmem:$0x1BE00] =	vst v63  }
0x15c: {  	_ =	swait.ge [sflag:s2], $0x1800  }
0x15d: {  	[sflag:s2] =	ssyncset.done $0x0  }
0x15e: {  	[sflag:s2] =	ssyncadd.s32 $0xFFFFE800  }
0x15f: {  	_ =	swait.ge [sflag:s18], $0x1800  }
0x160: {  	[sflag:s18] =	ssyncset.done $0x0  }
0x161: {  	s12 =	simm.s32 $0x780;
	[sflag:s18] =	ssyncadd.s32 $0xFFFFE800  }
0x162: {  	[spmem:s3] =	stream.indirect.scatter.add.f32 [tilespmem:s10], [sflag:$0x10], $0x80, s12, s16, $0x2000b8;
	[tilespmem:$0x1BE00] =	vst v63  }
0x163: {  	_ =	swait.ge [sflag:s2], $0x1800  }
0x164: {  	[sflag:s2] =	ssyncset.done $0x0  }
0x165: {  	[sflag:s2] =	ssyncadd.s32 $0xFFFFE800  }
0x166: {  	_ =	swait.ge [sflag:s7], $0x1800  }
0x167: {  	[sflag:s7] =	ssyncset.done $0x0  }
0x168: {  	s14 =	simm.s32 $0x880;
	[sflag:s7] =	ssyncadd.s32 $0xFFFFE800  }
0x169: {  	[spmem:s3] =	stream.indirect.scatter.add.f32 [tilespmem:s6], [sflag:$0x10], $0x80, s14, s16, $0x2000b8;
	[tilespmem:$0x1BE00] =	vst v63  }
0x16a: {  	_ =	swait.ge [sflag:s2], $0x1800  }
0x16b: {  	[sflag:s2] =	ssyncset.done $0x0  }
0x16c: {  	[sflag:s2] =	ssyncadd.s32 $0xFFFFE800  }
0x16d: {  	_ =	swait.ge [sflag:s13], $0x1800  }
0x16e: {  	[sflag:s13] =	ssyncset.done $0x0  }
0x16f: {  	s17 =	simm.s32 $0x980;
	[sflag:s13] =	ssyncadd.s32 $0xFFFFE800  }
0x170: {  	[spmem:s3] =	stream.indirect.scatter.add.f32 [tilespmem:s22], [sflag:$0x10], $0x80, s17, s16, $0x2000b8;
	[tilespmem:$0x1BE00] =	vst v63  }
0x171: {  	_ =	swait.ge [sflag:s2], $0x1800  }
0x172: {  	[sflag:s2] =	ssyncset.done $0x0  }
0x173: {  	[sflag:s2] =	ssyncadd.s32 $0xFFFFE800  }
0x174: {  	[bflag:$0x0] =	sbarrier.arrive $0xFFFF  }
0x175: {  	_ =	strace $0x90000049  }
0x176: {  	s19 =	stileid.u32;
	_ =	strace $0x8000004A  }
0x177: {  	s9 =	sshll.u32 s19, $0x6;
	s11 =	rddreg [dreg:$0x6]  }
0x178: {  	s9 =	sor.u32 $0x1C10, s9;
	s12 =	rddreg [dreg:$0x19];
	s22 =	sshrl.u32 s11, $0x3  }
0x179: {  	[hbm:s12], [sflag:s9] =	dma.local [spmem:s22], $0x2780  }
0x17a: {  	_ =	swait.ge [sflag:s2], $0x2780  }
0x17b: {  	s23 =	sld [smem:$0x7FD];
	_ =	sdelay $0x2  }
0x17c: {  	s26 =	rddreg [dreg:$0x1a];
	s6 =	sadd.s32 $0x1, s23  }
0x17d: {  	p0 =	sne.s32 s6, s26  }
.Ltmp2:
0x17e: {  	_ = 	snop;
	(pc) =	sbr.rel @p0 .LBB2_1-.Ltmp2, $4  }
0x17f: {  	_ = 	snop  }
0x180: {  	s1 =	simm.s32 $0xA00;
	[sflag:s2] =	ssyncset.done $0x0  }
0x181: {  	s5 =	simm.s32 $0x2200;
	s19 =	simm.s32 $0x3A00;
	[sflag:s2] =	ssyncadd.s32 $0xFFFFD880  }
0x182: {  	s22 =	simm.s32 $0x6A00;
	_ =	strace $0x9000004A;
	s23 =	simm.s32 $0x5200  }
0x183: {  	_ =	sfence.sel $0x180000  }
0x184: {  	[bflag:$0x0] =	sbarrier.arrive $0xFFFF  }
0x185: {  	_ =	strace $0x90000047  }
0x186: {  	s0 =	stileid.u32;
	[bflag:$0x2] =	sbarrier.arrive $0xFFFF  }
0x187: {  	p0 =	sne.s32 s0, $0x0;
	s0 =	rddreg [dreg:$0x4]  }
0x188: {  	s0 =	sadd.s32 @!p0 $0x100000, s0  }
0x189: {  	[sflag:s0] =	ssyncadd.tile.s32 @!p0 $0x1;
	_ =	shalt  }
.Lfunc_end2:
_tile_overlayer_lowered:
.L_overlay_start_2:
0x18a: {  	(tag) =	ssettag $0x2  }
0x18b: {  	s0 =	rddreg [dreg:$0x0];
	s2 =	stileid.u32  }
0x18c: {  	s1 =	rddreg [dreg:$0x1];
	p0 =	sne.s32 s2, $0x0  }
0x18d: {  	s3 =	rddreg [dreg:$0x2];
	[bflag:$0x3] =	sbarrier.arrive $0xFFFF;
	s2 =	simm.s32 @!p0 $0x1C10  }
0x18e: {  	[timem:s3], [sflag:s2] =	dma.local @!p0 [hbm:s0], s1  }
0x18f: {  	s0 =	simm.s32 @!p0 $0x10  }
0x190: {  	_ =	swait.ge @!p0 [sflag:s0], s1  }
0x191: {  	s1 =	ssub.s32 @!p0 $0x0, s1;
	[sflag:s0] =	ssyncset.done @!p0 $0x0  }
0x192: {  	[sflag:s0] =	ssyncadd.s32 @!p0 s1  }
0x193: {  	[bflag:$0x3] =	sbarrier.arrive $0xFFFF  }
0x194: {  	_ =	shalt  }

</sc_bundles>
